<compile_context>
chip_gen: v7x
topology: tpu7x:2x2x1
jax: 0.10.2.dev20260603
libtpu: 0.0.44.dev20260713+nightly
codegen_flags: <defaults>
</compile_context>

<pallas_src>
import functools

import jax
import jax.numpy as jnp
from jax import lax
from jax.experimental import pallas as pl
from jax.experimental.pallas import tpu as pltpu
from jax.experimental.pallas import tpu_sc as plsc

_NC = 2
_NS = 16
_NW = _NC * _NS
_GRP = 16
_DEPTH = 4
_FLUSH = 64


def _sc_gather_concat(uidx, iidx, utab3, itab3):
    batch = uidx.shape[0]
    n_tr, n_sub, _ = utab3.shape
    hidden = n_tr * n_sub
    b_per_w = batch // _NW
    n_grp = b_per_w // _GRP
    mesh = plsc.VectorSubcoreMesh(core_axis_name="c", subcore_axis_name="s")

    block = pltpu.VMEM((n_tr, n_sub, 128), jnp.float32)

    @functools.partial(
        pl.kernel,
        mesh=mesh,
        compiler_params=pltpu.CompilerParams(needs_layout_passes=False),
        out_type=jax.ShapeDtypeStruct((batch, 2 * hidden), jnp.float32),
        scratch_types=(
            pltpu.VMEM((b_per_w,), jnp.int32),
            pltpu.VMEM((b_per_w,), jnp.int32),
            [block] * _DEPTH,
            [block] * _DEPTH,
            pltpu.VMEM((_FLUSH, 2 * hidden), jnp.float32),
            [pltpu.SemaphoreType.DMA] * _DEPTH,
        ),
    )
    def gather_kernel(uidx_hbm, iidx_hbm, utab_hbm, itab_hbm, out_hbm,
                      idx_u, idx_i, bus, bis, stage, sems):
        wid = lax.axis_index("s") * _NC + lax.axis_index("c")
        base = wid * b_per_w
        pltpu.sync_copy(uidx_hbm.at[pl.ds(base, b_per_w)], idx_u)
        pltpu.sync_copy(iidx_hbm.at[pl.ds(base, b_per_w)], idx_i)

        lanes = lax.iota(jnp.int32, 16)
        trq = [(lanes + 16 * q) >> 3 for q in range(hidden // 16)]
        sq = [(lanes + 16 * q) & 7 for q in range(hidden // 16)]

        def fire(uid, iid, d):
            uoff = pl.multiple_of((uid >> 7) * 128, 128)
            ioff = pl.multiple_of((iid >> 7) * 128, 128)
            half = n_tr // 2
            for p in range(2):
                tr = pl.ds(p * half, half)
                pltpu.async_copy(
                    utab_hbm.at[tr, :, pl.ds(uoff, 128)],
                    bus[d].at[tr], sems[d])
                pltpu.async_copy(
                    itab_hbm.at[tr, :, pl.ds(ioff, 128)],
                    bis[d].at[tr], sems[d])

        def wait_pair(d):
            pltpu.make_async_copy(utab_hbm.at[:, :, pl.ds(0, 128)], bus[d],
                                  sems[d]).wait()
            pltpu.make_async_copy(itab_hbm.at[:, :, pl.ds(0, 128)], bis[d],
                                  sems[d]).wait()

        def extract(uid, iid, r, d):
            lu = lanes * 0 + (uid & 127)
            li = lanes * 0 + (iid & 127)
            for q in range(hidden // 16):
                vu = plsc.load_gather(bus[d], [trq[q], sq[q], lu])
                vi = plsc.load_gather(bis[d], [trq[q], sq[q], li])
                stage[r, pl.ds(16 * q, 16)] = vu
                stage[r, pl.ds(hidden + 16 * q, 16)] = vi

        def load_ids(g):
            vu = idx_u[pl.ds(g * _GRP, _GRP)]
            vi = idx_i[pl.ds(g * _GRP, _GRP)]
            return ([vu[l] for l in range(_GRP)],
                    [vi[l] for l in range(_GRP)])

        uids0, iids0 = load_ids(0)
        for l in range(_DEPTH):
            fire(uids0[l], iids0[l], l)

        def group_body(g, carry):
            uids, iids = load_ids(g)
            gnext = jnp.minimum(g + 1, n_grp - 1)
            uids1, iids1 = load_ids(gnext)
            for l in range(_GRP):
                d = l % _DEPTH
                wait_pair(d)
                extract(uids[l], iids[l], (g * _GRP + l) & (_FLUSH - 1), d)
                if l + _DEPTH < _GRP:
                    fire(uids[l + _DEPTH], iids[l + _DEPTH], d)
                else:
                    ln = l + _DEPTH - _GRP

                    @pl.when(g < n_grp - 1)
                    def _():
                        fire(uids1[ln], iids1[ln], d)

            @pl.when((g & 3) == 3)
            def _():
                row0 = pl.multiple_of(base + ((g >> 2) << 6), _FLUSH)
                pltpu.sync_copy(stage, out_hbm.at[pl.ds(row0, _FLUSH), :])

            return carry

        lax.fori_loop(0, n_grp, group_body, 0)

    return gather_kernel(uidx, iidx, utab3, itab3)


def _mlp_body(x_ref, w1_ref, b1_ref, w2_ref, b2_ref, w3_ref, b3_ref, o_ref):
    h = jnp.dot(x_ref[...], w1_ref[...], preferred_element_type=jnp.float32)
    h = jnp.maximum(h + b1_ref[...], 0.0)
    h = jnp.maximum(
        jnp.dot(h, w2_ref[...], preferred_element_type=jnp.float32)
        + b2_ref[...], 0.0)
    o_ref[...] = (jnp.dot(h, w3_ref[...], preferred_element_type=jnp.float32)
                  + b3_ref[...])


def _tc_mlp(x, w1, b1r, w2, b2r, w3, b3r, blk):
    batch, d_in = x.shape
    d1 = w1.shape[1]
    d2 = w2.shape[1]
    d3 = w3.shape[1]
    grid = (batch // blk,)
    fixed = lambda b: (0, 0)
    return pl.pallas_call(
        _mlp_body,
        grid=grid,
        in_specs=[
            pl.BlockSpec((blk, d_in), lambda b: (b, 0)),
            pl.BlockSpec((d_in, d1), fixed),
            pl.BlockSpec((1, d1), fixed),
            pl.BlockSpec((d1, d2), fixed),
            pl.BlockSpec((1, d2), fixed),
            pl.BlockSpec((d2, d3), fixed),
            pl.BlockSpec((1, d3), fixed),
        ],
        out_specs=pl.BlockSpec((blk, d3), lambda b: (b, 0)),
        out_shape=jax.ShapeDtypeStruct((batch, d3), jnp.float32),
    )(x, w1, b1r, w2, b2r, w3, b3r)


def kernel(user_id, item_id, user_table, item_table, W1, b1, W2, b2, W3, b3):
    n_ids, hidden = user_table.shape
    utab3 = user_table.T.reshape(8, hidden // 8, n_ids)
    itab3 = item_table.T.reshape(8, hidden // 8, n_ids)
    x = _sc_gather_concat(
        user_id.astype(jnp.int32), item_id.astype(jnp.int32), utab3, itab3)
    return _tc_mlp(
        x, W1, b1.reshape(1, -1), W2, b2.reshape(1, -1),
        W3, b3.reshape(1, -1), blk=2048)

# --- scband reference (transcript-rebuilt; emitter-appended) ---
"""Pipeline reference for scband-ncf-7310034338222 (READ-ONLY COPY).

The authoritative reference and input builder live on the scoring server;
editing this copy changes nothing except your own understanding.
"""

import jax, jax.numpy as jnp
import numpy as np

NUM_USERS = 1000000
NUM_ITEMS = 1000000
HIDDEN = 64
BATCH = 16384

def setup_inputs(seed: int = 0) -> dict:
    key = jax.random.key(seed)
    ks = jax.random.split(key, 12)
    user_id = jax.random.randint(ks[0], (BATCH,), 0, NUM_USERS)
    item_id = jax.random.randint(ks[1], (BATCH,), 0, NUM_ITEMS)
    user_table = jax.random.normal(ks[2], (NUM_USERS, HIDDEN), dtype=jnp.float32) * 0.02
    item_table = jax.random.normal(ks[3], (NUM_ITEMS, HIDDEN), dtype=jnp.float32) * 0.02
    W1 = jax.random.normal(ks[4], (HIDDEN * 2, HIDDEN), dtype=jnp.float32) * (1.0 / np.sqrt(HIDDEN * 2))
    b1 = jnp.zeros((HIDDEN,), dtype=jnp.float32)
    W2 = jax.random.normal(ks[5], (HIDDEN, HIDDEN // 2), dtype=jnp.float32) * (1.0 / np.sqrt(HIDDEN))
    b2 = jnp.zeros((HIDDEN // 2,), dtype=jnp.float32)
    W3 = jax.random.normal(ks[6], (HIDDEN // 2, HIDDEN // 4), dtype=jnp.float32) * (1.0 / np.sqrt(HIDDEN // 2))
    b3 = jnp.zeros((HIDDEN // 4,), dtype=jnp.float32)
    return {"user_id": user_id, "item_id": item_id, "user_table": user_table, "item_table": item_table,
            "W1": W1, "b1": b1, "W2": W2, "b2": b2, "W3": W3, "b3": b3}

def reference(user_id, item_id, user_table, item_table, W1, b1, W2, b2, W3, b3):
    user_emb = jnp.take(user_table, user_id, axis=0)
    item_emb = jnp.take(item_table, item_id, axis=0)
    inputs = jnp.concatenate([user_emb, item_emb], axis=-1)
    h = jnp.maximum(inputs @ W1 + b1, 0.0)
    h = jnp.maximum(h @ W2 + b2, 0.0)
    outs = h @ W3 + b3
    return outs

if __name__ == "__main__":
    import jax
    _d = setup_inputs()
    print(jax.jit(kernel)(*tuple(_d.values())))

</pallas_src>

<mosaic_0001>
#map = affine_map<(d0, d1) -> (0)>
#map1 = affine_map<(d0, d1) -> (0, 0, 0)>
#map2 = affine_map<(d0, d1) -> (0, 0)>
module attributes {stable_mosaic.version = 14 : i64} {
  func.func @gather_kernel(%arg0: i32, %arg1: i32, %arg2: memref<16384xi32, #tpu.memory_space<hbm>>, %arg3: memref<16384xi32, #tpu.memory_space<hbm>>, %arg4: memref<8x8x1000000xf32, #tpu.memory_space<hbm>>, %arg5: memref<8x8x1000000xf32, #tpu.memory_space<hbm>>, %arg6: memref<16384x128xf32, #tpu.memory_space<hbm>>, %arg7: memref<512xi32, #tpu.memory_space<vmem>>, %arg8: memref<512xi32, #tpu.memory_space<vmem>>, %arg9: memref<8x8x128xf32, #tpu.memory_space<vmem>>, %arg10: memref<8x8x128xf32, #tpu.memory_space<vmem>>, %arg11: memref<8x8x128xf32, #tpu.memory_space<vmem>>, %arg12: memref<8x8x128xf32, #tpu.memory_space<vmem>>, %arg13: memref<8x8x128xf32, #tpu.memory_space<vmem>>, %arg14: memref<8x8x128xf32, #tpu.memory_space<vmem>>, %arg15: memref<8x8x128xf32, #tpu.memory_space<vmem>>, %arg16: memref<8x8x128xf32, #tpu.memory_space<vmem>>, %arg17: memref<64x128xf32, #tpu.memory_space<vmem>>, %arg18: memref<!tpu.dma_semaphore, #tpu.memory_space<semaphore_mem>>, %arg19: memref<!tpu.dma_semaphore, #tpu.memory_space<semaphore_mem>>, %arg20: memref<!tpu.dma_semaphore, #tpu.memory_space<semaphore_mem>>, %arg21: memref<!tpu.dma_semaphore, #tpu.memory_space<semaphore_mem>>) attributes {dimension_semantics = [#tpu.dimension_semantics<core_parallel>, #tpu.dimension_semantics<subcore_parallel>], iteration_bounds = array<i64: 2, 16>, scalar_prefetch = 0 : i64, scratch_operands = 15 : i64, tpu.core_type = #tpu.core_type<sc_vector_subcore>, window_params = [{transform_indices = #map}, {transform_indices = #map}, {transform_indices = #map1}, {transform_indices = #map1}, {transform_indices = #map2}]} {
    %mul3A = arith.constant 2 : i32
    %mul3A_0 = arith.muli %arg1, %mul3A : i32
    %add3A = arith.addi %mul3A_0, %arg0 : i32
    %mul3A_1 = arith.constant 512 : i32
    %mul3A_2 = arith.muli %add3A, %mul3A_1 : i32
    "tpu.region"() ({
      %run_scoped3A = tpu.sem_alloc : memref<!tpu.dma_semaphore, #tpu.memory_space<semaphore_mem>>
      %dma_start3A_381 = tpu.memref_slice %arg2[%mul3A_2] : memref<16384xi32, #tpu.memory_space<hbm>> -> memref<512xi32, #tpu.memory_space<hbm>>
      %dma_start3A_382 = tpu.memref_slice %arg2[%mul3A_2] : memref<16384xi32, #tpu.memory_space<hbm>> -> memref<512xi32, #tpu.memory_space<hbm>>
      tpu.enqueue_dma source(%dma_start3A_382 : memref<512xi32, #tpu.memory_space<hbm>>) target(%arg7 : memref<512xi32, #tpu.memory_space<vmem>>) target_semaphore(%run_scoped3A : memref<!tpu.dma_semaphore, #tpu.memory_space<semaphore_mem>>)
      %dma_wait3A = tpu.memref_slice %arg2[%mul3A_2] : memref<16384xi32, #tpu.memory_space<hbm>> -> memref<512xi32, #tpu.memory_space<hbm>>
      %dma_wait3A_383 = tpu.memref_slice %arg2[%mul3A_2] : memref<16384xi32, #tpu.memory_space<hbm>> -> memref<512xi32, #tpu.memory_space<hbm>>
      tpu.wait_dma2 semaphore(%run_scoped3A : memref<!tpu.dma_semaphore, #tpu.memory_space<semaphore_mem>>) src(%dma_wait3A_383 : memref<512xi32, #tpu.memory_space<hbm>>) dst(%arg7 : memref<512xi32, #tpu.memory_space<vmem>>)
      tpu.yield
    }) : () -> ()
    "tpu.region"() ({
      %run_scoped3A = tpu.sem_alloc : memref<!tpu.dma_semaphore, #tpu.memory_space<semaphore_mem>>
      %dma_start3A_381 = tpu.memref_slice %arg3[%mul3A_2] : memref<16384xi32, #tpu.memory_space<hbm>> -> memref<512xi32, #tpu.memory_space<hbm>>
      %dma_start3A_382 = tpu.memref_slice %arg3[%mul3A_2] : memref<16384xi32, #tpu.memory_space<hbm>> -> memref<512xi32, #tpu.memory_space<hbm>>
      tpu.enqueue_dma source(%dma_start3A_382 : memref<512xi32, #tpu.memory_space<hbm>>) target(%arg8 : memref<512xi32, #tpu.memory_space<vmem>>) target_semaphore(%run_scoped3A : memref<!tpu.dma_semaphore, #tpu.memory_space<semaphore_mem>>)
      %dma_wait3A = tpu.memref_slice %arg3[%mul3A_2] : memref<16384xi32, #tpu.memory_space<hbm>> -> memref<512xi32, #tpu.memory_space<hbm>>
      %dma_wait3A_383 = tpu.memref_slice %arg3[%mul3A_2] : memref<16384xi32, #tpu.memory_space<hbm>> -> memref<512xi32, #tpu.memory_space<hbm>>
      tpu.wait_dma2 semaphore(%run_scoped3A : memref<!tpu.dma_semaphore, #tpu.memory_space<semaphore_mem>>) src(%dma_wait3A_383 : memref<512xi32, #tpu.memory_space<hbm>>) dst(%arg8 : memref<512xi32, #tpu.memory_space<vmem>>)
      tpu.yield
    }) : () -> ()
    %iota3A = tpu.iota {dimensions = array<i32: 0>} : vector<16xi32>
    %add3A_3 = arith.constant 0 : i32
    %add3A_4 = vector.broadcast %add3A_3 : i32 to vector<16xi32>
    %add3A_5 = arith.addi %iota3A, %add3A_4 : vector<16xi32>
    %shift_right_arithmetic3A = arith.constant 3 : i32
    %shift_right_arithmetic3A_6 = vector.broadcast %shift_right_arithmetic3A : i32 to vector<16xi32>
    %shift_right_arithmetic3A_7 = arith.shrsi %add3A_5, %shift_right_arithmetic3A_6 : vector<16xi32>
    %add3A_8 = arith.constant 16 : i32
    %add3A_9 = vector.broadcast %add3A_8 : i32 to vector<16xi32>
    %add3A_10 = arith.addi %iota3A, %add3A_9 : vector<16xi32>
    %shift_right_arithmetic3A_11 = arith.constant 3 : i32
    %shift_right_arithmetic3A_12 = vector.broadcast %shift_right_arithmetic3A_11 : i32 to vector<16xi32>
    %shift_right_arithmetic3A_13 = arith.shrsi %add3A_10, %shift_right_arithmetic3A_12 : vector<16xi32>
    %add3A_14 = arith.constant 32 : i32
    %add3A_15 = vector.broadcast %add3A_14 : i32 to vector<16xi32>
    %add3A_16 = arith.addi %iota3A, %add3A_15 : vector<16xi32>
    %shift_right_arithmetic3A_17 = arith.constant 3 : i32
    %shift_right_arithmetic3A_18 = vector.broadcast %shift_right_arithmetic3A_17 : i32 to vector<16xi32>
    %shift_right_arithmetic3A_19 = arith.shrsi %add3A_16, %shift_right_arithmetic3A_18 : vector<16xi32>
    %add3A_20 = arith.constant 48 : i32
    %add3A_21 = vector.broadcast %add3A_20 : i32 to vector<16xi32>
    %add3A_22 = arith.addi %iota3A, %add3A_21 : vector<16xi32>
    %shift_right_arithmetic3A_23 = arith.constant 3 : i32
    %shift_right_arithmetic3A_24 = vector.broadcast %shift_right_arithmetic3A_23 : i32 to vector<16xi32>
    %shift_right_arithmetic3A_25 = arith.shrsi %add3A_22, %shift_right_arithmetic3A_24 : vector<16xi32>
    %add3A_26 = arith.constant 0 : i32
    %add3A_27 = vector.broadcast %add3A_26 : i32 to vector<16xi32>
    %add3A_28 = arith.addi %iota3A, %add3A_27 : vector<16xi32>
    %and3A = arith.constant 7 : i32
    %and3A_29 = vector.broadcast %and3A : i32 to vector<16xi32>
    %and3A_30 = arith.andi %add3A_28, %and3A_29 : vector<16xi32>
    %add3A_31 = arith.constant 16 : i32
    %add3A_32 = vector.broadcast %add3A_31 : i32 to vector<16xi32>
    %add3A_33 = arith.addi %iota3A, %add3A_32 : vector<16xi32>
    %and3A_34 = arith.constant 7 : i32
    %and3A_35 = vector.broadcast %and3A_34 : i32 to vector<16xi32>
    %and3A_36 = arith.andi %add3A_33, %and3A_35 : vector<16xi32>
    %add3A_37 = arith.constant 32 : i32
    %add3A_38 = vector.broadcast %add3A_37 : i32 to vector<16xi32>
    %add3A_39 = arith.addi %iota3A, %add3A_38 : vector<16xi32>
    %and3A_40 = arith.constant 7 : i32
    %and3A_41 = vector.broadcast %and3A_40 : i32 to vector<16xi32>
    %and3A_42 = arith.andi %add3A_39, %and3A_41 : vector<16xi32>
    %add3A_43 = arith.constant 48 : i32
    %add3A_44 = vector.broadcast %add3A_43 : i32 to vector<16xi32>
    %add3A_45 = arith.addi %iota3A, %add3A_44 : vector<16xi32>
    %and3A_46 = arith.constant 7 : i32
    %and3A_47 = vector.broadcast %and3A_46 : i32 to vector<16xi32>
    %and3A_48 = arith.andi %add3A_45, %and3A_47 : vector<16xi32>
    %get3A = arith.constant 0 : index
    %get3A_49 = tpu.vector_load %arg7[%get3A] {strides = array<i32>} : memref<512xi32, #tpu.memory_space<vmem>>, vector<16xi32>,
    %get3A_50 = arith.constant 0 : index
    %get3A_51 = tpu.vector_load %arg8[%get3A_50] {strides = array<i32>} : memref<512xi32, #tpu.memory_space<vmem>>, vector<16xi32>,
    %slice3A = vector.extract_strided_slice %get3A_49 {offsets = [0], sizes = [1], strides = [1]} : vector<16xi32> to vector<1xi32>
    %squeeze3A = vector.extract %slice3A[0] : i32 from vector<1xi32>
    %slice3A_52 = vector.extract_strided_slice %get3A_49 {offsets = [1], sizes = [1], strides = [1]} : vector<16xi32> to vector<1xi32>
    %squeeze3A_53 = vector.extract %slice3A_52[0] : i32 from vector<1xi32>
    %slice3A_54 = vector.extract_strided_slice %get3A_49 {offsets = [2], sizes = [1], strides = [1]} : vector<16xi32> to vector<1xi32>
    %squeeze3A_55 = vector.extract %slice3A_54[0] : i32 from vector<1xi32>
    %slice3A_56 = vector.extract_strided_slice %get3A_49 {offsets = [3], sizes = [1], strides = [1]} : vector<16xi32> to vector<1xi32>
    %squeeze3A_57 = vector.extract %slice3A_56[0] : i32 from vector<1xi32>
    %slice3A_58 = vector.extract_strided_slice %get3A_49 {offsets = [4], sizes = [1], strides = [1]} : vector<16xi32> to vector<1xi32>
    %squeeze3A_59 = vector.extract %slice3A_58[0] : i32 from vector<1xi32>
    %slice3A_60 = vector.extract_strided_slice %get3A_49 {offsets = [5], sizes = [1], strides = [1]} : vector<16xi32> to vector<1xi32>
    %squeeze3A_61 = vector.extract %slice3A_60[0] : i32 from vector<1xi32>
    %slice3A_62 = vector.extract_strided_slice %get3A_49 {offsets = [6], sizes = [1], strides = [1]} : vector<16xi32> to vector<1xi32>
    %squeeze3A_63 = vector.extract %slice3A_62[0] : i32 from vector<1xi32>
    %slice3A_64 = vector.extract_strided_slice %get3A_49 {offsets = [7], sizes = [1], strides = [1]} : vector<16xi32> to vector<1xi32>
    %squeeze3A_65 = vector.extract %slice3A_64[0] : i32 from vector<1xi32>
    %slice3A_66 = vector.extract_strided_slice %get3A_49 {offsets = [8], sizes = [1], strides = [1]} : vector<16xi32> to vector<1xi32>
    %squeeze3A_67 = vector.extract %slice3A_66[0] : i32 from vector<1xi32>
    %slice3A_68 = vector.extract_strided_slice %get3A_49 {offsets = [9], sizes = [1], strides = [1]} : vector<16xi32> to vector<1xi32>
    %squeeze3A_69 = vector.extract %slice3A_68[0] : i32 from vector<1xi32>
    %slice3A_70 = vector.extract_strided_slice %get3A_49 {offsets = [10], sizes = [1], strides = [1]} : vector<16xi32> to vector<1xi32>
    %squeeze3A_71 = vector.extract %slice3A_70[0] : i32 from vector<1xi32>
    %slice3A_72 = vector.extract_strided_slice %get3A_49 {offsets = [11], sizes = [1], strides = [1]} : vector<16xi32> to vector<1xi32>
    %squeeze3A_73 = vector.extract %slice3A_72[0] : i32 from vector<1xi32>
    %slice3A_74 = vector.extract_strided_slice %get3A_49 {offsets = [12], sizes = [1], strides = [1]} : vector<16xi32> to vector<1xi32>
    %squeeze3A_75 = vector.extract %slice3A_74[0] : i32 from vector<1xi32>
    %slice3A_76 = vector.extract_strided_slice %get3A_49 {offsets = [13], sizes = [1], strides = [1]} : vector<16xi32> to vector<1xi32>
    %squeeze3A_77 = vector.extract %slice3A_76[0] : i32 from vector<1xi32>
    %slice3A_78 = vector.extract_strided_slice %get3A_49 {offsets = [14], sizes = [1], strides = [1]} : vector<16xi32> to vector<1xi32>
    %squeeze3A_79 = vector.extract %slice3A_78[0] : i32 from vector<1xi32>
    %slice3A_80 = vector.extract_strided_slice %get3A_49 {offsets = [15], sizes = [1], strides = [1]} : vector<16xi32> to vector<1xi32>
    %squeeze3A_81 = vector.extract %slice3A_80[0] : i32 from vector<1xi32>
    %slice3A_82 = vector.extract_strided_slice %get3A_51 {offsets = [0], sizes = [1], strides = [1]} : vector<16xi32> to vector<1xi32>
    %squeeze3A_83 = vector.extract %slice3A_82[0] : i32 from vector<1xi32>
    %slice3A_84 = vector.extract_strided_slice %get3A_51 {offsets = [1], sizes = [1], strides = [1]} : vector<16xi32> to vector<1xi32>
    %squeeze3A_85 = vector.extract %slice3A_84[0] : i32 from vector<1xi32>
    %slice3A_86 = vector.extract_strided_slice %get3A_51 {offsets = [2], sizes = [1], strides = [1]} : vector<16xi32> to vector<1xi32>
    %squeeze3A_87 = vector.extract %slice3A_86[0] : i32 from vector<1xi32>
    %slice3A_88 = vector.extract_strided_slice %get3A_51 {offsets = [3], sizes = [1], strides = [1]} : vector<16xi32> to vector<1xi32>
    %squeeze3A_89 = vector.extract %slice3A_88[0] : i32 from vector<1xi32>
    %slice3A_90 = vector.extract_strided_slice %get3A_51 {offsets = [4], sizes = [1], strides = [1]} : vector<16xi32> to vector<1xi32>
    %squeeze3A_91 = vector.extract %slice3A_90[0] : i32 from vector<1xi32>
    %slice3A_92 = vector.extract_strided_slice %get3A_51 {offsets = [5], sizes = [1], strides = [1]} : vector<16xi32> to vector<1xi32>
    %squeeze3A_93 = vector.extract %slice3A_92[0] : i32 from vector<1xi32>
    %slice3A_94 = vector.extract_strided_slice %get3A_51 {offsets = [6], sizes = [1], strides = [1]} : vector<16xi32> to vector<1xi32>
    %squeeze3A_95 = vector.extract %slice3A_94[0] : i32 from vector<1xi32>
    %slice3A_96 = vector.extract_strided_slice %get3A_51 {offsets = [7], sizes = [1], strides = [1]} : vector<16xi32> to vector<1xi32>
    %squeeze3A_97 = vector.extract %slice3A_96[0] : i32 from vector<1xi32>
    %slice3A_98 = vector.extract_strided_slice %get3A_51 {offsets = [8], sizes = [1], strides = [1]} : vector<16xi32> to vector<1xi32>
    %squeeze3A_99 = vector.extract %slice3A_98[0] : i32 from vector<1xi32>
    %slice3A_100 = vector.extract_strided_slice %get3A_51 {offsets = [9], sizes = [1], strides = [1]} : vector<16xi32> to vector<1xi32>
    %squeeze3A_101 = vector.extract %slice3A_100[0] : i32 from vector<1xi32>
    %slice3A_102 = vector.extract_strided_slice %get3A_51 {offsets = [10], sizes = [1], strides = [1]} : vector<16xi32> to vector<1xi32>
    %squeeze3A_103 = vector.extract %slice3A_102[0] : i32 from vector<1xi32>
    %slice3A_104 = vector.extract_strided_slice %get3A_51 {offsets = [11], sizes = [1], strides = [1]} : vector<16xi32> to vector<1xi32>
    %squeeze3A_105 = vector.extract %slice3A_104[0] : i32 from vector<1xi32>
    %slice3A_106 = vector.extract_strided_slice %get3A_51 {offsets = [12], sizes = [1], strides = [1]} : vector<16xi32> to vector<1xi32>
    %squeeze3A_107 = vector.extract %slice3A_106[0] : i32 from vector<1xi32>
    %slice3A_108 = vector.extract_strided_slice %get3A_51 {offsets = [13], sizes = [1], strides = [1]} : vector<16xi32> to vector<1xi32>
    %squeeze3A_109 = vector.extract %slice3A_108[0] : i32 from vector<1xi32>
    %slice3A_110 = vector.extract_strided_slice %get3A_51 {offsets = [14], sizes = [1], strides = [1]} : vector<16xi32> to vector<1xi32>
    %squeeze3A_111 = vector.extract %slice3A_110[0] : i32 from vector<1xi32>
    %slice3A_112 = vector.extract_strided_slice %get3A_51 {offsets = [15], sizes = [1], strides = [1]} : vector<16xi32> to vector<1xi32>
    %squeeze3A_113 = vector.extract %slice3A_112[0] : i32 from vector<1xi32>
    %shift_right_arithmetic3A_114 = arith.constant 7 : i32
    %shift_right_arithmetic3A_115 = arith.shrsi %squeeze3A, %shift_right_arithmetic3A_114 : i32
    %mul3A_116 = arith.constant 128 : i32
    %mul3A_117 = arith.muli %shift_right_arithmetic3A_115, %mul3A_116 : i32
    %multiple_of3A = tpu.assume_multiple %mul3A_117, 128 : i32
    %shift_right_arithmetic3A_118 = arith.constant 7 : i32
    %shift_right_arithmetic3A_119 = arith.shrsi %squeeze3A_83, %shift_right_arithmetic3A_118 : i32
    %mul3A_120 = arith.constant 128 : i32
    %mul3A_121 = arith.muli %shift_right_arithmetic3A_119, %mul3A_120 : i32
    %multiple_of3A_122 = tpu.assume_multiple %mul3A_121, 128 : i32
    %dma_start3A = arith.constant 0 : i32
    %dma_start3A_123 = arith.constant 0 : i32
    %dma_start3A_124 = arith.constant 0 : i32
    %dma_start3A_125 = tpu.memref_slice %arg9[%dma_start3A, %dma_start3A_123, %dma_start3A_124] : memref<8x8x128xf32, #tpu.memory_space<vmem>> -> memref<4x8x128xf32, #tpu.memory_space<vmem>>
    %dma_start3A_126 = arith.constant 0 : i32
    %dma_start3A_127 = arith.constant 0 : i32
    %dma_start3A_128 = tpu.memref_slice %arg4[%dma_start3A_126, %dma_start3A_127, %multiple_of3A] : memref<8x8x1000000xf32, #tpu.memory_space<hbm>> -> memref<4x8x128xf32, #tpu.memory_space<hbm>>
    %dma_start3A_129 = arith.constant 0 : i32
    %dma_start3A_130 = arith.constant 0 : i32
    %dma_start3A_131 = arith.constant 0 : i32
    %dma_start3A_132 = tpu.memref_slice %arg9[%dma_start3A_129, %dma_start3A_130, %dma_start3A_131] : memref<8x8x128xf32, #tpu.memory_space<vmem>> -> memref<4x8x128xf32, #tpu.memory_space<vmem>>
    %dma_start3A_133 = arith.constant 0 : i32
    %dma_start3A_134 = arith.constant 0 : i32
    %dma_start3A_135 = tpu.memref_slice %arg4[%dma_start3A_133, %dma_start3A_134, %multiple_of3A] : memref<8x8x1000000xf32, #tpu.memory_space<hbm>> -> memref<4x8x128xf32, #tpu.memory_space<hbm>>
    tpu.enqueue_dma source(%dma_start3A_135 : memref<4x8x128xf32, #tpu.memory_space<hbm>>) target(%dma_start3A_132 : memref<4x8x128xf32, #tpu.memory_space<vmem>>) target_semaphore(%arg18 : memref<!tpu.dma_semaphore, #tpu.memory_space<semaphore_mem>>)
    %dma_start3A_136 = arith.constant 0 : i32
    %dma_start3A_137 = arith.constant 0 : i32
    %dma_start3A_138 = arith.constant 0 : i32
    %dma_start3A_139 = tpu.memref_slice %arg13[%dma_start3A_136, %dma_start3A_137, %dma_start3A_138] : memref<8x8x128xf32, #tpu.memory_space<vmem>> -> memref<4x8x128xf32, #tpu.memory_space<vmem>>
    %dma_start3A_140 = arith.constant 0 : i32
    %dma_start3A_141 = arith.constant 0 : i32
    %dma_start3A_142 = tpu.memref_slice %arg5[%dma_start3A_140, %dma_start3A_141, %multiple_of3A_122] : memref<8x8x1000000xf32, #tpu.memory_space<hbm>> -> memref<4x8x128xf32, #tpu.memory_space<hbm>>
    %dma_start3A_143 = arith.constant 0 : i32
    %dma_start3A_144 = arith.constant 0 : i32
    %dma_start3A_145 = arith.constant 0 : i32
    %dma_start3A_146 = tpu.memref_slice %arg13[%dma_start3A_143, %dma_start3A_144, %dma_start3A_145] : memref<8x8x128xf32, #tpu.memory_space<vmem>> -> memref<4x8x128xf32, #tpu.memory_space<vmem>>
    %dma_start3A_147 = arith.constant 0 : i32
    %dma_start3A_148 = arith.constant 0 : i32
    %dma_start3A_149 = tpu.memref_slice %arg5[%dma_start3A_147, %dma_start3A_148, %multiple_of3A_122] : memref<8x8x1000000xf32, #tpu.memory_space<hbm>> -> memref<4x8x128xf32, #tpu.memory_space<hbm>>
    tpu.enqueue_dma source(%dma_start3A_149 : memref<4x8x128xf32, #tpu.memory_space<hbm>>) target(%dma_start3A_146 : memref<4x8x128xf32, #tpu.memory_space<vmem>>) target_semaphore(%arg18 : memref<!tpu.dma_semaphore, #tpu.memory_space<semaphore_mem>>)
    %dma_start3A_150 = arith.constant 4 : i32
    %dma_start3A_151 = arith.constant 0 : i32
    %dma_start3A_152 = arith.constant 0 : i32
    %dma_start3A_153 = tpu.memref_slice %arg9[%dma_start3A_150, %dma_start3A_151, %dma_start3A_152] : memref<8x8x128xf32, #tpu.memory_space<vmem>> -> memref<4x8x128xf32, #tpu.memory_space<vmem>>
    %dma_start3A_154 = arith.constant 4 : i32
    %dma_start3A_155 = arith.constant 0 : i32
    %dma_start3A_156 = tpu.memref_slice %arg4[%dma_start3A_154, %dma_start3A_155, %multiple_of3A] : memref<8x8x1000000xf32, #tpu.memory_space<hbm>> -> memref<4x8x128xf32, #tpu.memory_space<hbm>>
    %dma_start3A_157 = arith.constant 4 : i32
    %dma_start3A_158 = arith.constant 0 : i32
    %dma_start3A_159 = arith.constant 0 : i32
    %dma_start3A_160 = tpu.memref_slice %arg9[%dma_start3A_157, %dma_start3A_158, %dma_start3A_159] : memref<8x8x128xf32, #tpu.memory_space<vmem>> -> memref<4x8x128xf32, #tpu.memory_space<vmem>>
    %dma_start3A_161 = arith.constant 4 : i32
    %dma_start3A_162 = arith.constant 0 : i32
    %dma_start3A_163 = tpu.memref_slice %arg4[%dma_start3A_161, %dma_start3A_162, %multiple_of3A] : memref<8x8x1000000xf32, #tpu.memory_space<hbm>> -> memref<4x8x128xf32, #tpu.memory_space<hbm>>
    tpu.enqueue_dma source(%dma_start3A_163 : memref<4x8x128xf32, #tpu.memory_space<hbm>>) target(%dma_start3A_160 : memref<4x8x128xf32, #tpu.memory_space<vmem>>) target_semaphore(%arg18 : memref<!tpu.dma_semaphore, #tpu.memory_space<semaphore_mem>>)
    %dma_start3A_164 = arith.constant 4 : i32
    %dma_start3A_165 = arith.constant 0 : i32
    %dma_start3A_166 = arith.constant 0 : i32
    %dma_start3A_167 = tpu.memref_slice %arg13[%dma_start3A_164, %dma_start3A_165, %dma_start3A_166] : memref<8x8x128xf32, #tpu.memory_space<vmem>> -> memref<4x8x128xf32, #tpu.memory_space<vmem>>
    %dma_start3A_168 = arith.constant 4 : i32
    %dma_start3A_169 = arith.constant 0 : i32
    %dma_start3A_170 = tpu.memref_slice %arg5[%dma_start3A_168, %dma_start3A_169, %multiple_of3A_122] : memref<8x8x1000000xf32, #tpu.memory_space<hbm>> -> memref<4x8x128xf32, #tpu.memory_space<hbm>>
    %dma_start3A_171 = arith.constant 4 : i32
    %dma_start3A_172 = arith.constant 0 : i32
    %dma_start3A_173 = arith.constant 0 : i32
    %dma_start3A_174 = tpu.memref_slice %arg13[%dma_start3A_171, %dma_start3A_172, %dma_start3A_173] : memref<8x8x128xf32, #tpu.memory_space<vmem>> -> memref<4x8x128xf32, #tpu.memory_space<vmem>>
    %dma_start3A_175 = arith.constant 4 : i32
    %dma_start3A_176 = arith.constant 0 : i32
    %dma_start3A_177 = tpu.memref_slice %arg5[%dma_start3A_175, %dma_start3A_176, %multiple_of3A_122] : memref<8x8x1000000xf32, #tpu.memory_space<hbm>> -> memref<4x8x128xf32, #tpu.memory_space<hbm>>
    tpu.enqueue_dma source(%dma_start3A_177 : memref<4x8x128xf32, #tpu.memory_space<hbm>>) target(%dma_start3A_174 : memref<4x8x128xf32, #tpu.memory_space<vmem>>) target_semaphore(%arg18 : memref<!tpu.dma_semaphore, #tpu.memory_space<semaphore_mem>>)
    %shift_right_arithmetic3A_178 = arith.constant 7 : i32
    %shift_right_arithmetic3A_179 = arith.shrsi %squeeze3A_53, %shift_right_arithmetic3A_178 : i32
    %mul3A_180 = arith.constant 128 : i32
    %mul3A_181 = arith.muli %shift_right_arithmetic3A_179, %mul3A_180 : i32
    %multiple_of3A_182 = tpu.assume_multiple %mul3A_181, 128 : i32
    %shift_right_arithmetic3A_183 = arith.constant 7 : i32
    %shift_right_arithmetic3A_184 = arith.shrsi %squeeze3A_85, %shift_right_arithmetic3A_183 : i32
    %mul3A_185 = arith.constant 128 : i32
    %mul3A_186 = arith.muli %shift_right_arithmetic3A_184, %mul3A_185 : i32
    %multiple_of3A_187 = tpu.assume_multiple %mul3A_186, 128 : i32
    %dma_start3A_188 = arith.constant 0 : i32
    %dma_start3A_189 = arith.constant 0 : i32
    %dma_start3A_190 = arith.constant 0 : i32
    %dma_start3A_191 = tpu.memref_slice %arg10[%dma_start3A_188, %dma_start3A_189, %dma_start3A_190] : memref<8x8x128xf32, #tpu.memory_space<vmem>> -> memref<4x8x128xf32, #tpu.memory_space<vmem>>
    %dma_start3A_192 = arith.constant 0 : i32
    %dma_start3A_193 = arith.constant 0 : i32
    %dma_start3A_194 = tpu.memref_slice %arg4[%dma_start3A_192, %dma_start3A_193, %multiple_of3A_182] : memref<8x8x1000000xf32, #tpu.memory_space<hbm>> -> memref<4x8x128xf32, #tpu.memory_space<hbm>>
    %dma_start3A_195 = arith.constant 0 : i32
    %dma_start3A_196 = arith.constant 0 : i32
    %dma_start3A_197 = arith.constant 0 : i32
    %dma_start3A_198 = tpu.memref_slice %arg10[%dma_start3A_195, %dma_start3A_196, %dma_start3A_197] : memref<8x8x128xf32, #tpu.memory_space<vmem>> -> memref<4x8x128xf32, #tpu.memory_space<vmem>>
    %dma_start3A_199 = arith.constant 0 : i32
    %dma_start3A_200 = arith.constant 0 : i32
    %dma_start3A_201 = tpu.memref_slice %arg4[%dma_start3A_199, %dma_start3A_200, %multiple_of3A_182] : memref<8x8x1000000xf32, #tpu.memory_space<hbm>> -> memref<4x8x128xf32, #tpu.memory_space<hbm>>
    tpu.enqueue_dma source(%dma_start3A_201 : memref<4x8x128xf32, #tpu.memory_space<hbm>>) target(%dma_start3A_198 : memref<4x8x128xf32, #tpu.memory_space<vmem>>) target_semaphore(%arg19 : memref<!tpu.dma_semaphore, #tpu.memory_space<semaphore_mem>>)
    %dma_start3A_202 = arith.constant 0 : i32
    %dma_start3A_203 = arith.constant 0 : i32
    %dma_start3A_204 = arith.constant 0 : i32
    %dma_start3A_205 = tpu.memref_slice %arg14[%dma_start3A_202, %dma_start3A_203, %dma_start3A_204] : memref<8x8x128xf32, #tpu.memory_space<vmem>> -> memref<4x8x128xf32, #tpu.memory_space<vmem>>
    %dma_start3A_206 = arith.constant 0 : i32
    %dma_start3A_207 = arith.constant 0 : i32
    %dma_start3A_208 = tpu.memref_slice %arg5[%dma_start3A_206, %dma_start3A_207, %multiple_of3A_187] : memref<8x8x1000000xf32, #tpu.memory_space<hbm>> -> memref<4x8x128xf32, #tpu.memory_space<hbm>>
    %dma_start3A_209 = arith.constant 0 : i32
    %dma_start3A_210 = arith.constant 0 : i32
    %dma_start3A_211 = arith.constant 0 : i32
    %dma_start3A_212 = tpu.memref_slice %arg14[%dma_start3A_209, %dma_start3A_210, %dma_start3A_211] : memref<8x8x128xf32, #tpu.memory_space<vmem>> -> memref<4x8x128xf32, #tpu.memory_space<vmem>>
    %dma_start3A_213 = arith.constant 0 : i32
    %dma_start3A_214 = arith.constant 0 : i32
    %dma_start3A_215 = tpu.memref_slice %arg5[%dma_start3A_213, %dma_start3A_214, %multiple_of3A_187] : memref<8x8x1000000xf32, #tpu.memory_space<hbm>> -> memref<4x8x128xf32, #tpu.memory_space<hbm>>
    tpu.enqueue_dma source(%dma_start3A_215 : memref<4x8x128xf32, #tpu.memory_space<hbm>>) target(%dma_start3A_212 : memref<4x8x128xf32, #tpu.memory_space<vmem>>) target_semaphore(%arg19 : memref<!tpu.dma_semaphore, #tpu.memory_space<semaphore_mem>>)
    %dma_start3A_216 = arith.constant 4 : i32
    %dma_start3A_217 = arith.constant 0 : i32
    %dma_start3A_218 = arith.constant 0 : i32
    %dma_start3A_219 = tpu.memref_slice %arg10[%dma_start3A_216, %dma_start3A_217, %dma_start3A_218] : memref<8x8x128xf32, #tpu.memory_space<vmem>> -> memref<4x8x128xf32, #tpu.memory_space<vmem>>
    %dma_start3A_220 = arith.constant 4 : i32
    %dma_start3A_221 = arith.constant 0 : i32
    %dma_start3A_222 = tpu.memref_slice %arg4[%dma_start3A_220, %dma_start3A_221, %multiple_of3A_182] : memref<8x8x1000000xf32, #tpu.memory_space<hbm>> -> memref<4x8x128xf32, #tpu.memory_space<hbm>>
    %dma_start3A_223 = arith.constant 4 : i32
    %dma_start3A_224 = arith.constant 0 : i32
    %dma_start3A_225 = arith.constant 0 : i32
    %dma_start3A_226 = tpu.memref_slice %arg10[%dma_start3A_223, %dma_start3A_224, %dma_start3A_225] : memref<8x8x128xf32, #tpu.memory_space<vmem>> -> memref<4x8x128xf32, #tpu.memory_space<vmem>>
    %dma_start3A_227 = arith.constant 4 : i32
    %dma_start3A_228 = arith.constant 0 : i32
    %dma_start3A_229 = tpu.memref_slice %arg4[%dma_start3A_227, %dma_start3A_228, %multiple_of3A_182] : memref<8x8x1000000xf32, #tpu.memory_space<hbm>> -> memref<4x8x128xf32, #tpu.memory_space<hbm>>
    tpu.enqueue_dma source(%dma_start3A_229 : memref<4x8x128xf32, #tpu.memory_space<hbm>>) target(%dma_start3A_226 : memref<4x8x128xf32, #tpu.memory_space<vmem>>) target_semaphore(%arg19 : memref<!tpu.dma_semaphore, #tpu.memory_space<semaphore_mem>>)
    %dma_start3A_230 = arith.constant 4 : i32
    %dma_start3A_231 = arith.constant 0 : i32
    %dma_start3A_232 = arith.constant 0 : i32
    %dma_start3A_233 = tpu.memref_slice %arg14[%dma_start3A_230, %dma_start3A_231, %dma_start3A_232] : memref<8x8x128xf32, #tpu.memory_space<vmem>> -> memref<4x8x128xf32, #tpu.memory_space<vmem>>
    %dma_start3A_234 = arith.constant 4 : i32
    %dma_start3A_235 = arith.constant 0 : i32
    %dma_start3A_236 = tpu.memref_slice %arg5[%dma_start3A_234, %dma_start3A_235, %multiple_of3A_187] : memref<8x8x1000000xf32, #tpu.memory_space<hbm>> -> memref<4x8x128xf32, #tpu.memory_space<hbm>>
    %dma_start3A_237 = arith.constant 4 : i32
    %dma_start3A_238 = arith.constant 0 : i32
    %dma_start3A_239 = arith.constant 0 : i32
    %dma_start3A_240 = tpu.memref_slice %arg14[%dma_start3A_237, %dma_start3A_238, %dma_start3A_239] : memref<8x8x128xf32, #tpu.memory_space<vmem>> -> memref<4x8x128xf32, #tpu.memory_space<vmem>>
    %dma_start3A_241 = arith.constant 4 : i32
    %dma_start3A_242 = arith.constant 0 : i32
    %dma_start3A_243 = tpu.memref_slice %arg5[%dma_start3A_241, %dma_start3A_242, %multiple_of3A_187] : memref<8x8x1000000xf32, #tpu.memory_space<hbm>> -> memref<4x8x128xf32, #tpu.memory_space<hbm>>
    tpu.enqueue_dma source(%dma_start3A_243 : memref<4x8x128xf32, #tpu.memory_space<hbm>>) target(%dma_start3A_240 : memref<4x8x128xf32, #tpu.memory_space<vmem>>) target_semaphore(%arg19 : memref<!tpu.dma_semaphore, #tpu.memory_space<semaphore_mem>>)
    %shift_right_arithmetic3A_244 = arith.constant 7 : i32
    %shift_right_arithmetic3A_245 = arith.shrsi %squeeze3A_55, %shift_right_arithmetic3A_244 : i32
    %mul3A_246 = arith.constant 128 : i32
    %mul3A_247 = arith.muli %shift_right_arithmetic3A_245, %mul3A_246 : i32
    %multiple_of3A_248 = tpu.assume_multiple %mul3A_247, 128 : i32
    %shift_right_arithmetic3A_249 = arith.constant 7 : i32
    %shift_right_arithmetic3A_250 = arith.shrsi %squeeze3A_87, %shift_right_arithmetic3A_249 : i32
    %mul3A_251 = arith.constant 128 : i32
    %mul3A_252 = arith.muli %shift_right_arithmetic3A_250, %mul3A_251 : i32
    %multiple_of3A_253 = tpu.assume_multiple %mul3A_252, 128 : i32
    %dma_start3A_254 = arith.constant 0 : i32
    %dma_start3A_255 = arith.constant 0 : i32
    %dma_start3A_256 = arith.constant 0 : i32
    %dma_start3A_257 = tpu.memref_slice %arg11[%dma_start3A_254, %dma_start3A_255, %dma_start3A_256] : memref<8x8x128xf32, #tpu.memory_space<vmem>> -> memref<4x8x128xf32, #tpu.memory_space<vmem>>
    %dma_start3A_258 = arith.constant 0 : i32
    %dma_start3A_259 = arith.constant 0 : i32
    %dma_start3A_260 = tpu.memref_slice %arg4[%dma_start3A_258, %dma_start3A_259, %multiple_of3A_248] : memref<8x8x1000000xf32, #tpu.memory_space<hbm>> -> memref<4x8x128xf32, #tpu.memory_space<hbm>>
    %dma_start3A_261 = arith.constant 0 : i32
    %dma_start3A_262 = arith.constant 0 : i32
    %dma_start3A_263 = arith.constant 0 : i32
    %dma_start3A_264 = tpu.memref_slice %arg11[%dma_start3A_261, %dma_start3A_262, %dma_start3A_263] : memref<8x8x128xf32, #tpu.memory_space<vmem>> -> memref<4x8x128xf32, #tpu.memory_space<vmem>>
    %dma_start3A_265 = arith.constant 0 : i32
    %dma_start3A_266 = arith.constant 0 : i32
    %dma_start3A_267 = tpu.memref_slice %arg4[%dma_start3A_265, %dma_start3A_266, %multiple_of3A_248] : memref<8x8x1000000xf32, #tpu.memory_space<hbm>> -> memref<4x8x128xf32, #tpu.memory_space<hbm>>
    tpu.enqueue_dma source(%dma_start3A_267 : memref<4x8x128xf32, #tpu.memory_space<hbm>>) target(%dma_start3A_264 : memref<4x8x128xf32, #tpu.memory_space<vmem>>) target_semaphore(%arg20 : memref<!tpu.dma_semaphore, #tpu.memory_space<semaphore_mem>>)
    %dma_start3A_268 = arith.constant 0 : i32
    %dma_start3A_269 = arith.constant 0 : i32
    %dma_start3A_270 = arith.constant 0 : i32
    %dma_start3A_271 = tpu.memref_slice %arg15[%dma_start3A_268, %dma_start3A_269, %dma_start3A_270] : memref<8x8x128xf32, #tpu.memory_space<vmem>> -> memref<4x8x128xf32, #tpu.memory_space<vmem>>
    %dma_start3A_272 = arith.constant 0 : i32
    %dma_start3A_273 = arith.constant 0 : i32
    %dma_start3A_274 = tpu.memref_slice %arg5[%dma_start3A_272, %dma_start3A_273, %multiple_of3A_253] : memref<8x8x1000000xf32, #tpu.memory_space<hbm>> -> memref<4x8x128xf32, #tpu.memory_space<hbm>>
    %dma_start3A_275 = arith.constant 0 : i32
    %dma_start3A_276 = arith.constant 0 : i32
    %dma_start3A_277 = arith.constant 0 : i32
    %dma_start3A_278 = tpu.memref_slice %arg15[%dma_start3A_275, %dma_start3A_276, %dma_start3A_277] : memref<8x8x128xf32, #tpu.memory_space<vmem>> -> memref<4x8x128xf32, #tpu.memory_space<vmem>>
    %dma_start3A_279 = arith.constant 0 : i32
    %dma_start3A_280 = arith.constant 0 : i32
    %dma_start3A_281 = tpu.memref_slice %arg5[%dma_start3A_279, %dma_start3A_280, %multiple_of3A_253] : memref<8x8x1000000xf32, #tpu.memory_space<hbm>> -> memref<4x8x128xf32, #tpu.memory_space<hbm>>
    tpu.enqueue_dma source(%dma_start3A_281 : memref<4x8x128xf32, #tpu.memory_space<hbm>>) target(%dma_start3A_278 : memref<4x8x128xf32, #tpu.memory_space<vmem>>) target_semaphore(%arg20 : memref<!tpu.dma_semaphore, #tpu.memory_space<semaphore_mem>>)
    %dma_start3A_282 = arith.constant 4 : i32
    %dma_start3A_283 = arith.constant 0 : i32
    %dma_start3A_284 = arith.constant 0 : i32
    %dma_start3A_285 = tpu.memref_slice %arg11[%dma_start3A_282, %dma_start3A_283, %dma_start3A_284] : memref<8x8x128xf32, #tpu.memory_space<vmem>> -> memref<4x8x128xf32, #tpu.memory_space<vmem>>
    %dma_start3A_286 = arith.constant 4 : i32
    %dma_start3A_287 = arith.constant 0 : i32
    %dma_start3A_288 = tpu.memref_slice %arg4[%dma_start3A_286, %dma_start3A_287, %multiple_of3A_248] : memref<8x8x1000000xf32, #tpu.memory_space<hbm>> -> memref<4x8x128xf32, #tpu.memory_space<hbm>>
    %dma_start3A_289 = arith.constant 4 : i32
    %dma_start3A_290 = arith.constant 0 : i32
    %dma_start3A_291 = arith.constant 0 : i32
    %dma_start3A_292 = tpu.memref_slice %arg11[%dma_start3A_289, %dma_start3A_290, %dma_start3A_291] : memref<8x8x128xf32, #tpu.memory_space<vmem>> -> memref<4x8x128xf32, #tpu.memory_space<vmem>>
    %dma_start3A_293 = arith.constant 4 : i32
    %dma_start3A_294 = arith.constant 0 : i32
    %dma_start3A_295 = tpu.memref_slice %arg4[%dma_start3A_293, %dma_start3A_294, %multiple_of3A_248] : memref<8x8x1000000xf32, #tpu.memory_space<hbm>> -> memref<4x8x128xf32, #tpu.memory_space<hbm>>
    tpu.enqueue_dma source(%dma_start3A_295 : memref<4x8x128xf32, #tpu.memory_space<hbm>>) target(%dma_start3A_292 : memref<4x8x128xf32, #tpu.memory_space<vmem>>) target_semaphore(%arg20 : memref<!tpu.dma_semaphore, #tpu.memory_space<semaphore_mem>>)
    %dma_start3A_296 = arith.constant 4 : i32
    %dma_start3A_297 = arith.constant 0 : i32
    %dma_start3A_298 = arith.constant 0 : i32
    %dma_start3A_299 = tpu.memref_slice %arg15[%dma_start3A_296, %dma_start3A_297, %dma_start3A_298] : memref<8x8x128xf32, #tpu.memory_space<vmem>> -> memref<4x8x128xf32, #tpu.memory_space<vmem>>
    %dma_start3A_300 = arith.constant 4 : i32
    %dma_start3A_301 = arith.constant 0 : i32
    %dma_start3A_302 = tpu.memref_slice %arg5[%dma_start3A_300, %dma_start3A_301, %multiple_of3A_253] : memref<8x8x1000000xf32, #tpu.memory_space<hbm>> -> memref<4x8x128xf32, #tpu.memory_space<hbm>>
    %dma_start3A_303 = arith.constant 4 : i32
    %dma_start3A_304 = arith.constant 0 : i32
    %dma_start3A_305 = arith.constant 0 : i32
    %dma_start3A_306 = tpu.memref_slice %arg15[%dma_start3A_303, %dma_start3A_304, %dma_start3A_305] : memref<8x8x128xf32, #tpu.memory_space<vmem>> -> memref<4x8x128xf32, #tpu.memory_space<vmem>>
    %dma_start3A_307 = arith.constant 4 : i32
    %dma_start3A_308 = arith.constant 0 : i32
    %dma_start3A_309 = tpu.memref_slice %arg5[%dma_start3A_307, %dma_start3A_308, %multiple_of3A_253] : memref<8x8x1000000xf32, #tpu.memory_space<hbm>> -> memref<4x8x128xf32, #tpu.memory_space<hbm>>
    tpu.enqueue_dma source(%dma_start3A_309 : memref<4x8x128xf32, #tpu.memory_space<hbm>>) target(%dma_start3A_306 : memref<4x8x128xf32, #tpu.memory_space<vmem>>) target_semaphore(%arg20 : memref<!tpu.dma_semaphore, #tpu.memory_space<semaphore_mem>>)
    %shift_right_arithmetic3A_310 = arith.constant 7 : i32
    %shift_right_arithmetic3A_311 = arith.shrsi %squeeze3A_57, %shift_right_arithmetic3A_310 : i32
    %mul3A_312 = arith.constant 128 : i32
    %mul3A_313 = arith.muli %shift_right_arithmetic3A_311, %mul3A_312 : i32
    %multiple_of3A_314 = tpu.assume_multiple %mul3A_313, 128 : i32
    %shift_right_arithmetic3A_315 = arith.constant 7 : i32
    %shift_right_arithmetic3A_316 = arith.shrsi %squeeze3A_89, %shift_right_arithmetic3A_315 : i32
    %mul3A_317 = arith.constant 128 : i32
    %mul3A_318 = arith.muli %shift_right_arithmetic3A_316, %mul3A_317 : i32
    %multiple_of3A_319 = tpu.assume_multiple %mul3A_318, 128 : i32
    %dma_start3A_320 = arith.constant 0 : i32
    %dma_start3A_321 = arith.constant 0 : i32
    %dma_start3A_322 = arith.constant 0 : i32
    %dma_start3A_323 = tpu.memref_slice %arg12[%dma_start3A_320, %dma_start3A_321, %dma_start3A_322] : memref<8x8x128xf32, #tpu.memory_space<vmem>> -> memref<4x8x128xf32, #tpu.memory_space<vmem>>
    %dma_start3A_324 = arith.constant 0 : i32
    %dma_start3A_325 = arith.constant 0 : i32
    %dma_start3A_326 = tpu.memref_slice %arg4[%dma_start3A_324, %dma_start3A_325, %multiple_of3A_314] : memref<8x8x1000000xf32, #tpu.memory_space<hbm>> -> memref<4x8x128xf32, #tpu.memory_space<hbm>>
    %dma_start3A_327 = arith.constant 0 : i32
    %dma_start3A_328 = arith.constant 0 : i32
    %dma_start3A_329 = arith.constant 0 : i32
    %dma_start3A_330 = tpu.memref_slice %arg12[%dma_start3A_327, %dma_start3A_328, %dma_start3A_329] : memref<8x8x128xf32, #tpu.memory_space<vmem>> -> memref<4x8x128xf32, #tpu.memory_space<vmem>>
    %dma_start3A_331 = arith.constant 0 : i32
    %dma_start3A_332 = arith.constant 0 : i32
    %dma_start3A_333 = tpu.memref_slice %arg4[%dma_start3A_331, %dma_start3A_332, %multiple_of3A_314] : memref<8x8x1000000xf32, #tpu.memory_space<hbm>> -> memref<4x8x128xf32, #tpu.memory_space<hbm>>
    tpu.enqueue_dma source(%dma_start3A_333 : memref<4x8x128xf32, #tpu.memory_space<hbm>>) target(%dma_start3A_330 : memref<4x8x128xf32, #tpu.memory_space<vmem>>) target_semaphore(%arg21 : memref<!tpu.dma_semaphore, #tpu.memory_space<semaphore_mem>>)
    %dma_start3A_334 = arith.constant 0 : i32
    %dma_start3A_335 = arith.constant 0 : i32
    %dma_start3A_336 = arith.constant 0 : i32
    %dma_start3A_337 = tpu.memref_slice %arg16[%dma_start3A_334, %dma_start3A_335, %dma_start3A_336] : memref<8x8x128xf32, #tpu.memory_space<vmem>> -> memref<4x8x128xf32, #tpu.memory_space<vmem>>
    %dma_start3A_338 = arith.constant 0 : i32
    %dma_start3A_339 = arith.constant 0 : i32
    %dma_start3A_340 = tpu.memref_slice %arg5[%dma_start3A_338, %dma_start3A_339, %multiple_of3A_319] : memref<8x8x1000000xf32, #tpu.memory_space<hbm>> -> memref<4x8x128xf32, #tpu.memory_space<hbm>>
    %dma_start3A_341 = arith.constant 0 : i32
    %dma_start3A_342 = arith.constant 0 : i32
    %dma_start3A_343 = arith.constant 0 : i32
    %dma_start3A_344 = tpu.memref_slice %arg16[%dma_start3A_341, %dma_start3A_342, %dma_start3A_343] : memref<8x8x128xf32, #tpu.memory_space<vmem>> -> memref<4x8x128xf32, #tpu.memory_space<vmem>>
    %dma_start3A_345 = arith.constant 0 : i32
    %dma_start3A_346 = arith.constant 0 : i32
    %dma_start3A_347 = tpu.memref_slice %arg5[%dma_start3A_345, %dma_start3A_346, %multiple_of3A_319] : memref<8x8x1000000xf32, #tpu.memory_space<hbm>> -> memref<4x8x128xf32, #tpu.memory_space<hbm>>
    tpu.enqueue_dma source(%dma_start3A_347 : memref<4x8x128xf32, #tpu.memory_space<hbm>>) target(%dma_start3A_344 : memref<4x8x128xf32, #tpu.memory_space<vmem>>) target_semaphore(%arg21 : memref<!tpu.dma_semaphore, #tpu.memory_space<semaphore_mem>>)
    %dma_start3A_348 = arith.constant 4 : i32
    %dma_start3A_349 = arith.constant 0 : i32
    %dma_start3A_350 = arith.constant 0 : i32
    %dma_start3A_351 = tpu.memref_slice %arg12[%dma_start3A_348, %dma_start3A_349, %dma_start3A_350] : memref<8x8x128xf32, #tpu.memory_space<vmem>> -> memref<4x8x128xf32, #tpu.memory_space<vmem>>
    %dma_start3A_352 = arith.constant 4 : i32
    %dma_start3A_353 = arith.constant 0 : i32
    %dma_start3A_354 = tpu.memref_slice %arg4[%dma_start3A_352, %dma_start3A_353, %multiple_of3A_314] : memref<8x8x1000000xf32, #tpu.memory_space<hbm>> -> memref<4x8x128xf32, #tpu.memory_space<hbm>>
    %dma_start3A_355 = arith.constant 4 : i32
    %dma_start3A_356 = arith.constant 0 : i32
    %dma_start3A_357 = arith.constant 0 : i32
    %dma_start3A_358 = tpu.memref_slice %arg12[%dma_start3A_355, %dma_start3A_356, %dma_start3A_357] : memref<8x8x128xf32, #tpu.memory_space<vmem>> -> memref<4x8x128xf32, #tpu.memory_space<vmem>>
    %dma_start3A_359 = arith.constant 4 : i32
    %dma_start3A_360 = arith.constant 0 : i32
    %dma_start3A_361 = tpu.memref_slice %arg4[%dma_start3A_359, %dma_start3A_360, %multiple_of3A_314] : memref<8x8x1000000xf32, #tpu.memory_space<hbm>> -> memref<4x8x128xf32, #tpu.memory_space<hbm>>
    tpu.enqueue_dma source(%dma_start3A_361 : memref<4x8x128xf32, #tpu.memory_space<hbm>>) target(%dma_start3A_358 : memref<4x8x128xf32, #tpu.memory_space<vmem>>) target_semaphore(%arg21 : memref<!tpu.dma_semaphore, #tpu.memory_space<semaphore_mem>>)
    %dma_start3A_362 = arith.constant 4 : i32
    %dma_start3A_363 = arith.constant 0 : i32
    %dma_start3A_364 = arith.constant 0 : i32
    %dma_start3A_365 = tpu.memref_slice %arg16[%dma_start3A_362, %dma_start3A_363, %dma_start3A_364] : memref<8x8x128xf32, #tpu.memory_space<vmem>> -> memref<4x8x128xf32, #tpu.memory_space<vmem>>
    %dma_start3A_366 = arith.constant 4 : i32
    %dma_start3A_367 = arith.constant 0 : i32
    %dma_start3A_368 = tpu.memref_slice %arg5[%dma_start3A_366, %dma_start3A_367, %multiple_of3A_319] : memref<8x8x1000000xf32, #tpu.memory_space<hbm>> -> memref<4x8x128xf32, #tpu.memory_space<hbm>>
    %dma_start3A_369 = arith.constant 4 : i32
    %dma_start3A_370 = arith.constant 0 : i32
    %dma_start3A_371 = arith.constant 0 : i32
    %dma_start3A_372 = tpu.memref_slice %arg16[%dma_start3A_369, %dma_start3A_370, %dma_start3A_371] : memref<8x8x128xf32, #tpu.memory_space<vmem>> -> memref<4x8x128xf32, #tpu.memory_space<vmem>>
    %dma_start3A_373 = arith.constant 4 : i32
    %dma_start3A_374 = arith.constant 0 : i32
    %dma_start3A_375 = tpu.memref_slice %arg5[%dma_start3A_373, %dma_start3A_374, %multiple_of3A_319] : memref<8x8x1000000xf32, #tpu.memory_space<hbm>> -> memref<4x8x128xf32, #tpu.memory_space<hbm>>
    tpu.enqueue_dma source(%dma_start3A_375 : memref<4x8x128xf32, #tpu.memory_space<hbm>>) target(%dma_start3A_372 : memref<4x8x128xf32, #tpu.memory_space<vmem>>) target_semaphore(%arg21 : memref<!tpu.dma_semaphore, #tpu.memory_space<semaphore_mem>>)
    %scan3A = arith.constant 0 : i32
    %scan3A_376 = arith.constant 0 : i32
    %scan3A_377 = arith.constant 32 : i32
    %scan3A_378 = arith.addi %scan3A_376, %scan3A_377 : i32
    %scan3A_379 = arith.constant 1 : i32
    scf.for %scan3A_381 = %scan3A_376 to %scan3A_378 step %scan3A_379  : i32 {
      %mul3A_382 = arith.constant 16 : i32
      %mul3A_383 = arith.muli %scan3A_381, %mul3A_382 : i32
      %get3A_384 = arith.index_cast %mul3A_383 : i32 to index
      %get3A_385 = tpu.vector_load %arg7[%get3A_384] {strides = array<i32>} : memref<512xi32, #tpu.memory_space<vmem>>, vector<16xi32>,
      %mul3A_386 = arith.constant 16 : i32
      %mul3A_387 = arith.muli %scan3A_381, %mul3A_386 : i32
      %get3A_388 = arith.index_cast %mul3A_387 : i32 to index
      %get3A_389 = tpu.vector_load %arg8[%get3A_388] {strides = array<i32>} : memref<512xi32, #tpu.memory_space<vmem>>, vector<16xi32>,
      %slice3A_390 = vector.extract_strided_slice %get3A_385 {offsets = [0], sizes = [1], strides = [1]} : vector<16xi32> to vector<1xi32>
      %squeeze3A_391 = vector.extract %slice3A_390[0] : i32 from vector<1xi32>
      %slice3A_392 = vector.extract_strided_slice %get3A_385 {offsets = [1], sizes = [1], strides = [1]} : vector<16xi32> to vector<1xi32>
      %squeeze3A_393 = vector.extract %slice3A_392[0] : i32 from vector<1xi32>
      %slice3A_394 = vector.extract_strided_slice %get3A_385 {offsets = [2], sizes = [1], strides = [1]} : vector<16xi32> to vector<1xi32>
      %squeeze3A_395 = vector.extract %slice3A_394[0] : i32 from vector<1xi32>
      %slice3A_396 = vector.extract_strided_slice %get3A_385 {offsets = [3], sizes = [1], strides = [1]} : vector<16xi32> to vector<1xi32>
      %squeeze3A_397 = vector.extract %slice3A_396[0] : i32 from vector<1xi32>
      %slice3A_398 = vector.extract_strided_slice %get3A_385 {offsets = [4], sizes = [1], strides = [1]} : vector<16xi32> to vector<1xi32>
      %squeeze3A_399 = vector.extract %slice3A_398[0] : i32 from vector<1xi32>
      %slice3A_400 = vector.extract_strided_slice %get3A_385 {offsets = [5], sizes = [1], strides = [1]} : vector<16xi32> to vector<1xi32>
      %squeeze3A_401 = vector.extract %slice3A_400[0] : i32 from vector<1xi32>
      %slice3A_402 = vector.extract_strided_slice %get3A_385 {offsets = [6], sizes = [1], strides = [1]} : vector<16xi32> to vector<1xi32>
      %squeeze3A_403 = vector.extract %slice3A_402[0] : i32 from vector<1xi32>
      %slice3A_404 = vector.extract_strided_slice %get3A_385 {offsets = [7], sizes = [1], strides = [1]} : vector<16xi32> to vector<1xi32>
      %squeeze3A_405 = vector.extract %slice3A_404[0] : i32 from vector<1xi32>
      %slice3A_406 = vector.extract_strided_slice %get3A_385 {offsets = [8], sizes = [1], strides = [1]} : vector<16xi32> to vector<1xi32>
      %squeeze3A_407 = vector.extract %slice3A_406[0] : i32 from vector<1xi32>
      %slice3A_408 = vector.extract_strided_slice %get3A_385 {offsets = [9], sizes = [1], strides = [1]} : vector<16xi32> to vector<1xi32>
      %squeeze3A_409 = vector.extract %slice3A_408[0] : i32 from vector<1xi32>
      %slice3A_410 = vector.extract_strided_slice %get3A_385 {offsets = [10], sizes = [1], strides = [1]} : vector<16xi32> to vector<1xi32>
      %squeeze3A_411 = vector.extract %slice3A_410[0] : i32 from vector<1xi32>
      %slice3A_412 = vector.extract_strided_slice %get3A_385 {offsets = [11], sizes = [1], strides = [1]} : vector<16xi32> to vector<1xi32>
      %squeeze3A_413 = vector.extract %slice3A_412[0] : i32 from vector<1xi32>
      %slice3A_414 = vector.extract_strided_slice %get3A_385 {offsets = [12], sizes = [1], strides = [1]} : vector<16xi32> to vector<1xi32>
      %squeeze3A_415 = vector.extract %slice3A_414[0] : i32 from vector<1xi32>
      %slice3A_416 = vector.extract_strided_slice %get3A_385 {offsets = [13], sizes = [1], strides = [1]} : vector<16xi32> to vector<1xi32>
      %squeeze3A_417 = vector.extract %slice3A_416[0] : i32 from vector<1xi32>
      %slice3A_418 = vector.extract_strided_slice %get3A_385 {offsets = [14], sizes = [1], strides = [1]} : vector<16xi32> to vector<1xi32>
      %squeeze3A_419 = vector.extract %slice3A_418[0] : i32 from vector<1xi32>
      %slice3A_420 = vector.extract_strided_slice %get3A_385 {offsets = [15], sizes = [1], strides = [1]} : vector<16xi32> to vector<1xi32>
      %squeeze3A_421 = vector.extract %slice3A_420[0] : i32 from vector<1xi32>
      %slice3A_422 = vector.extract_strided_slice %get3A_389 {offsets = [0], sizes = [1], strides = [1]} : vector<16xi32> to vector<1xi32>
      %squeeze3A_423 = vector.extract %slice3A_422[0] : i32 from vector<1xi32>
      %slice3A_424 = vector.extract_strided_slice %get3A_389 {offsets = [1], sizes = [1], strides = [1]} : vector<16xi32> to vector<1xi32>
      %squeeze3A_425 = vector.extract %slice3A_424[0] : i32 from vector<1xi32>
      %slice3A_426 = vector.extract_strided_slice %get3A_389 {offsets = [2], sizes = [1], strides = [1]} : vector<16xi32> to vector<1xi32>
      %squeeze3A_427 = vector.extract %slice3A_426[0] : i32 from vector<1xi32>
      %slice3A_428 = vector.extract_strided_slice %get3A_389 {offsets = [3], sizes = [1], strides = [1]} : vector<16xi32> to vector<1xi32>
      %squeeze3A_429 = vector.extract %slice3A_428[0] : i32 from vector<1xi32>
      %slice3A_430 = vector.extract_strided_slice %get3A_389 {offsets = [4], sizes = [1], strides = [1]} : vector<16xi32> to vector<1xi32>
      %squeeze3A_431 = vector.extract %slice3A_430[0] : i32 from vector<1xi32>
      %slice3A_432 = vector.extract_strided_slice %get3A_389 {offsets = [5], sizes = [1], strides = [1]} : vector<16xi32> to vector<1xi32>
      %squeeze3A_433 = vector.extract %slice3A_432[0] : i32 from vector<1xi32>
      %slice3A_434 = vector.extract_strided_slice %get3A_389 {offsets = [6], sizes = [1], strides = [1]} : vector<16xi32> to vector<1xi32>
      %squeeze3A_435 = vector.extract %slice3A_434[0] : i32 from vector<1xi32>
      %slice3A_436 = vector.extract_strided_slice %get3A_389 {offsets = [7], sizes = [1], strides = [1]} : vector<16xi32> to vector<1xi32>
      %squeeze3A_437 = vector.extract %slice3A_436[0] : i32 from vector<1xi32>
      %slice3A_438 = vector.extract_strided_slice %get3A_389 {offsets = [8], sizes = [1], strides = [1]} : vector<16xi32> to vector<1xi32>
      %squeeze3A_439 = vector.extract %slice3A_438[0] : i32 from vector<1xi32>
      %slice3A_440 = vector.extract_strided_slice %get3A_389 {offsets = [9], sizes = [1], strides = [1]} : vector<16xi32> to vector<1xi32>
      %squeeze3A_441 = vector.extract %slice3A_440[0] : i32 from vector<1xi32>
      %slice3A_442 = vector.extract_strided_slice %get3A_389 {offsets = [10], sizes = [1], strides = [1]} : vector<16xi32> to vector<1xi32>
      %squeeze3A_443 = vector.extract %slice3A_442[0] : i32 from vector<1xi32>
      %slice3A_444 = vector.extract_strided_slice %get3A_389 {offsets = [11], sizes = [1], strides = [1]} : vector<16xi32> to vector<1xi32>
      %squeeze3A_445 = vector.extract %slice3A_444[0] : i32 from vector<1xi32>
      %slice3A_446 = vector.extract_strided_slice %get3A_389 {offsets = [12], sizes = [1], strides = [1]} : vector<16xi32> to vector<1xi32>
      %squeeze3A_447 = vector.extract %slice3A_446[0] : i32 from vector<1xi32>
      %slice3A_448 = vector.extract_strided_slice %get3A_389 {offsets = [13], sizes = [1], strides = [1]} : vector<16xi32> to vector<1xi32>
      %squeeze3A_449 = vector.extract %slice3A_448[0] : i32 from vector<1xi32>
      %slice3A_450 = vector.extract_strided_slice %get3A_389 {offsets = [14], sizes = [1], strides = [1]} : vector<16xi32> to vector<1xi32>
      %squeeze3A_451 = vector.extract %slice3A_450[0] : i32 from vector<1xi32>
      %slice3A_452 = vector.extract_strided_slice %get3A_389 {offsets = [15], sizes = [1], strides = [1]} : vector<16xi32> to vector<1xi32>
      %squeeze3A_453 = vector.extract %slice3A_452[0] : i32 from vector<1xi32>
      %add3A_454 = arith.constant 1 : i32
      %add3A_455 = arith.addi %scan3A_381, %add3A_454 : i32
      %min3A = arith.constant 31 : i32
      %min3A_456 = arith.minsi %add3A_455, %min3A : i32
      %mul3A_457 = arith.constant 16 : i32
      %mul3A_458 = arith.muli %min3A_456, %mul3A_457 : i32
      %get3A_459 = arith.index_cast %mul3A_458 : i32 to index
      %get3A_460 = tpu.vector_load %arg7[%get3A_459] {strides = array<i32>} : memref<512xi32, #tpu.memory_space<vmem>>, vector<16xi32>,
      %mul3A_461 = arith.constant 16 : i32
      %mul3A_462 = arith.muli %min3A_456, %mul3A_461 : i32
      %get3A_463 = arith.index_cast %mul3A_462 : i32 to index
      %get3A_464 = tpu.vector_load %arg8[%get3A_463] {strides = array<i32>} : memref<512xi32, #tpu.memory_space<vmem>>, vector<16xi32>,
      %slice3A_465 = vector.extract_strided_slice %get3A_460 {offsets = [0], sizes = [1], strides = [1]} : vector<16xi32> to vector<1xi32>
      %squeeze3A_466 = vector.extract %slice3A_465[0] : i32 from vector<1xi32>
      %slice3A_467 = vector.extract_strided_slice %get3A_460 {offsets = [1], sizes = [1], strides = [1]} : vector<16xi32> to vector<1xi32>
      %squeeze3A_468 = vector.extract %slice3A_467[0] : i32 from vector<1xi32>
      %slice3A_469 = vector.extract_strided_slice %get3A_460 {offsets = [2], sizes = [1], strides = [1]} : vector<16xi32> to vector<1xi32>
      %squeeze3A_470 = vector.extract %slice3A_469[0] : i32 from vector<1xi32>
      %slice3A_471 = vector.extract_strided_slice %get3A_460 {offsets = [3], sizes = [1], strides = [1]} : vector<16xi32> to vector<1xi32>
      %squeeze3A_472 = vector.extract %slice3A_471[0] : i32 from vector<1xi32>
      %slice3A_473 = vector.extract_strided_slice %get3A_460 {offsets = [4], sizes = [1], strides = [1]} : vector<16xi32> to vector<1xi32>
      %squeeze3A_474 = vector.extract %slice3A_473[0] : i32 from vector<1xi32>
      %slice3A_475 = vector.extract_strided_slice %get3A_460 {offsets = [5], sizes = [1], strides = [1]} : vector<16xi32> to vector<1xi32>
      %squeeze3A_476 = vector.extract %slice3A_475[0] : i32 from vector<1xi32>
      %slice3A_477 = vector.extract_strided_slice %get3A_460 {offsets = [6], sizes = [1], strides = [1]} : vector<16xi32> to vector<1xi32>
      %squeeze3A_478 = vector.extract %slice3A_477[0] : i32 from vector<1xi32>
      %slice3A_479 = vector.extract_strided_slice %get3A_460 {offsets = [7], sizes = [1], strides = [1]} : vector<16xi32> to vector<1xi32>
      %squeeze3A_480 = vector.extract %slice3A_479[0] : i32 from vector<1xi32>
      %slice3A_481 = vector.extract_strided_slice %get3A_460 {offsets = [8], sizes = [1], strides = [1]} : vector<16xi32> to vector<1xi32>
      %squeeze3A_482 = vector.extract %slice3A_481[0] : i32 from vector<1xi32>
      %slice3A_483 = vector.extract_strided_slice %get3A_460 {offsets = [9], sizes = [1], strides = [1]} : vector<16xi32> to vector<1xi32>
      %squeeze3A_484 = vector.extract %slice3A_483[0] : i32 from vector<1xi32>
      %slice3A_485 = vector.extract_strided_slice %get3A_460 {offsets = [10], sizes = [1], strides = [1]} : vector<16xi32> to vector<1xi32>
      %squeeze3A_486 = vector.extract %slice3A_485[0] : i32 from vector<1xi32>
      %slice3A_487 = vector.extract_strided_slice %get3A_460 {offsets = [11], sizes = [1], strides = [1]} : vector<16xi32> to vector<1xi32>
      %squeeze3A_488 = vector.extract %slice3A_487[0] : i32 from vector<1xi32>
      %slice3A_489 = vector.extract_strided_slice %get3A_460 {offsets = [12], sizes = [1], strides = [1]} : vector<16xi32> to vector<1xi32>
      %squeeze3A_490 = vector.extract %slice3A_489[0] : i32 from vector<1xi32>
      %slice3A_491 = vector.extract_strided_slice %get3A_460 {offsets = [13], sizes = [1], strides = [1]} : vector<16xi32> to vector<1xi32>
      %squeeze3A_492 = vector.extract %slice3A_491[0] : i32 from vector<1xi32>
      %slice3A_493 = vector.extract_strided_slice %get3A_460 {offsets = [14], sizes = [1], strides = [1]} : vector<16xi32> to vector<1xi32>
      %squeeze3A_494 = vector.extract %slice3A_493[0] : i32 from vector<1xi32>
      %slice3A_495 = vector.extract_strided_slice %get3A_460 {offsets = [15], sizes = [1], strides = [1]} : vector<16xi32> to vector<1xi32>
      %squeeze3A_496 = vector.extract %slice3A_495[0] : i32 from vector<1xi32>
      %slice3A_497 = vector.extract_strided_slice %get3A_464 {offsets = [0], sizes = [1], strides = [1]} : vector<16xi32> to vector<1xi32>
      %squeeze3A_498 = vector.extract %slice3A_497[0] : i32 from vector<1xi32>
      %slice3A_499 = vector.extract_strided_slice %get3A_464 {offsets = [1], sizes = [1], strides = [1]} : vector<16xi32> to vector<1xi32>
      %squeeze3A_500 = vector.extract %slice3A_499[0] : i32 from vector<1xi32>
      %slice3A_501 = vector.extract_strided_slice %get3A_464 {offsets = [2], sizes = [1], strides = [1]} : vector<16xi32> to vector<1xi32>
      %squeeze3A_502 = vector.extract %slice3A_501[0] : i32 from vector<1xi32>
      %slice3A_503 = vector.extract_strided_slice %get3A_464 {offsets = [3], sizes = [1], strides = [1]} : vector<16xi32> to vector<1xi32>
      %squeeze3A_504 = vector.extract %slice3A_503[0] : i32 from vector<1xi32>
      %slice3A_505 = vector.extract_strided_slice %get3A_464 {offsets = [4], sizes = [1], strides = [1]} : vector<16xi32> to vector<1xi32>
      %squeeze3A_506 = vector.extract %slice3A_505[0] : i32 from vector<1xi32>
      %slice3A_507 = vector.extract_strided_slice %get3A_464 {offsets = [5], sizes = [1], strides = [1]} : vector<16xi32> to vector<1xi32>
      %squeeze3A_508 = vector.extract %slice3A_507[0] : i32 from vector<1xi32>
      %slice3A_509 = vector.extract_strided_slice %get3A_464 {offsets = [6], sizes = [1], strides = [1]} : vector<16xi32> to vector<1xi32>
      %squeeze3A_510 = vector.extract %slice3A_509[0] : i32 from vector<1xi32>
      %slice3A_511 = vector.extract_strided_slice %get3A_464 {offsets = [7], sizes = [1], strides = [1]} : vector<16xi32> to vector<1xi32>
      %squeeze3A_512 = vector.extract %slice3A_511[0] : i32 from vector<1xi32>
      %slice3A_513 = vector.extract_strided_slice %get3A_464 {offsets = [8], sizes = [1], strides = [1]} : vector<16xi32> to vector<1xi32>
      %squeeze3A_514 = vector.extract %slice3A_513[0] : i32 from vector<1xi32>
      %slice3A_515 = vector.extract_strided_slice %get3A_464 {offsets = [9], sizes = [1], strides = [1]} : vector<16xi32> to vector<1xi32>
      %squeeze3A_516 = vector.extract %slice3A_515[0] : i32 from vector<1xi32>
      %slice3A_517 = vector.extract_strided_slice %get3A_464 {offsets = [10], sizes = [1], strides = [1]} : vector<16xi32> to vector<1xi32>
      %squeeze3A_518 = vector.extract %slice3A_517[0] : i32 from vector<1xi32>
      %slice3A_519 = vector.extract_strided_slice %get3A_464 {offsets = [11], sizes = [1], strides = [1]} : vector<16xi32> to vector<1xi32>
      %squeeze3A_520 = vector.extract %slice3A_519[0] : i32 from vector<1xi32>
      %slice3A_521 = vector.extract_strided_slice %get3A_464 {offsets = [12], sizes = [1], strides = [1]} : vector<16xi32> to vector<1xi32>
      %squeeze3A_522 = vector.extract %slice3A_521[0] : i32 from vector<1xi32>
      %slice3A_523 = vector.extract_strided_slice %get3A_464 {offsets = [13], sizes = [1], strides = [1]} : vector<16xi32> to vector<1xi32>
      %squeeze3A_524 = vector.extract %slice3A_523[0] : i32 from vector<1xi32>
      %slice3A_525 = vector.extract_strided_slice %get3A_464 {offsets = [14], sizes = [1], strides = [1]} : vector<16xi32> to vector<1xi32>
      %squeeze3A_526 = vector.extract %slice3A_525[0] : i32 from vector<1xi32>
      %slice3A_527 = vector.extract_strided_slice %get3A_464 {offsets = [15], sizes = [1], strides = [1]} : vector<16xi32> to vector<1xi32>
      %squeeze3A_528 = vector.extract %slice3A_527[0] : i32 from vector<1xi32>
      %dma_wait3A = arith.constant 0 : i32
      %dma_wait3A_529 = arith.constant 0 : i32
      %dma_wait3A_530 = arith.constant 0 : i32
      %dma_wait3A_531 = tpu.memref_slice %arg4[%dma_wait3A, %dma_wait3A_529, %dma_wait3A_530] : memref<8x8x1000000xf32, #tpu.memory_space<hbm>> -> memref<8x8x128xf32, #tpu.memory_space<hbm>>
      %dma_wait3A_532 = arith.constant 0 : i32
      %dma_wait3A_533 = arith.constant 0 : i32
      %dma_wait3A_534 = arith.constant 0 : i32
      %dma_wait3A_535 = tpu.memref_slice %arg4[%dma_wait3A_532, %dma_wait3A_533, %dma_wait3A_534] : memref<8x8x1000000xf32, #tpu.memory_space<hbm>> -> memref<8x8x128xf32, #tpu.memory_space<hbm>>
      tpu.wait_dma2 semaphore(%arg18 : memref<!tpu.dma_semaphore, #tpu.memory_space<semaphore_mem>>) src(%dma_wait3A_535 : memref<8x8x128xf32, #tpu.memory_space<hbm>>) dst(%arg9 : memref<8x8x128xf32, #tpu.memory_space<vmem>>)
      %dma_wait3A_536 = arith.constant 0 : i32
      %dma_wait3A_537 = arith.constant 0 : i32
      %dma_wait3A_538 = arith.constant 0 : i32
      %dma_wait3A_539 = tpu.memref_slice %arg5[%dma_wait3A_536, %dma_wait3A_537, %dma_wait3A_538] : memref<8x8x1000000xf32, #tpu.memory_space<hbm>> -> memref<8x8x128xf32, #tpu.memory_space<hbm>>
      %dma_wait3A_540 = arith.constant 0 : i32
      %dma_wait3A_541 = arith.constant 0 : i32
      %dma_wait3A_542 = arith.constant 0 : i32
      %dma_wait3A_543 = tpu.memref_slice %arg5[%dma_wait3A_540, %dma_wait3A_541, %dma_wait3A_542] : memref<8x8x1000000xf32, #tpu.memory_space<hbm>> -> memref<8x8x128xf32, #tpu.memory_space<hbm>>
      tpu.wait_dma2 semaphore(%arg18 : memref<!tpu.dma_semaphore, #tpu.memory_space<semaphore_mem>>) src(%dma_wait3A_543 : memref<8x8x128xf32, #tpu.memory_space<hbm>>) dst(%arg13 : memref<8x8x128xf32, #tpu.memory_space<vmem>>)
      %mul3A_544 = arith.constant 16 : i32
      %mul3A_545 = arith.muli %scan3A_381, %mul3A_544 : i32
      %add3A_546 = arith.constant 0 : i32
      %add3A_547 = arith.addi %mul3A_545, %add3A_546 : i32
      %and3A_548 = arith.constant 63 : i32
      %and3A_549 = arith.andi %add3A_547, %and3A_548 : i32
      %mul3A_550 = arith.constant 0 : i32
      %mul3A_551 = vector.broadcast %mul3A_550 : i32 to vector<16xi32>
      %mul3A_552 = arith.muli %iota3A, %mul3A_551 : vector<16xi32>
      %and3A_553 = arith.constant 127 : i32
      %and3A_554 = arith.andi %squeeze3A_391, %and3A_553 : i32
      %add3A_555 = vector.broadcast %and3A_554 : i32 to vector<16xi32>
      %add3A_556 = arith.addi %mul3A_552, %add3A_555 : vector<16xi32>
      %mul3A_557 = arith.constant 0 : i32
      %mul3A_558 = vector.broadcast %mul3A_557 : i32 to vector<16xi32>
      %mul3A_559 = arith.muli %iota3A, %mul3A_558 : vector<16xi32>
      %and3A_560 = arith.constant 127 : i32
      %and3A_561 = arith.andi %squeeze3A_423, %and3A_560 : i32
      %add3A_562 = vector.broadcast %and3A_561 : i32 to vector<16xi32>
      %add3A_563 = arith.addi %mul3A_559, %add3A_562 : vector<16xi32>
      %gather3A = tpu.vector_load_idx %arg9[%shift_right_arithmetic3A_7, %and3A_30, %add3A_556] : memref<8x8x128xf32, #tpu.memory_space<vmem>>[vector<16xi32>, vector<16xi32>, vector<16xi32>], vector<16xf32>,
      %gather3A_564 = tpu.vector_load_idx %arg13[%shift_right_arithmetic3A_7, %and3A_30, %add3A_563] : memref<8x8x128xf32, #tpu.memory_space<vmem>>[vector<16xi32>, vector<16xi32>, vector<16xi32>], vector<16xf32>,
      %swap3A = arith.index_cast %and3A_549 : i32 to index
      %swap3A_565 = arith.constant 0 : index
      %swap3A_566 = tpu.vector_load %arg17[%swap3A, %swap3A_565] {strides = array<i32>} : memref<64x128xf32, #tpu.memory_space<vmem>>, vector<16xf32>,
      tpu.vector_store %arg17[%swap3A, %swap3A_565], %gather3A {strides = array<i32>} : memref<64x128xf32, #tpu.memory_space<vmem>>, vector<16xf32>,
      %swap3A_567 = arith.index_cast %and3A_549 : i32 to index
      %swap3A_568 = arith.constant 64 : index
      %swap3A_569 = tpu.vector_load %arg17[%swap3A_567, %swap3A_568] {strides = array<i32>} : memref<64x128xf32, #tpu.memory_space<vmem>>, vector<16xf32>,
      tpu.vector_store %arg17[%swap3A_567, %swap3A_568], %gather3A_564 {strides = array<i32>} : memref<64x128xf32, #tpu.memory_space<vmem>>, vector<16xf32>,
      %gather3A_570 = tpu.vector_load_idx %arg9[%shift_right_arithmetic3A_13, %and3A_36, %add3A_556] : memref<8x8x128xf32, #tpu.memory_space<vmem>>[vector<16xi32>, vector<16xi32>, vector<16xi32>], vector<16xf32>,
      %gather3A_571 = tpu.vector_load_idx %arg13[%shift_right_arithmetic3A_13, %and3A_36, %add3A_563] : memref<8x8x128xf32, #tpu.memory_space<vmem>>[vector<16xi32>, vector<16xi32>, vector<16xi32>], vector<16xf32>,
      %swap3A_572 = arith.index_cast %and3A_549 : i32 to index
      %swap3A_573 = arith.constant 16 : index
      %swap3A_574 = tpu.vector_load %arg17[%swap3A_572, %swap3A_573] {strides = array<i32>} : memref<64x128xf32, #tpu.memory_space<vmem>>, vector<16xf32>,
      tpu.vector_store %arg17[%swap3A_572, %swap3A_573], %gather3A_570 {strides = array<i32>} : memref<64x128xf32, #tpu.memory_space<vmem>>, vector<16xf32>,
      %swap3A_575 = arith.index_cast %and3A_549 : i32 to index
      %swap3A_576 = arith.constant 80 : index
      %swap3A_577 = tpu.vector_load %arg17[%swap3A_575, %swap3A_576] {strides = array<i32>} : memref<64x128xf32, #tpu.memory_space<vmem>>, vector<16xf32>,
      tpu.vector_store %arg17[%swap3A_575, %swap3A_576], %gather3A_571 {strides = array<i32>} : memref<64x128xf32, #tpu.memory_space<vmem>>, vector<16xf32>,
      %gather3A_578 = tpu.vector_load_idx %arg9[%shift_right_arithmetic3A_19, %and3A_42, %add3A_556] : memref<8x8x128xf32, #tpu.memory_space<vmem>>[vector<16xi32>, vector<16xi32>, vector<16xi32>], vector<16xf32>,
      %gather3A_579 = tpu.vector_load_idx %arg13[%shift_right_arithmetic3A_19, %and3A_42, %add3A_563] : memref<8x8x128xf32, #tpu.memory_space<vmem>>[vector<16xi32>, vector<16xi32>, vector<16xi32>], vector<16xf32>,
      %swap3A_580 = arith.index_cast %and3A_549 : i32 to index
      %swap3A_581 = arith.constant 32 : index
      %swap3A_582 = tpu.vector_load %arg17[%swap3A_580, %swap3A_581] {strides = array<i32>} : memref<64x128xf32, #tpu.memory_space<vmem>>, vector<16xf32>,
      tpu.vector_store %arg17[%swap3A_580, %swap3A_581], %gather3A_578 {strides = array<i32>} : memref<64x128xf32, #tpu.memory_space<vmem>>, vector<16xf32>,
      %swap3A_583 = arith.index_cast %and3A_549 : i32 to index
      %swap3A_584 = arith.constant 96 : index
      %swap3A_585 = tpu.vector_load %arg17[%swap3A_583, %swap3A_584] {strides = array<i32>} : memref<64x128xf32, #tpu.memory_space<vmem>>, vector<16xf32>,
      tpu.vector_store %arg17[%swap3A_583, %swap3A_584], %gather3A_579 {strides = array<i32>} : memref<64x128xf32, #tpu.memory_space<vmem>>, vector<16xf32>,
      %gather3A_586 = tpu.vector_load_idx %arg9[%shift_right_arithmetic3A_25, %and3A_48, %add3A_556] : memref<8x8x128xf32, #tpu.memory_space<vmem>>[vector<16xi32>, vector<16xi32>, vector<16xi32>], vector<16xf32>,
      %gather3A_587 = tpu.vector_load_idx %arg13[%shift_right_arithmetic3A_25, %and3A_48, %add3A_563] : memref<8x8x128xf32, #tpu.memory_space<vmem>>[vector<16xi32>, vector<16xi32>, vector<16xi32>], vector<16xf32>,
      %swap3A_588 = arith.index_cast %and3A_549 : i32 to index
      %swap3A_589 = arith.constant 48 : index
      %swap3A_590 = tpu.vector_load %arg17[%swap3A_588, %swap3A_589] {strides = array<i32>} : memref<64x128xf32, #tpu.memory_space<vmem>>, vector<16xf32>,
      tpu.vector_store %arg17[%swap3A_588, %swap3A_589], %gather3A_586 {strides = array<i32>} : memref<64x128xf32, #tpu.memory_space<vmem>>, vector<16xf32>,
      %swap3A_591 = arith.index_cast %and3A_549 : i32 to index
      %swap3A_592 = arith.constant 112 : index
      %swap3A_593 = tpu.vector_load %arg17[%swap3A_591, %swap3A_592] {strides = array<i32>} : memref<64x128xf32, #tpu.memory_space<vmem>>, vector<16xf32>,
      tpu.vector_store %arg17[%swap3A_591, %swap3A_592], %gather3A_587 {strides = array<i32>} : memref<64x128xf32, #tpu.memory_space<vmem>>, vector<16xf32>,
      %shift_right_arithmetic3A_594 = arith.constant 7 : i32
      %shift_right_arithmetic3A_595 = arith.shrsi %squeeze3A_399, %shift_right_arithmetic3A_594 : i32
      %mul3A_596 = arith.constant 128 : i32
      %mul3A_597 = arith.muli %shift_right_arithmetic3A_595, %mul3A_596 : i32
      %multiple_of3A_598 = tpu.assume_multiple %mul3A_597, 128 : i32
      %shift_right_arithmetic3A_599 = arith.constant 7 : i32
      %shift_right_arithmetic3A_600 = arith.shrsi %squeeze3A_431, %shift_right_arithmetic3A_599 : i32
      %mul3A_601 = arith.constant 128 : i32
      %mul3A_602 = arith.muli %shift_right_arithmetic3A_600, %mul3A_601 : i32
      %multiple_of3A_603 = tpu.assume_multiple %mul3A_602, 128 : i32
      %dma_start3A_604 = arith.constant 0 : i32
      %dma_start3A_605 = arith.constant 0 : i32
      %dma_start3A_606 = arith.constant 0 : i32
      %dma_start3A_607 = tpu.memref_slice %arg9[%dma_start3A_604, %dma_start3A_605, %dma_start3A_606] : memref<8x8x128xf32, #tpu.memory_space<vmem>> -> memref<4x8x128xf32, #tpu.memory_space<vmem>>
      %dma_start3A_608 = arith.constant 0 : i32
      %dma_start3A_609 = arith.constant 0 : i32
      %dma_start3A_610 = tpu.memref_slice %arg4[%dma_start3A_608, %dma_start3A_609, %multiple_of3A_598] : memref<8x8x1000000xf32, #tpu.memory_space<hbm>> -> memref<4x8x128xf32, #tpu.memory_space<hbm>>
      %dma_start3A_611 = arith.constant 0 : i32
      %dma_start3A_612 = arith.constant 0 : i32
      %dma_start3A_613 = arith.constant 0 : i32
      %dma_start3A_614 = tpu.memref_slice %arg9[%dma_start3A_611, %dma_start3A_612, %dma_start3A_613] : memref<8x8x128xf32, #tpu.memory_space<vmem>> -> memref<4x8x128xf32, #tpu.memory_space<vmem>>
      %dma_start3A_615 = arith.constant 0 : i32
      %dma_start3A_616 = arith.constant 0 : i32
      %dma_start3A_617 = tpu.memref_slice %arg4[%dma_start3A_615, %dma_start3A_616, %multiple_of3A_598] : memref<8x8x1000000xf32, #tpu.memory_space<hbm>> -> memref<4x8x128xf32, #tpu.memory_space<hbm>>
      tpu.enqueue_dma source(%dma_start3A_617 : memref<4x8x128xf32, #tpu.memory_space<hbm>>) target(%dma_start3A_614 : memref<4x8x128xf32, #tpu.memory_space<vmem>>) target_semaphore(%arg18 : memref<!tpu.dma_semaphore, #tpu.memory_space<semaphore_mem>>)
      %dma_start3A_618 = arith.constant 0 : i32
      %dma_start3A_619 = arith.constant 0 : i32
      %dma_start3A_620 = arith.constant 0 : i32
      %dma_start3A_621 = tpu.memref_slice %arg13[%dma_start3A_618, %dma_start3A_619, %dma_start3A_620] : memref<8x8x128xf32, #tpu.memory_space<vmem>> -> memref<4x8x128xf32, #tpu.memory_space<vmem>>
      %dma_start3A_622 = arith.constant 0 : i32
      %dma_start3A_623 = arith.constant 0 : i32
      %dma_start3A_624 = tpu.memref_slice %arg5[%dma_start3A_622, %dma_start3A_623, %multiple_of3A_603] : memref<8x8x1000000xf32, #tpu.memory_space<hbm>> -> memref<4x8x128xf32, #tpu.memory_space<hbm>>
      %dma_start3A_625 = arith.constant 0 : i32
      %dma_start3A_626 = arith.constant 0 : i32
      %dma_start3A_627 = arith.constant 0 : i32
      %dma_start3A_628 = tpu.memref_slice %arg13[%dma_start3A_625, %dma_start3A_626, %dma_start3A_627] : memref<8x8x128xf32, #tpu.memory_space<vmem>> -> memref<4x8x128xf32, #tpu.memory_space<vmem>>
      %dma_start3A_629 = arith.constant 0 : i32
      %dma_start3A_630 = arith.constant 0 : i32
      %dma_start3A_631 = tpu.memref_slice %arg5[%dma_start3A_629, %dma_start3A_630, %multiple_of3A_603] : memref<8x8x1000000xf32, #tpu.memory_space<hbm>> -> memref<4x8x128xf32, #tpu.memory_space<hbm>>
      tpu.enqueue_dma source(%dma_start3A_631 : memref<4x8x128xf32, #tpu.memory_space<hbm>>) target(%dma_start3A_628 : memref<4x8x128xf32, #tpu.memory_space<vmem>>) target_semaphore(%arg18 : memref<!tpu.dma_semaphore, #tpu.memory_space<semaphore_mem>>)
      %dma_start3A_632 = arith.constant 4 : i32
      %dma_start3A_633 = arith.constant 0 : i32
      %dma_start3A_634 = arith.constant 0 : i32
      %dma_start3A_635 = tpu.memref_slice %arg9[%dma_start3A_632, %dma_start3A_633, %dma_start3A_634] : memref<8x8x128xf32, #tpu.memory_space<vmem>> -> memref<4x8x128xf32, #tpu.memory_space<vmem>>
      %dma_start3A_636 = arith.constant 4 : i32
      %dma_start3A_637 = arith.constant 0 : i32
      %dma_start3A_638 = tpu.memref_slice %arg4[%dma_start3A_636, %dma_start3A_637, %multiple_of3A_598] : memref<8x8x1000000xf32, #tpu.memory_space<hbm>> -> memref<4x8x128xf32, #tpu.memory_space<hbm>>
      %dma_start3A_639 = arith.constant 4 : i32
      %dma_start3A_640 = arith.constant 0 : i32
      %dma_start3A_641 = arith.constant 0 : i32
      %dma_start3A_642 = tpu.memref_slice %arg9[%dma_start3A_639, %dma_start3A_640, %dma_start3A_641] : memref<8x8x128xf32, #tpu.memory_space<vmem>> -> memref<4x8x128xf32, #tpu.memory_space<vmem>>
      %dma_start3A_643 = arith.constant 4 : i32
      %dma_start3A_644 = arith.constant 0 : i32
      %dma_start3A_645 = tpu.memref_slice %arg4[%dma_start3A_643, %dma_start3A_644, %multiple_of3A_598] : memref<8x8x1000000xf32, #tpu.memory_space<hbm>> -> memref<4x8x128xf32, #tpu.memory_space<hbm>>
      tpu.enqueue_dma source(%dma_start3A_645 : memref<4x8x128xf32, #tpu.memory_space<hbm>>) target(%dma_start3A_642 : memref<4x8x128xf32, #tpu.memory_space<vmem>>) target_semaphore(%arg18 : memref<!tpu.dma_semaphore, #tpu.memory_space<semaphore_mem>>)
      %dma_start3A_646 = arith.constant 4 : i32
      %dma_start3A_647 = arith.constant 0 : i32
      %dma_start3A_648 = arith.constant 0 : i32
      %dma_start3A_649 = tpu.memref_slice %arg13[%dma_start3A_646, %dma_start3A_647, %dma_start3A_648] : memref<8x8x128xf32, #tpu.memory_space<vmem>> -> memref<4x8x128xf32, #tpu.memory_space<vmem>>
      %dma_start3A_650 = arith.constant 4 : i32
      %dma_start3A_651 = arith.constant 0 : i32
      %dma_start3A_652 = tpu.memref_slice %arg5[%dma_start3A_650, %dma_start3A_651, %multiple_of3A_603] : memref<8x8x1000000xf32, #tpu.memory_space<hbm>> -> memref<4x8x128xf32, #tpu.memory_space<hbm>>
      %dma_start3A_653 = arith.constant 4 : i32
      %dma_start3A_654 = arith.constant 0 : i32
      %dma_start3A_655 = arith.constant 0 : i32
      %dma_start3A_656 = tpu.memref_slice %arg13[%dma_start3A_653, %dma_start3A_654, %dma_start3A_655] : memref<8x8x128xf32, #tpu.memory_space<vmem>> -> memref<4x8x128xf32, #tpu.memory_space<vmem>>
      %dma_start3A_657 = arith.constant 4 : i32
      %dma_start3A_658 = arith.constant 0 : i32
      %dma_start3A_659 = tpu.memref_slice %arg5[%dma_start3A_657, %dma_start3A_658, %multiple_of3A_603] : memref<8x8x1000000xf32, #tpu.memory_space<hbm>> -> memref<4x8x128xf32, #tpu.memory_space<hbm>>
      tpu.enqueue_dma source(%dma_start3A_659 : memref<4x8x128xf32, #tpu.memory_space<hbm>>) target(%dma_start3A_656 : memref<4x8x128xf32, #tpu.memory_space<vmem>>) target_semaphore(%arg18 : memref<!tpu.dma_semaphore, #tpu.memory_space<semaphore_mem>>)
      %dma_wait3A_660 = arith.constant 0 : i32
      %dma_wait3A_661 = arith.constant 0 : i32
      %dma_wait3A_662 = arith.constant 0 : i32
      %dma_wait3A_663 = tpu.memref_slice %arg4[%dma_wait3A_660, %dma_wait3A_661, %dma_wait3A_662] : memref<8x8x1000000xf32, #tpu.memory_space<hbm>> -> memref<8x8x128xf32, #tpu.memory_space<hbm>>
      %dma_wait3A_664 = arith.constant 0 : i32
      %dma_wait3A_665 = arith.constant 0 : i32
      %dma_wait3A_666 = arith.constant 0 : i32
      %dma_wait3A_667 = tpu.memref_slice %arg4[%dma_wait3A_664, %dma_wait3A_665, %dma_wait3A_666] : memref<8x8x1000000xf32, #tpu.memory_space<hbm>> -> memref<8x8x128xf32, #tpu.memory_space<hbm>>
      tpu.wait_dma2 semaphore(%arg19 : memref<!tpu.dma_semaphore, #tpu.memory_space<semaphore_mem>>) src(%dma_wait3A_667 : memref<8x8x128xf32, #tpu.memory_space<hbm>>) dst(%arg10 : memref<8x8x128xf32, #tpu.memory_space<vmem>>)
      %dma_wait3A_668 = arith.constant 0 : i32
      %dma_wait3A_669 = arith.constant 0 : i32
      %dma_wait3A_670 = arith.constant 0 : i32
      %dma_wait3A_671 = tpu.memref_slice %arg5[%dma_wait3A_668, %dma_wait3A_669, %dma_wait3A_670] : memref<8x8x1000000xf32, #tpu.memory_space<hbm>> -> memref<8x8x128xf32, #tpu.memory_space<hbm>>
      %dma_wait3A_672 = arith.constant 0 : i32
      %dma_wait3A_673 = arith.constant 0 : i32
      %dma_wait3A_674 = arith.constant 0 : i32
      %dma_wait3A_675 = tpu.memref_slice %arg5[%dma_wait3A_672, %dma_wait3A_673, %dma_wait3A_674] : memref<8x8x1000000xf32, #tpu.memory_space<hbm>> -> memref<8x8x128xf32, #tpu.memory_space<hbm>>
      tpu.wait_dma2 semaphore(%arg19 : memref<!tpu.dma_semaphore, #tpu.memory_space<semaphore_mem>>) src(%dma_wait3A_675 : memref<8x8x128xf32, #tpu.memory_space<hbm>>) dst(%arg14 : memref<8x8x128xf32, #tpu.memory_space<vmem>>)
      %mul3A_676 = arith.constant 16 : i32
      %mul3A_677 = arith.muli %scan3A_381, %mul3A_676 : i32
      %add3A_678 = arith.constant 1 : i32
      %add3A_679 = arith.addi %mul3A_677, %add3A_678 : i32
      %and3A_680 = arith.constant 63 : i32
      %and3A_681 = arith.andi %add3A_679, %and3A_680 : i32
      %mul3A_682 = arith.constant 0 : i32
      %mul3A_683 = vector.broadcast %mul3A_682 : i32 to vector<16xi32>
      %mul3A_684 = arith.muli %iota3A, %mul3A_683 : vector<16xi32>
      %and3A_685 = arith.constant 127 : i32
      %and3A_686 = arith.andi %squeeze3A_393, %and3A_685 : i32
      %add3A_687 = vector.broadcast %and3A_686 : i32 to vector<16xi32>
      %add3A_688 = arith.addi %mul3A_684, %add3A_687 : vector<16xi32>
      %mul3A_689 = arith.constant 0 : i32
      %mul3A_690 = vector.broadcast %mul3A_689 : i32 to vector<16xi32>
      %mul3A_691 = arith.muli %iota3A, %mul3A_690 : vector<16xi32>
      %and3A_692 = arith.constant 127 : i32
      %and3A_693 = arith.andi %squeeze3A_425, %and3A_692 : i32
      %add3A_694 = vector.broadcast %and3A_693 : i32 to vector<16xi32>
      %add3A_695 = arith.addi %mul3A_691, %add3A_694 : vector<16xi32>
      %gather3A_696 = tpu.vector_load_idx %arg10[%shift_right_arithmetic3A_7, %and3A_30, %add3A_688] : memref<8x8x128xf32, #tpu.memory_space<vmem>>[vector<16xi32>, vector<16xi32>, vector<16xi32>], vector<16xf32>,
      %gather3A_697 = tpu.vector_load_idx %arg14[%shift_right_arithmetic3A_7, %and3A_30, %add3A_695] : memref<8x8x128xf32, #tpu.memory_space<vmem>>[vector<16xi32>, vector<16xi32>, vector<16xi32>], vector<16xf32>,
      %swap3A_698 = arith.index_cast %and3A_681 : i32 to index
      %swap3A_699 = arith.constant 0 : index
      %swap3A_700 = tpu.vector_load %arg17[%swap3A_698, %swap3A_699] {strides = array<i32>} : memref<64x128xf32, #tpu.memory_space<vmem>>, vector<16xf32>,
      tpu.vector_store %arg17[%swap3A_698, %swap3A_699], %gather3A_696 {strides = array<i32>} : memref<64x128xf32, #tpu.memory_space<vmem>>, vector<16xf32>,
      %swap3A_701 = arith.index_cast %and3A_681 : i32 to index
      %swap3A_702 = arith.constant 64 : index
      %swap3A_703 = tpu.vector_load %arg17[%swap3A_701, %swap3A_702] {strides = array<i32>} : memref<64x128xf32, #tpu.memory_space<vmem>>, vector<16xf32>,
      tpu.vector_store %arg17[%swap3A_701, %swap3A_702], %gather3A_697 {strides = array<i32>} : memref<64x128xf32, #tpu.memory_space<vmem>>, vector<16xf32>,
      %gather3A_704 = tpu.vector_load_idx %arg10[%shift_right_arithmetic3A_13, %and3A_36, %add3A_688] : memref<8x8x128xf32, #tpu.memory_space<vmem>>[vector<16xi32>, vector<16xi32>, vector<16xi32>], vector<16xf32>,
      %gather3A_705 = tpu.vector_load_idx %arg14[%shift_right_arithmetic3A_13, %and3A_36, %add3A_695] : memref<8x8x128xf32, #tpu.memory_space<vmem>>[vector<16xi32>, vector<16xi32>, vector<16xi32>], vector<16xf32>,
      %swap3A_706 = arith.index_cast %and3A_681 : i32 to index
      %swap3A_707 = arith.constant 16 : index
      %swap3A_708 = tpu.vector_load %arg17[%swap3A_706, %swap3A_707] {strides = array<i32>} : memref<64x128xf32, #tpu.memory_space<vmem>>, vector<16xf32>,
      tpu.vector_store %arg17[%swap3A_706, %swap3A_707], %gather3A_704 {strides = array<i32>} : memref<64x128xf32, #tpu.memory_space<vmem>>, vector<16xf32>,
      %swap3A_709 = arith.index_cast %and3A_681 : i32 to index
      %swap3A_710 = arith.constant 80 : index
      %swap3A_711 = tpu.vector_load %arg17[%swap3A_709, %swap3A_710] {strides = array<i32>} : memref<64x128xf32, #tpu.memory_space<vmem>>, vector<16xf32>,
      tpu.vector_store %arg17[%swap3A_709, %swap3A_710], %gather3A_705 {strides = array<i32>} : memref<64x128xf32, #tpu.memory_space<vmem>>, vector<16xf32>,
      %gather3A_712 = tpu.vector_load_idx %arg10[%shift_right_arithmetic3A_19, %and3A_42, %add3A_688] : memref<8x8x128xf32, #tpu.memory_space<vmem>>[vector<16xi32>, vector<16xi32>, vector<16xi32>], vector<16xf32>,
      %gather3A_713 = tpu.vector_load_idx %arg14[%shift_right_arithmetic3A_19, %and3A_42, %add3A_695] : memref<8x8x128xf32, #tpu.memory_space<vmem>>[vector<16xi32>, vector<16xi32>, vector<16xi32>], vector<16xf32>,
      %swap3A_714 = arith.index_cast %and3A_681 : i32 to index
      %swap3A_715 = arith.constant 32 : index
      %swap3A_716 = tpu.vector_load %arg17[%swap3A_714, %swap3A_715] {strides = array<i32>} : memref<64x128xf32, #tpu.memory_space<vmem>>, vector<16xf32>,
      tpu.vector_store %arg17[%swap3A_714, %swap3A_715], %gather3A_712 {strides = array<i32>} : memref<64x128xf32, #tpu.memory_space<vmem>>, vector<16xf32>,
      %swap3A_717 = arith.index_cast %and3A_681 : i32 to index
      %swap3A_718 = arith.constant 96 : index
      %swap3A_719 = tpu.vector_load %arg17[%swap3A_717, %swap3A_718] {strides = array<i32>} : memref<64x128xf32, #tpu.memory_space<vmem>>, vector<16xf32>,
      tpu.vector_store %arg17[%swap3A_717, %swap3A_718], %gather3A_713 {strides = array<i32>} : memref<64x128xf32, #tpu.memory_space<vmem>>, vector<16xf32>,
      %gather3A_720 = tpu.vector_load_idx %arg10[%shift_right_arithmetic3A_25, %and3A_48, %add3A_688] : memref<8x8x128xf32, #tpu.memory_space<vmem>>[vector<16xi32>, vector<16xi32>, vector<16xi32>], vector<16xf32>,
      %gather3A_721 = tpu.vector_load_idx %arg14[%shift_right_arithmetic3A_25, %and3A_48, %add3A_695] : memref<8x8x128xf32, #tpu.memory_space<vmem>>[vector<16xi32>, vector<16xi32>, vector<16xi32>], vector<16xf32>,
      %swap3A_722 = arith.index_cast %and3A_681 : i32 to index
      %swap3A_723 = arith.constant 48 : index
      %swap3A_724 = tpu.vector_load %arg17[%swap3A_722, %swap3A_723] {strides = array<i32>} : memref<64x128xf32, #tpu.memory_space<vmem>>, vector<16xf32>,
      tpu.vector_store %arg17[%swap3A_722, %swap3A_723], %gather3A_720 {strides = array<i32>} : memref<64x128xf32, #tpu.memory_space<vmem>>, vector<16xf32>,
      %swap3A_725 = arith.index_cast %and3A_681 : i32 to index
      %swap3A_726 = arith.constant 112 : index
      %swap3A_727 = tpu.vector_load %arg17[%swap3A_725, %swap3A_726] {strides = array<i32>} : memref<64x128xf32, #tpu.memory_space<vmem>>, vector<16xf32>,
      tpu.vector_store %arg17[%swap3A_725, %swap3A_726], %gather3A_721 {strides = array<i32>} : memref<64x128xf32, #tpu.memory_space<vmem>>, vector<16xf32>,
      %shift_right_arithmetic3A_728 = arith.constant 7 : i32
      %shift_right_arithmetic3A_729 = arith.shrsi %squeeze3A_401, %shift_right_arithmetic3A_728 : i32
      %mul3A_730 = arith.constant 128 : i32
      %mul3A_731 = arith.muli %shift_right_arithmetic3A_729, %mul3A_730 : i32
      %multiple_of3A_732 = tpu.assume_multiple %mul3A_731, 128 : i32
      %shift_right_arithmetic3A_733 = arith.constant 7 : i32
      %shift_right_arithmetic3A_734 = arith.shrsi %squeeze3A_433, %shift_right_arithmetic3A_733 : i32
      %mul3A_735 = arith.constant 128 : i32
      %mul3A_736 = arith.muli %shift_right_arithmetic3A_734, %mul3A_735 : i32
      %multiple_of3A_737 = tpu.assume_multiple %mul3A_736, 128 : i32
      %dma_start3A_738 = arith.constant 0 : i32
      %dma_start3A_739 = arith.constant 0 : i32
      %dma_start3A_740 = arith.constant 0 : i32
      %dma_start3A_741 = tpu.memref_slice %arg10[%dma_start3A_738, %dma_start3A_739, %dma_start3A_740] : memref<8x8x128xf32, #tpu.memory_space<vmem>> -> memref<4x8x128xf32, #tpu.memory_space<vmem>>
      %dma_start3A_742 = arith.constant 0 : i32
      %dma_start3A_743 = arith.constant 0 : i32
      %dma_start3A_744 = tpu.memref_slice %arg4[%dma_start3A_742, %dma_start3A_743, %multiple_of3A_732] : memref<8x8x1000000xf32, #tpu.memory_space<hbm>> -> memref<4x8x128xf32, #tpu.memory_space<hbm>>
      %dma_start3A_745 = arith.constant 0 : i32
      %dma_start3A_746 = arith.constant 0 : i32
      %dma_start3A_747 = arith.constant 0 : i32
      %dma_start3A_748 = tpu.memref_slice %arg10[%dma_start3A_745, %dma_start3A_746, %dma_start3A_747] : memref<8x8x128xf32, #tpu.memory_space<vmem>> -> memref<4x8x128xf32, #tpu.memory_space<vmem>>
      %dma_start3A_749 = arith.constant 0 : i32
      %dma_start3A_750 = arith.constant 0 : i32
      %dma_start3A_751 = tpu.memref_slice %arg4[%dma_start3A_749, %dma_start3A_750, %multiple_of3A_732] : memref<8x8x1000000xf32, #tpu.memory_space<hbm>> -> memref<4x8x128xf32, #tpu.memory_space<hbm>>
      tpu.enqueue_dma source(%dma_start3A_751 : memref<4x8x128xf32, #tpu.memory_space<hbm>>) target(%dma_start3A_748 : memref<4x8x128xf32, #tpu.memory_space<vmem>>) target_semaphore(%arg19 : memref<!tpu.dma_semaphore, #tpu.memory_space<semaphore_mem>>)
      %dma_start3A_752 = arith.constant 0 : i32
      %dma_start3A_753 = arith.constant 0 : i32
      %dma_start3A_754 = arith.constant 0 : i32
      %dma_start3A_755 = tpu.memref_slice %arg14[%dma_start3A_752, %dma_start3A_753, %dma_start3A_754] : memref<8x8x128xf32, #tpu.memory_space<vmem>> -> memref<4x8x128xf32, #tpu.memory_space<vmem>>
      %dma_start3A_756 = arith.constant 0 : i32
      %dma_start3A_757 = arith.constant 0 : i32
      %dma_start3A_758 = tpu.memref_slice %arg5[%dma_start3A_756, %dma_start3A_757, %multiple_of3A_737] : memref<8x8x1000000xf32, #tpu.memory_space<hbm>> -> memref<4x8x128xf32, #tpu.memory_space<hbm>>
      %dma_start3A_759 = arith.constant 0 : i32
      %dma_start3A_760 = arith.constant 0 : i32
      %dma_start3A_761 = arith.constant 0 : i32
      %dma_start3A_762 = tpu.memref_slice %arg14[%dma_start3A_759, %dma_start3A_760, %dma_start3A_761] : memref<8x8x128xf32, #tpu.memory_space<vmem>> -> memref<4x8x128xf32, #tpu.memory_space<vmem>>
      %dma_start3A_763 = arith.constant 0 : i32
      %dma_start3A_764 = arith.constant 0 : i32
      %dma_start3A_765 = tpu.memref_slice %arg5[%dma_start3A_763, %dma_start3A_764, %multiple_of3A_737] : memref<8x8x1000000xf32, #tpu.memory_space<hbm>> -> memref<4x8x128xf32, #tpu.memory_space<hbm>>
      tpu.enqueue_dma source(%dma_start3A_765 : memref<4x8x128xf32, #tpu.memory_space<hbm>>) target(%dma_start3A_762 : memref<4x8x128xf32, #tpu.memory_space<vmem>>) target_semaphore(%arg19 : memref<!tpu.dma_semaphore, #tpu.memory_space<semaphore_mem>>)
      %dma_start3A_766 = arith.constant 4 : i32
      %dma_start3A_767 = arith.constant 0 : i32
      %dma_start3A_768 = arith.constant 0 : i32
      %dma_start3A_769 = tpu.memref_slice %arg10[%dma_start3A_766, %dma_start3A_767, %dma_start3A_768] : memref<8x8x128xf32, #tpu.memory_space<vmem>> -> memref<4x8x128xf32, #tpu.memory_space<vmem>>
      %dma_start3A_770 = arith.constant 4 : i32
      %dma_start3A_771 = arith.constant 0 : i32
      %dma_start3A_772 = tpu.memref_slice %arg4[%dma_start3A_770, %dma_start3A_771, %multiple_of3A_732] : memref<8x8x1000000xf32, #tpu.memory_space<hbm>> -> memref<4x8x128xf32, #tpu.memory_space<hbm>>
      %dma_start3A_773 = arith.constant 4 : i32
      %dma_start3A_774 = arith.constant 0 : i32
      %dma_start3A_775 = arith.constant 0 : i32
      %dma_start3A_776 = tpu.memref_slice %arg10[%dma_start3A_773, %dma_start3A_774, %dma_start3A_775] : memref<8x8x128xf32, #tpu.memory_space<vmem>> -> memref<4x8x128xf32, #tpu.memory_space<vmem>>
      %dma_start3A_777 = arith.constant 4 : i32
      %dma_start3A_778 = arith.constant 0 : i32
      %dma_start3A_779 = tpu.memref_slice %arg4[%dma_start3A_777, %dma_start3A_778, %multiple_of3A_732] : memref<8x8x1000000xf32, #tpu.memory_space<hbm>> -> memref<4x8x128xf32, #tpu.memory_space<hbm>>
      tpu.enqueue_dma source(%dma_start3A_779 : memref<4x8x128xf32, #tpu.memory_space<hbm>>) target(%dma_start3A_776 : memref<4x8x128xf32, #tpu.memory_space<vmem>>) target_semaphore(%arg19 : memref<!tpu.dma_semaphore, #tpu.memory_space<semaphore_mem>>)
      %dma_start3A_780 = arith.constant 4 : i32
      %dma_start3A_781 = arith.constant 0 : i32
      %dma_start3A_782 = arith.constant 0 : i32
      %dma_start3A_783 = tpu.memref_slice %arg14[%dma_start3A_780, %dma_start3A_781, %dma_start3A_782] : memref<8x8x128xf32, #tpu.memory_space<vmem>> -> memref<4x8x128xf32, #tpu.memory_space<vmem>>
      %dma_start3A_784 = arith.constant 4 : i32
      %dma_start3A_785 = arith.constant 0 : i32
      %dma_start3A_786 = tpu.memref_slice %arg5[%dma_start3A_784, %dma_start3A_785, %multiple_of3A_737] : memref<8x8x1000000xf32, #tpu.memory_space<hbm>> -> memref<4x8x128xf32, #tpu.memory_space<hbm>>
      %dma_start3A_787 = arith.constant 4 : i32
      %dma_start3A_788 = arith.constant 0 : i32
      %dma_start3A_789 = arith.constant 0 : i32
      %dma_start3A_790 = tpu.memref_slice %arg14[%dma_start3A_787, %dma_start3A_788, %dma_start3A_789] : memref<8x8x128xf32, #tpu.memory_space<vmem>> -> memref<4x8x128xf32, #tpu.memory_space<vmem>>
      %dma_start3A_791 = arith.constant 4 : i32
      %dma_start3A_792 = arith.constant 0 : i32
      %dma_start3A_793 = tpu.memref_slice %arg5[%dma_start3A_791, %dma_start3A_792, %multiple_of3A_737] : memref<8x8x1000000xf32, #tpu.memory_space<hbm>> -> memref<4x8x128xf32, #tpu.memory_space<hbm>>
      tpu.enqueue_dma source(%dma_start3A_793 : memref<4x8x128xf32, #tpu.memory_space<hbm>>) target(%dma_start3A_790 : memref<4x8x128xf32, #tpu.memory_space<vmem>>) target_semaphore(%arg19 : memref<!tpu.dma_semaphore, #tpu.memory_space<semaphore_mem>>)
      %dma_wait3A_794 = arith.constant 0 : i32
      %dma_wait3A_795 = arith.constant 0 : i32
      %dma_wait3A_796 = arith.constant 0 : i32
      %dma_wait3A_797 = tpu.memref_slice %arg4[%dma_wait3A_794, %dma_wait3A_795, %dma_wait3A_796] : memref<8x8x1000000xf32, #tpu.memory_space<hbm>> -> memref<8x8x128xf32, #tpu.memory_space<hbm>>
      %dma_wait3A_798 = arith.constant 0 : i32
      %dma_wait3A_799 = arith.constant 0 : i32
      %dma_wait3A_800 = arith.constant 0 : i32
      %dma_wait3A_801 = tpu.memref_slice %arg4[%dma_wait3A_798, %dma_wait3A_799, %dma_wait3A_800] : memref<8x8x1000000xf32, #tpu.memory_space<hbm>> -> memref<8x8x128xf32, #tpu.memory_space<hbm>>
      tpu.wait_dma2 semaphore(%arg20 : memref<!tpu.dma_semaphore, #tpu.memory_space<semaphore_mem>>) src(%dma_wait3A_801 : memref<8x8x128xf32, #tpu.memory_space<hbm>>) dst(%arg11 : memref<8x8x128xf32, #tpu.memory_space<vmem>>)
      %dma_wait3A_802 = arith.constant 0 : i32
      %dma_wait3A_803 = arith.constant 0 : i32
      %dma_wait3A_804 = arith.constant 0 : i32
      %dma_wait3A_805 = tpu.memref_slice %arg5[%dma_wait3A_802, %dma_wait3A_803, %dma_wait3A_804] : memref<8x8x1000000xf32, #tpu.memory_space<hbm>> -> memref<8x8x128xf32, #tpu.memory_space<hbm>>
      %dma_wait3A_806 = arith.constant 0 : i32
      %dma_wait3A_807 = arith.constant 0 : i32
      %dma_wait3A_808 = arith.constant 0 : i32
      %dma_wait3A_809 = tpu.memref_slice %arg5[%dma_wait3A_806, %dma_wait3A_807, %dma_wait3A_808] : memref<8x8x1000000xf32, #tpu.memory_space<hbm>> -> memref<8x8x128xf32, #tpu.memory_space<hbm>>
      tpu.wait_dma2 semaphore(%arg20 : memref<!tpu.dma_semaphore, #tpu.memory_space<semaphore_mem>>) src(%dma_wait3A_809 : memref<8x8x128xf32, #tpu.memory_space<hbm>>) dst(%arg15 : memref<8x8x128xf32, #tpu.memory_space<vmem>>)
      %mul3A_810 = arith.constant 16 : i32
      %mul3A_811 = arith.muli %scan3A_381, %mul3A_810 : i32
      %add3A_812 = arith.constant 2 : i32
      %add3A_813 = arith.addi %mul3A_811, %add3A_812 : i32
      %and3A_814 = arith.constant 63 : i32
      %and3A_815 = arith.andi %add3A_813, %and3A_814 : i32
      %mul3A_816 = arith.constant 0 : i32
      %mul3A_817 = vector.broadcast %mul3A_816 : i32 to vector<16xi32>
      %mul3A_818 = arith.muli %iota3A, %mul3A_817 : vector<16xi32>
      %and3A_819 = arith.constant 127 : i32
      %and3A_820 = arith.andi %squeeze3A_395, %and3A_819 : i32
      %add3A_821 = vector.broadcast %and3A_820 : i32 to vector<16xi32>
      %add3A_822 = arith.addi %mul3A_818, %add3A_821 : vector<16xi32>
      %mul3A_823 = arith.constant 0 : i32
      %mul3A_824 = vector.broadcast %mul3A_823 : i32 to vector<16xi32>
      %mul3A_825 = arith.muli %iota3A, %mul3A_824 : vector<16xi32>
      %and3A_826 = arith.constant 127 : i32
      %and3A_827 = arith.andi %squeeze3A_427, %and3A_826 : i32
      %add3A_828 = vector.broadcast %and3A_827 : i32 to vector<16xi32>
      %add3A_829 = arith.addi %mul3A_825, %add3A_828 : vector<16xi32>
      %gather3A_830 = tpu.vector_load_idx %arg11[%shift_right_arithmetic3A_7, %and3A_30, %add3A_822] : memref<8x8x128xf32, #tpu.memory_space<vmem>>[vector<16xi32>, vector<16xi32>, vector<16xi32>], vector<16xf32>,
      %gather3A_831 = tpu.vector_load_idx %arg15[%shift_right_arithmetic3A_7, %and3A_30, %add3A_829] : memref<8x8x128xf32, #tpu.memory_space<vmem>>[vector<16xi32>, vector<16xi32>, vector<16xi32>], vector<16xf32>,
      %swap3A_832 = arith.index_cast %and3A_815 : i32 to index
      %swap3A_833 = arith.constant 0 : index
      %swap3A_834 = tpu.vector_load %arg17[%swap3A_832, %swap3A_833] {strides = array<i32>} : memref<64x128xf32, #tpu.memory_space<vmem>>, vector<16xf32>,
      tpu.vector_store %arg17[%swap3A_832, %swap3A_833], %gather3A_830 {strides = array<i32>} : memref<64x128xf32, #tpu.memory_space<vmem>>, vector<16xf32>,
      %swap3A_835 = arith.index_cast %and3A_815 : i32 to index
      %swap3A_836 = arith.constant 64 : index
      %swap3A_837 = tpu.vector_load %arg17[%swap3A_835, %swap3A_836] {strides = array<i32>} : memref<64x128xf32, #tpu.memory_space<vmem>>, vector<16xf32>,
      tpu.vector_store %arg17[%swap3A_835, %swap3A_836], %gather3A_831 {strides = array<i32>} : memref<64x128xf32, #tpu.memory_space<vmem>>, vector<16xf32>,
      %gather3A_838 = tpu.vector_load_idx %arg11[%shift_right_arithmetic3A_13, %and3A_36, %add3A_822] : memref<8x8x128xf32, #tpu.memory_space<vmem>>[vector<16xi32>, vector<16xi32>, vector<16xi32>], vector<16xf32>,
      %gather3A_839 = tpu.vector_load_idx %arg15[%shift_right_arithmetic3A_13, %and3A_36, %add3A_829] : memref<8x8x128xf32, #tpu.memory_space<vmem>>[vector<16xi32>, vector<16xi32>, vector<16xi32>], vector<16xf32>,
      %swap3A_840 = arith.index_cast %and3A_815 : i32 to index
      %swap3A_841 = arith.constant 16 : index
      %swap3A_842 = tpu.vector_load %arg17[%swap3A_840, %swap3A_841] {strides = array<i32>} : memref<64x128xf32, #tpu.memory_space<vmem>>, vector<16xf32>,
      tpu.vector_store %arg17[%swap3A_840, %swap3A_841], %gather3A_838 {strides = array<i32>} : memref<64x128xf32, #tpu.memory_space<vmem>>, vector<16xf32>,
      %swap3A_843 = arith.index_cast %and3A_815 : i32 to index
      %swap3A_844 = arith.constant 80 : index
      %swap3A_845 = tpu.vector_load %arg17[%swap3A_843, %swap3A_844] {strides = array<i32>} : memref<64x128xf32, #tpu.memory_space<vmem>>, vector<16xf32>,
      tpu.vector_store %arg17[%swap3A_843, %swap3A_844], %gather3A_839 {strides = array<i32>} : memref<64x128xf32, #tpu.memory_space<vmem>>, vector<16xf32>,
      %gather3A_846 = tpu.vector_load_idx %arg11[%shift_right_arithmetic3A_19, %and3A_42, %add3A_822] : memref<8x8x128xf32, #tpu.memory_space<vmem>>[vector<16xi32>, vector<16xi32>, vector<16xi32>], vector<16xf32>,
      %gather3A_847 = tpu.vector_load_idx %arg15[%shift_right_arithmetic3A_19, %and3A_42, %add3A_829] : memref<8x8x128xf32, #tpu.memory_space<vmem>>[vector<16xi32>, vector<16xi32>, vector<16xi32>], vector<16xf32>,
      %swap3A_848 = arith.index_cast %and3A_815 : i32 to index
      %swap3A_849 = arith.constant 32 : index
      %swap3A_850 = tpu.vector_load %arg17[%swap3A_848, %swap3A_849] {strides = array<i32>} : memref<64x128xf32, #tpu.memory_space<vmem>>, vector<16xf32>,
      tpu.vector_store %arg17[%swap3A_848, %swap3A_849], %gather3A_846 {strides = array<i32>} : memref<64x128xf32, #tpu.memory_space<vmem>>, vector<16xf32>,
      %swap3A_851 = arith.index_cast %and3A_815 : i32 to index
      %swap3A_852 = arith.constant 96 : index
      %swap3A_853 = tpu.vector_load %arg17[%swap3A_851, %swap3A_852] {strides = array<i32>} : memref<64x128xf32, #tpu.memory_space<vmem>>, vector<16xf32>,
      tpu.vector_store %arg17[%swap3A_851, %swap3A_852], %gather3A_847 {strides = array<i32>} : memref<64x128xf32, #tpu.memory_space<vmem>>, vector<16xf32>,
      %gather3A_854 = tpu.vector_load_idx %arg11[%shift_right_arithmetic3A_25, %and3A_48, %add3A_822] : memref<8x8x128xf32, #tpu.memory_space<vmem>>[vector<16xi32>, vector<16xi32>, vector<16xi32>], vector<16xf32>,
      %gather3A_855 = tpu.vector_load_idx %arg15[%shift_right_arithmetic3A_25, %and3A_48, %add3A_829] : memref<8x8x128xf32, #tpu.memory_space<vmem>>[vector<16xi32>, vector<16xi32>, vector<16xi32>], vector<16xf32>,
      %swap3A_856 = arith.index_cast %and3A_815 : i32 to index
      %swap3A_857 = arith.constant 48 : index
      %swap3A_858 = tpu.vector_load %arg17[%swap3A_856, %swap3A_857] {strides = array<i32>} : memref<64x128xf32, #tpu.memory_space<vmem>>, vector<16xf32>,
      tpu.vector_store %arg17[%swap3A_856, %swap3A_857], %gather3A_854 {strides = array<i32>} : memref<64x128xf32, #tpu.memory_space<vmem>>, vector<16xf32>,
      %swap3A_859 = arith.index_cast %and3A_815 : i32 to index
      %swap3A_860 = arith.constant 112 : index
      %swap3A_861 = tpu.vector_load %arg17[%swap3A_859, %swap3A_860] {strides = array<i32>} : memref<64x128xf32, #tpu.memory_space<vmem>>, vector<16xf32>,
      tpu.vector_store %arg17[%swap3A_859, %swap3A_860], %gather3A_855 {strides = array<i32>} : memref<64x128xf32, #tpu.memory_space<vmem>>, vector<16xf32>,
      %shift_right_arithmetic3A_862 = arith.constant 7 : i32
      %shift_right_arithmetic3A_863 = arith.shrsi %squeeze3A_403, %shift_right_arithmetic3A_862 : i32
      %mul3A_864 = arith.constant 128 : i32
      %mul3A_865 = arith.muli %shift_right_arithmetic3A_863, %mul3A_864 : i32
      %multiple_of3A_866 = tpu.assume_multiple %mul3A_865, 128 : i32
      %shift_right_arithmetic3A_867 = arith.constant 7 : i32
      %shift_right_arithmetic3A_868 = arith.shrsi %squeeze3A_435, %shift_right_arithmetic3A_867 : i32
      %mul3A_869 = arith.constant 128 : i32
      %mul3A_870 = arith.muli %shift_right_arithmetic3A_868, %mul3A_869 : i32
      %multiple_of3A_871 = tpu.assume_multiple %mul3A_870, 128 : i32
      %dma_start3A_872 = arith.constant 0 : i32
      %dma_start3A_873 = arith.constant 0 : i32
      %dma_start3A_874 = arith.constant 0 : i32
      %dma_start3A_875 = tpu.memref_slice %arg11[%dma_start3A_872, %dma_start3A_873, %dma_start3A_874] : memref<8x8x128xf32, #tpu.memory_space<vmem>> -> memref<4x8x128xf32, #tpu.memory_space<vmem>>
      %dma_start3A_876 = arith.constant 0 : i32
      %dma_start3A_877 = arith.constant 0 : i32
      %dma_start3A_878 = tpu.memref_slice %arg4[%dma_start3A_876, %dma_start3A_877, %multiple_of3A_866] : memref<8x8x1000000xf32, #tpu.memory_space<hbm>> -> memref<4x8x128xf32, #tpu.memory_space<hbm>>
      %dma_start3A_879 = arith.constant 0 : i32
      %dma_start3A_880 = arith.constant 0 : i32
      %dma_start3A_881 = arith.constant 0 : i32
      %dma_start3A_882 = tpu.memref_slice %arg11[%dma_start3A_879, %dma_start3A_880, %dma_start3A_881] : memref<8x8x128xf32, #tpu.memory_space<vmem>> -> memref<4x8x128xf32, #tpu.memory_space<vmem>>
      %dma_start3A_883 = arith.constant 0 : i32
      %dma_start3A_884 = arith.constant 0 : i32
      %dma_start3A_885 = tpu.memref_slice %arg4[%dma_start3A_883, %dma_start3A_884, %multiple_of3A_866] : memref<8x8x1000000xf32, #tpu.memory_space<hbm>> -> memref<4x8x128xf32, #tpu.memory_space<hbm>>
      tpu.enqueue_dma source(%dma_start3A_885 : memref<4x8x128xf32, #tpu.memory_space<hbm>>) target(%dma_start3A_882 : memref<4x8x128xf32, #tpu.memory_space<vmem>>) target_semaphore(%arg20 : memref<!tpu.dma_semaphore, #tpu.memory_space<semaphore_mem>>)
      %dma_start3A_886 = arith.constant 0 : i32
      %dma_start3A_887 = arith.constant 0 : i32
      %dma_start3A_888 = arith.constant 0 : i32
      %dma_start3A_889 = tpu.memref_slice %arg15[%dma_start3A_886, %dma_start3A_887, %dma_start3A_888] : memref<8x8x128xf32, #tpu.memory_space<vmem>> -> memref<4x8x128xf32, #tpu.memory_space<vmem>>
      %dma_start3A_890 = arith.constant 0 : i32
      %dma_start3A_891 = arith.constant 0 : i32
      %dma_start3A_892 = tpu.memref_slice %arg5[%dma_start3A_890, %dma_start3A_891, %multiple_of3A_871] : memref<8x8x1000000xf32, #tpu.memory_space<hbm>> -> memref<4x8x128xf32, #tpu.memory_space<hbm>>
      %dma_start3A_893 = arith.constant 0 : i32
      %dma_start3A_894 = arith.constant 0 : i32
      %dma_start3A_895 = arith.constant 0 : i32
      %dma_start3A_896 = tpu.memref_slice %arg15[%dma_start3A_893, %dma_start3A_894, %dma_start3A_895] : memref<8x8x128xf32, #tpu.memory_space<vmem>> -> memref<4x8x128xf32, #tpu.memory_space<vmem>>
      %dma_start3A_897 = arith.constant 0 : i32
      %dma_start3A_898 = arith.constant 0 : i32
      %dma_start3A_899 = tpu.memref_slice %arg5[%dma_start3A_897, %dma_start3A_898, %multiple_of3A_871] : memref<8x8x1000000xf32, #tpu.memory_space<hbm>> -> memref<4x8x128xf32, #tpu.memory_space<hbm>>
      tpu.enqueue_dma source(%dma_start3A_899 : memref<4x8x128xf32, #tpu.memory_space<hbm>>) target(%dma_start3A_896 : memref<4x8x128xf32, #tpu.memory_space<vmem>>) target_semaphore(%arg20 : memref<!tpu.dma_semaphore, #tpu.memory_space<semaphore_mem>>)
      %dma_start3A_900 = arith.constant 4 : i32
      %dma_start3A_901 = arith.constant 0 : i32
      %dma_start3A_902 = arith.constant 0 : i32
      %dma_start3A_903 = tpu.memref_slice %arg11[%dma_start3A_900, %dma_start3A_901, %dma_start3A_902] : memref<8x8x128xf32, #tpu.memory_space<vmem>> -> memref<4x8x128xf32, #tpu.memory_space<vmem>>
      %dma_start3A_904 = arith.constant 4 : i32
      %dma_start3A_905 = arith.constant 0 : i32
      %dma_start3A_906 = tpu.memref_slice %arg4[%dma_start3A_904, %dma_start3A_905, %multiple_of3A_866] : memref<8x8x1000000xf32, #tpu.memory_space<hbm>> -> memref<4x8x128xf32, #tpu.memory_space<hbm>>
      %dma_start3A_907 = arith.constant 4 : i32
      %dma_start3A_908 = arith.constant 0 : i32
      %dma_start3A_909 = arith.constant 0 : i32
      %dma_start3A_910 = tpu.memref_slice %arg11[%dma_start3A_907, %dma_start3A_908, %dma_start3A_909] : memref<8x8x128xf32, #tpu.memory_space<vmem>> -> memref<4x8x128xf32, #tpu.memory_space<vmem>>
      %dma_start3A_911 = arith.constant 4 : i32
      %dma_start3A_912 = arith.constant 0 : i32
      %dma_start3A_913 = tpu.memref_slice %arg4[%dma_start3A_911, %dma_start3A_912, %multiple_of3A_866] : memref<8x8x1000000xf32, #tpu.memory_space<hbm>> -> memref<4x8x128xf32, #tpu.memory_space<hbm>>
      tpu.enqueue_dma source(%dma_start3A_913 : memref<4x8x128xf32, #tpu.memory_space<hbm>>) target(%dma_start3A_910 : memref<4x8x128xf32, #tpu.memory_space<vmem>>) target_semaphore(%arg20 : memref<!tpu.dma_semaphore, #tpu.memory_space<semaphore_mem>>)
      %dma_start3A_914 = arith.constant 4 : i32
      %dma_start3A_915 = arith.constant 0 : i32
      %dma_start3A_916 = arith.constant 0 : i32
      %dma_start3A_917 = tpu.memref_slice %arg15[%dma_start3A_914, %dma_start3A_915, %dma_start3A_916] : memref<8x8x128xf32, #tpu.memory_space<vmem>> -> memref<4x8x128xf32, #tpu.memory_space<vmem>>
      %dma_start3A_918 = arith.constant 4 : i32
      %dma_start3A_919 = arith.constant 0 : i32
      %dma_start3A_920 = tpu.memref_slice %arg5[%dma_start3A_918, %dma_start3A_919, %multiple_of3A_871] : memref<8x8x1000000xf32, #tpu.memory_space<hbm>> -> memref<4x8x128xf32, #tpu.memory_space<hbm>>
      %dma_start3A_921 = arith.constant 4 : i32
      %dma_start3A_922 = arith.constant 0 : i32
      %dma_start3A_923 = arith.constant 0 : i32
      %dma_start3A_924 = tpu.memref_slice %arg15[%dma_start3A_921, %dma_start3A_922, %dma_start3A_923] : memref<8x8x128xf32, #tpu.memory_space<vmem>> -> memref<4x8x128xf32, #tpu.memory_space<vmem>>
      %dma_start3A_925 = arith.constant 4 : i32
      %dma_start3A_926 = arith.constant 0 : i32
      %dma_start3A_927 = tpu.memref_slice %arg5[%dma_start3A_925, %dma_start3A_926, %multiple_of3A_871] : memref<8x8x1000000xf32, #tpu.memory_space<hbm>> -> memref<4x8x128xf32, #tpu.memory_space<hbm>>
      tpu.enqueue_dma source(%dma_start3A_927 : memref<4x8x128xf32, #tpu.memory_space<hbm>>) target(%dma_start3A_924 : memref<4x8x128xf32, #tpu.memory_space<vmem>>) target_semaphore(%arg20 : memref<!tpu.dma_semaphore, #tpu.memory_space<semaphore_mem>>)
      %dma_wait3A_928 = arith.constant 0 : i32
      %dma_wait3A_929 = arith.constant 0 : i32
      %dma_wait3A_930 = arith.constant 0 : i32
      %dma_wait3A_931 = tpu.memref_slice %arg4[%dma_wait3A_928, %dma_wait3A_929, %dma_wait3A_930] : memref<8x8x1000000xf32, #tpu.memory_space<hbm>> -> memref<8x8x128xf32, #tpu.memory_space<hbm>>
      %dma_wait3A_932 = arith.constant 0 : i32
      %dma_wait3A_933 = arith.constant 0 : i32
      %dma_wait3A_934 = arith.constant 0 : i32
      %dma_wait3A_935 = tpu.memref_slice %arg4[%dma_wait3A_932, %dma_wait3A_933, %dma_wait3A_934] : memref<8x8x1000000xf32, #tpu.memory_space<hbm>> -> memref<8x8x128xf32, #tpu.memory_space<hbm>>
      tpu.wait_dma2 semaphore(%arg21 : memref<!tpu.dma_semaphore, #tpu.memory_space<semaphore_mem>>) src(%dma_wait3A_935 : memref<8x8x128xf32, #tpu.memory_space<hbm>>) dst(%arg12 : memref<8x8x128xf32, #tpu.memory_space<vmem>>)
      %dma_wait3A_936 = arith.constant 0 : i32
      %dma_wait3A_937 = arith.constant 0 : i32
      %dma_wait3A_938 = arith.constant 0 : i32
      %dma_wait3A_939 = tpu.memref_slice %arg5[%dma_wait3A_936, %dma_wait3A_937, %dma_wait3A_938] : memref<8x8x1000000xf32, #tpu.memory_space<hbm>> -> memref<8x8x128xf32, #tpu.memory_space<hbm>>
      %dma_wait3A_940 = arith.constant 0 : i32
      %dma_wait3A_941 = arith.constant 0 : i32
      %dma_wait3A_942 = arith.constant 0 : i32
      %dma_wait3A_943 = tpu.memref_slice %arg5[%dma_wait3A_940, %dma_wait3A_941, %dma_wait3A_942] : memref<8x8x1000000xf32, #tpu.memory_space<hbm>> -> memref<8x8x128xf32, #tpu.memory_space<hbm>>
      tpu.wait_dma2 semaphore(%arg21 : memref<!tpu.dma_semaphore, #tpu.memory_space<semaphore_mem>>) src(%dma_wait3A_943 : memref<8x8x128xf32, #tpu.memory_space<hbm>>) dst(%arg16 : memref<8x8x128xf32, #tpu.memory_space<vmem>>)
      %mul3A_944 = arith.constant 16 : i32
      %mul3A_945 = arith.muli %scan3A_381, %mul3A_944 : i32
      %add3A_946 = arith.constant 3 : i32
      %add3A_947 = arith.addi %mul3A_945, %add3A_946 : i32
      %and3A_948 = arith.constant 63 : i32
      %and3A_949 = arith.andi %add3A_947, %and3A_948 : i32
      %mul3A_950 = arith.constant 0 : i32
      %mul3A_951 = vector.broadcast %mul3A_950 : i32 to vector<16xi32>
      %mul3A_952 = arith.muli %iota3A, %mul3A_951 : vector<16xi32>
      %and3A_953 = arith.constant 127 : i32
      %and3A_954 = arith.andi %squeeze3A_397, %and3A_953 : i32
      %add3A_955 = vector.broadcast %and3A_954 : i32 to vector<16xi32>
      %add3A_956 = arith.addi %mul3A_952, %add3A_955 : vector<16xi32>
      %mul3A_957 = arith.constant 0 : i32
      %mul3A_958 = vector.broadcast %mul3A_957 : i32 to vector<16xi32>
      %mul3A_959 = arith.muli %iota3A, %mul3A_958 : vector<16xi32>
      %and3A_960 = arith.constant 127 : i32
      %and3A_961 = arith.andi %squeeze3A_429, %and3A_960 : i32
      %add3A_962 = vector.broadcast %and3A_961 : i32 to vector<16xi32>
      %add3A_963 = arith.addi %mul3A_959, %add3A_962 : vector<16xi32>
      %gather3A_964 = tpu.vector_load_idx %arg12[%shift_right_arithmetic3A_7, %and3A_30, %add3A_956] : memref<8x8x128xf32, #tpu.memory_space<vmem>>[vector<16xi32>, vector<16xi32>, vector<16xi32>], vector<16xf32>,
      %gather3A_965 = tpu.vector_load_idx %arg16[%shift_right_arithmetic3A_7, %and3A_30, %add3A_963] : memref<8x8x128xf32, #tpu.memory_space<vmem>>[vector<16xi32>, vector<16xi32>, vector<16xi32>], vector<16xf32>,
      %swap3A_966 = arith.index_cast %and3A_949 : i32 to index
      %swap3A_967 = arith.constant 0 : index
      %swap3A_968 = tpu.vector_load %arg17[%swap3A_966, %swap3A_967] {strides = array<i32>} : memref<64x128xf32, #tpu.memory_space<vmem>>, vector<16xf32>,
      tpu.vector_store %arg17[%swap3A_966, %swap3A_967], %gather3A_964 {strides = array<i32>} : memref<64x128xf32, #tpu.memory_space<vmem>>, vector<16xf32>,
      %swap3A_969 = arith.index_cast %and3A_949 : i32 to index
      %swap3A_970 = arith.constant 64 : index
      %swap3A_971 = tpu.vector_load %arg17[%swap3A_969, %swap3A_970] {strides = array<i32>} : memref<64x128xf32, #tpu.memory_space<vmem>>, vector<16xf32>,
      tpu.vector_store %arg17[%swap3A_969, %swap3A_970], %gather3A_965 {strides = array<i32>} : memref<64x128xf32, #tpu.memory_space<vmem>>, vector<16xf32>,
      %gather3A_972 = tpu.vector_load_idx %arg12[%shift_right_arithmetic3A_13, %and3A_36, %add3A_956] : memref<8x8x128xf32, #tpu.memory_space<vmem>>[vector<16xi32>, vector<16xi32>, vector<16xi32>], vector<16xf32>,
      %gather3A_973 = tpu.vector_load_idx %arg16[%shift_right_arithmetic3A_13, %and3A_36, %add3A_963] : memref<8x8x128xf32, #tpu.memory_space<vmem>>[vector<16xi32>, vector<16xi32>, vector<16xi32>], vector<16xf32>,
      %swap3A_974 = arith.index_cast %and3A_949 : i32 to index
      %swap3A_975 = arith.constant 16 : index
      %swap3A_976 = tpu.vector_load %arg17[%swap3A_974, %swap3A_975] {strides = array<i32>} : memref<64x128xf32, #tpu.memory_space<vmem>>, vector<16xf32>,
      tpu.vector_store %arg17[%swap3A_974, %swap3A_975], %gather3A_972 {strides = array<i32>} : memref<64x128xf32, #tpu.memory_space<vmem>>, vector<16xf32>,
      %swap3A_977 = arith.index_cast %and3A_949 : i32 to index
      %swap3A_978 = arith.constant 80 : index
      %swap3A_979 = tpu.vector_load %arg17[%swap3A_977, %swap3A_978] {strides = array<i32>} : memref<64x128xf32, #tpu.memory_space<vmem>>, vector<16xf32>,
      tpu.vector_store %arg17[%swap3A_977, %swap3A_978], %gather3A_973 {strides = array<i32>} : memref<64x128xf32, #tpu.memory_space<vmem>>, vector<16xf32>,
      %gather3A_980 = tpu.vector_load_idx %arg12[%shift_right_arithmetic3A_19, %and3A_42, %add3A_956] : memref<8x8x128xf32, #tpu.memory_space<vmem>>[vector<16xi32>, vector<16xi32>, vector<16xi32>], vector<16xf32>,
      %gather3A_981 = tpu.vector_load_idx %arg16[%shift_right_arithmetic3A_19, %and3A_42, %add3A_963] : memref<8x8x128xf32, #tpu.memory_space<vmem>>[vector<16xi32>, vector<16xi32>, vector<16xi32>], vector<16xf32>,
      %swap3A_982 = arith.index_cast %and3A_949 : i32 to index
      %swap3A_983 = arith.constant 32 : index
      %swap3A_984 = tpu.vector_load %arg17[%swap3A_982, %swap3A_983] {strides = array<i32>} : memref<64x128xf32, #tpu.memory_space<vmem>>, vector<16xf32>,
      tpu.vector_store %arg17[%swap3A_982, %swap3A_983], %gather3A_980 {strides = array<i32>} : memref<64x128xf32, #tpu.memory_space<vmem>>, vector<16xf32>,
      %swap3A_985 = arith.index_cast %and3A_949 : i32 to index
      %swap3A_986 = arith.constant 96 : index
      %swap3A_987 = tpu.vector_load %arg17[%swap3A_985, %swap3A_986] {strides = array<i32>} : memref<64x128xf32, #tpu.memory_space<vmem>>, vector<16xf32>,
      tpu.vector_store %arg17[%swap3A_985, %swap3A_986], %gather3A_981 {strides = array<i32>} : memref<64x128xf32, #tpu.memory_space<vmem>>, vector<16xf32>,
      %gather3A_988 = tpu.vector_load_idx %arg12[%shift_right_arithmetic3A_25, %and3A_48, %add3A_956] : memref<8x8x128xf32, #tpu.memory_space<vmem>>[vector<16xi32>, vector<16xi32>, vector<16xi32>], vector<16xf32>,
      %gather3A_989 = tpu.vector_load_idx %arg16[%shift_right_arithmetic3A_25, %and3A_48, %add3A_963] : memref<8x8x128xf32, #tpu.memory_space<vmem>>[vector<16xi32>, vector<16xi32>, vector<16xi32>], vector<16xf32>,
      %swap3A_990 = arith.index_cast %and3A_949 : i32 to index
      %swap3A_991 = arith.constant 48 : index
      %swap3A_992 = tpu.vector_load %arg17[%swap3A_990, %swap3A_991] {strides = array<i32>} : memref<64x128xf32, #tpu.memory_space<vmem>>, vector<16xf32>,
      tpu.vector_store %arg17[%swap3A_990, %swap3A_991], %gather3A_988 {strides = array<i32>} : memref<64x128xf32, #tpu.memory_space<vmem>>, vector<16xf32>,
      %swap3A_993 = arith.index_cast %and3A_949 : i32 to index
      %swap3A_994 = arith.constant 112 : index
      %swap3A_995 = tpu.vector_load %arg17[%swap3A_993, %swap3A_994] {strides = array<i32>} : memref<64x128xf32, #tpu.memory_space<vmem>>, vector<16xf32>,
      tpu.vector_store %arg17[%swap3A_993, %swap3A_994], %gather3A_989 {strides = array<i32>} : memref<64x128xf32, #tpu.memory_space<vmem>>, vector<16xf32>,
      %shift_right_arithmetic3A_996 = arith.constant 7 : i32
      %shift_right_arithmetic3A_997 = arith.shrsi %squeeze3A_405, %shift_right_arithmetic3A_996 : i32
      %mul3A_998 = arith.constant 128 : i32
      %mul3A_999 = arith.muli %shift_right_arithmetic3A_997, %mul3A_998 : i32
      %multiple_of3A_1000 = tpu.assume_multiple %mul3A_999, 128 : i32
      %shift_right_arithmetic3A_1001 = arith.constant 7 : i32
      %shift_right_arithmetic3A_1002 = arith.shrsi %squeeze3A_437, %shift_right_arithmetic3A_1001 : i32
      %mul3A_1003 = arith.constant 128 : i32
      %mul3A_1004 = arith.muli %shift_right_arithmetic3A_1002, %mul3A_1003 : i32
      %multiple_of3A_1005 = tpu.assume_multiple %mul3A_1004, 128 : i32
      %dma_start3A_1006 = arith.constant 0 : i32
      %dma_start3A_1007 = arith.constant 0 : i32
      %dma_start3A_1008 = arith.constant 0 : i32
      %dma_start3A_1009 = tpu.memref_slice %arg12[%dma_start3A_1006, %dma_start3A_1007, %dma_start3A_1008] : memref<8x8x128xf32, #tpu.memory_space<vmem>> -> memref<4x8x128xf32, #tpu.memory_space<vmem>>
      %dma_start3A_1010 = arith.constant 0 : i32
      %dma_start3A_1011 = arith.constant 0 : i32
      %dma_start3A_1012 = tpu.memref_slice %arg4[%dma_start3A_1010, %dma_start3A_1011, %multiple_of3A_1000] : memref<8x8x1000000xf32, #tpu.memory_space<hbm>> -> memref<4x8x128xf32, #tpu.memory_space<hbm>>
      %dma_start3A_1013 = arith.constant 0 : i32
      %dma_start3A_1014 = arith.constant 0 : i32
      %dma_start3A_1015 = arith.constant 0 : i32
      %dma_start3A_1016 = tpu.memref_slice %arg12[%dma_start3A_1013, %dma_start3A_1014, %dma_start3A_1015] : memref<8x8x128xf32, #tpu.memory_space<vmem>> -> memref<4x8x128xf32, #tpu.memory_space<vmem>>
      %dma_start3A_1017 = arith.constant 0 : i32
      %dma_start3A_1018 = arith.constant 0 : i32
      %dma_start3A_1019 = tpu.memref_slice %arg4[%dma_start3A_1017, %dma_start3A_1018, %multiple_of3A_1000] : memref<8x8x1000000xf32, #tpu.memory_space<hbm>> -> memref<4x8x128xf32, #tpu.memory_space<hbm>>
      tpu.enqueue_dma source(%dma_start3A_1019 : memref<4x8x128xf32, #tpu.memory_space<hbm>>) target(%dma_start3A_1016 : memref<4x8x128xf32, #tpu.memory_space<vmem>>) target_semaphore(%arg21 : memref<!tpu.dma_semaphore, #tpu.memory_space<semaphore_mem>>)
      %dma_start3A_1020 = arith.constant 0 : i32
      %dma_start3A_1021 = arith.constant 0 : i32
      %dma_start3A_1022 = arith.constant 0 : i32
      %dma_start3A_1023 = tpu.memref_slice %arg16[%dma_start3A_1020, %dma_start3A_1021, %dma_start3A_1022] : memref<8x8x128xf32, #tpu.memory_space<vmem>> -> memref<4x8x128xf32, #tpu.memory_space<vmem>>
      %dma_start3A_1024 = arith.constant 0 : i32
      %dma_start3A_1025 = arith.constant 0 : i32
      %dma_start3A_1026 = tpu.memref_slice %arg5[%dma_start3A_1024, %dma_start3A_1025, %multiple_of3A_1005] : memref<8x8x1000000xf32, #tpu.memory_space<hbm>> -> memref<4x8x128xf32, #tpu.memory_space<hbm>>
      %dma_start3A_1027 = arith.constant 0 : i32
      %dma_start3A_1028 = arith.constant 0 : i32
      %dma_start3A_1029 = arith.constant 0 : i32
      %dma_start3A_1030 = tpu.memref_slice %arg16[%dma_start3A_1027, %dma_start3A_1028, %dma_start3A_1029] : memref<8x8x128xf32, #tpu.memory_space<vmem>> -> memref<4x8x128xf32, #tpu.memory_space<vmem>>
      %dma_start3A_1031 = arith.constant 0 : i32
      %dma_start3A_1032 = arith.constant 0 : i32
      %dma_start3A_1033 = tpu.memref_slice %arg5[%dma_start3A_1031, %dma_start3A_1032, %multiple_of3A_1005] : memref<8x8x1000000xf32, #tpu.memory_space<hbm>> -> memref<4x8x128xf32, #tpu.memory_space<hbm>>
      tpu.enqueue_dma source(%dma_start3A_1033 : memref<4x8x128xf32, #tpu.memory_space<hbm>>) target(%dma_start3A_1030 : memref<4x8x128xf32, #tpu.memory_space<vmem>>) target_semaphore(%arg21 : memref<!tpu.dma_semaphore, #tpu.memory_space<semaphore_mem>>)
      %dma_start3A_1034 = arith.constant 4 : i32
      %dma_start3A_1035 = arith.constant 0 : i32
      %dma_start3A_1036 = arith.constant 0 : i32
      %dma_start3A_1037 = tpu.memref_slice %arg12[%dma_start3A_1034, %dma_start3A_1035, %dma_start3A_1036] : memref<8x8x128xf32, #tpu.memory_space<vmem>> -> memref<4x8x128xf32, #tpu.memory_space<vmem>>
      %dma_start3A_1038 = arith.constant 4 : i32
      %dma_start3A_1039 = arith.constant 0 : i32
      %dma_start3A_1040 = tpu.memref_slice %arg4[%dma_start3A_1038, %dma_start3A_1039, %multiple_of3A_1000] : memref<8x8x1000000xf32, #tpu.memory_space<hbm>> -> memref<4x8x128xf32, #tpu.memory_space<hbm>>
      %dma_start3A_1041 = arith.constant 4 : i32
      %dma_start3A_1042 = arith.constant 0 : i32
      %dma_start3A_1043 = arith.constant 0 : i32
      %dma_start3A_1044 = tpu.memref_slice %arg12[%dma_start3A_1041, %dma_start3A_1042, %dma_start3A_1043] : memref<8x8x128xf32, #tpu.memory_space<vmem>> -> memref<4x8x128xf32, #tpu.memory_space<vmem>>
      %dma_start3A_1045 = arith.constant 4 : i32
      %dma_start3A_1046 = arith.constant 0 : i32
      %dma_start3A_1047 = tpu.memref_slice %arg4[%dma_start3A_1045, %dma_start3A_1046, %multiple_of3A_1000] : memref<8x8x1000000xf32, #tpu.memory_space<hbm>> -> memref<4x8x128xf32, #tpu.memory_space<hbm>>
      tpu.enqueue_dma source(%dma_start3A_1047 : memref<4x8x128xf32, #tpu.memory_space<hbm>>) target(%dma_start3A_1044 : memref<4x8x128xf32, #tpu.memory_space<vmem>>) target_semaphore(%arg21 : memref<!tpu.dma_semaphore, #tpu.memory_space<semaphore_mem>>)
      %dma_start3A_1048 = arith.constant 4 : i32
      %dma_start3A_1049 = arith.constant 0 : i32
      %dma_start3A_1050 = arith.constant 0 : i32
      %dma_start3A_1051 = tpu.memref_slice %arg16[%dma_start3A_1048, %dma_start3A_1049, %dma_start3A_1050] : memref<8x8x128xf32, #tpu.memory_space<vmem>> -> memref<4x8x128xf32, #tpu.memory_space<vmem>>
      %dma_start3A_1052 = arith.constant 4 : i32
      %dma_start3A_1053 = arith.constant 0 : i32
      %dma_start3A_1054 = tpu.memref_slice %arg5[%dma_start3A_1052, %dma_start3A_1053, %multiple_of3A_1005] : memref<8x8x1000000xf32, #tpu.memory_space<hbm>> -> memref<4x8x128xf32, #tpu.memory_space<hbm>>
      %dma_start3A_1055 = arith.constant 4 : i32
      %dma_start3A_1056 = arith.constant 0 : i32
      %dma_start3A_1057 = arith.constant 0 : i32
      %dma_start3A_1058 = tpu.memref_slice %arg16[%dma_start3A_1055, %dma_start3A_1056, %dma_start3A_1057] : memref<8x8x128xf32, #tpu.memory_space<vmem>> -> memref<4x8x128xf32, #tpu.memory_space<vmem>>
      %dma_start3A_1059 = arith.constant 4 : i32
      %dma_start3A_1060 = arith.constant 0 : i32
      %dma_start3A_1061 = tpu.memref_slice %arg5[%dma_start3A_1059, %dma_start3A_1060, %multiple_of3A_1005] : memref<8x8x1000000xf32, #tpu.memory_space<hbm>> -> memref<4x8x128xf32, #tpu.memory_space<hbm>>
      tpu.enqueue_dma source(%dma_start3A_1061 : memref<4x8x128xf32, #tpu.memory_space<hbm>>) target(%dma_start3A_1058 : memref<4x8x128xf32, #tpu.memory_space<vmem>>) target_semaphore(%arg21 : memref<!tpu.dma_semaphore, #tpu.memory_space<semaphore_mem>>)
      %dma_wait3A_1062 = arith.constant 0 : i32
      %dma_wait3A_1063 = arith.constant 0 : i32
      %dma_wait3A_1064 = arith.constant 0 : i32
      %dma_wait3A_1065 = tpu.memref_slice %arg4[%dma_wait3A_1062, %dma_wait3A_1063, %dma_wait3A_1064] : memref<8x8x1000000xf32, #tpu.memory_space<hbm>> -> memref<8x8x128xf32, #tpu.memory_space<hbm>>
      %dma_wait3A_1066 = arith.constant 0 : i32
      %dma_wait3A_1067 = arith.constant 0 : i32
      %dma_wait3A_1068 = arith.constant 0 : i32
      %dma_wait3A_1069 = tpu.memref_slice %arg4[%dma_wait3A_1066, %dma_wait3A_1067, %dma_wait3A_1068] : memref<8x8x1000000xf32, #tpu.memory_space<hbm>> -> memref<8x8x128xf32, #tpu.memory_space<hbm>>
      tpu.wait_dma2 semaphore(%arg18 : memref<!tpu.dma_semaphore, #tpu.memory_space<semaphore_mem>>) src(%dma_wait3A_1069 : memref<8x8x128xf32, #tpu.memory_space<hbm>>) dst(%arg9 : memref<8x8x128xf32, #tpu.memory_space<vmem>>)
      %dma_wait3A_1070 = arith.constant 0 : i32
      %dma_wait3A_1071 = arith.constant 0 : i32
      %dma_wait3A_1072 = arith.constant 0 : i32
      %dma_wait3A_1073 = tpu.memref_slice %arg5[%dma_wait3A_1070, %dma_wait3A_1071, %dma_wait3A_1072] : memref<8x8x1000000xf32, #tpu.memory_space<hbm>> -> memref<8x8x128xf32, #tpu.memory_space<hbm>>
      %dma_wait3A_1074 = arith.constant 0 : i32
      %dma_wait3A_1075 = arith.constant 0 : i32
      %dma_wait3A_1076 = arith.constant 0 : i32
      %dma_wait3A_1077 = tpu.memref_slice %arg5[%dma_wait3A_1074, %dma_wait3A_1075, %dma_wait3A_1076] : memref<8x8x1000000xf32, #tpu.memory_space<hbm>> -> memref<8x8x128xf32, #tpu.memory_space<hbm>>
      tpu.wait_dma2 semaphore(%arg18 : memref<!tpu.dma_semaphore, #tpu.memory_space<semaphore_mem>>) src(%dma_wait3A_1077 : memref<8x8x128xf32, #tpu.memory_space<hbm>>) dst(%arg13 : memref<8x8x128xf32, #tpu.memory_space<vmem>>)
      %mul3A_1078 = arith.constant 16 : i32
      %mul3A_1079 = arith.muli %scan3A_381, %mul3A_1078 : i32
      %add3A_1080 = arith.constant 4 : i32
      %add3A_1081 = arith.addi %mul3A_1079, %add3A_1080 : i32
      %and3A_1082 = arith.constant 63 : i32
      %and3A_1083 = arith.andi %add3A_1081, %and3A_1082 : i32
      %mul3A_1084 = arith.constant 0 : i32
      %mul3A_1085 = vector.broadcast %mul3A_1084 : i32 to vector<16xi32>
      %mul3A_1086 = arith.muli %iota3A, %mul3A_1085 : vector<16xi32>
      %and3A_1087 = arith.constant 127 : i32
      %and3A_1088 = arith.andi %squeeze3A_399, %and3A_1087 : i32
      %add3A_1089 = vector.broadcast %and3A_1088 : i32 to vector<16xi32>
      %add3A_1090 = arith.addi %mul3A_1086, %add3A_1089 : vector<16xi32>
      %mul3A_1091 = arith.constant 0 : i32
      %mul3A_1092 = vector.broadcast %mul3A_1091 : i32 to vector<16xi32>
      %mul3A_1093 = arith.muli %iota3A, %mul3A_1092 : vector<16xi32>
      %and3A_1094 = arith.constant 127 : i32
      %and3A_1095 = arith.andi %squeeze3A_431, %and3A_1094 : i32
      %add3A_1096 = vector.broadcast %and3A_1095 : i32 to vector<16xi32>
      %add3A_1097 = arith.addi %mul3A_1093, %add3A_1096 : vector<16xi32>
      %gather3A_1098 = tpu.vector_load_idx %arg9[%shift_right_arithmetic3A_7, %and3A_30, %add3A_1090] : memref<8x8x128xf32, #tpu.memory_space<vmem>>[vector<16xi32>, vector<16xi32>, vector<16xi32>], vector<16xf32>,
      %gather3A_1099 = tpu.vector_load_idx %arg13[%shift_right_arithmetic3A_7, %and3A_30, %add3A_1097] : memref<8x8x128xf32, #tpu.memory_space<vmem>>[vector<16xi32>, vector<16xi32>, vector<16xi32>], vector<16xf32>,
      %swap3A_1100 = arith.index_cast %and3A_1083 : i32 to index
      %swap3A_1101 = arith.constant 0 : index
      %swap3A_1102 = tpu.vector_load %arg17[%swap3A_1100, %swap3A_1101] {strides = array<i32>} : memref<64x128xf32, #tpu.memory_space<vmem>>, vector<16xf32>,
      tpu.vector_store %arg17[%swap3A_1100, %swap3A_1101], %gather3A_1098 {strides = array<i32>} : memref<64x128xf32, #tpu.memory_space<vmem>>, vector<16xf32>,
      %swap3A_1103 = arith.index_cast %and3A_1083 : i32 to index
      %swap3A_1104 = arith.constant 64 : index
      %swap3A_1105 = tpu.vector_load %arg17[%swap3A_1103, %swap3A_1104] {strides = array<i32>} : memref<64x128xf32, #tpu.memory_space<vmem>>, vector<16xf32>,
      tpu.vector_store %arg17[%swap3A_1103, %swap3A_1104], %gather3A_1099 {strides = array<i32>} : memref<64x128xf32, #tpu.memory_space<vmem>>, vector<16xf32>,
      %gather3A_1106 = tpu.vector_load_idx %arg9[%shift_right_arithmetic3A_13, %and3A_36, %add3A_1090] : memref<8x8x128xf32, #tpu.memory_space<vmem>>[vector<16xi32>, vector<16xi32>, vector<16xi32>], vector<16xf32>,
      %gather3A_1107 = tpu.vector_load_idx %arg13[%shift_right_arithmetic3A_13, %and3A_36, %add3A_1097] : memref<8x8x128xf32, #tpu.memory_space<vmem>>[vector<16xi32>, vector<16xi32>, vector<16xi32>], vector<16xf32>,
      %swap3A_1108 = arith.index_cast %and3A_1083 : i32 to index
      %swap3A_1109 = arith.constant 16 : index
      %swap3A_1110 = tpu.vector_load %arg17[%swap3A_1108, %swap3A_1109] {strides = array<i32>} : memref<64x128xf32, #tpu.memory_space<vmem>>, vector<16xf32>,
      tpu.vector_store %arg17[%swap3A_1108, %swap3A_1109], %gather3A_1106 {strides = array<i32>} : memref<64x128xf32, #tpu.memory_space<vmem>>, vector<16xf32>,
      %swap3A_1111 = arith.index_cast %and3A_1083 : i32 to index
      %swap3A_1112 = arith.constant 80 : index
      %swap3A_1113 = tpu.vector_load %arg17[%swap3A_1111, %swap3A_1112] {strides = array<i32>} : memref<64x128xf32, #tpu.memory_space<vmem>>, vector<16xf32>,
      tpu.vector_store %arg17[%swap3A_1111, %swap3A_1112], %gather3A_1107 {strides = array<i32>} : memref<64x128xf32, #tpu.memory_space<vmem>>, vector<16xf32>,
      %gather3A_1114 = tpu.vector_load_idx %arg9[%shift_right_arithmetic3A_19, %and3A_42, %add3A_1090] : memref<8x8x128xf32, #tpu.memory_space<vmem>>[vector<16xi32>, vector<16xi32>, vector<16xi32>], vector<16xf32>,
      %gather3A_1115 = tpu.vector_load_idx %arg13[%shift_right_arithmetic3A_19, %and3A_42, %add3A_1097] : memref<8x8x128xf32, #tpu.memory_space<vmem>>[vector<16xi32>, vector<16xi32>, vector<16xi32>], vector<16xf32>,
      %swap3A_1116 = arith.index_cast %and3A_1083 : i32 to index
      %swap3A_1117 = arith.constant 32 : index
      %swap3A_1118 = tpu.vector_load %arg17[%swap3A_1116, %swap3A_1117] {strides = array<i32>} : memref<64x128xf32, #tpu.memory_space<vmem>>, vector<16xf32>,
      tpu.vector_store %arg17[%swap3A_1116, %swap3A_1117], %gather3A_1114 {strides = array<i32>} : memref<64x128xf32, #tpu.memory_space<vmem>>, vector<16xf32>,
      %swap3A_1119 = arith.index_cast %and3A_1083 : i32 to index
      %swap3A_1120 = arith.constant 96 : index
      %swap3A_1121 = tpu.vector_load %arg17[%swap3A_1119, %swap3A_1120] {strides = array<i32>} : memref<64x128xf32, #tpu.memory_space<vmem>>, vector<16xf32>,
      tpu.vector_store %arg17[%swap3A_1119, %swap3A_1120], %gather3A_1115 {strides = array<i32>} : memref<64x128xf32, #tpu.memory_space<vmem>>, vector<16xf32>,
      %gather3A_1122 = tpu.vector_load_idx %arg9[%shift_right_arithmetic3A_25, %and3A_48, %add3A_1090] : memref<8x8x128xf32, #tpu.memory_space<vmem>>[vector<16xi32>, vector<16xi32>, vector<16xi32>], vector<16xf32>,
      %gather3A_1123 = tpu.vector_load_idx %arg13[%shift_right_arithmetic3A_25, %and3A_48, %add3A_1097] : memref<8x8x128xf32, #tpu.memory_space<vmem>>[vector<16xi32>, vector<16xi32>, vector<16xi32>], vector<16xf32>,
      %swap3A_1124 = arith.index_cast %and3A_1083 : i32 to index
      %swap3A_1125 = arith.constant 48 : index
      %swap3A_1126 = tpu.vector_load %arg17[%swap3A_1124, %swap3A_1125] {strides = array<i32>} : memref<64x128xf32, #tpu.memory_space<vmem>>, vector<16xf32>,
      tpu.vector_store %arg17[%swap3A_1124, %swap3A_1125], %gather3A_1122 {strides = array<i32>} : memref<64x128xf32, #tpu.memory_space<vmem>>, vector<16xf32>,
      %swap3A_1127 = arith.index_cast %and3A_1083 : i32 to index
      %swap3A_1128 = arith.constant 112 : index
      %swap3A_1129 = tpu.vector_load %arg17[%swap3A_1127, %swap3A_1128] {strides = array<i32>} : memref<64x128xf32, #tpu.memory_space<vmem>>, vector<16xf32>,
      tpu.vector_store %arg17[%swap3A_1127, %swap3A_1128], %gather3A_1123 {strides = array<i32>} : memref<64x128xf32, #tpu.memory_space<vmem>>, vector<16xf32>,
      %shift_right_arithmetic3A_1130 = arith.constant 7 : i32
      %shift_right_arithmetic3A_1131 = arith.shrsi %squeeze3A_407, %shift_right_arithmetic3A_1130 : i32
      %mul3A_1132 = arith.constant 128 : i32
      %mul3A_1133 = arith.muli %shift_right_arithmetic3A_1131, %mul3A_1132 : i32
      %multiple_of3A_1134 = tpu.assume_multiple %mul3A_1133, 128 : i32
      %shift_right_arithmetic3A_1135 = arith.constant 7 : i32
      %shift_right_arithmetic3A_1136 = arith.shrsi %squeeze3A_439, %shift_right_arithmetic3A_1135 : i32
      %mul3A_1137 = arith.constant 128 : i32
      %mul3A_1138 = arith.muli %shift_right_arithmetic3A_1136, %mul3A_1137 : i32
      %multiple_of3A_1139 = tpu.assume_multiple %mul3A_1138, 128 : i32
      %dma_start3A_1140 = arith.constant 0 : i32
      %dma_start3A_1141 = arith.constant 0 : i32
      %dma_start3A_1142 = arith.constant 0 : i32
      %dma_start3A_1143 = tpu.memref_slice %arg9[%dma_start3A_1140, %dma_start3A_1141, %dma_start3A_1142] : memref<8x8x128xf32, #tpu.memory_space<vmem>> -> memref<4x8x128xf32, #tpu.memory_space<vmem>>
      %dma_start3A_1144 = arith.constant 0 : i32
      %dma_start3A_1145 = arith.constant 0 : i32
      %dma_start3A_1146 = tpu.memref_slice %arg4[%dma_start3A_1144, %dma_start3A_1145, %multiple_of3A_1134] : memref<8x8x1000000xf32, #tpu.memory_space<hbm>> -> memref<4x8x128xf32, #tpu.memory_space<hbm>>
      %dma_start3A_1147 = arith.constant 0 : i32
      %dma_start3A_1148 = arith.constant 0 : i32
      %dma_start3A_1149 = arith.constant 0 : i32
      %dma_start3A_1150 = tpu.memref_slice %arg9[%dma_start3A_1147, %dma_start3A_1148, %dma_start3A_1149] : memref<8x8x128xf32, #tpu.memory_space<vmem>> -> memref<4x8x128xf32, #tpu.memory_space<vmem>>
      %dma_start3A_1151 = arith.constant 0 : i32
      %dma_start3A_1152 = arith.constant 0 : i32
      %dma_start3A_1153 = tpu.memref_slice %arg4[%dma_start3A_1151, %dma_start3A_1152, %multiple_of3A_1134] : memref<8x8x1000000xf32, #tpu.memory_space<hbm>> -> memref<4x8x128xf32, #tpu.memory_space<hbm>>
      tpu.enqueue_dma source(%dma_start3A_1153 : memref<4x8x128xf32, #tpu.memory_space<hbm>>) target(%dma_start3A_1150 : memref<4x8x128xf32, #tpu.memory_space<vmem>>) target_semaphore(%arg18 : memref<!tpu.dma_semaphore, #tpu.memory_space<semaphore_mem>>)
      %dma_start3A_1154 = arith.constant 0 : i32
      %dma_start3A_1155 = arith.constant 0 : i32
      %dma_start3A_1156 = arith.constant 0 : i32
      %dma_start3A_1157 = tpu.memref_slice %arg13[%dma_start3A_1154, %dma_start3A_1155, %dma_start3A_1156] : memref<8x8x128xf32, #tpu.memory_space<vmem>> -> memref<4x8x128xf32, #tpu.memory_space<vmem>>
      %dma_start3A_1158 = arith.constant 0 : i32
      %dma_start3A_1159 = arith.constant 0 : i32
      %dma_start3A_1160 = tpu.memref_slice %arg5[%dma_start3A_1158, %dma_start3A_1159, %multiple_of3A_1139] : memref<8x8x1000000xf32, #tpu.memory_space<hbm>> -> memref<4x8x128xf32, #tpu.memory_space<hbm>>
      %dma_start3A_1161 = arith.constant 0 : i32
      %dma_start3A_1162 = arith.constant 0 : i32
      %dma_start3A_1163 = arith.constant 0 : i32
      %dma_start3A_1164 = tpu.memref_slice %arg13[%dma_start3A_1161, %dma_start3A_1162, %dma_start3A_1163] : memref<8x8x128xf32, #tpu.memory_space<vmem>> -> memref<4x8x128xf32, #tpu.memory_space<vmem>>
      %dma_start3A_1165 = arith.constant 0 : i32
      %dma_start3A_1166 = arith.constant 0 : i32
      %dma_start3A_1167 = tpu.memref_slice %arg5[%dma_start3A_1165, %dma_start3A_1166, %multiple_of3A_1139] : memref<8x8x1000000xf32, #tpu.memory_space<hbm>> -> memref<4x8x128xf32, #tpu.memory_space<hbm>>
      tpu.enqueue_dma source(%dma_start3A_1167 : memref<4x8x128xf32, #tpu.memory_space<hbm>>) target(%dma_start3A_1164 : memref<4x8x128xf32, #tpu.memory_space<vmem>>) target_semaphore(%arg18 : memref<!tpu.dma_semaphore, #tpu.memory_space<semaphore_mem>>)
      %dma_start3A_1168 = arith.constant 4 : i32
      %dma_start3A_1169 = arith.constant 0 : i32
      %dma_start3A_1170 = arith.constant 0 : i32
      %dma_start3A_1171 = tpu.memref_slice %arg9[%dma_start3A_1168, %dma_start3A_1169, %dma_start3A_1170] : memref<8x8x128xf32, #tpu.memory_space<vmem>> -> memref<4x8x128xf32, #tpu.memory_space<vmem>>
      %dma_start3A_1172 = arith.constant 4 : i32
      %dma_start3A_1173 = arith.constant 0 : i32
      %dma_start3A_1174 = tpu.memref_slice %arg4[%dma_start3A_1172, %dma_start3A_1173, %multiple_of3A_1134] : memref<8x8x1000000xf32, #tpu.memory_space<hbm>> -> memref<4x8x128xf32, #tpu.memory_space<hbm>>
      %dma_start3A_1175 = arith.constant 4 : i32
      %dma_start3A_1176 = arith.constant 0 : i32
      %dma_start3A_1177 = arith.constant 0 : i32
      %dma_start3A_1178 = tpu.memref_slice %arg9[%dma_start3A_1175, %dma_start3A_1176, %dma_start3A_1177] : memref<8x8x128xf32, #tpu.memory_space<vmem>> -> memref<4x8x128xf32, #tpu.memory_space<vmem>>
      %dma_start3A_1179 = arith.constant 4 : i32
      %dma_start3A_1180 = arith.constant 0 : i32
      %dma_start3A_1181 = tpu.memref_slice %arg4[%dma_start3A_1179, %dma_start3A_1180, %multiple_of3A_1134] : memref<8x8x1000000xf32, #tpu.memory_space<hbm>> -> memref<4x8x128xf32, #tpu.memory_space<hbm>>
      tpu.enqueue_dma source(%dma_start3A_1181 : memref<4x8x128xf32, #tpu.memory_space<hbm>>) target(%dma_start3A_1178 : memref<4x8x128xf32, #tpu.memory_space<vmem>>) target_semaphore(%arg18 : memref<!tpu.dma_semaphore, #tpu.memory_space<semaphore_mem>>)
      %dma_start3A_1182 = arith.constant 4 : i32
      %dma_start3A_1183 = arith.constant 0 : i32
      %dma_start3A_1184 = arith.constant 0 : i32
      %dma_start3A_1185 = tpu.memref_slice %arg13[%dma_start3A_1182, %dma_start3A_1183, %dma_start3A_1184] : memref<8x8x128xf32, #tpu.memory_space<vmem>> -> memref<4x8x128xf32, #tpu.memory_space<vmem>>
      %dma_start3A_1186 = arith.constant 4 : i32
      %dma_start3A_1187 = arith.constant 0 : i32
      %dma_start3A_1188 = tpu.memref_slice %arg5[%dma_start3A_1186, %dma_start3A_1187, %multiple_of3A_1139] : memref<8x8x1000000xf32, #tpu.memory_space<hbm>> -> memref<4x8x128xf32, #tpu.memory_space<hbm>>
      %dma_start3A_1189 = arith.constant 4 : i32
      %dma_start3A_1190 = arith.constant 0 : i32
      %dma_start3A_1191 = arith.constant 0 : i32
      %dma_start3A_1192 = tpu.memref_slice %arg13[%dma_start3A_1189, %dma_start3A_1190, %dma_start3A_1191] : memref<8x8x128xf32, #tpu.memory_space<vmem>> -> memref<4x8x128xf32, #tpu.memory_space<vmem>>
      %dma_start3A_1193 = arith.constant 4 : i32
      %dma_start3A_1194 = arith.constant 0 : i32
      %dma_start3A_1195 = tpu.memref_slice %arg5[%dma_start3A_1193, %dma_start3A_1194, %multiple_of3A_1139] : memref<8x8x1000000xf32, #tpu.memory_space<hbm>> -> memref<4x8x128xf32, #tpu.memory_space<hbm>>
      tpu.enqueue_dma source(%dma_start3A_1195 : memref<4x8x128xf32, #tpu.memory_space<hbm>>) target(%dma_start3A_1192 : memref<4x8x128xf32, #tpu.memory_space<vmem>>) target_semaphore(%arg18 : memref<!tpu.dma_semaphore, #tpu.memory_space<semaphore_mem>>)
      %dma_wait3A_1196 = arith.constant 0 : i32
      %dma_wait3A_1197 = arith.constant 0 : i32
      %dma_wait3A_1198 = arith.constant 0 : i32
      %dma_wait3A_1199 = tpu.memref_slice %arg4[%dma_wait3A_1196, %dma_wait3A_1197, %dma_wait3A_1198] : memref<8x8x1000000xf32, #tpu.memory_space<hbm>> -> memref<8x8x128xf32, #tpu.memory_space<hbm>>
      %dma_wait3A_1200 = arith.constant 0 : i32
      %dma_wait3A_1201 = arith.constant 0 : i32
      %dma_wait3A_1202 = arith.constant 0 : i32
      %dma_wait3A_1203 = tpu.memref_slice %arg4[%dma_wait3A_1200, %dma_wait3A_1201, %dma_wait3A_1202] : memref<8x8x1000000xf32, #tpu.memory_space<hbm>> -> memref<8x8x128xf32, #tpu.memory_space<hbm>>
      tpu.wait_dma2 semaphore(%arg19 : memref<!tpu.dma_semaphore, #tpu.memory_space<semaphore_mem>>) src(%dma_wait3A_1203 : memref<8x8x128xf32, #tpu.memory_space<hbm>>) dst(%arg10 : memref<8x8x128xf32, #tpu.memory_space<vmem>>)
      %dma_wait3A_1204 = arith.constant 0 : i32
      %dma_wait3A_1205 = arith.constant 0 : i32
      %dma_wait3A_1206 = arith.constant 0 : i32
      %dma_wait3A_1207 = tpu.memref_slice %arg5[%dma_wait3A_1204, %dma_wait3A_1205, %dma_wait3A_1206] : memref<8x8x1000000xf32, #tpu.memory_space<hbm>> -> memref<8x8x128xf32, #tpu.memory_space<hbm>>
      %dma_wait3A_1208 = arith.constant 0 : i32
      %dma_wait3A_1209 = arith.constant 0 : i32
      %dma_wait3A_1210 = arith.constant 0 : i32
      %dma_wait3A_1211 = tpu.memref_slice %arg5[%dma_wait3A_1208, %dma_wait3A_1209, %dma_wait3A_1210] : memref<8x8x1000000xf32, #tpu.memory_space<hbm>> -> memref<8x8x128xf32, #tpu.memory_space<hbm>>
      tpu.wait_dma2 semaphore(%arg19 : memref<!tpu.dma_semaphore, #tpu.memory_space<semaphore_mem>>) src(%dma_wait3A_1211 : memref<8x8x128xf32, #tpu.memory_space<hbm>>) dst(%arg14 : memref<8x8x128xf32, #tpu.memory_space<vmem>>)
      %mul3A_1212 = arith.constant 16 : i32
      %mul3A_1213 = arith.muli %scan3A_381, %mul3A_1212 : i32
      %add3A_1214 = arith.constant 5 : i32
      %add3A_1215 = arith.addi %mul3A_1213, %add3A_1214 : i32
      %and3A_1216 = arith.constant 63 : i32
      %and3A_1217 = arith.andi %add3A_1215, %and3A_1216 : i32
      %mul3A_1218 = arith.constant 0 : i32
      %mul3A_1219 = vector.broadcast %mul3A_1218 : i32 to vector<16xi32>
      %mul3A_1220 = arith.muli %iota3A, %mul3A_1219 : vector<16xi32>
      %and3A_1221 = arith.constant 127 : i32
      %and3A_1222 = arith.andi %squeeze3A_401, %and3A_1221 : i32
      %add3A_1223 = vector.broadcast %and3A_1222 : i32 to vector<16xi32>
      %add3A_1224 = arith.addi %mul3A_1220, %add3A_1223 : vector<16xi32>
      %mul3A_1225 = arith.constant 0 : i32
      %mul3A_1226 = vector.broadcast %mul3A_1225 : i32 to vector<16xi32>
      %mul3A_1227 = arith.muli %iota3A, %mul3A_1226 : vector<16xi32>
      %and3A_1228 = arith.constant 127 : i32
      %and3A_1229 = arith.andi %squeeze3A_433, %and3A_1228 : i32
      %add3A_1230 = vector.broadcast %and3A_1229 : i32 to vector<16xi32>
      %add3A_1231 = arith.addi %mul3A_1227, %add3A_1230 : vector<16xi32>
      %gather3A_1232 = tpu.vector_load_idx %arg10[%shift_right_arithmetic3A_7, %and3A_30, %add3A_1224] : memref<8x8x128xf32, #tpu.memory_space<vmem>>[vector<16xi32>, vector<16xi32>, vector<16xi32>], vector<16xf32>,
      %gather3A_1233 = tpu.vector_load_idx %arg14[%shift_right_arithmetic3A_7, %and3A_30, %add3A_1231] : memref<8x8x128xf32, #tpu.memory_space<vmem>>[vector<16xi32>, vector<16xi32>, vector<16xi32>], vector<16xf32>,
      %swap3A_1234 = arith.index_cast %and3A_1217 : i32 to index
      %swap3A_1235 = arith.constant 0 : index
      %swap3A_1236 = tpu.vector_load %arg17[%swap3A_1234, %swap3A_1235] {strides = array<i32>} : memref<64x128xf32, #tpu.memory_space<vmem>>, vector<16xf32>,
      tpu.vector_store %arg17[%swap3A_1234, %swap3A_1235], %gather3A_1232 {strides = array<i32>} : memref<64x128xf32, #tpu.memory_space<vmem>>, vector<16xf32>,
      %swap3A_1237 = arith.index_cast %and3A_1217 : i32 to index
      %swap3A_1238 = arith.constant 64 : index
      %swap3A_1239 = tpu.vector_load %arg17[%swap3A_1237, %swap3A_1238] {strides = array<i32>} : memref<64x128xf32, #tpu.memory_space<vmem>>, vector<16xf32>,
      tpu.vector_store %arg17[%swap3A_1237, %swap3A_1238], %gather3A_1233 {strides = array<i32>} : memref<64x128xf32, #tpu.memory_space<vmem>>, vector<16xf32>,
      %gather3A_1240 = tpu.vector_load_idx %arg10[%shift_right_arithmetic3A_13, %and3A_36, %add3A_1224] : memref<8x8x128xf32, #tpu.memory_space<vmem>>[vector<16xi32>, vector<16xi32>, vector<16xi32>], vector<16xf32>,
      %gather3A_1241 = tpu.vector_load_idx %arg14[%shift_right_arithmetic3A_13, %and3A_36, %add3A_1231] : memref<8x8x128xf32, #tpu.memory_space<vmem>>[vector<16xi32>, vector<16xi32>, vector<16xi32>], vector<16xf32>,
      %swap3A_1242 = arith.index_cast %and3A_1217 : i32 to index
      %swap3A_1243 = arith.constant 16 : index
      %swap3A_1244 = tpu.vector_load %arg17[%swap3A_1242, %swap3A_1243] {strides = array<i32>} : memref<64x128xf32, #tpu.memory_space<vmem>>, vector<16xf32>,
      tpu.vector_store %arg17[%swap3A_1242, %swap3A_1243], %gather3A_1240 {strides = array<i32>} : memref<64x128xf32, #tpu.memory_space<vmem>>, vector<16xf32>,
      %swap3A_1245 = arith.index_cast %and3A_1217 : i32 to index
      %swap3A_1246 = arith.constant 80 : index
      %swap3A_1247 = tpu.vector_load %arg17[%swap3A_1245, %swap3A_1246] {strides = array<i32>} : memref<64x128xf32, #tpu.memory_space<vmem>>, vector<16xf32>,
      tpu.vector_store %arg17[%swap3A_1245, %swap3A_1246], %gather3A_1241 {strides = array<i32>} : memref<64x128xf32, #tpu.memory_space<vmem>>, vector<16xf32>,
      %gather3A_1248 = tpu.vector_load_idx %arg10[%shift_right_arithmetic3A_19, %and3A_42, %add3A_1224] : memref<8x8x128xf32, #tpu.memory_space<vmem>>[vector<16xi32>, vector<16xi32>, vector<16xi32>], vector<16xf32>,
      %gather3A_1249 = tpu.vector_load_idx %arg14[%shift_right_arithmetic3A_19, %and3A_42, %add3A_1231] : memref<8x8x128xf32, #tpu.memory_space<vmem>>[vector<16xi32>, vector<16xi32>, vector<16xi32>], vector<16xf32>,
      %swap3A_1250 = arith.index_cast %and3A_1217 : i32 to index
      %swap3A_1251 = arith.constant 32 : index
      %swap3A_1252 = tpu.vector_load %arg17[%swap3A_1250, %swap3A_1251] {strides = array<i32>} : memref<64x128xf32, #tpu.memory_space<vmem>>, vector<16xf32>,
      tpu.vector_store %arg17[%swap3A_1250, %swap3A_1251], %gather3A_1248 {strides = array<i32>} : memref<64x128xf32, #tpu.memory_space<vmem>>, vector<16xf32>,
      %swap3A_1253 = arith.index_cast %and3A_1217 : i32 to index
      %swap3A_1254 = arith.constant 96 : index
      %swap3A_1255 = tpu.vector_load %arg17[%swap3A_1253, %swap3A_1254] {strides = array<i32>} : memref<64x128xf32, #tpu.memory_space<vmem>>, vector<16xf32>,
      tpu.vector_store %arg17[%swap3A_1253, %swap3A_1254], %gather3A_1249 {strides = array<i32>} : memref<64x128xf32, #tpu.memory_space<vmem>>, vector<16xf32>,
      %gather3A_1256 = tpu.vector_load_idx %arg10[%shift_right_arithmetic3A_25, %and3A_48, %add3A_1224] : memref<8x8x128xf32, #tpu.memory_space<vmem>>[vector<16xi32>, vector<16xi32>, vector<16xi32>], vector<16xf32>,
      %gather3A_1257 = tpu.vector_load_idx %arg14[%shift_right_arithmetic3A_25, %and3A_48, %add3A_1231] : memref<8x8x128xf32, #tpu.memory_space<vmem>>[vector<16xi32>, vector<16xi32>, vector<16xi32>], vector<16xf32>,
      %swap3A_1258 = arith.index_cast %and3A_1217 : i32 to index
      %swap3A_1259 = arith.constant 48 : index
      %swap3A_1260 = tpu.vector_load %arg17[%swap3A_1258, %swap3A_1259] {strides = array<i32>} : memref<64x128xf32, #tpu.memory_space<vmem>>, vector<16xf32>,
      tpu.vector_store %arg17[%swap3A_1258, %swap3A_1259], %gather3A_1256 {strides = array<i32>} : memref<64x128xf32, #tpu.memory_space<vmem>>, vector<16xf32>,
      %swap3A_1261 = arith.index_cast %and3A_1217 : i32 to index
      %swap3A_1262 = arith.constant 112 : index
      %swap3A_1263 = tpu.vector_load %arg17[%swap3A_1261, %swap3A_1262] {strides = array<i32>} : memref<64x128xf32, #tpu.memory_space<vmem>>, vector<16xf32>,
      tpu.vector_store %arg17[%swap3A_1261, %swap3A_1262], %gather3A_1257 {strides = array<i32>} : memref<64x128xf32, #tpu.memory_space<vmem>>, vector<16xf32>,
      %shift_right_arithmetic3A_1264 = arith.constant 7 : i32
      %shift_right_arithmetic3A_1265 = arith.shrsi %squeeze3A_409, %shift_right_arithmetic3A_1264 : i32
      %mul3A_1266 = arith.constant 128 : i32
      %mul3A_1267 = arith.muli %shift_right_arithmetic3A_1265, %mul3A_1266 : i32
      %multiple_of3A_1268 = tpu.assume_multiple %mul3A_1267, 128 : i32
      %shift_right_arithmetic3A_1269 = arith.constant 7 : i32
      %shift_right_arithmetic3A_1270 = arith.shrsi %squeeze3A_441, %shift_right_arithmetic3A_1269 : i32
      %mul3A_1271 = arith.constant 128 : i32
      %mul3A_1272 = arith.muli %shift_right_arithmetic3A_1270, %mul3A_1271 : i32
      %multiple_of3A_1273 = tpu.assume_multiple %mul3A_1272, 128 : i32
      %dma_start3A_1274 = arith.constant 0 : i32
      %dma_start3A_1275 = arith.constant 0 : i32
      %dma_start3A_1276 = arith.constant 0 : i32
      %dma_start3A_1277 = tpu.memref_slice %arg10[%dma_start3A_1274, %dma_start3A_1275, %dma_start3A_1276] : memref<8x8x128xf32, #tpu.memory_space<vmem>> -> memref<4x8x128xf32, #tpu.memory_space<vmem>>
      %dma_start3A_1278 = arith.constant 0 : i32
      %dma_start3A_1279 = arith.constant 0 : i32
      %dma_start3A_1280 = tpu.memref_slice %arg4[%dma_start3A_1278, %dma_start3A_1279, %multiple_of3A_1268] : memref<8x8x1000000xf32, #tpu.memory_space<hbm>> -> memref<4x8x128xf32, #tpu.memory_space<hbm>>
      %dma_start3A_1281 = arith.constant 0 : i32
      %dma_start3A_1282 = arith.constant 0 : i32
      %dma_start3A_1283 = arith.constant 0 : i32
      %dma_start3A_1284 = tpu.memref_slice %arg10[%dma_start3A_1281, %dma_start3A_1282, %dma_start3A_1283] : memref<8x8x128xf32, #tpu.memory_space<vmem>> -> memref<4x8x128xf32, #tpu.memory_space<vmem>>
      %dma_start3A_1285 = arith.constant 0 : i32
      %dma_start3A_1286 = arith.constant 0 : i32
      %dma_start3A_1287 = tpu.memref_slice %arg4[%dma_start3A_1285, %dma_start3A_1286, %multiple_of3A_1268] : memref<8x8x1000000xf32, #tpu.memory_space<hbm>> -> memref<4x8x128xf32, #tpu.memory_space<hbm>>
      tpu.enqueue_dma source(%dma_start3A_1287 : memref<4x8x128xf32, #tpu.memory_space<hbm>>) target(%dma_start3A_1284 : memref<4x8x128xf32, #tpu.memory_space<vmem>>) target_semaphore(%arg19 : memref<!tpu.dma_semaphore, #tpu.memory_space<semaphore_mem>>)
      %dma_start3A_1288 = arith.constant 0 : i32
      %dma_start3A_1289 = arith.constant 0 : i32
      %dma_start3A_1290 = arith.constant 0 : i32
      %dma_start3A_1291 = tpu.memref_slice %arg14[%dma_start3A_1288, %dma_start3A_1289, %dma_start3A_1290] : memref<8x8x128xf32, #tpu.memory_space<vmem>> -> memref<4x8x128xf32, #tpu.memory_space<vmem>>
      %dma_start3A_1292 = arith.constant 0 : i32
      %dma_start3A_1293 = arith.constant 0 : i32
      %dma_start3A_1294 = tpu.memref_slice %arg5[%dma_start3A_1292, %dma_start3A_1293, %multiple_of3A_1273] : memref<8x8x1000000xf32, #tpu.memory_space<hbm>> -> memref<4x8x128xf32, #tpu.memory_space<hbm>>
      %dma_start3A_1295 = arith.constant 0 : i32
      %dma_start3A_1296 = arith.constant 0 : i32
      %dma_start3A_1297 = arith.constant 0 : i32
      %dma_start3A_1298 = tpu.memref_slice %arg14[%dma_start3A_1295, %dma_start3A_1296, %dma_start3A_1297] : memref<8x8x128xf32, #tpu.memory_space<vmem>> -> memref<4x8x128xf32, #tpu.memory_space<vmem>>
      %dma_start3A_1299 = arith.constant 0 : i32
      %dma_start3A_1300 = arith.constant 0 : i32
      %dma_start3A_1301 = tpu.memref_slice %arg5[%dma_start3A_1299, %dma_start3A_1300, %multiple_of3A_1273] : memref<8x8x1000000xf32, #tpu.memory_space<hbm>> -> memref<4x8x128xf32, #tpu.memory_space<hbm>>
      tpu.enqueue_dma source(%dma_start3A_1301 : memref<4x8x128xf32, #tpu.memory_space<hbm>>) target(%dma_start3A_1298 : memref<4x8x128xf32, #tpu.memory_space<vmem>>) target_semaphore(%arg19 : memref<!tpu.dma_semaphore, #tpu.memory_space<semaphore_mem>>)
      %dma_start3A_1302 = arith.constant 4 : i32
      %dma_start3A_1303 = arith.constant 0 : i32
      %dma_start3A_1304 = arith.constant 0 : i32
      %dma_start3A_1305 = tpu.memref_slice %arg10[%dma_start3A_1302, %dma_start3A_1303, %dma_start3A_1304] : memref<8x8x128xf32, #tpu.memory_space<vmem>> -> memref<4x8x128xf32, #tpu.memory_space<vmem>>
      %dma_start3A_1306 = arith.constant 4 : i32
      %dma_start3A_1307 = arith.constant 0 : i32
      %dma_start3A_1308 = tpu.memref_slice %arg4[%dma_start3A_1306, %dma_start3A_1307, %multiple_of3A_1268] : memref<8x8x1000000xf32, #tpu.memory_space<hbm>> -> memref<4x8x128xf32, #tpu.memory_space<hbm>>
      %dma_start3A_1309 = arith.constant 4 : i32
      %dma_start3A_1310 = arith.constant 0 : i32
      %dma_start3A_1311 = arith.constant 0 : i32
      %dma_start3A_1312 = tpu.memref_slice %arg10[%dma_start3A_1309, %dma_start3A_1310, %dma_start3A_1311] : memref<8x8x128xf32, #tpu.memory_space<vmem>> -> memref<4x8x128xf32, #tpu.memory_space<vmem>>
      %dma_start3A_1313 = arith.constant 4 : i32
      %dma_start3A_1314 = arith.constant 0 : i32
      %dma_start3A_1315 = tpu.memref_slice %arg4[%dma_start3A_1313, %dma_start3A_1314, %multiple_of3A_1268] : memref<8x8x1000000xf32, #tpu.memory_space<hbm>> -> memref<4x8x128xf32, #tpu.memory_space<hbm>>
      tpu.enqueue_dma source(%dma_start3A_1315 : memref<4x8x128xf32, #tpu.memory_space<hbm>>) target(%dma_start3A_1312 : memref<4x8x128xf32, #tpu.memory_space<vmem>>) target_semaphore(%arg19 : memref<!tpu.dma_semaphore, #tpu.memory_space<semaphore_mem>>)
      %dma_start3A_1316 = arith.constant 4 : i32
      %dma_start3A_1317 = arith.constant 0 : i32
      %dma_start3A_1318 = arith.constant 0 : i32
      %dma_start3A_1319 = tpu.memref_slice %arg14[%dma_start3A_1316, %dma_start3A_1317, %dma_start3A_1318] : memref<8x8x128xf32, #tpu.memory_space<vmem>> -> memref<4x8x128xf32, #tpu.memory_space<vmem>>
      %dma_start3A_1320 = arith.constant 4 : i32
      %dma_start3A_1321 = arith.constant 0 : i32
      %dma_start3A_1322 = tpu.memref_slice %arg5[%dma_start3A_1320, %dma_start3A_1321, %multiple_of3A_1273] : memref<8x8x1000000xf32, #tpu.memory_space<hbm>> -> memref<4x8x128xf32, #tpu.memory_space<hbm>>
      %dma_start3A_1323 = arith.constant 4 : i32
      %dma_start3A_1324 = arith.constant 0 : i32
      %dma_start3A_1325 = arith.constant 0 : i32
      %dma_start3A_1326 = tpu.memref_slice %arg14[%dma_start3A_1323, %dma_start3A_1324, %dma_start3A_1325] : memref<8x8x128xf32, #tpu.memory_space<vmem>> -> memref<4x8x128xf32, #tpu.memory_space<vmem>>
      %dma_start3A_1327 = arith.constant 4 : i32
      %dma_start3A_1328 = arith.constant 0 : i32
      %dma_start3A_1329 = tpu.memref_slice %arg5[%dma_start3A_1327, %dma_start3A_1328, %multiple_of3A_1273] : memref<8x8x1000000xf32, #tpu.memory_space<hbm>> -> memref<4x8x128xf32, #tpu.memory_space<hbm>>
      tpu.enqueue_dma source(%dma_start3A_1329 : memref<4x8x128xf32, #tpu.memory_space<hbm>>) target(%dma_start3A_1326 : memref<4x8x128xf32, #tpu.memory_space<vmem>>) target_semaphore(%arg19 : memref<!tpu.dma_semaphore, #tpu.memory_space<semaphore_mem>>)
      %dma_wait3A_1330 = arith.constant 0 : i32
      %dma_wait3A_1331 = arith.constant 0 : i32
      %dma_wait3A_1332 = arith.constant 0 : i32
      %dma_wait3A_1333 = tpu.memref_slice %arg4[%dma_wait3A_1330, %dma_wait3A_1331, %dma_wait3A_1332] : memref<8x8x1000000xf32, #tpu.memory_space<hbm>> -> memref<8x8x128xf32, #tpu.memory_space<hbm>>
      %dma_wait3A_1334 = arith.constant 0 : i32
      %dma_wait3A_1335 = arith.constant 0 : i32
      %dma_wait3A_1336 = arith.constant 0 : i32
      %dma_wait3A_1337 = tpu.memref_slice %arg4[%dma_wait3A_1334, %dma_wait3A_1335, %dma_wait3A_1336] : memref<8x8x1000000xf32, #tpu.memory_space<hbm>> -> memref<8x8x128xf32, #tpu.memory_space<hbm>>
      tpu.wait_dma2 semaphore(%arg20 : memref<!tpu.dma_semaphore, #tpu.memory_space<semaphore_mem>>) src(%dma_wait3A_1337 : memref<8x8x128xf32, #tpu.memory_space<hbm>>) dst(%arg11 : memref<8x8x128xf32, #tpu.memory_space<vmem>>)
      %dma_wait3A_1338 = arith.constant 0 : i32
      %dma_wait3A_1339 = arith.constant 0 : i32
      %dma_wait3A_1340 = arith.constant 0 : i32
      %dma_wait3A_1341 = tpu.memref_slice %arg5[%dma_wait3A_1338, %dma_wait3A_1339, %dma_wait3A_1340] : memref<8x8x1000000xf32, #tpu.memory_space<hbm>> -> memref<8x8x128xf32, #tpu.memory_space<hbm>>
      %dma_wait3A_1342 = arith.constant 0 : i32
      %dma_wait3A_1343 = arith.constant 0 : i32
      %dma_wait3A_1344 = arith.constant 0 : i32
      %dma_wait3A_1345 = tpu.memref_slice %arg5[%dma_wait3A_1342, %dma_wait3A_1343, %dma_wait3A_1344] : memref<8x8x1000000xf32, #tpu.memory_space<hbm>> -> memref<8x8x128xf32, #tpu.memory_space<hbm>>
      tpu.wait_dma2 semaphore(%arg20 : memref<!tpu.dma_semaphore, #tpu.memory_space<semaphore_mem>>) src(%dma_wait3A_1345 : memref<8x8x128xf32, #tpu.memory_space<hbm>>) dst(%arg15 : memref<8x8x128xf32, #tpu.memory_space<vmem>>)
      %mul3A_1346 = arith.constant 16 : i32
      %mul3A_1347 = arith.muli %scan3A_381, %mul3A_1346 : i32
      %add3A_1348 = arith.constant 6 : i32
      %add3A_1349 = arith.addi %mul3A_1347, %add3A_1348 : i32
      %and3A_1350 = arith.constant 63 : i32
      %and3A_1351 = arith.andi %add3A_1349, %and3A_1350 : i32
      %mul3A_1352 = arith.constant 0 : i32
      %mul3A_1353 = vector.broadcast %mul3A_1352 : i32 to vector<16xi32>
      %mul3A_1354 = arith.muli %iota3A, %mul3A_1353 : vector<16xi32>
      %and3A_1355 = arith.constant 127 : i32
      %and3A_1356 = arith.andi %squeeze3A_403, %and3A_1355 : i32
      %add3A_1357 = vector.broadcast %and3A_1356 : i32 to vector<16xi32>
      %add3A_1358 = arith.addi %mul3A_1354, %add3A_1357 : vector<16xi32>
      %mul3A_1359 = arith.constant 0 : i32
      %mul3A_1360 = vector.broadcast %mul3A_1359 : i32 to vector<16xi32>
      %mul3A_1361 = arith.muli %iota3A, %mul3A_1360 : vector<16xi32>
      %and3A_1362 = arith.constant 127 : i32
      %and3A_1363 = arith.andi %squeeze3A_435, %and3A_1362 : i32
      %add3A_1364 = vector.broadcast %and3A_1363 : i32 to vector<16xi32>
      %add3A_1365 = arith.addi %mul3A_1361, %add3A_1364 : vector<16xi32>
      %gather3A_1366 = tpu.vector_load_idx %arg11[%shift_right_arithmetic3A_7, %and3A_30, %add3A_1358] : memref<8x8x128xf32, #tpu.memory_space<vmem>>[vector<16xi32>, vector<16xi32>, vector<16xi32>], vector<16xf32>,
      %gather3A_1367 = tpu.vector_load_idx %arg15[%shift_right_arithmetic3A_7, %and3A_30, %add3A_1365] : memref<8x8x128xf32, #tpu.memory_space<vmem>>[vector<16xi32>, vector<16xi32>, vector<16xi32>], vector<16xf32>,
      %swap3A_1368 = arith.index_cast %and3A_1351 : i32 to index
      %swap3A_1369 = arith.constant 0 : index
      %swap3A_1370 = tpu.vector_load %arg17[%swap3A_1368, %swap3A_1369] {strides = array<i32>} : memref<64x128xf32, #tpu.memory_space<vmem>>, vector<16xf32>,
      tpu.vector_store %arg17[%swap3A_1368, %swap3A_1369], %gather3A_1366 {strides = array<i32>} : memref<64x128xf32, #tpu.memory_space<vmem>>, vector<16xf32>,
      %swap3A_1371 = arith.index_cast %and3A_1351 : i32 to index
      %swap3A_1372 = arith.constant 64 : index
      %swap3A_1373 = tpu.vector_load %arg17[%swap3A_1371, %swap3A_1372] {strides = array<i32>} : memref<64x128xf32, #tpu.memory_space<vmem>>, vector<16xf32>,
      tpu.vector_store %arg17[%swap3A_1371, %swap3A_1372], %gather3A_1367 {strides = array<i32>} : memref<64x128xf32, #tpu.memory_space<vmem>>, vector<16xf32>,
      %gather3A_1374 = tpu.vector_load_idx %arg11[%shift_right_arithmetic3A_13, %and3A_36, %add3A_1358] : memref<8x8x128xf32, #tpu.memory_space<vmem>>[vector<16xi32>, vector<16xi32>, vector<16xi32>], vector<16xf32>,
      %gather3A_1375 = tpu.vector_load_idx %arg15[%shift_right_arithmetic3A_13, %and3A_36, %add3A_1365] : memref<8x8x128xf32, #tpu.memory_space<vmem>>[vector<16xi32>, vector<16xi32>, vector<16xi32>], vector<16xf32>,
      %swap3A_1376 = arith.index_cast %and3A_1351 : i32 to index
      %swap3A_1377 = arith.constant 16 : index
      %swap3A_1378 = tpu.vector_load %arg17[%swap3A_1376, %swap3A_1377] {strides = array<i32>} : memref<64x128xf32, #tpu.memory_space<vmem>>, vector<16xf32>,
      tpu.vector_store %arg17[%swap3A_1376, %swap3A_1377], %gather3A_1374 {strides = array<i32>} : memref<64x128xf32, #tpu.memory_space<vmem>>, vector<16xf32>,
      %swap3A_1379 = arith.index_cast %and3A_1351 : i32 to index
      %swap3A_1380 = arith.constant 80 : index
      %swap3A_1381 = tpu.vector_load %arg17[%swap3A_1379, %swap3A_1380] {strides = array<i32>} : memref<64x128xf32, #tpu.memory_space<vmem>>, vector<16xf32>,
      tpu.vector_store %arg17[%swap3A_1379, %swap3A_1380], %gather3A_1375 {strides = array<i32>} : memref<64x128xf32, #tpu.memory_space<vmem>>, vector<16xf32>,
      %gather3A_1382 = tpu.vector_load_idx %arg11[%shift_right_arithmetic3A_19, %and3A_42, %add3A_1358] : memref<8x8x128xf32, #tpu.memory_space<vmem>>[vector<16xi32>, vector<16xi32>, vector<16xi32>], vector<16xf32>,
      %gather3A_1383 = tpu.vector_load_idx %arg15[%shift_right_arithmetic3A_19, %and3A_42, %add3A_1365] : memref<8x8x128xf32, #tpu.memory_space<vmem>>[vector<16xi32>, vector<16xi32>, vector<16xi32>], vector<16xf32>,
      %swap3A_1384 = arith.index_cast %and3A_1351 : i32 to index
      %swap3A_1385 = arith.constant 32 : index
      %swap3A_1386 = tpu.vector_load %arg17[%swap3A_1384, %swap3A_1385] {strides = array<i32>} : memref<64x128xf32, #tpu.memory_space<vmem>>, vector<16xf32>,
      tpu.vector_store %arg17[%swap3A_1384, %swap3A_1385], %gather3A_1382 {strides = array<i32>} : memref<64x128xf32, #tpu.memory_space<vmem>>, vector<16xf32>,
      %swap3A_1387 = arith.index_cast %and3A_1351 : i32 to index
      %swap3A_1388 = arith.constant 96 : index
      %swap3A_1389 = tpu.vector_load %arg17[%swap3A_1387, %swap3A_1388] {strides = array<i32>} : memref<64x128xf32, #tpu.memory_space<vmem>>, vector<16xf32>,
      tpu.vector_store %arg17[%swap3A_1387, %swap3A_1388], %gather3A_1383 {strides = array<i32>} : memref<64x128xf32, #tpu.memory_space<vmem>>, vector<16xf32>,
      %gather3A_1390 = tpu.vector_load_idx %arg11[%shift_right_arithmetic3A_25, %and3A_48, %add3A_1358] : memref<8x8x128xf32, #tpu.memory_space<vmem>>[vector<16xi32>, vector<16xi32>, vector<16xi32>], vector<16xf32>,
      %gather3A_1391 = tpu.vector_load_idx %arg15[%shift_right_arithmetic3A_25, %and3A_48, %add3A_1365] : memref<8x8x128xf32, #tpu.memory_space<vmem>>[vector<16xi32>, vector<16xi32>, vector<16xi32>], vector<16xf32>,
      %swap3A_1392 = arith.index_cast %and3A_1351 : i32 to index
      %swap3A_1393 = arith.constant 48 : index
      %swap3A_1394 = tpu.vector_load %arg17[%swap3A_1392, %swap3A_1393] {strides = array<i32>} : memref<64x128xf32, #tpu.memory_space<vmem>>, vector<16xf32>,
      tpu.vector_store %arg17[%swap3A_1392, %swap3A_1393], %gather3A_1390 {strides = array<i32>} : memref<64x128xf32, #tpu.memory_space<vmem>>, vector<16xf32>,
      %swap3A_1395 = arith.index_cast %and3A_1351 : i32 to index
      %swap3A_1396 = arith.constant 112 : index
      %swap3A_1397 = tpu.vector_load %arg17[%swap3A_1395, %swap3A_1396] {strides = array<i32>} : memref<64x128xf32, #tpu.memory_space<vmem>>, vector<16xf32>,
      tpu.vector_store %arg17[%swap3A_1395, %swap3A_1396], %gather3A_1391 {strides = array<i32>} : memref<64x128xf32, #tpu.memory_space<vmem>>, vector<16xf32>,
      %shift_right_arithmetic3A_1398 = arith.constant 7 : i32
      %shift_right_arithmetic3A_1399 = arith.shrsi %squeeze3A_411, %shift_right_arithmetic3A_1398 : i32
      %mul3A_1400 = arith.constant 128 : i32
      %mul3A_1401 = arith.muli %shift_right_arithmetic3A_1399, %mul3A_1400 : i32
      %multiple_of3A_1402 = tpu.assume_multiple %mul3A_1401, 128 : i32
      %shift_right_arithmetic3A_1403 = arith.constant 7 : i32
      %shift_right_arithmetic3A_1404 = arith.shrsi %squeeze3A_443, %shift_right_arithmetic3A_1403 : i32
      %mul3A_1405 = arith.constant 128 : i32
      %mul3A_1406 = arith.muli %shift_right_arithmetic3A_1404, %mul3A_1405 : i32
      %multiple_of3A_1407 = tpu.assume_multiple %mul3A_1406, 128 : i32
      %dma_start3A_1408 = arith.constant 0 : i32
      %dma_start3A_1409 = arith.constant 0 : i32
      %dma_start3A_1410 = arith.constant 0 : i32
      %dma_start3A_1411 = tpu.memref_slice %arg11[%dma_start3A_1408, %dma_start3A_1409, %dma_start3A_1410] : memref<8x8x128xf32, #tpu.memory_space<vmem>> -> memref<4x8x128xf32, #tpu.memory_space<vmem>>
      %dma_start3A_1412 = arith.constant 0 : i32
      %dma_start3A_1413 = arith.constant 0 : i32
      %dma_start3A_1414 = tpu.memref_slice %arg4[%dma_start3A_1412, %dma_start3A_1413, %multiple_of3A_1402] : memref<8x8x1000000xf32, #tpu.memory_space<hbm>> -> memref<4x8x128xf32, #tpu.memory_space<hbm>>
      %dma_start3A_1415 = arith.constant 0 : i32
      %dma_start3A_1416 = arith.constant 0 : i32
      %dma_start3A_1417 = arith.constant 0 : i32
      %dma_start3A_1418 = tpu.memref_slice %arg11[%dma_start3A_1415, %dma_start3A_1416, %dma_start3A_1417] : memref<8x8x128xf32, #tpu.memory_space<vmem>> -> memref<4x8x128xf32, #tpu.memory_space<vmem>>
      %dma_start3A_1419 = arith.constant 0 : i32
      %dma_start3A_1420 = arith.constant 0 : i32
      %dma_start3A_1421 = tpu.memref_slice %arg4[%dma_start3A_1419, %dma_start3A_1420, %multiple_of3A_1402] : memref<8x8x1000000xf32, #tpu.memory_space<hbm>> -> memref<4x8x128xf32, #tpu.memory_space<hbm>>
      tpu.enqueue_dma source(%dma_start3A_1421 : memref<4x8x128xf32, #tpu.memory_space<hbm>>) target(%dma_start3A_1418 : memref<4x8x128xf32, #tpu.memory_space<vmem>>) target_semaphore(%arg20 : memref<!tpu.dma_semaphore, #tpu.memory_space<semaphore_mem>>)
      %dma_start3A_1422 = arith.constant 0 : i32
      %dma_start3A_1423 = arith.constant 0 : i32
      %dma_start3A_1424 = arith.constant 0 : i32
      %dma_start3A_1425 = tpu.memref_slice %arg15[%dma_start3A_1422, %dma_start3A_1423, %dma_start3A_1424] : memref<8x8x128xf32, #tpu.memory_space<vmem>> -> memref<4x8x128xf32, #tpu.memory_space<vmem>>
      %dma_start3A_1426 = arith.constant 0 : i32
      %dma_start3A_1427 = arith.constant 0 : i32
      %dma_start3A_1428 = tpu.memref_slice %arg5[%dma_start3A_1426, %dma_start3A_1427, %multiple_of3A_1407] : memref<8x8x1000000xf32, #tpu.memory_space<hbm>> -> memref<4x8x128xf32, #tpu.memory_space<hbm>>
      %dma_start3A_1429 = arith.constant 0 : i32
      %dma_start3A_1430 = arith.constant 0 : i32
      %dma_start3A_1431 = arith.constant 0 : i32
      %dma_start3A_1432 = tpu.memref_slice %arg15[%dma_start3A_1429, %dma_start3A_1430, %dma_start3A_1431] : memref<8x8x128xf32, #tpu.memory_space<vmem>> -> memref<4x8x128xf32, #tpu.memory_space<vmem>>
      %dma_start3A_1433 = arith.constant 0 : i32
      %dma_start3A_1434 = arith.constant 0 : i32
      %dma_start3A_1435 = tpu.memref_slice %arg5[%dma_start3A_1433, %dma_start3A_1434, %multiple_of3A_1407] : memref<8x8x1000000xf32, #tpu.memory_space<hbm>> -> memref<4x8x128xf32, #tpu.memory_space<hbm>>
      tpu.enqueue_dma source(%dma_start3A_1435 : memref<4x8x128xf32, #tpu.memory_space<hbm>>) target(%dma_start3A_1432 : memref<4x8x128xf32, #tpu.memory_space<vmem>>) target_semaphore(%arg20 : memref<!tpu.dma_semaphore, #tpu.memory_space<semaphore_mem>>)
      %dma_start3A_1436 = arith.constant 4 : i32
      %dma_start3A_1437 = arith.constant 0 : i32
      %dma_start3A_1438 = arith.constant 0 : i32
      %dma_start3A_1439 = tpu.memref_slice %arg11[%dma_start3A_1436, %dma_start3A_1437, %dma_start3A_1438] : memref<8x8x128xf32, #tpu.memory_space<vmem>> -> memref<4x8x128xf32, #tpu.memory_space<vmem>>
      %dma_start3A_1440 = arith.constant 4 : i32
      %dma_start3A_1441 = arith.constant 0 : i32
      %dma_start3A_1442 = tpu.memref_slice %arg4[%dma_start3A_1440, %dma_start3A_1441, %multiple_of3A_1402] : memref<8x8x1000000xf32, #tpu.memory_space<hbm>> -> memref<4x8x128xf32, #tpu.memory_space<hbm>>
      %dma_start3A_1443 = arith.constant 4 : i32
      %dma_start3A_1444 = arith.constant 0 : i32
      %dma_start3A_1445 = arith.constant 0 : i32
      %dma_start3A_1446 = tpu.memref_slice %arg11[%dma_start3A_1443, %dma_start3A_1444, %dma_start3A_1445] : memref<8x8x128xf32, #tpu.memory_space<vmem>> -> memref<4x8x128xf32, #tpu.memory_space<vmem>>
      %dma_start3A_1447 = arith.constant 4 : i32
      %dma_start3A_1448 = arith.constant 0 : i32
      %dma_start3A_1449 = tpu.memref_slice %arg4[%dma_start3A_1447, %dma_start3A_1448, %multiple_of3A_1402] : memref<8x8x1000000xf32, #tpu.memory_space<hbm>> -> memref<4x8x128xf32, #tpu.memory_space<hbm>>
      tpu.enqueue_dma source(%dma_start3A_1449 : memref<4x8x128xf32, #tpu.memory_space<hbm>>) target(%dma_start3A_1446 : memref<4x8x128xf32, #tpu.memory_space<vmem>>) target_semaphore(%arg20 : memref<!tpu.dma_semaphore, #tpu.memory_space<semaphore_mem>>)
      %dma_start3A_1450 = arith.constant 4 : i32
      %dma_start3A_1451 = arith.constant 0 : i32
      %dma_start3A_1452 = arith.constant 0 : i32
      %dma_start3A_1453 = tpu.memref_slice %arg15[%dma_start3A_1450, %dma_start3A_1451, %dma_start3A_1452] : memref<8x8x128xf32, #tpu.memory_space<vmem>> -> memref<4x8x128xf32, #tpu.memory_space<vmem>>
      %dma_start3A_1454 = arith.constant 4 : i32
      %dma_start3A_1455 = arith.constant 0 : i32
      %dma_start3A_1456 = tpu.memref_slice %arg5[%dma_start3A_1454, %dma_start3A_1455, %multiple_of3A_1407] : memref<8x8x1000000xf32, #tpu.memory_space<hbm>> -> memref<4x8x128xf32, #tpu.memory_space<hbm>>
      %dma_start3A_1457 = arith.constant 4 : i32
      %dma_start3A_1458 = arith.constant 0 : i32
      %dma_start3A_1459 = arith.constant 0 : i32
      %dma_start3A_1460 = tpu.memref_slice %arg15[%dma_start3A_1457, %dma_start3A_1458, %dma_start3A_1459] : memref<8x8x128xf32, #tpu.memory_space<vmem>> -> memref<4x8x128xf32, #tpu.memory_space<vmem>>
      %dma_start3A_1461 = arith.constant 4 : i32
      %dma_start3A_1462 = arith.constant 0 : i32
      %dma_start3A_1463 = tpu.memref_slice %arg5[%dma_start3A_1461, %dma_start3A_1462, %multiple_of3A_1407] : memref<8x8x1000000xf32, #tpu.memory_space<hbm>> -> memref<4x8x128xf32, #tpu.memory_space<hbm>>
      tpu.enqueue_dma source(%dma_start3A_1463 : memref<4x8x128xf32, #tpu.memory_space<hbm>>) target(%dma_start3A_1460 : memref<4x8x128xf32, #tpu.memory_space<vmem>>) target_semaphore(%arg20 : memref<!tpu.dma_semaphore, #tpu.memory_space<semaphore_mem>>)
      %dma_wait3A_1464 = arith.constant 0 : i32
      %dma_wait3A_1465 = arith.constant 0 : i32
      %dma_wait3A_1466 = arith.constant 0 : i32
      %dma_wait3A_1467 = tpu.memref_slice %arg4[%dma_wait3A_1464, %dma_wait3A_1465, %dma_wait3A_1466] : memref<8x8x1000000xf32, #tpu.memory_space<hbm>> -> memref<8x8x128xf32, #tpu.memory_space<hbm>>
      %dma_wait3A_1468 = arith.constant 0 : i32
      %dma_wait3A_1469 = arith.constant 0 : i32
      %dma_wait3A_1470 = arith.constant 0 : i32
      %dma_wait3A_1471 = tpu.memref_slice %arg4[%dma_wait3A_1468, %dma_wait3A_1469, %dma_wait3A_1470] : memref<8x8x1000000xf32, #tpu.memory_space<hbm>> -> memref<8x8x128xf32, #tpu.memory_space<hbm>>
      tpu.wait_dma2 semaphore(%arg21 : memref<!tpu.dma_semaphore, #tpu.memory_space<semaphore_mem>>) src(%dma_wait3A_1471 : memref<8x8x128xf32, #tpu.memory_space<hbm>>) dst(%arg12 : memref<8x8x128xf32, #tpu.memory_space<vmem>>)
      %dma_wait3A_1472 = arith.constant 0 : i32
      %dma_wait3A_1473 = arith.constant 0 : i32
      %dma_wait3A_1474 = arith.constant 0 : i32
      %dma_wait3A_1475 = tpu.memref_slice %arg5[%dma_wait3A_1472, %dma_wait3A_1473, %dma_wait3A_1474] : memref<8x8x1000000xf32, #tpu.memory_space<hbm>> -> memref<8x8x128xf32, #tpu.memory_space<hbm>>
      %dma_wait3A_1476 = arith.constant 0 : i32
      %dma_wait3A_1477 = arith.constant 0 : i32
      %dma_wait3A_1478 = arith.constant 0 : i32
      %dma_wait3A_1479 = tpu.memref_slice %arg5[%dma_wait3A_1476, %dma_wait3A_1477, %dma_wait3A_1478] : memref<8x8x1000000xf32, #tpu.memory_space<hbm>> -> memref<8x8x128xf32, #tpu.memory_space<hbm>>
      tpu.wait_dma2 semaphore(%arg21 : memref<!tpu.dma_semaphore, #tpu.memory_space<semaphore_mem>>) src(%dma_wait3A_1479 : memref<8x8x128xf32, #tpu.memory_space<hbm>>) dst(%arg16 : memref<8x8x128xf32, #tpu.memory_space<vmem>>)
      %mul3A_1480 = arith.constant 16 : i32
      %mul3A_1481 = arith.muli %scan3A_381, %mul3A_1480 : i32
      %add3A_1482 = arith.constant 7 : i32
      %add3A_1483 = arith.addi %mul3A_1481, %add3A_1482 : i32
      %and3A_1484 = arith.constant 63 : i32
      %and3A_1485 = arith.andi %add3A_1483, %and3A_1484 : i32
      %mul3A_1486 = arith.constant 0 : i32
      %mul3A_1487 = vector.broadcast %mul3A_1486 : i32 to vector<16xi32>
      %mul3A_1488 = arith.muli %iota3A, %mul3A_1487 : vector<16xi32>
      %and3A_1489 = arith.constant 127 : i32
      %and3A_1490 = arith.andi %squeeze3A_405, %and3A_1489 : i32
      %add3A_1491 = vector.broadcast %and3A_1490 : i32 to vector<16xi32>
      %add3A_1492 = arith.addi %mul3A_1488, %add3A_1491 : vector<16xi32>
      %mul3A_1493 = arith.constant 0 : i32
      %mul3A_1494 = vector.broadcast %mul3A_1493 : i32 to vector<16xi32>
      %mul3A_1495 = arith.muli %iota3A, %mul3A_1494 : vector<16xi32>
      %and3A_1496 = arith.constant 127 : i32
      %and3A_1497 = arith.andi %squeeze3A_437, %and3A_1496 : i32
      %add3A_1498 = vector.broadcast %and3A_1497 : i32 to vector<16xi32>
      %add3A_1499 = arith.addi %mul3A_1495, %add3A_1498 : vector<16xi32>
      %gather3A_1500 = tpu.vector_load_idx %arg12[%shift_right_arithmetic3A_7, %and3A_30, %add3A_1492] : memref<8x8x128xf32, #tpu.memory_space<vmem>>[vector<16xi32>, vector<16xi32>, vector<16xi32>], vector<16xf32>,
      %gather3A_1501 = tpu.vector_load_idx %arg16[%shift_right_arithmetic3A_7, %and3A_30, %add3A_1499] : memref<8x8x128xf32, #tpu.memory_space<vmem>>[vector<16xi32>, vector<16xi32>, vector<16xi32>], vector<16xf32>,
      %swap3A_1502 = arith.index_cast %and3A_1485 : i32 to index
      %swap3A_1503 = arith.constant 0 : index
      %swap3A_1504 = tpu.vector_load %arg17[%swap3A_1502, %swap3A_1503] {strides = array<i32>} : memref<64x128xf32, #tpu.memory_space<vmem>>, vector<16xf32>,
      tpu.vector_store %arg17[%swap3A_1502, %swap3A_1503], %gather3A_1500 {strides = array<i32>} : memref<64x128xf32, #tpu.memory_space<vmem>>, vector<16xf32>,
      %swap3A_1505 = arith.index_cast %and3A_1485 : i32 to index
      %swap3A_1506 = arith.constant 64 : index
      %swap3A_1507 = tpu.vector_load %arg17[%swap3A_1505, %swap3A_1506] {strides = array<i32>} : memref<64x128xf32, #tpu.memory_space<vmem>>, vector<16xf32>,
      tpu.vector_store %arg17[%swap3A_1505, %swap3A_1506], %gather3A_1501 {strides = array<i32>} : memref<64x128xf32, #tpu.memory_space<vmem>>, vector<16xf32>,
      %gather3A_1508 = tpu.vector_load_idx %arg12[%shift_right_arithmetic3A_13, %and3A_36, %add3A_1492] : memref<8x8x128xf32, #tpu.memory_space<vmem>>[vector<16xi32>, vector<16xi32>, vector<16xi32>], vector<16xf32>,
      %gather3A_1509 = tpu.vector_load_idx %arg16[%shift_right_arithmetic3A_13, %and3A_36, %add3A_1499] : memref<8x8x128xf32, #tpu.memory_space<vmem>>[vector<16xi32>, vector<16xi32>, vector<16xi32>], vector<16xf32>,
      %swap3A_1510 = arith.index_cast %and3A_1485 : i32 to index
      %swap3A_1511 = arith.constant 16 : index
      %swap3A_1512 = tpu.vector_load %arg17[%swap3A_1510, %swap3A_1511] {strides = array<i32>} : memref<64x128xf32, #tpu.memory_space<vmem>>, vector<16xf32>,
      tpu.vector_store %arg17[%swap3A_1510, %swap3A_1511], %gather3A_1508 {strides = array<i32>} : memref<64x128xf32, #tpu.memory_space<vmem>>, vector<16xf32>,
      %swap3A_1513 = arith.index_cast %and3A_1485 : i32 to index
      %swap3A_1514 = arith.constant 80 : index
      %swap3A_1515 = tpu.vector_load %arg17[%swap3A_1513, %swap3A_1514] {strides = array<i32>} : memref<64x128xf32, #tpu.memory_space<vmem>>, vector<16xf32>,
      tpu.vector_store %arg17[%swap3A_1513, %swap3A_1514], %gather3A_1509 {strides = array<i32>} : memref<64x128xf32, #tpu.memory_space<vmem>>, vector<16xf32>,
      %gather3A_1516 = tpu.vector_load_idx %arg12[%shift_right_arithmetic3A_19, %and3A_42, %add3A_1492] : memref<8x8x128xf32, #tpu.memory_space<vmem>>[vector<16xi32>, vector<16xi32>, vector<16xi32>], vector<16xf32>,
      %gather3A_1517 = tpu.vector_load_idx %arg16[%shift_right_arithmetic3A_19, %and3A_42, %add3A_1499] : memref<8x8x128xf32, #tpu.memory_space<vmem>>[vector<16xi32>, vector<16xi32>, vector<16xi32>], vector<16xf32>,
      %swap3A_1518 = arith.index_cast %and3A_1485 : i32 to index
      %swap3A_1519 = arith.constant 32 : index
      %swap3A_1520 = tpu.vector_load %arg17[%swap3A_1518, %swap3A_1519] {strides = array<i32>} : memref<64x128xf32, #tpu.memory_space<vmem>>, vector<16xf32>,
      tpu.vector_store %arg17[%swap3A_1518, %swap3A_1519], %gather3A_1516 {strides = array<i32>} : memref<64x128xf32, #tpu.memory_space<vmem>>, vector<16xf32>,
      %swap3A_1521 = arith.index_cast %and3A_1485 : i32 to index
      %swap3A_1522 = arith.constant 96 : index
      %swap3A_1523 = tpu.vector_load %arg17[%swap3A_1521, %swap3A_1522] {strides = array<i32>} : memref<64x128xf32, #tpu.memory_space<vmem>>, vector<16xf32>,
      tpu.vector_store %arg17[%swap3A_1521, %swap3A_1522], %gather3A_1517 {strides = array<i32>} : memref<64x128xf32, #tpu.memory_space<vmem>>, vector<16xf32>,
      %gather3A_1524 = tpu.vector_load_idx %arg12[%shift_right_arithmetic3A_25, %and3A_48, %add3A_1492] : memref<8x8x128xf32, #tpu.memory_space<vmem>>[vector<16xi32>, vector<16xi32>, vector<16xi32>], vector<16xf32>,
      %gather3A_1525 = tpu.vector_load_idx %arg16[%shift_right_arithmetic3A_25, %and3A_48, %add3A_1499] : memref<8x8x128xf32, #tpu.memory_space<vmem>>[vector<16xi32>, vector<16xi32>, vector<16xi32>], vector<16xf32>,
      %swap3A_1526 = arith.index_cast %and3A_1485 : i32 to index
      %swap3A_1527 = arith.constant 48 : index
      %swap3A_1528 = tpu.vector_load %arg17[%swap3A_1526, %swap3A_1527] {strides = array<i32>} : memref<64x128xf32, #tpu.memory_space<vmem>>, vector<16xf32>,
      tpu.vector_store %arg17[%swap3A_1526, %swap3A_1527], %gather3A_1524 {strides = array<i32>} : memref<64x128xf32, #tpu.memory_space<vmem>>, vector<16xf32>,
      %swap3A_1529 = arith.index_cast %and3A_1485 : i32 to index
      %swap3A_1530 = arith.constant 112 : index
      %swap3A_1531 = tpu.vector_load %arg17[%swap3A_1529, %swap3A_1530] {strides = array<i32>} : memref<64x128xf32, #tpu.memory_space<vmem>>, vector<16xf32>,
      tpu.vector_store %arg17[%swap3A_1529, %swap3A_1530], %gather3A_1525 {strides = array<i32>} : memref<64x128xf32, #tpu.memory_space<vmem>>, vector<16xf32>,
      %shift_right_arithmetic3A_1532 = arith.constant 7 : i32
      %shift_right_arithmetic3A_1533 = arith.shrsi %squeeze3A_413, %shift_right_arithmetic3A_1532 : i32
      %mul3A_1534 = arith.constant 128 : i32
      %mul3A_1535 = arith.muli %shift_right_arithmetic3A_1533, %mul3A_1534 : i32
      %multiple_of3A_1536 = tpu.assume_multiple %mul3A_1535, 128 : i32
      %shift_right_arithmetic3A_1537 = arith.constant 7 : i32
      %shift_right_arithmetic3A_1538 = arith.shrsi %squeeze3A_445, %shift_right_arithmetic3A_1537 : i32
      %mul3A_1539 = arith.constant 128 : i32
      %mul3A_1540 = arith.muli %shift_right_arithmetic3A_1538, %mul3A_1539 : i32
      %multiple_of3A_1541 = tpu.assume_multiple %mul3A_1540, 128 : i32
      %dma_start3A_1542 = arith.constant 0 : i32
      %dma_start3A_1543 = arith.constant 0 : i32
      %dma_start3A_1544 = arith.constant 0 : i32
      %dma_start3A_1545 = tpu.memref_slice %arg12[%dma_start3A_1542, %dma_start3A_1543, %dma_start3A_1544] : memref<8x8x128xf32, #tpu.memory_space<vmem>> -> memref<4x8x128xf32, #tpu.memory_space<vmem>>
      %dma_start3A_1546 = arith.constant 0 : i32
      %dma_start3A_1547 = arith.constant 0 : i32
      %dma_start3A_1548 = tpu.memref_slice %arg4[%dma_start3A_1546, %dma_start3A_1547, %multiple_of3A_1536] : memref<8x8x1000000xf32, #tpu.memory_space<hbm>> -> memref<4x8x128xf32, #tpu.memory_space<hbm>>
      %dma_start3A_1549 = arith.constant 0 : i32
      %dma_start3A_1550 = arith.constant 0 : i32
      %dma_start3A_1551 = arith.constant 0 : i32
      %dma_start3A_1552 = tpu.memref_slice %arg12[%dma_start3A_1549, %dma_start3A_1550, %dma_start3A_1551] : memref<8x8x128xf32, #tpu.memory_space<vmem>> -> memref<4x8x128xf32, #tpu.memory_space<vmem>>
      %dma_start3A_1553 = arith.constant 0 : i32
      %dma_start3A_1554 = arith.constant 0 : i32
      %dma_start3A_1555 = tpu.memref_slice %arg4[%dma_start3A_1553, %dma_start3A_1554, %multiple_of3A_1536] : memref<8x8x1000000xf32, #tpu.memory_space<hbm>> -> memref<4x8x128xf32, #tpu.memory_space<hbm>>
      tpu.enqueue_dma source(%dma_start3A_1555 : memref<4x8x128xf32, #tpu.memory_space<hbm>>) target(%dma_start3A_1552 : memref<4x8x128xf32, #tpu.memory_space<vmem>>) target_semaphore(%arg21 : memref<!tpu.dma_semaphore, #tpu.memory_space<semaphore_mem>>)
      %dma_start3A_1556 = arith.constant 0 : i32
      %dma_start3A_1557 = arith.constant 0 : i32
      %dma_start3A_1558 = arith.constant 0 : i32
      %dma_start3A_1559 = tpu.memref_slice %arg16[%dma_start3A_1556, %dma_start3A_1557, %dma_start3A_1558] : memref<8x8x128xf32, #tpu.memory_space<vmem>> -> memref<4x8x128xf32, #tpu.memory_space<vmem>>
      %dma_start3A_1560 = arith.constant 0 : i32
      %dma_start3A_1561 = arith.constant 0 : i32
      %dma_start3A_1562 = tpu.memref_slice %arg5[%dma_start3A_1560, %dma_start3A_1561, %multiple_of3A_1541] : memref<8x8x1000000xf32, #tpu.memory_space<hbm>> -> memref<4x8x128xf32, #tpu.memory_space<hbm>>
      %dma_start3A_1563 = arith.constant 0 : i32
      %dma_start3A_1564 = arith.constant 0 : i32
      %dma_start3A_1565 = arith.constant 0 : i32
      %dma_start3A_1566 = tpu.memref_slice %arg16[%dma_start3A_1563, %dma_start3A_1564, %dma_start3A_1565] : memref<8x8x128xf32, #tpu.memory_space<vmem>> -> memref<4x8x128xf32, #tpu.memory_space<vmem>>
      %dma_start3A_1567 = arith.constant 0 : i32
      %dma_start3A_1568 = arith.constant 0 : i32
      %dma_start3A_1569 = tpu.memref_slice %arg5[%dma_start3A_1567, %dma_start3A_1568, %multiple_of3A_1541] : memref<8x8x1000000xf32, #tpu.memory_space<hbm>> -> memref<4x8x128xf32, #tpu.memory_space<hbm>>
      tpu.enqueue_dma source(%dma_start3A_1569 : memref<4x8x128xf32, #tpu.memory_space<hbm>>) target(%dma_start3A_1566 : memref<4x8x128xf32, #tpu.memory_space<vmem>>) target_semaphore(%arg21 : memref<!tpu.dma_semaphore, #tpu.memory_space<semaphore_mem>>)
      %dma_start3A_1570 = arith.constant 4 : i32
      %dma_start3A_1571 = arith.constant 0 : i32
      %dma_start3A_1572 = arith.constant 0 : i32
      %dma_start3A_1573 = tpu.memref_slice %arg12[%dma_start3A_1570, %dma_start3A_1571, %dma_start3A_1572] : memref<8x8x128xf32, #tpu.memory_space<vmem>> -> memref<4x8x128xf32, #tpu.memory_space<vmem>>
      %dma_start3A_1574 = arith.constant 4 : i32
      %dma_start3A_1575 = arith.constant 0 : i32
      %dma_start3A_1576 = tpu.memref_slice %arg4[%dma_start3A_1574, %dma_start3A_1575, %multiple_of3A_1536] : memref<8x8x1000000xf32, #tpu.memory_space<hbm>> -> memref<4x8x128xf32, #tpu.memory_space<hbm>>
      %dma_start3A_1577 = arith.constant 4 : i32
      %dma_start3A_1578 = arith.constant 0 : i32
      %dma_start3A_1579 = arith.constant 0 : i32
      %dma_start3A_1580 = tpu.memref_slice %arg12[%dma_start3A_1577, %dma_start3A_1578, %dma_start3A_1579] : memref<8x8x128xf32, #tpu.memory_space<vmem>> -> memref<4x8x128xf32, #tpu.memory_space<vmem>>
      %dma_start3A_1581 = arith.constant 4 : i32
      %dma_start3A_1582 = arith.constant 0 : i32
      %dma_start3A_1583 = tpu.memref_slice %arg4[%dma_start3A_1581, %dma_start3A_1582, %multiple_of3A_1536] : memref<8x8x1000000xf32, #tpu.memory_space<hbm>> -> memref<4x8x128xf32, #tpu.memory_space<hbm>>
      tpu.enqueue_dma source(%dma_start3A_1583 : memref<4x8x128xf32, #tpu.memory_space<hbm>>) target(%dma_start3A_1580 : memref<4x8x128xf32, #tpu.memory_space<vmem>>) target_semaphore(%arg21 : memref<!tpu.dma_semaphore, #tpu.memory_space<semaphore_mem>>)
      %dma_start3A_1584 = arith.constant 4 : i32
      %dma_start3A_1585 = arith.constant 0 : i32
      %dma_start3A_1586 = arith.constant 0 : i32
      %dma_start3A_1587 = tpu.memref_slice %arg16[%dma_start3A_1584, %dma_start3A_1585, %dma_start3A_1586] : memref<8x8x128xf32, #tpu.memory_space<vmem>> -> memref<4x8x128xf32, #tpu.memory_space<vmem>>
      %dma_start3A_1588 = arith.constant 4 : i32
      %dma_start3A_1589 = arith.constant 0 : i32
      %dma_start3A_1590 = tpu.memref_slice %arg5[%dma_start3A_1588, %dma_start3A_1589, %multiple_of3A_1541] : memref<8x8x1000000xf32, #tpu.memory_space<hbm>> -> memref<4x8x128xf32, #tpu.memory_space<hbm>>
      %dma_start3A_1591 = arith.constant 4 : i32
      %dma_start3A_1592 = arith.constant 0 : i32
      %dma_start3A_1593 = arith.constant 0 : i32
      %dma_start3A_1594 = tpu.memref_slice %arg16[%dma_start3A_1591, %dma_start3A_1592, %dma_start3A_1593] : memref<8x8x128xf32, #tpu.memory_space<vmem>> -> memref<4x8x128xf32, #tpu.memory_space<vmem>>
      %dma_start3A_1595 = arith.constant 4 : i32
      %dma_start3A_1596 = arith.constant 0 : i32
      %dma_start3A_1597 = tpu.memref_slice %arg5[%dma_start3A_1595, %dma_start3A_1596, %multiple_of3A_1541] : memref<8x8x1000000xf32, #tpu.memory_space<hbm>> -> memref<4x8x128xf32, #tpu.memory_space<hbm>>
      tpu.enqueue_dma source(%dma_start3A_1597 : memref<4x8x128xf32, #tpu.memory_space<hbm>>) target(%dma_start3A_1594 : memref<4x8x128xf32, #tpu.memory_space<vmem>>) target_semaphore(%arg21 : memref<!tpu.dma_semaphore, #tpu.memory_space<semaphore_mem>>)
      %dma_wait3A_1598 = arith.constant 0 : i32
      %dma_wait3A_1599 = arith.constant 0 : i32
      %dma_wait3A_1600 = arith.constant 0 : i32
      %dma_wait3A_1601 = tpu.memref_slice %arg4[%dma_wait3A_1598, %dma_wait3A_1599, %dma_wait3A_1600] : memref<8x8x1000000xf32, #tpu.memory_space<hbm>> -> memref<8x8x128xf32, #tpu.memory_space<hbm>>
      %dma_wait3A_1602 = arith.constant 0 : i32
      %dma_wait3A_1603 = arith.constant 0 : i32
      %dma_wait3A_1604 = arith.constant 0 : i32
      %dma_wait3A_1605 = tpu.memref_slice %arg4[%dma_wait3A_1602, %dma_wait3A_1603, %dma_wait3A_1604] : memref<8x8x1000000xf32, #tpu.memory_space<hbm>> -> memref<8x8x128xf32, #tpu.memory_space<hbm>>
      tpu.wait_dma2 semaphore(%arg18 : memref<!tpu.dma_semaphore, #tpu.memory_space<semaphore_mem>>) src(%dma_wait3A_1605 : memref<8x8x128xf32, #tpu.memory_space<hbm>>) dst(%arg9 : memref<8x8x128xf32, #tpu.memory_space<vmem>>)
      %dma_wait3A_1606 = arith.constant 0 : i32
      %dma_wait3A_1607 = arith.constant 0 : i32
      %dma_wait3A_1608 = arith.constant 0 : i32
      %dma_wait3A_1609 = tpu.memref_slice %arg5[%dma_wait3A_1606, %dma_wait3A_1607, %dma_wait3A_1608] : memref<8x8x1000000xf32, #tpu.memory_space<hbm>> -> memref<8x8x128xf32, #tpu.memory_space<hbm>>
      %dma_wait3A_1610 = arith.constant 0 : i32
      %dma_wait3A_1611 = arith.constant 0 : i32
      %dma_wait3A_1612 = arith.constant 0 : i32
      %dma_wait3A_1613 = tpu.memref_slice %arg5[%dma_wait3A_1610, %dma_wait3A_1611, %dma_wait3A_1612] : memref<8x8x1000000xf32, #tpu.memory_space<hbm>> -> memref<8x8x128xf32, #tpu.memory_space<hbm>>
      tpu.wait_dma2 semaphore(%arg18 : memref<!tpu.dma_semaphore, #tpu.memory_space<semaphore_mem>>) src(%dma_wait3A_1613 : memref<8x8x128xf32, #tpu.memory_space<hbm>>) dst(%arg13 : memref<8x8x128xf32, #tpu.memory_space<vmem>>)
      %mul3A_1614 = arith.constant 16 : i32
      %mul3A_1615 = arith.muli %scan3A_381, %mul3A_1614 : i32
      %add3A_1616 = arith.constant 8 : i32
      %add3A_1617 = arith.addi %mul3A_1615, %add3A_1616 : i32
      %and3A_1618 = arith.constant 63 : i32
      %and3A_1619 = arith.andi %add3A_1617, %and3A_1618 : i32
      %mul3A_1620 = arith.constant 0 : i32
      %mul3A_1621 = vector.broadcast %mul3A_1620 : i32 to vector<16xi32>
      %mul3A_1622 = arith.muli %iota3A, %mul3A_1621 : vector<16xi32>
      %and3A_1623 = arith.constant 127 : i32
      %and3A_1624 = arith.andi %squeeze3A_407, %and3A_1623 : i32
      %add3A_1625 = vector.broadcast %and3A_1624 : i32 to vector<16xi32>
      %add3A_1626 = arith.addi %mul3A_1622, %add3A_1625 : vector<16xi32>
      %mul3A_1627 = arith.constant 0 : i32
      %mul3A_1628 = vector.broadcast %mul3A_1627 : i32 to vector<16xi32>
      %mul3A_1629 = arith.muli %iota3A, %mul3A_1628 : vector<16xi32>
      %and3A_1630 = arith.constant 127 : i32
      %and3A_1631 = arith.andi %squeeze3A_439, %and3A_1630 : i32
      %add3A_1632 = vector.broadcast %and3A_1631 : i32 to vector<16xi32>
      %add3A_1633 = arith.addi %mul3A_1629, %add3A_1632 : vector<16xi32>
      %gather3A_1634 = tpu.vector_load_idx %arg9[%shift_right_arithmetic3A_7, %and3A_30, %add3A_1626] : memref<8x8x128xf32, #tpu.memory_space<vmem>>[vector<16xi32>, vector<16xi32>, vector<16xi32>], vector<16xf32>,
      %gather3A_1635 = tpu.vector_load_idx %arg13[%shift_right_arithmetic3A_7, %and3A_30, %add3A_1633] : memref<8x8x128xf32, #tpu.memory_space<vmem>>[vector<16xi32>, vector<16xi32>, vector<16xi32>], vector<16xf32>,
      %swap3A_1636 = arith.index_cast %and3A_1619 : i32 to index
      %swap3A_1637 = arith.constant 0 : index
      %swap3A_1638 = tpu.vector_load %arg17[%swap3A_1636, %swap3A_1637] {strides = array<i32>} : memref<64x128xf32, #tpu.memory_space<vmem>>, vector<16xf32>,
      tpu.vector_store %arg17[%swap3A_1636, %swap3A_1637], %gather3A_1634 {strides = array<i32>} : memref<64x128xf32, #tpu.memory_space<vmem>>, vector<16xf32>,
      %swap3A_1639 = arith.index_cast %and3A_1619 : i32 to index
      %swap3A_1640 = arith.constant 64 : index
      %swap3A_1641 = tpu.vector_load %arg17[%swap3A_1639, %swap3A_1640] {strides = array<i32>} : memref<64x128xf32, #tpu.memory_space<vmem>>, vector<16xf32>,
      tpu.vector_store %arg17[%swap3A_1639, %swap3A_1640], %gather3A_1635 {strides = array<i32>} : memref<64x128xf32, #tpu.memory_space<vmem>>, vector<16xf32>,
      %gather3A_1642 = tpu.vector_load_idx %arg9[%shift_right_arithmetic3A_13, %and3A_36, %add3A_1626] : memref<8x8x128xf32, #tpu.memory_space<vmem>>[vector<16xi32>, vector<16xi32>, vector<16xi32>], vector<16xf32>,
      %gather3A_1643 = tpu.vector_load_idx %arg13[%shift_right_arithmetic3A_13, %and3A_36, %add3A_1633] : memref<8x8x128xf32, #tpu.memory_space<vmem>>[vector<16xi32>, vector<16xi32>, vector<16xi32>], vector<16xf32>,
      %swap3A_1644 = arith.index_cast %and3A_1619 : i32 to index
      %swap3A_1645 = arith.constant 16 : index
      %swap3A_1646 = tpu.vector_load %arg17[%swap3A_1644, %swap3A_1645] {strides = array<i32>} : memref<64x128xf32, #tpu.memory_space<vmem>>, vector<16xf32>,
      tpu.vector_store %arg17[%swap3A_1644, %swap3A_1645], %gather3A_1642 {strides = array<i32>} : memref<64x128xf32, #tpu.memory_space<vmem>>, vector<16xf32>,
      %swap3A_1647 = arith.index_cast %and3A_1619 : i32 to index
      %swap3A_1648 = arith.constant 80 : index
      %swap3A_1649 = tpu.vector_load %arg17[%swap3A_1647, %swap3A_1648] {strides = array<i32>} : memref<64x128xf32, #tpu.memory_space<vmem>>, vector<16xf32>,
      tpu.vector_store %arg17[%swap3A_1647, %swap3A_1648], %gather3A_1643 {strides = array<i32>} : memref<64x128xf32, #tpu.memory_space<vmem>>, vector<16xf32>,
      %gather3A_1650 = tpu.vector_load_idx %arg9[%shift_right_arithmetic3A_19, %and3A_42, %add3A_1626] : memref<8x8x128xf32, #tpu.memory_space<vmem>>[vector<16xi32>, vector<16xi32>, vector<16xi32>], vector<16xf32>,
      %gather3A_1651 = tpu.vector_load_idx %arg13[%shift_right_arithmetic3A_19, %and3A_42, %add3A_1633] : memref<8x8x128xf32, #tpu.memory_space<vmem>>[vector<16xi32>, vector<16xi32>, vector<16xi32>], vector<16xf32>,
      %swap3A_1652 = arith.index_cast %and3A_1619 : i32 to index
      %swap3A_1653 = arith.constant 32 : index
      %swap3A_1654 = tpu.vector_load %arg17[%swap3A_1652, %swap3A_1653] {strides = array<i32>} : memref<64x128xf32, #tpu.memory_space<vmem>>, vector<16xf32>,
      tpu.vector_store %arg17[%swap3A_1652, %swap3A_1653], %gather3A_1650 {strides = array<i32>} : memref<64x128xf32, #tpu.memory_space<vmem>>, vector<16xf32>,
      %swap3A_1655 = arith.index_cast %and3A_1619 : i32 to index
      %swap3A_1656 = arith.constant 96 : index
      %swap3A_1657 = tpu.vector_load %arg17[%swap3A_1655, %swap3A_1656] {strides = array<i32>} : memref<64x128xf32, #tpu.memory_space<vmem>>, vector<16xf32>,
      tpu.vector_store %arg17[%swap3A_1655, %swap3A_1656], %gather3A_1651 {strides = array<i32>} : memref<64x128xf32, #tpu.memory_space<vmem>>, vector<16xf32>,
      %gather3A_1658 = tpu.vector_load_idx %arg9[%shift_right_arithmetic3A_25, %and3A_48, %add3A_1626] : memref<8x8x128xf32, #tpu.memory_space<vmem>>[vector<16xi32>, vector<16xi32>, vector<16xi32>], vector<16xf32>,
      %gather3A_1659 = tpu.vector_load_idx %arg13[%shift_right_arithmetic3A_25, %and3A_48, %add3A_1633] : memref<8x8x128xf32, #tpu.memory_space<vmem>>[vector<16xi32>, vector<16xi32>, vector<16xi32>], vector<16xf32>,
      %swap3A_1660 = arith.index_cast %and3A_1619 : i32 to index
      %swap3A_1661 = arith.constant 48 : index
      %swap3A_1662 = tpu.vector_load %arg17[%swap3A_1660, %swap3A_1661] {strides = array<i32>} : memref<64x128xf32, #tpu.memory_space<vmem>>, vector<16xf32>,
      tpu.vector_store %arg17[%swap3A_1660, %swap3A_1661], %gather3A_1658 {strides = array<i32>} : memref<64x128xf32, #tpu.memory_space<vmem>>, vector<16xf32>,
      %swap3A_1663 = arith.index_cast %and3A_1619 : i32 to index
      %swap3A_1664 = arith.constant 112 : index
      %swap3A_1665 = tpu.vector_load %arg17[%swap3A_1663, %swap3A_1664] {strides = array<i32>} : memref<64x128xf32, #tpu.memory_space<vmem>>, vector<16xf32>,
      tpu.vector_store %arg17[%swap3A_1663, %swap3A_1664], %gather3A_1659 {strides = array<i32>} : memref<64x128xf32, #tpu.memory_space<vmem>>, vector<16xf32>,
      %shift_right_arithmetic3A_1666 = arith.constant 7 : i32
      %shift_right_arithmetic3A_1667 = arith.shrsi %squeeze3A_415, %shift_right_arithmetic3A_1666 : i32
      %mul3A_1668 = arith.constant 128 : i32
      %mul3A_1669 = arith.muli %shift_right_arithmetic3A_1667, %mul3A_1668 : i32
      %multiple_of3A_1670 = tpu.assume_multiple %mul3A_1669, 128 : i32
      %shift_right_arithmetic3A_1671 = arith.constant 7 : i32
      %shift_right_arithmetic3A_1672 = arith.shrsi %squeeze3A_447, %shift_right_arithmetic3A_1671 : i32
      %mul3A_1673 = arith.constant 128 : i32
      %mul3A_1674 = arith.muli %shift_right_arithmetic3A_1672, %mul3A_1673 : i32
      %multiple_of3A_1675 = tpu.assume_multiple %mul3A_1674, 128 : i32
      %dma_start3A_1676 = arith.constant 0 : i32
      %dma_start3A_1677 = arith.constant 0 : i32
      %dma_start3A_1678 = arith.constant 0 : i32
      %dma_start3A_1679 = tpu.memref_slice %arg9[%dma_start3A_1676, %dma_start3A_1677, %dma_start3A_1678] : memref<8x8x128xf32, #tpu.memory_space<vmem>> -> memref<4x8x128xf32, #tpu.memory_space<vmem>>
      %dma_start3A_1680 = arith.constant 0 : i32
      %dma_start3A_1681 = arith.constant 0 : i32
      %dma_start3A_1682 = tpu.memref_slice %arg4[%dma_start3A_1680, %dma_start3A_1681, %multiple_of3A_1670] : memref<8x8x1000000xf32, #tpu.memory_space<hbm>> -> memref<4x8x128xf32, #tpu.memory_space<hbm>>
      %dma_start3A_1683 = arith.constant 0 : i32
      %dma_start3A_1684 = arith.constant 0 : i32
      %dma_start3A_1685 = arith.constant 0 : i32
      %dma_start3A_1686 = tpu.memref_slice %arg9[%dma_start3A_1683, %dma_start3A_1684, %dma_start3A_1685] : memref<8x8x128xf32, #tpu.memory_space<vmem>> -> memref<4x8x128xf32, #tpu.memory_space<vmem>>
      %dma_start3A_1687 = arith.constant 0 : i32
      %dma_start3A_1688 = arith.constant 0 : i32
      %dma_start3A_1689 = tpu.memref_slice %arg4[%dma_start3A_1687, %dma_start3A_1688, %multiple_of3A_1670] : memref<8x8x1000000xf32, #tpu.memory_space<hbm>> -> memref<4x8x128xf32, #tpu.memory_space<hbm>>
      tpu.enqueue_dma source(%dma_start3A_1689 : memref<4x8x128xf32, #tpu.memory_space<hbm>>) target(%dma_start3A_1686 : memref<4x8x128xf32, #tpu.memory_space<vmem>>) target_semaphore(%arg18 : memref<!tpu.dma_semaphore, #tpu.memory_space<semaphore_mem>>)
      %dma_start3A_1690 = arith.constant 0 : i32
      %dma_start3A_1691 = arith.constant 0 : i32
      %dma_start3A_1692 = arith.constant 0 : i32
      %dma_start3A_1693 = tpu.memref_slice %arg13[%dma_start3A_1690, %dma_start3A_1691, %dma_start3A_1692] : memref<8x8x128xf32, #tpu.memory_space<vmem>> -> memref<4x8x128xf32, #tpu.memory_space<vmem>>
      %dma_start3A_1694 = arith.constant 0 : i32
      %dma_start3A_1695 = arith.constant 0 : i32
      %dma_start3A_1696 = tpu.memref_slice %arg5[%dma_start3A_1694, %dma_start3A_1695, %multiple_of3A_1675] : memref<8x8x1000000xf32, #tpu.memory_space<hbm>> -> memref<4x8x128xf32, #tpu.memory_space<hbm>>
      %dma_start3A_1697 = arith.constant 0 : i32
      %dma_start3A_1698 = arith.constant 0 : i32
      %dma_start3A_1699 = arith.constant 0 : i32
      %dma_start3A_1700 = tpu.memref_slice %arg13[%dma_start3A_1697, %dma_start3A_1698, %dma_start3A_1699] : memref<8x8x128xf32, #tpu.memory_space<vmem>> -> memref<4x8x128xf32, #tpu.memory_space<vmem>>
      %dma_start3A_1701 = arith.constant 0 : i32
      %dma_start3A_1702 = arith.constant 0 : i32
      %dma_start3A_1703 = tpu.memref_slice %arg5[%dma_start3A_1701, %dma_start3A_1702, %multiple_of3A_1675] : memref<8x8x1000000xf32, #tpu.memory_space<hbm>> -> memref<4x8x128xf32, #tpu.memory_space<hbm>>
      tpu.enqueue_dma source(%dma_start3A_1703 : memref<4x8x128xf32, #tpu.memory_space<hbm>>) target(%dma_start3A_1700 : memref<4x8x128xf32, #tpu.memory_space<vmem>>) target_semaphore(%arg18 : memref<!tpu.dma_semaphore, #tpu.memory_space<semaphore_mem>>)
      %dma_start3A_1704 = arith.constant 4 : i32
      %dma_start3A_1705 = arith.constant 0 : i32
      %dma_start3A_1706 = arith.constant 0 : i32
      %dma_start3A_1707 = tpu.memref_slice %arg9[%dma_start3A_1704, %dma_start3A_1705, %dma_start3A_1706] : memref<8x8x128xf32, #tpu.memory_space<vmem>> -> memref<4x8x128xf32, #tpu.memory_space<vmem>>
      %dma_start3A_1708 = arith.constant 4 : i32
      %dma_start3A_1709 = arith.constant 0 : i32
      %dma_start3A_1710 = tpu.memref_slice %arg4[%dma_start3A_1708, %dma_start3A_1709, %multiple_of3A_1670] : memref<8x8x1000000xf32, #tpu.memory_space<hbm>> -> memref<4x8x128xf32, #tpu.memory_space<hbm>>
      %dma_start3A_1711 = arith.constant 4 : i32
      %dma_start3A_1712 = arith.constant 0 : i32
      %dma_start3A_1713 = arith.constant 0 : i32
      %dma_start3A_1714 = tpu.memref_slice %arg9[%dma_start3A_1711, %dma_start3A_1712, %dma_start3A_1713] : memref<8x8x128xf32, #tpu.memory_space<vmem>> -> memref<4x8x128xf32, #tpu.memory_space<vmem>>
      %dma_start3A_1715 = arith.constant 4 : i32
      %dma_start3A_1716 = arith.constant 0 : i32
      %dma_start3A_1717 = tpu.memref_slice %arg4[%dma_start3A_1715, %dma_start3A_1716, %multiple_of3A_1670] : memref<8x8x1000000xf32, #tpu.memory_space<hbm>> -> memref<4x8x128xf32, #tpu.memory_space<hbm>>
      tpu.enqueue_dma source(%dma_start3A_1717 : memref<4x8x128xf32, #tpu.memory_space<hbm>>) target(%dma_start3A_1714 : memref<4x8x128xf32, #tpu.memory_space<vmem>>) target_semaphore(%arg18 : memref<!tpu.dma_semaphore, #tpu.memory_space<semaphore_mem>>)
      %dma_start3A_1718 = arith.constant 4 : i32
      %dma_start3A_1719 = arith.constant 0 : i32
      %dma_start3A_1720 = arith.constant 0 : i32
      %dma_start3A_1721 = tpu.memref_slice %arg13[%dma_start3A_1718, %dma_start3A_1719, %dma_start3A_1720] : memref<8x8x128xf32, #tpu.memory_space<vmem>> -> memref<4x8x128xf32, #tpu.memory_space<vmem>>
      %dma_start3A_1722 = arith.constant 4 : i32
      %dma_start3A_1723 = arith.constant 0 : i32
      %dma_start3A_1724 = tpu.memref_slice %arg5[%dma_start3A_1722, %dma_start3A_1723, %multiple_of3A_1675] : memref<8x8x1000000xf32, #tpu.memory_space<hbm>> -> memref<4x8x128xf32, #tpu.memory_space<hbm>>
      %dma_start3A_1725 = arith.constant 4 : i32
      %dma_start3A_1726 = arith.constant 0 : i32
      %dma_start3A_1727 = arith.constant 0 : i32
      %dma_start3A_1728 = tpu.memref_slice %arg13[%dma_start3A_1725, %dma_start3A_1726, %dma_start3A_1727] : memref<8x8x128xf32, #tpu.memory_space<vmem>> -> memref<4x8x128xf32, #tpu.memory_space<vmem>>
      %dma_start3A_1729 = arith.constant 4 : i32
      %dma_start3A_1730 = arith.constant 0 : i32
      %dma_start3A_1731 = tpu.memref_slice %arg5[%dma_start3A_1729, %dma_start3A_1730, %multiple_of3A_1675] : memref<8x8x1000000xf32, #tpu.memory_space<hbm>> -> memref<4x8x128xf32, #tpu.memory_space<hbm>>
      tpu.enqueue_dma source(%dma_start3A_1731 : memref<4x8x128xf32, #tpu.memory_space<hbm>>) target(%dma_start3A_1728 : memref<4x8x128xf32, #tpu.memory_space<vmem>>) target_semaphore(%arg18 : memref<!tpu.dma_semaphore, #tpu.memory_space<semaphore_mem>>)
      %dma_wait3A_1732 = arith.constant 0 : i32
      %dma_wait3A_1733 = arith.constant 0 : i32
      %dma_wait3A_1734 = arith.constant 0 : i32
      %dma_wait3A_1735 = tpu.memref_slice %arg4[%dma_wait3A_1732, %dma_wait3A_1733, %dma_wait3A_1734] : memref<8x8x1000000xf32, #tpu.memory_space<hbm>> -> memref<8x8x128xf32, #tpu.memory_space<hbm>>
      %dma_wait3A_1736 = arith.constant 0 : i32
      %dma_wait3A_1737 = arith.constant 0 : i32
      %dma_wait3A_1738 = arith.constant 0 : i32
      %dma_wait3A_1739 = tpu.memref_slice %arg4[%dma_wait3A_1736, %dma_wait3A_1737, %dma_wait3A_1738] : memref<8x8x1000000xf32, #tpu.memory_space<hbm>> -> memref<8x8x128xf32, #tpu.memory_space<hbm>>
      tpu.wait_dma2 semaphore(%arg19 : memref<!tpu.dma_semaphore, #tpu.memory_space<semaphore_mem>>) src(%dma_wait3A_1739 : memref<8x8x128xf32, #tpu.memory_space<hbm>>) dst(%arg10 : memref<8x8x128xf32, #tpu.memory_space<vmem>>)
      %dma_wait3A_1740 = arith.constant 0 : i32
      %dma_wait3A_1741 = arith.constant 0 : i32
      %dma_wait3A_1742 = arith.constant 0 : i32
      %dma_wait3A_1743 = tpu.memref_slice %arg5[%dma_wait3A_1740, %dma_wait3A_1741, %dma_wait3A_1742] : memref<8x8x1000000xf32, #tpu.memory_space<hbm>> -> memref<8x8x128xf32, #tpu.memory_space<hbm>>
      %dma_wait3A_1744 = arith.constant 0 : i32
      %dma_wait3A_1745 = arith.constant 0 : i32
      %dma_wait3A_1746 = arith.constant 0 : i32
      %dma_wait3A_1747 = tpu.memref_slice %arg5[%dma_wait3A_1744, %dma_wait3A_1745, %dma_wait3A_1746] : memref<8x8x1000000xf32, #tpu.memory_space<hbm>> -> memref<8x8x128xf32, #tpu.memory_space<hbm>>
      tpu.wait_dma2 semaphore(%arg19 : memref<!tpu.dma_semaphore, #tpu.memory_space<semaphore_mem>>) src(%dma_wait3A_1747 : memref<8x8x128xf32, #tpu.memory_space<hbm>>) dst(%arg14 : memref<8x8x128xf32, #tpu.memory_space<vmem>>)
      %mul3A_1748 = arith.constant 16 : i32
      %mul3A_1749 = arith.muli %scan3A_381, %mul3A_1748 : i32
      %add3A_1750 = arith.constant 9 : i32
      %add3A_1751 = arith.addi %mul3A_1749, %add3A_1750 : i32
      %and3A_1752 = arith.constant 63 : i32
      %and3A_1753 = arith.andi %add3A_1751, %and3A_1752 : i32
      %mul3A_1754 = arith.constant 0 : i32
      %mul3A_1755 = vector.broadcast %mul3A_1754 : i32 to vector<16xi32>
      %mul3A_1756 = arith.muli %iota3A, %mul3A_1755 : vector<16xi32>
      %and3A_1757 = arith.constant 127 : i32
      %and3A_1758 = arith.andi %squeeze3A_409, %and3A_1757 : i32
      %add3A_1759 = vector.broadcast %and3A_1758 : i32 to vector<16xi32>
      %add3A_1760 = arith.addi %mul3A_1756, %add3A_1759 : vector<16xi32>
      %mul3A_1761 = arith.constant 0 : i32
      %mul3A_1762 = vector.broadcast %mul3A_1761 : i32 to vector<16xi32>
      %mul3A_1763 = arith.muli %iota3A, %mul3A_1762 : vector<16xi32>
      %and3A_1764 = arith.constant 127 : i32
      %and3A_1765 = arith.andi %squeeze3A_441, %and3A_1764 : i32
      %add3A_1766 = vector.broadcast %and3A_1765 : i32 to vector<16xi32>
      %add3A_1767 = arith.addi %mul3A_1763, %add3A_1766 : vector<16xi32>
      %gather3A_1768 = tpu.vector_load_idx %arg10[%shift_right_arithmetic3A_7, %and3A_30, %add3A_1760] : memref<8x8x128xf32, #tpu.memory_space<vmem>>[vector<16xi32>, vector<16xi32>, vector<16xi32>], vector<16xf32>,
      %gather3A_1769 = tpu.vector_load_idx %arg14[%shift_right_arithmetic3A_7, %and3A_30, %add3A_1767] : memref<8x8x128xf32, #tpu.memory_space<vmem>>[vector<16xi32>, vector<16xi32>, vector<16xi32>], vector<16xf32>,
      %swap3A_1770 = arith.index_cast %and3A_1753 : i32 to index
      %swap3A_1771 = arith.constant 0 : index
      %swap3A_1772 = tpu.vector_load %arg17[%swap3A_1770, %swap3A_1771] {strides = array<i32>} : memref<64x128xf32, #tpu.memory_space<vmem>>, vector<16xf32>,
      tpu.vector_store %arg17[%swap3A_1770, %swap3A_1771], %gather3A_1768 {strides = array<i32>} : memref<64x128xf32, #tpu.memory_space<vmem>>, vector<16xf32>,
      %swap3A_1773 = arith.index_cast %and3A_1753 : i32 to index
      %swap3A_1774 = arith.constant 64 : index
      %swap3A_1775 = tpu.vector_load %arg17[%swap3A_1773, %swap3A_1774] {strides = array<i32>} : memref<64x128xf32, #tpu.memory_space<vmem>>, vector<16xf32>,
      tpu.vector_store %arg17[%swap3A_1773, %swap3A_1774], %gather3A_1769 {strides = array<i32>} : memref<64x128xf32, #tpu.memory_space<vmem>>, vector<16xf32>,
      %gather3A_1776 = tpu.vector_load_idx %arg10[%shift_right_arithmetic3A_13, %and3A_36, %add3A_1760] : memref<8x8x128xf32, #tpu.memory_space<vmem>>[vector<16xi32>, vector<16xi32>, vector<16xi32>], vector<16xf32>,
      %gather3A_1777 = tpu.vector_load_idx %arg14[%shift_right_arithmetic3A_13, %and3A_36, %add3A_1767] : memref<8x8x128xf32, #tpu.memory_space<vmem>>[vector<16xi32>, vector<16xi32>, vector<16xi32>], vector<16xf32>,
      %swap3A_1778 = arith.index_cast %and3A_1753 : i32 to index
      %swap3A_1779 = arith.constant 16 : index
      %swap3A_1780 = tpu.vector_load %arg17[%swap3A_1778, %swap3A_1779] {strides = array<i32>} : memref<64x128xf32, #tpu.memory_space<vmem>>, vector<16xf32>,
      tpu.vector_store %arg17[%swap3A_1778, %swap3A_1779], %gather3A_1776 {strides = array<i32>} : memref<64x128xf32, #tpu.memory_space<vmem>>, vector<16xf32>,
      %swap3A_1781 = arith.index_cast %and3A_1753 : i32 to index
      %swap3A_1782 = arith.constant 80 : index
      %swap3A_1783 = tpu.vector_load %arg17[%swap3A_1781, %swap3A_1782] {strides = array<i32>} : memref<64x128xf32, #tpu.memory_space<vmem>>, vector<16xf32>,
      tpu.vector_store %arg17[%swap3A_1781, %swap3A_1782], %gather3A_1777 {strides = array<i32>} : memref<64x128xf32, #tpu.memory_space<vmem>>, vector<16xf32>,
      %gather3A_1784 = tpu.vector_load_idx %arg10[%shift_right_arithmetic3A_19, %and3A_42, %add3A_1760] : memref<8x8x128xf32, #tpu.memory_space<vmem>>[vector<16xi32>, vector<16xi32>, vector<16xi32>], vector<16xf32>,
      %gather3A_1785 = tpu.vector_load_idx %arg14[%shift_right_arithmetic3A_19, %and3A_42, %add3A_1767] : memref<8x8x128xf32, #tpu.memory_space<vmem>>[vector<16xi32>, vector<16xi32>, vector<16xi32>], vector<16xf32>,
      %swap3A_1786 = arith.index_cast %and3A_1753 : i32 to index
      %swap3A_1787 = arith.constant 32 : index
      %swap3A_1788 = tpu.vector_load %arg17[%swap3A_1786, %swap3A_1787] {strides = array<i32>} : memref<64x128xf32, #tpu.memory_space<vmem>>, vector<16xf32>,
      tpu.vector_store %arg17[%swap3A_1786, %swap3A_1787], %gather3A_1784 {strides = array<i32>} : memref<64x128xf32, #tpu.memory_space<vmem>>, vector<16xf32>,
      %swap3A_1789 = arith.index_cast %and3A_1753 : i32 to index
      %swap3A_1790 = arith.constant 96 : index
      %swap3A_1791 = tpu.vector_load %arg17[%swap3A_1789, %swap3A_1790] {strides = array<i32>} : memref<64x128xf32, #tpu.memory_space<vmem>>, vector<16xf32>,
      tpu.vector_store %arg17[%swap3A_1789, %swap3A_1790], %gather3A_1785 {strides = array<i32>} : memref<64x128xf32, #tpu.memory_space<vmem>>, vector<16xf32>,
      %gather3A_1792 = tpu.vector_load_idx %arg10[%shift_right_arithmetic3A_25, %and3A_48, %add3A_1760] : memref<8x8x128xf32, #tpu.memory_space<vmem>>[vector<16xi32>, vector<16xi32>, vector<16xi32>], vector<16xf32>,
      %gather3A_1793 = tpu.vector_load_idx %arg14[%shift_right_arithmetic3A_25, %and3A_48, %add3A_1767] : memref<8x8x128xf32, #tpu.memory_space<vmem>>[vector<16xi32>, vector<16xi32>, vector<16xi32>], vector<16xf32>,
      %swap3A_1794 = arith.index_cast %and3A_1753 : i32 to index
      %swap3A_1795 = arith.constant 48 : index
      %swap3A_1796 = tpu.vector_load %arg17[%swap3A_1794, %swap3A_1795] {strides = array<i32>} : memref<64x128xf32, #tpu.memory_space<vmem>>, vector<16xf32>,
      tpu.vector_store %arg17[%swap3A_1794, %swap3A_1795], %gather3A_1792 {strides = array<i32>} : memref<64x128xf32, #tpu.memory_space<vmem>>, vector<16xf32>,
      %swap3A_1797 = arith.index_cast %and3A_1753 : i32 to index
      %swap3A_1798 = arith.constant 112 : index
      %swap3A_1799 = tpu.vector_load %arg17[%swap3A_1797, %swap3A_1798] {strides = array<i32>} : memref<64x128xf32, #tpu.memory_space<vmem>>, vector<16xf32>,
      tpu.vector_store %arg17[%swap3A_1797, %swap3A_1798], %gather3A_1793 {strides = array<i32>} : memref<64x128xf32, #tpu.memory_space<vmem>>, vector<16xf32>,
      %shift_right_arithmetic3A_1800 = arith.constant 7 : i32
      %shift_right_arithmetic3A_1801 = arith.shrsi %squeeze3A_417, %shift_right_arithmetic3A_1800 : i32
      %mul3A_1802 = arith.constant 128 : i32
      %mul3A_1803 = arith.muli %shift_right_arithmetic3A_1801, %mul3A_1802 : i32
      %multiple_of3A_1804 = tpu.assume_multiple %mul3A_1803, 128 : i32
      %shift_right_arithmetic3A_1805 = arith.constant 7 : i32
      %shift_right_arithmetic3A_1806 = arith.shrsi %squeeze3A_449, %shift_right_arithmetic3A_1805 : i32
      %mul3A_1807 = arith.constant 128 : i32
      %mul3A_1808 = arith.muli %shift_right_arithmetic3A_1806, %mul3A_1807 : i32
      %multiple_of3A_1809 = tpu.assume_multiple %mul3A_1808, 128 : i32
      %dma_start3A_1810 = arith.constant 0 : i32
      %dma_start3A_1811 = arith.constant 0 : i32
      %dma_start3A_1812 = arith.constant 0 : i32
      %dma_start3A_1813 = tpu.memref_slice %arg10[%dma_start3A_1810, %dma_start3A_1811, %dma_start3A_1812] : memref<8x8x128xf32, #tpu.memory_space<vmem>> -> memref<4x8x128xf32, #tpu.memory_space<vmem>>
      %dma_start3A_1814 = arith.constant 0 : i32
      %dma_start3A_1815 = arith.constant 0 : i32
      %dma_start3A_1816 = tpu.memref_slice %arg4[%dma_start3A_1814, %dma_start3A_1815, %multiple_of3A_1804] : memref<8x8x1000000xf32, #tpu.memory_space<hbm>> -> memref<4x8x128xf32, #tpu.memory_space<hbm>>
      %dma_start3A_1817 = arith.constant 0 : i32
      %dma_start3A_1818 = arith.constant 0 : i32
      %dma_start3A_1819 = arith.constant 0 : i32
      %dma_start3A_1820 = tpu.memref_slice %arg10[%dma_start3A_1817, %dma_start3A_1818, %dma_start3A_1819] : memref<8x8x128xf32, #tpu.memory_space<vmem>> -> memref<4x8x128xf32, #tpu.memory_space<vmem>>
      %dma_start3A_1821 = arith.constant 0 : i32
      %dma_start3A_1822 = arith.constant 0 : i32
      %dma_start3A_1823 = tpu.memref_slice %arg4[%dma_start3A_1821, %dma_start3A_1822, %multiple_of3A_1804] : memref<8x8x1000000xf32, #tpu.memory_space<hbm>> -> memref<4x8x128xf32, #tpu.memory_space<hbm>>
      tpu.enqueue_dma source(%dma_start3A_1823 : memref<4x8x128xf32, #tpu.memory_space<hbm>>) target(%dma_start3A_1820 : memref<4x8x128xf32, #tpu.memory_space<vmem>>) target_semaphore(%arg19 : memref<!tpu.dma_semaphore, #tpu.memory_space<semaphore_mem>>)
      %dma_start3A_1824 = arith.constant 0 : i32
      %dma_start3A_1825 = arith.constant 0 : i32
      %dma_start3A_1826 = arith.constant 0 : i32
      %dma_start3A_1827 = tpu.memref_slice %arg14[%dma_start3A_1824, %dma_start3A_1825, %dma_start3A_1826] : memref<8x8x128xf32, #tpu.memory_space<vmem>> -> memref<4x8x128xf32, #tpu.memory_space<vmem>>
      %dma_start3A_1828 = arith.constant 0 : i32
      %dma_start3A_1829 = arith.constant 0 : i32
      %dma_start3A_1830 = tpu.memref_slice %arg5[%dma_start3A_1828, %dma_start3A_1829, %multiple_of3A_1809] : memref<8x8x1000000xf32, #tpu.memory_space<hbm>> -> memref<4x8x128xf32, #tpu.memory_space<hbm>>
      %dma_start3A_1831 = arith.constant 0 : i32
      %dma_start3A_1832 = arith.constant 0 : i32
      %dma_start3A_1833 = arith.constant 0 : i32
      %dma_start3A_1834 = tpu.memref_slice %arg14[%dma_start3A_1831, %dma_start3A_1832, %dma_start3A_1833] : memref<8x8x128xf32, #tpu.memory_space<vmem>> -> memref<4x8x128xf32, #tpu.memory_space<vmem>>
      %dma_start3A_1835 = arith.constant 0 : i32
      %dma_start3A_1836 = arith.constant 0 : i32
      %dma_start3A_1837 = tpu.memref_slice %arg5[%dma_start3A_1835, %dma_start3A_1836, %multiple_of3A_1809] : memref<8x8x1000000xf32, #tpu.memory_space<hbm>> -> memref<4x8x128xf32, #tpu.memory_space<hbm>>
      tpu.enqueue_dma source(%dma_start3A_1837 : memref<4x8x128xf32, #tpu.memory_space<hbm>>) target(%dma_start3A_1834 : memref<4x8x128xf32, #tpu.memory_space<vmem>>) target_semaphore(%arg19 : memref<!tpu.dma_semaphore, #tpu.memory_space<semaphore_mem>>)
      %dma_start3A_1838 = arith.constant 4 : i32
      %dma_start3A_1839 = arith.constant 0 : i32
      %dma_start3A_1840 = arith.constant 0 : i32
      %dma_start3A_1841 = tpu.memref_slice %arg10[%dma_start3A_1838, %dma_start3A_1839, %dma_start3A_1840] : memref<8x8x128xf32, #tpu.memory_space<vmem>> -> memref<4x8x128xf32, #tpu.memory_space<vmem>>
      %dma_start3A_1842 = arith.constant 4 : i32
      %dma_start3A_1843 = arith.constant 0 : i32
      %dma_start3A_1844 = tpu.memref_slice %arg4[%dma_start3A_1842, %dma_start3A_1843, %multiple_of3A_1804] : memref<8x8x1000000xf32, #tpu.memory_space<hbm>> -> memref<4x8x128xf32, #tpu.memory_space<hbm>>
      %dma_start3A_1845 = arith.constant 4 : i32
      %dma_start3A_1846 = arith.constant 0 : i32
      %dma_start3A_1847 = arith.constant 0 : i32
      %dma_start3A_1848 = tpu.memref_slice %arg10[%dma_start3A_1845, %dma_start3A_1846, %dma_start3A_1847] : memref<8x8x128xf32, #tpu.memory_space<vmem>> -> memref<4x8x128xf32, #tpu.memory_space<vmem>>
      %dma_start3A_1849 = arith.constant 4 : i32
      %dma_start3A_1850 = arith.constant 0 : i32
      %dma_start3A_1851 = tpu.memref_slice %arg4[%dma_start3A_1849, %dma_start3A_1850, %multiple_of3A_1804] : memref<8x8x1000000xf32, #tpu.memory_space<hbm>> -> memref<4x8x128xf32, #tpu.memory_space<hbm>>
      tpu.enqueue_dma source(%dma_start3A_1851 : memref<4x8x128xf32, #tpu.memory_space<hbm>>) target(%dma_start3A_1848 : memref<4x8x128xf32, #tpu.memory_space<vmem>>) target_semaphore(%arg19 : memref<!tpu.dma_semaphore, #tpu.memory_space<semaphore_mem>>)
      %dma_start3A_1852 = arith.constant 4 : i32
      %dma_start3A_1853 = arith.constant 0 : i32
      %dma_start3A_1854 = arith.constant 0 : i32
      %dma_start3A_1855 = tpu.memref_slice %arg14[%dma_start3A_1852, %dma_start3A_1853, %dma_start3A_1854] : memref<8x8x128xf32, #tpu.memory_space<vmem>> -> memref<4x8x128xf32, #tpu.memory_space<vmem>>
      %dma_start3A_1856 = arith.constant 4 : i32
      %dma_start3A_1857 = arith.constant 0 : i32
      %dma_start3A_1858 = tpu.memref_slice %arg5[%dma_start3A_1856, %dma_start3A_1857, %multiple_of3A_1809] : memref<8x8x1000000xf32, #tpu.memory_space<hbm>> -> memref<4x8x128xf32, #tpu.memory_space<hbm>>
      %dma_start3A_1859 = arith.constant 4 : i32
      %dma_start3A_1860 = arith.constant 0 : i32
      %dma_start3A_1861 = arith.constant 0 : i32
      %dma_start3A_1862 = tpu.memref_slice %arg14[%dma_start3A_1859, %dma_start3A_1860, %dma_start3A_1861] : memref<8x8x128xf32, #tpu.memory_space<vmem>> -> memref<4x8x128xf32, #tpu.memory_space<vmem>>
      %dma_start3A_1863 = arith.constant 4 : i32
      %dma_start3A_1864 = arith.constant 0 : i32
      %dma_start3A_1865 = tpu.memref_slice %arg5[%dma_start3A_1863, %dma_start3A_1864, %multiple_of3A_1809] : memref<8x8x1000000xf32, #tpu.memory_space<hbm>> -> memref<4x8x128xf32, #tpu.memory_space<hbm>>
      tpu.enqueue_dma source(%dma_start3A_1865 : memref<4x8x128xf32, #tpu.memory_space<hbm>>) target(%dma_start3A_1862 : memref<4x8x128xf32, #tpu.memory_space<vmem>>) target_semaphore(%arg19 : memref<!tpu.dma_semaphore, #tpu.memory_space<semaphore_mem>>)
      %dma_wait3A_1866 = arith.constant 0 : i32
      %dma_wait3A_1867 = arith.constant 0 : i32
      %dma_wait3A_1868 = arith.constant 0 : i32
      %dma_wait3A_1869 = tpu.memref_slice %arg4[%dma_wait3A_1866, %dma_wait3A_1867, %dma_wait3A_1868] : memref<8x8x1000000xf32, #tpu.memory_space<hbm>> -> memref<8x8x128xf32, #tpu.memory_space<hbm>>
      %dma_wait3A_1870 = arith.constant 0 : i32
      %dma_wait3A_1871 = arith.constant 0 : i32
      %dma_wait3A_1872 = arith.constant 0 : i32
      %dma_wait3A_1873 = tpu.memref_slice %arg4[%dma_wait3A_1870, %dma_wait3A_1871, %dma_wait3A_1872] : memref<8x8x1000000xf32, #tpu.memory_space<hbm>> -> memref<8x8x128xf32, #tpu.memory_space<hbm>>
      tpu.wait_dma2 semaphore(%arg20 : memref<!tpu.dma_semaphore, #tpu.memory_space<semaphore_mem>>) src(%dma_wait3A_1873 : memref<8x8x128xf32, #tpu.memory_space<hbm>>) dst(%arg11 : memref<8x8x128xf32, #tpu.memory_space<vmem>>)
      %dma_wait3A_1874 = arith.constant 0 : i32
      %dma_wait3A_1875 = arith.constant 0 : i32
      %dma_wait3A_1876 = arith.constant 0 : i32
      %dma_wait3A_1877 = tpu.memref_slice %arg5[%dma_wait3A_1874, %dma_wait3A_1875, %dma_wait3A_1876] : memref<8x8x1000000xf32, #tpu.memory_space<hbm>> -> memref<8x8x128xf32, #tpu.memory_space<hbm>>
      %dma_wait3A_1878 = arith.constant 0 : i32
      %dma_wait3A_1879 = arith.constant 0 : i32
      %dma_wait3A_1880 = arith.constant 0 : i32
      %dma_wait3A_1881 = tpu.memref_slice %arg5[%dma_wait3A_1878, %dma_wait3A_1879, %dma_wait3A_1880] : memref<8x8x1000000xf32, #tpu.memory_space<hbm>> -> memref<8x8x128xf32, #tpu.memory_space<hbm>>
      tpu.wait_dma2 semaphore(%arg20 : memref<!tpu.dma_semaphore, #tpu.memory_space<semaphore_mem>>) src(%dma_wait3A_1881 : memref<8x8x128xf32, #tpu.memory_space<hbm>>) dst(%arg15 : memref<8x8x128xf32, #tpu.memory_space<vmem>>)
      %mul3A_1882 = arith.constant 16 : i32
      %mul3A_1883 = arith.muli %scan3A_381, %mul3A_1882 : i32
      %add3A_1884 = arith.constant 10 : i32
      %add3A_1885 = arith.addi %mul3A_1883, %add3A_1884 : i32
      %and3A_1886 = arith.constant 63 : i32
      %and3A_1887 = arith.andi %add3A_1885, %and3A_1886 : i32
      %mul3A_1888 = arith.constant 0 : i32
      %mul3A_1889 = vector.broadcast %mul3A_1888 : i32 to vector<16xi32>
      %mul3A_1890 = arith.muli %iota3A, %mul3A_1889 : vector<16xi32>
      %and3A_1891 = arith.constant 127 : i32
      %and3A_1892 = arith.andi %squeeze3A_411, %and3A_1891 : i32
      %add3A_1893 = vector.broadcast %and3A_1892 : i32 to vector<16xi32>
      %add3A_1894 = arith.addi %mul3A_1890, %add3A_1893 : vector<16xi32>
      %mul3A_1895 = arith.constant 0 : i32
      %mul3A_1896 = vector.broadcast %mul3A_1895 : i32 to vector<16xi32>
      %mul3A_1897 = arith.muli %iota3A, %mul3A_1896 : vector<16xi32>
      %and3A_1898 = arith.constant 127 : i32
      %and3A_1899 = arith.andi %squeeze3A_443, %and3A_1898 : i32
      %add3A_1900 = vector.broadcast %and3A_1899 : i32 to vector<16xi32>
      %add3A_1901 = arith.addi %mul3A_1897, %add3A_1900 : vector<16xi32>
      %gather3A_1902 = tpu.vector_load_idx %arg11[%shift_right_arithmetic3A_7, %and3A_30, %add3A_1894] : memref<8x8x128xf32, #tpu.memory_space<vmem>>[vector<16xi32>, vector<16xi32>, vector<16xi32>], vector<16xf32>,
      %gather3A_1903 = tpu.vector_load_idx %arg15[%shift_right_arithmetic3A_7, %and3A_30, %add3A_1901] : memref<8x8x128xf32, #tpu.memory_space<vmem>>[vector<16xi32>, vector<16xi32>, vector<16xi32>], vector<16xf32>,
      %swap3A_1904 = arith.index_cast %and3A_1887 : i32 to index
      %swap3A_1905 = arith.constant 0 : index
      %swap3A_1906 = tpu.vector_load %arg17[%swap3A_1904, %swap3A_1905] {strides = array<i32>} : memref<64x128xf32, #tpu.memory_space<vmem>>, vector<16xf32>,
      tpu.vector_store %arg17[%swap3A_1904, %swap3A_1905], %gather3A_1902 {strides = array<i32>} : memref<64x128xf32, #tpu.memory_space<vmem>>, vector<16xf32>,
      %swap3A_1907 = arith.index_cast %and3A_1887 : i32 to index
      %swap3A_1908 = arith.constant 64 : index
      %swap3A_1909 = tpu.vector_load %arg17[%swap3A_1907, %swap3A_1908] {strides = array<i32>} : memref<64x128xf32, #tpu.memory_space<vmem>>, vector<16xf32>,
      tpu.vector_store %arg17[%swap3A_1907, %swap3A_1908], %gather3A_1903 {strides = array<i32>} : memref<64x128xf32, #tpu.memory_space<vmem>>, vector<16xf32>,
      %gather3A_1910 = tpu.vector_load_idx %arg11[%shift_right_arithmetic3A_13, %and3A_36, %add3A_1894] : memref<8x8x128xf32, #tpu.memory_space<vmem>>[vector<16xi32>, vector<16xi32>, vector<16xi32>], vector<16xf32>,
      %gather3A_1911 = tpu.vector_load_idx %arg15[%shift_right_arithmetic3A_13, %and3A_36, %add3A_1901] : memref<8x8x128xf32, #tpu.memory_space<vmem>>[vector<16xi32>, vector<16xi32>, vector<16xi32>], vector<16xf32>,
      %swap3A_1912 = arith.index_cast %and3A_1887 : i32 to index
      %swap3A_1913 = arith.constant 16 : index
      %swap3A_1914 = tpu.vector_load %arg17[%swap3A_1912, %swap3A_1913] {strides = array<i32>} : memref<64x128xf32, #tpu.memory_space<vmem>>, vector<16xf32>,
      tpu.vector_store %arg17[%swap3A_1912, %swap3A_1913], %gather3A_1910 {strides = array<i32>} : memref<64x128xf32, #tpu.memory_space<vmem>>, vector<16xf32>,
      %swap3A_1915 = arith.index_cast %and3A_1887 : i32 to index
      %swap3A_1916 = arith.constant 80 : index
      %swap3A_1917 = tpu.vector_load %arg17[%swap3A_1915, %swap3A_1916] {strides = array<i32>} : memref<64x128xf32, #tpu.memory_space<vmem>>, vector<16xf32>,
      tpu.vector_store %arg17[%swap3A_1915, %swap3A_1916], %gather3A_1911 {strides = array<i32>} : memref<64x128xf32, #tpu.memory_space<vmem>>, vector<16xf32>,
      %gather3A_1918 = tpu.vector_load_idx %arg11[%shift_right_arithmetic3A_19, %and3A_42, %add3A_1894] : memref<8x8x128xf32, #tpu.memory_space<vmem>>[vector<16xi32>, vector<16xi32>, vector<16xi32>], vector<16xf32>,
      %gather3A_1919 = tpu.vector_load_idx %arg15[%shift_right_arithmetic3A_19, %and3A_42, %add3A_1901] : memref<8x8x128xf32, #tpu.memory_space<vmem>>[vector<16xi32>, vector<16xi32>, vector<16xi32>], vector<16xf32>,
      %swap3A_1920 = arith.index_cast %and3A_1887 : i32 to index
      %swap3A_1921 = arith.constant 32 : index
      %swap3A_1922 = tpu.vector_load %arg17[%swap3A_1920, %swap3A_1921] {strides = array<i32>} : memref<64x128xf32, #tpu.memory_space<vmem>>, vector<16xf32>,
      tpu.vector_store %arg17[%swap3A_1920, %swap3A_1921], %gather3A_1918 {strides = array<i32>} : memref<64x128xf32, #tpu.memory_space<vmem>>, vector<16xf32>,
      %swap3A_1923 = arith.index_cast %and3A_1887 : i32 to index
      %swap3A_1924 = arith.constant 96 : index
      %swap3A_1925 = tpu.vector_load %arg17[%swap3A_1923, %swap3A_1924] {strides = array<i32>} : memref<64x128xf32, #tpu.memory_space<vmem>>, vector<16xf32>,
      tpu.vector_store %arg17[%swap3A_1923, %swap3A_1924], %gather3A_1919 {strides = array<i32>} : memref<64x128xf32, #tpu.memory_space<vmem>>, vector<16xf32>,
      %gather3A_1926 = tpu.vector_load_idx %arg11[%shift_right_arithmetic3A_25, %and3A_48, %add3A_1894] : memref<8x8x128xf32, #tpu.memory_space<vmem>>[vector<16xi32>, vector<16xi32>, vector<16xi32>], vector<16xf32>,
      %gather3A_1927 = tpu.vector_load_idx %arg15[%shift_right_arithmetic3A_25, %and3A_48, %add3A_1901] : memref<8x8x128xf32, #tpu.memory_space<vmem>>[vector<16xi32>, vector<16xi32>, vector<16xi32>], vector<16xf32>,
      %swap3A_1928 = arith.index_cast %and3A_1887 : i32 to index
      %swap3A_1929 = arith.constant 48 : index
      %swap3A_1930 = tpu.vector_load %arg17[%swap3A_1928, %swap3A_1929] {strides = array<i32>} : memref<64x128xf32, #tpu.memory_space<vmem>>, vector<16xf32>,
      tpu.vector_store %arg17[%swap3A_1928, %swap3A_1929], %gather3A_1926 {strides = array<i32>} : memref<64x128xf32, #tpu.memory_space<vmem>>, vector<16xf32>,
      %swap3A_1931 = arith.index_cast %and3A_1887 : i32 to index
      %swap3A_1932 = arith.constant 112 : index
      %swap3A_1933 = tpu.vector_load %arg17[%swap3A_1931, %swap3A_1932] {strides = array<i32>} : memref<64x128xf32, #tpu.memory_space<vmem>>, vector<16xf32>,
      tpu.vector_store %arg17[%swap3A_1931, %swap3A_1932], %gather3A_1927 {strides = array<i32>} : memref<64x128xf32, #tpu.memory_space<vmem>>, vector<16xf32>,
      %shift_right_arithmetic3A_1934 = arith.constant 7 : i32
      %shift_right_arithmetic3A_1935 = arith.shrsi %squeeze3A_419, %shift_right_arithmetic3A_1934 : i32
      %mul3A_1936 = arith.constant 128 : i32
      %mul3A_1937 = arith.muli %shift_right_arithmetic3A_1935, %mul3A_1936 : i32
      %multiple_of3A_1938 = tpu.assume_multiple %mul3A_1937, 128 : i32
      %shift_right_arithmetic3A_1939 = arith.constant 7 : i32
      %shift_right_arithmetic3A_1940 = arith.shrsi %squeeze3A_451, %shift_right_arithmetic3A_1939 : i32
      %mul3A_1941 = arith.constant 128 : i32
      %mul3A_1942 = arith.muli %shift_right_arithmetic3A_1940, %mul3A_1941 : i32
      %multiple_of3A_1943 = tpu.assume_multiple %mul3A_1942, 128 : i32
      %dma_start3A_1944 = arith.constant 0 : i32
      %dma_start3A_1945 = arith.constant 0 : i32
      %dma_start3A_1946 = arith.constant 0 : i32
      %dma_start3A_1947 = tpu.memref_slice %arg11[%dma_start3A_1944, %dma_start3A_1945, %dma_start3A_1946] : memref<8x8x128xf32, #tpu.memory_space<vmem>> -> memref<4x8x128xf32, #tpu.memory_space<vmem>>
      %dma_start3A_1948 = arith.constant 0 : i32
      %dma_start3A_1949 = arith.constant 0 : i32
      %dma_start3A_1950 = tpu.memref_slice %arg4[%dma_start3A_1948, %dma_start3A_1949, %multiple_of3A_1938] : memref<8x8x1000000xf32, #tpu.memory_space<hbm>> -> memref<4x8x128xf32, #tpu.memory_space<hbm>>
      %dma_start3A_1951 = arith.constant 0 : i32
      %dma_start3A_1952 = arith.constant 0 : i32
      %dma_start3A_1953 = arith.constant 0 : i32
      %dma_start3A_1954 = tpu.memref_slice %arg11[%dma_start3A_1951, %dma_start3A_1952, %dma_start3A_1953] : memref<8x8x128xf32, #tpu.memory_space<vmem>> -> memref<4x8x128xf32, #tpu.memory_space<vmem>>
      %dma_start3A_1955 = arith.constant 0 : i32
      %dma_start3A_1956 = arith.constant 0 : i32
      %dma_start3A_1957 = tpu.memref_slice %arg4[%dma_start3A_1955, %dma_start3A_1956, %multiple_of3A_1938] : memref<8x8x1000000xf32, #tpu.memory_space<hbm>> -> memref<4x8x128xf32, #tpu.memory_space<hbm>>
      tpu.enqueue_dma source(%dma_start3A_1957 : memref<4x8x128xf32, #tpu.memory_space<hbm>>) target(%dma_start3A_1954 : memref<4x8x128xf32, #tpu.memory_space<vmem>>) target_semaphore(%arg20 : memref<!tpu.dma_semaphore, #tpu.memory_space<semaphore_mem>>)
      %dma_start3A_1958 = arith.constant 0 : i32
      %dma_start3A_1959 = arith.constant 0 : i32
      %dma_start3A_1960 = arith.constant 0 : i32
      %dma_start3A_1961 = tpu.memref_slice %arg15[%dma_start3A_1958, %dma_start3A_1959, %dma_start3A_1960] : memref<8x8x128xf32, #tpu.memory_space<vmem>> -> memref<4x8x128xf32, #tpu.memory_space<vmem>>
      %dma_start3A_1962 = arith.constant 0 : i32
      %dma_start3A_1963 = arith.constant 0 : i32
      %dma_start3A_1964 = tpu.memref_slice %arg5[%dma_start3A_1962, %dma_start3A_1963, %multiple_of3A_1943] : memref<8x8x1000000xf32, #tpu.memory_space<hbm>> -> memref<4x8x128xf32, #tpu.memory_space<hbm>>
      %dma_start3A_1965 = arith.constant 0 : i32
      %dma_start3A_1966 = arith.constant 0 : i32
      %dma_start3A_1967 = arith.constant 0 : i32
      %dma_start3A_1968 = tpu.memref_slice %arg15[%dma_start3A_1965, %dma_start3A_1966, %dma_start3A_1967] : memref<8x8x128xf32, #tpu.memory_space<vmem>> -> memref<4x8x128xf32, #tpu.memory_space<vmem>>
      %dma_start3A_1969 = arith.constant 0 : i32
      %dma_start3A_1970 = arith.constant 0 : i32
      %dma_start3A_1971 = tpu.memref_slice %arg5[%dma_start3A_1969, %dma_start3A_1970, %multiple_of3A_1943] : memref<8x8x1000000xf32, #tpu.memory_space<hbm>> -> memref<4x8x128xf32, #tpu.memory_space<hbm>>
      tpu.enqueue_dma source(%dma_start3A_1971 : memref<4x8x128xf32, #tpu.memory_space<hbm>>) target(%dma_start3A_1968 : memref<4x8x128xf32, #tpu.memory_space<vmem>>) target_semaphore(%arg20 : memref<!tpu.dma_semaphore, #tpu.memory_space<semaphore_mem>>)
      %dma_start3A_1972 = arith.constant 4 : i32
      %dma_start3A_1973 = arith.constant 0 : i32
      %dma_start3A_1974 = arith.constant 0 : i32
      %dma_start3A_1975 = tpu.memref_slice %arg11[%dma_start3A_1972, %dma_start3A_1973, %dma_start3A_1974] : memref<8x8x128xf32, #tpu.memory_space<vmem>> -> memref<4x8x128xf32, #tpu.memory_space<vmem>>
      %dma_start3A_1976 = arith.constant 4 : i32
      %dma_start3A_1977 = arith.constant 0 : i32
      %dma_start3A_1978 = tpu.memref_slice %arg4[%dma_start3A_1976, %dma_start3A_1977, %multiple_of3A_1938] : memref<8x8x1000000xf32, #tpu.memory_space<hbm>> -> memref<4x8x128xf32, #tpu.memory_space<hbm>>
      %dma_start3A_1979 = arith.constant 4 : i32
      %dma_start3A_1980 = arith.constant 0 : i32
      %dma_start3A_1981 = arith.constant 0 : i32
      %dma_start3A_1982 = tpu.memref_slice %arg11[%dma_start3A_1979, %dma_start3A_1980, %dma_start3A_1981] : memref<8x8x128xf32, #tpu.memory_space<vmem>> -> memref<4x8x128xf32, #tpu.memory_space<vmem>>
      %dma_start3A_1983 = arith.constant 4 : i32
      %dma_start3A_1984 = arith.constant 0 : i32
      %dma_start3A_1985 = tpu.memref_slice %arg4[%dma_start3A_1983, %dma_start3A_1984, %multiple_of3A_1938] : memref<8x8x1000000xf32, #tpu.memory_space<hbm>> -> memref<4x8x128xf32, #tpu.memory_space<hbm>>
      tpu.enqueue_dma source(%dma_start3A_1985 : memref<4x8x128xf32, #tpu.memory_space<hbm>>) target(%dma_start3A_1982 : memref<4x8x128xf32, #tpu.memory_space<vmem>>) target_semaphore(%arg20 : memref<!tpu.dma_semaphore, #tpu.memory_space<semaphore_mem>>)
      %dma_start3A_1986 = arith.constant 4 : i32
      %dma_start3A_1987 = arith.constant 0 : i32
      %dma_start3A_1988 = arith.constant 0 : i32
      %dma_start3A_1989 = tpu.memref_slice %arg15[%dma_start3A_1986, %dma_start3A_1987, %dma_start3A_1988] : memref<8x8x128xf32, #tpu.memory_space<vmem>> -> memref<4x8x128xf32, #tpu.memory_space<vmem>>
      %dma_start3A_1990 = arith.constant 4 : i32
      %dma_start3A_1991 = arith.constant 0 : i32
      %dma_start3A_1992 = tpu.memref_slice %arg5[%dma_start3A_1990, %dma_start3A_1991, %multiple_of3A_1943] : memref<8x8x1000000xf32, #tpu.memory_space<hbm>> -> memref<4x8x128xf32, #tpu.memory_space<hbm>>
      %dma_start3A_1993 = arith.constant 4 : i32
      %dma_start3A_1994 = arith.constant 0 : i32
      %dma_start3A_1995 = arith.constant 0 : i32
      %dma_start3A_1996 = tpu.memref_slice %arg15[%dma_start3A_1993, %dma_start3A_1994, %dma_start3A_1995] : memref<8x8x128xf32, #tpu.memory_space<vmem>> -> memref<4x8x128xf32, #tpu.memory_space<vmem>>
      %dma_start3A_1997 = arith.constant 4 : i32
      %dma_start3A_1998 = arith.constant 0 : i32
      %dma_start3A_1999 = tpu.memref_slice %arg5[%dma_start3A_1997, %dma_start3A_1998, %multiple_of3A_1943] : memref<8x8x1000000xf32, #tpu.memory_space<hbm>> -> memref<4x8x128xf32, #tpu.memory_space<hbm>>
      tpu.enqueue_dma source(%dma_start3A_1999 : memref<4x8x128xf32, #tpu.memory_space<hbm>>) target(%dma_start3A_1996 : memref<4x8x128xf32, #tpu.memory_space<vmem>>) target_semaphore(%arg20 : memref<!tpu.dma_semaphore, #tpu.memory_space<semaphore_mem>>)
      %dma_wait3A_2000 = arith.constant 0 : i32
      %dma_wait3A_2001 = arith.constant 0 : i32
      %dma_wait3A_2002 = arith.constant 0 : i32
      %dma_wait3A_2003 = tpu.memref_slice %arg4[%dma_wait3A_2000, %dma_wait3A_2001, %dma_wait3A_2002] : memref<8x8x1000000xf32, #tpu.memory_space<hbm>> -> memref<8x8x128xf32, #tpu.memory_space<hbm>>
      %dma_wait3A_2004 = arith.constant 0 : i32
      %dma_wait3A_2005 = arith.constant 0 : i32
      %dma_wait3A_2006 = arith.constant 0 : i32
      %dma_wait3A_2007 = tpu.memref_slice %arg4[%dma_wait3A_2004, %dma_wait3A_2005, %dma_wait3A_2006] : memref<8x8x1000000xf32, #tpu.memory_space<hbm>> -> memref<8x8x128xf32, #tpu.memory_space<hbm>>
      tpu.wait_dma2 semaphore(%arg21 : memref<!tpu.dma_semaphore, #tpu.memory_space<semaphore_mem>>) src(%dma_wait3A_2007 : memref<8x8x128xf32, #tpu.memory_space<hbm>>) dst(%arg12 : memref<8x8x128xf32, #tpu.memory_space<vmem>>)
      %dma_wait3A_2008 = arith.constant 0 : i32
      %dma_wait3A_2009 = arith.constant 0 : i32
      %dma_wait3A_2010 = arith.constant 0 : i32
      %dma_wait3A_2011 = tpu.memref_slice %arg5[%dma_wait3A_2008, %dma_wait3A_2009, %dma_wait3A_2010] : memref<8x8x1000000xf32, #tpu.memory_space<hbm>> -> memref<8x8x128xf32, #tpu.memory_space<hbm>>
      %dma_wait3A_2012 = arith.constant 0 : i32
      %dma_wait3A_2013 = arith.constant 0 : i32
      %dma_wait3A_2014 = arith.constant 0 : i32
      %dma_wait3A_2015 = tpu.memref_slice %arg5[%dma_wait3A_2012, %dma_wait3A_2013, %dma_wait3A_2014] : memref<8x8x1000000xf32, #tpu.memory_space<hbm>> -> memref<8x8x128xf32, #tpu.memory_space<hbm>>
      tpu.wait_dma2 semaphore(%arg21 : memref<!tpu.dma_semaphore, #tpu.memory_space<semaphore_mem>>) src(%dma_wait3A_2015 : memref<8x8x128xf32, #tpu.memory_space<hbm>>) dst(%arg16 : memref<8x8x128xf32, #tpu.memory_space<vmem>>)
      %mul3A_2016 = arith.constant 16 : i32
      %mul3A_2017 = arith.muli %scan3A_381, %mul3A_2016 : i32
      %add3A_2018 = arith.constant 11 : i32
      %add3A_2019 = arith.addi %mul3A_2017, %add3A_2018 : i32
      %and3A_2020 = arith.constant 63 : i32
      %and3A_2021 = arith.andi %add3A_2019, %and3A_2020 : i32
      %mul3A_2022 = arith.constant 0 : i32
      %mul3A_2023 = vector.broadcast %mul3A_2022 : i32 to vector<16xi32>
      %mul3A_2024 = arith.muli %iota3A, %mul3A_2023 : vector<16xi32>
      %and3A_2025 = arith.constant 127 : i32
      %and3A_2026 = arith.andi %squeeze3A_413, %and3A_2025 : i32
      %add3A_2027 = vector.broadcast %and3A_2026 : i32 to vector<16xi32>
      %add3A_2028 = arith.addi %mul3A_2024, %add3A_2027 : vector<16xi32>
      %mul3A_2029 = arith.constant 0 : i32
      %mul3A_2030 = vector.broadcast %mul3A_2029 : i32 to vector<16xi32>
      %mul3A_2031 = arith.muli %iota3A, %mul3A_2030 : vector<16xi32>
      %and3A_2032 = arith.constant 127 : i32
      %and3A_2033 = arith.andi %squeeze3A_445, %and3A_2032 : i32
      %add3A_2034 = vector.broadcast %and3A_2033 : i32 to vector<16xi32>
      %add3A_2035 = arith.addi %mul3A_2031, %add3A_2034 : vector<16xi32>
      %gather3A_2036 = tpu.vector_load_idx %arg12[%shift_right_arithmetic3A_7, %and3A_30, %add3A_2028] : memref<8x8x128xf32, #tpu.memory_space<vmem>>[vector<16xi32>, vector<16xi32>, vector<16xi32>], vector<16xf32>,
      %gather3A_2037 = tpu.vector_load_idx %arg16[%shift_right_arithmetic3A_7, %and3A_30, %add3A_2035] : memref<8x8x128xf32, #tpu.memory_space<vmem>>[vector<16xi32>, vector<16xi32>, vector<16xi32>], vector<16xf32>,
      %swap3A_2038 = arith.index_cast %and3A_2021 : i32 to index
      %swap3A_2039 = arith.constant 0 : index
      %swap3A_2040 = tpu.vector_load %arg17[%swap3A_2038, %swap3A_2039] {strides = array<i32>} : memref<64x128xf32, #tpu.memory_space<vmem>>, vector<16xf32>,
      tpu.vector_store %arg17[%swap3A_2038, %swap3A_2039], %gather3A_2036 {strides = array<i32>} : memref<64x128xf32, #tpu.memory_space<vmem>>, vector<16xf32>,
      %swap3A_2041 = arith.index_cast %and3A_2021 : i32 to index
      %swap3A_2042 = arith.constant 64 : index
      %swap3A_2043 = tpu.vector_load %arg17[%swap3A_2041, %swap3A_2042] {strides = array<i32>} : memref<64x128xf32, #tpu.memory_space<vmem>>, vector<16xf32>,
      tpu.vector_store %arg17[%swap3A_2041, %swap3A_2042], %gather3A_2037 {strides = array<i32>} : memref<64x128xf32, #tpu.memory_space<vmem>>, vector<16xf32>,
      %gather3A_2044 = tpu.vector_load_idx %arg12[%shift_right_arithmetic3A_13, %and3A_36, %add3A_2028] : memref<8x8x128xf32, #tpu.memory_space<vmem>>[vector<16xi32>, vector<16xi32>, vector<16xi32>], vector<16xf32>,
      %gather3A_2045 = tpu.vector_load_idx %arg16[%shift_right_arithmetic3A_13, %and3A_36, %add3A_2035] : memref<8x8x128xf32, #tpu.memory_space<vmem>>[vector<16xi32>, vector<16xi32>, vector<16xi32>], vector<16xf32>,
      %swap3A_2046 = arith.index_cast %and3A_2021 : i32 to index
      %swap3A_2047 = arith.constant 16 : index
      %swap3A_2048 = tpu.vector_load %arg17[%swap3A_2046, %swap3A_2047] {strides = array<i32>} : memref<64x128xf32, #tpu.memory_space<vmem>>, vector<16xf32>,
      tpu.vector_store %arg17[%swap3A_2046, %swap3A_2047], %gather3A_2044 {strides = array<i32>} : memref<64x128xf32, #tpu.memory_space<vmem>>, vector<16xf32>,
      %swap3A_2049 = arith.index_cast %and3A_2021 : i32 to index
      %swap3A_2050 = arith.constant 80 : index
      %swap3A_2051 = tpu.vector_load %arg17[%swap3A_2049, %swap3A_2050] {strides = array<i32>} : memref<64x128xf32, #tpu.memory_space<vmem>>, vector<16xf32>,
      tpu.vector_store %arg17[%swap3A_2049, %swap3A_2050], %gather3A_2045 {strides = array<i32>} : memref<64x128xf32, #tpu.memory_space<vmem>>, vector<16xf32>,
      %gather3A_2052 = tpu.vector_load_idx %arg12[%shift_right_arithmetic3A_19, %and3A_42, %add3A_2028] : memref<8x8x128xf32, #tpu.memory_space<vmem>>[vector<16xi32>, vector<16xi32>, vector<16xi32>], vector<16xf32>,
      %gather3A_2053 = tpu.vector_load_idx %arg16[%shift_right_arithmetic3A_19, %and3A_42, %add3A_2035] : memref<8x8x128xf32, #tpu.memory_space<vmem>>[vector<16xi32>, vector<16xi32>, vector<16xi32>], vector<16xf32>,
      %swap3A_2054 = arith.index_cast %and3A_2021 : i32 to index
      %swap3A_2055 = arith.constant 32 : index
      %swap3A_2056 = tpu.vector_load %arg17[%swap3A_2054, %swap3A_2055] {strides = array<i32>} : memref<64x128xf32, #tpu.memory_space<vmem>>, vector<16xf32>,
      tpu.vector_store %arg17[%swap3A_2054, %swap3A_2055], %gather3A_2052 {strides = array<i32>} : memref<64x128xf32, #tpu.memory_space<vmem>>, vector<16xf32>,
      %swap3A_2057 = arith.index_cast %and3A_2021 : i32 to index
      %swap3A_2058 = arith.constant 96 : index
      %swap3A_2059 = tpu.vector_load %arg17[%swap3A_2057, %swap3A_2058] {strides = array<i32>} : memref<64x128xf32, #tpu.memory_space<vmem>>, vector<16xf32>,
      tpu.vector_store %arg17[%swap3A_2057, %swap3A_2058], %gather3A_2053 {strides = array<i32>} : memref<64x128xf32, #tpu.memory_space<vmem>>, vector<16xf32>,
      %gather3A_2060 = tpu.vector_load_idx %arg12[%shift_right_arithmetic3A_25, %and3A_48, %add3A_2028] : memref<8x8x128xf32, #tpu.memory_space<vmem>>[vector<16xi32>, vector<16xi32>, vector<16xi32>], vector<16xf32>,
      %gather3A_2061 = tpu.vector_load_idx %arg16[%shift_right_arithmetic3A_25, %and3A_48, %add3A_2035] : memref<8x8x128xf32, #tpu.memory_space<vmem>>[vector<16xi32>, vector<16xi32>, vector<16xi32>], vector<16xf32>,
      %swap3A_2062 = arith.index_cast %and3A_2021 : i32 to index
      %swap3A_2063 = arith.constant 48 : index
      %swap3A_2064 = tpu.vector_load %arg17[%swap3A_2062, %swap3A_2063] {strides = array<i32>} : memref<64x128xf32, #tpu.memory_space<vmem>>, vector<16xf32>,
      tpu.vector_store %arg17[%swap3A_2062, %swap3A_2063], %gather3A_2060 {strides = array<i32>} : memref<64x128xf32, #tpu.memory_space<vmem>>, vector<16xf32>,
      %swap3A_2065 = arith.index_cast %and3A_2021 : i32 to index
      %swap3A_2066 = arith.constant 112 : index
      %swap3A_2067 = tpu.vector_load %arg17[%swap3A_2065, %swap3A_2066] {strides = array<i32>} : memref<64x128xf32, #tpu.memory_space<vmem>>, vector<16xf32>,
      tpu.vector_store %arg17[%swap3A_2065, %swap3A_2066], %gather3A_2061 {strides = array<i32>} : memref<64x128xf32, #tpu.memory_space<vmem>>, vector<16xf32>,
      %shift_right_arithmetic3A_2068 = arith.constant 7 : i32
      %shift_right_arithmetic3A_2069 = arith.shrsi %squeeze3A_421, %shift_right_arithmetic3A_2068 : i32
      %mul3A_2070 = arith.constant 128 : i32
      %mul3A_2071 = arith.muli %shift_right_arithmetic3A_2069, %mul3A_2070 : i32
      %multiple_of3A_2072 = tpu.assume_multiple %mul3A_2071, 128 : i32
      %shift_right_arithmetic3A_2073 = arith.constant 7 : i32
      %shift_right_arithmetic3A_2074 = arith.shrsi %squeeze3A_453, %shift_right_arithmetic3A_2073 : i32
      %mul3A_2075 = arith.constant 128 : i32
      %mul3A_2076 = arith.muli %shift_right_arithmetic3A_2074, %mul3A_2075 : i32
      %multiple_of3A_2077 = tpu.assume_multiple %mul3A_2076, 128 : i32
      %dma_start3A_2078 = arith.constant 0 : i32
      %dma_start3A_2079 = arith.constant 0 : i32
      %dma_start3A_2080 = arith.constant 0 : i32
      %dma_start3A_2081 = tpu.memref_slice %arg12[%dma_start3A_2078, %dma_start3A_2079, %dma_start3A_2080] : memref<8x8x128xf32, #tpu.memory_space<vmem>> -> memref<4x8x128xf32, #tpu.memory_space<vmem>>
      %dma_start3A_2082 = arith.constant 0 : i32
      %dma_start3A_2083 = arith.constant 0 : i32
      %dma_start3A_2084 = tpu.memref_slice %arg4[%dma_start3A_2082, %dma_start3A_2083, %multiple_of3A_2072] : memref<8x8x1000000xf32, #tpu.memory_space<hbm>> -> memref<4x8x128xf32, #tpu.memory_space<hbm>>
      %dma_start3A_2085 = arith.constant 0 : i32
      %dma_start3A_2086 = arith.constant 0 : i32
      %dma_start3A_2087 = arith.constant 0 : i32
      %dma_start3A_2088 = tpu.memref_slice %arg12[%dma_start3A_2085, %dma_start3A_2086, %dma_start3A_2087] : memref<8x8x128xf32, #tpu.memory_space<vmem>> -> memref<4x8x128xf32, #tpu.memory_space<vmem>>
      %dma_start3A_2089 = arith.constant 0 : i32
      %dma_start3A_2090 = arith.constant 0 : i32
      %dma_start3A_2091 = tpu.memref_slice %arg4[%dma_start3A_2089, %dma_start3A_2090, %multiple_of3A_2072] : memref<8x8x1000000xf32, #tpu.memory_space<hbm>> -> memref<4x8x128xf32, #tpu.memory_space<hbm>>
      tpu.enqueue_dma source(%dma_start3A_2091 : memref<4x8x128xf32, #tpu.memory_space<hbm>>) target(%dma_start3A_2088 : memref<4x8x128xf32, #tpu.memory_space<vmem>>) target_semaphore(%arg21 : memref<!tpu.dma_semaphore, #tpu.memory_space<semaphore_mem>>)
      %dma_start3A_2092 = arith.constant 0 : i32
      %dma_start3A_2093 = arith.constant 0 : i32
      %dma_start3A_2094 = arith.constant 0 : i32
      %dma_start3A_2095 = tpu.memref_slice %arg16[%dma_start3A_2092, %dma_start3A_2093, %dma_start3A_2094] : memref<8x8x128xf32, #tpu.memory_space<vmem>> -> memref<4x8x128xf32, #tpu.memory_space<vmem>>
      %dma_start3A_2096 = arith.constant 0 : i32
      %dma_start3A_2097 = arith.constant 0 : i32
      %dma_start3A_2098 = tpu.memref_slice %arg5[%dma_start3A_2096, %dma_start3A_2097, %multiple_of3A_2077] : memref<8x8x1000000xf32, #tpu.memory_space<hbm>> -> memref<4x8x128xf32, #tpu.memory_space<hbm>>
      %dma_start3A_2099 = arith.constant 0 : i32
      %dma_start3A_2100 = arith.constant 0 : i32
      %dma_start3A_2101 = arith.constant 0 : i32
      %dma_start3A_2102 = tpu.memref_slice %arg16[%dma_start3A_2099, %dma_start3A_2100, %dma_start3A_2101] : memref<8x8x128xf32, #tpu.memory_space<vmem>> -> memref<4x8x128xf32, #tpu.memory_space<vmem>>
      %dma_start3A_2103 = arith.constant 0 : i32
      %dma_start3A_2104 = arith.constant 0 : i32
      %dma_start3A_2105 = tpu.memref_slice %arg5[%dma_start3A_2103, %dma_start3A_2104, %multiple_of3A_2077] : memref<8x8x1000000xf32, #tpu.memory_space<hbm>> -> memref<4x8x128xf32, #tpu.memory_space<hbm>>
      tpu.enqueue_dma source(%dma_start3A_2105 : memref<4x8x128xf32, #tpu.memory_space<hbm>>) target(%dma_start3A_2102 : memref<4x8x128xf32, #tpu.memory_space<vmem>>) target_semaphore(%arg21 : memref<!tpu.dma_semaphore, #tpu.memory_space<semaphore_mem>>)
      %dma_start3A_2106 = arith.constant 4 : i32
      %dma_start3A_2107 = arith.constant 0 : i32
      %dma_start3A_2108 = arith.constant 0 : i32
      %dma_start3A_2109 = tpu.memref_slice %arg12[%dma_start3A_2106, %dma_start3A_2107, %dma_start3A_2108] : memref<8x8x128xf32, #tpu.memory_space<vmem>> -> memref<4x8x128xf32, #tpu.memory_space<vmem>>
      %dma_start3A_2110 = arith.constant 4 : i32
      %dma_start3A_2111 = arith.constant 0 : i32
      %dma_start3A_2112 = tpu.memref_slice %arg4[%dma_start3A_2110, %dma_start3A_2111, %multiple_of3A_2072] : memref<8x8x1000000xf32, #tpu.memory_space<hbm>> -> memref<4x8x128xf32, #tpu.memory_space<hbm>>
      %dma_start3A_2113 = arith.constant 4 : i32
      %dma_start3A_2114 = arith.constant 0 : i32
      %dma_start3A_2115 = arith.constant 0 : i32
      %dma_start3A_2116 = tpu.memref_slice %arg12[%dma_start3A_2113, %dma_start3A_2114, %dma_start3A_2115] : memref<8x8x128xf32, #tpu.memory_space<vmem>> -> memref<4x8x128xf32, #tpu.memory_space<vmem>>
      %dma_start3A_2117 = arith.constant 4 : i32
      %dma_start3A_2118 = arith.constant 0 : i32
      %dma_start3A_2119 = tpu.memref_slice %arg4[%dma_start3A_2117, %dma_start3A_2118, %multiple_of3A_2072] : memref<8x8x1000000xf32, #tpu.memory_space<hbm>> -> memref<4x8x128xf32, #tpu.memory_space<hbm>>
      tpu.enqueue_dma source(%dma_start3A_2119 : memref<4x8x128xf32, #tpu.memory_space<hbm>>) target(%dma_start3A_2116 : memref<4x8x128xf32, #tpu.memory_space<vmem>>) target_semaphore(%arg21 : memref<!tpu.dma_semaphore, #tpu.memory_space<semaphore_mem>>)
      %dma_start3A_2120 = arith.constant 4 : i32
      %dma_start3A_2121 = arith.constant 0 : i32
      %dma_start3A_2122 = arith.constant 0 : i32
      %dma_start3A_2123 = tpu.memref_slice %arg16[%dma_start3A_2120, %dma_start3A_2121, %dma_start3A_2122] : memref<8x8x128xf32, #tpu.memory_space<vmem>> -> memref<4x8x128xf32, #tpu.memory_space<vmem>>
      %dma_start3A_2124 = arith.constant 4 : i32
      %dma_start3A_2125 = arith.constant 0 : i32
      %dma_start3A_2126 = tpu.memref_slice %arg5[%dma_start3A_2124, %dma_start3A_2125, %multiple_of3A_2077] : memref<8x8x1000000xf32, #tpu.memory_space<hbm>> -> memref<4x8x128xf32, #tpu.memory_space<hbm>>
      %dma_start3A_2127 = arith.constant 4 : i32
      %dma_start3A_2128 = arith.constant 0 : i32
      %dma_start3A_2129 = arith.constant 0 : i32
      %dma_start3A_2130 = tpu.memref_slice %arg16[%dma_start3A_2127, %dma_start3A_2128, %dma_start3A_2129] : memref<8x8x128xf32, #tpu.memory_space<vmem>> -> memref<4x8x128xf32, #tpu.memory_space<vmem>>
      %dma_start3A_2131 = arith.constant 4 : i32
      %dma_start3A_2132 = arith.constant 0 : i32
      %dma_start3A_2133 = tpu.memref_slice %arg5[%dma_start3A_2131, %dma_start3A_2132, %multiple_of3A_2077] : memref<8x8x1000000xf32, #tpu.memory_space<hbm>> -> memref<4x8x128xf32, #tpu.memory_space<hbm>>
      tpu.enqueue_dma source(%dma_start3A_2133 : memref<4x8x128xf32, #tpu.memory_space<hbm>>) target(%dma_start3A_2130 : memref<4x8x128xf32, #tpu.memory_space<vmem>>) target_semaphore(%arg21 : memref<!tpu.dma_semaphore, #tpu.memory_space<semaphore_mem>>)
      %dma_wait3A_2134 = arith.constant 0 : i32
      %dma_wait3A_2135 = arith.constant 0 : i32
      %dma_wait3A_2136 = arith.constant 0 : i32
      %dma_wait3A_2137 = tpu.memref_slice %arg4[%dma_wait3A_2134, %dma_wait3A_2135, %dma_wait3A_2136] : memref<8x8x1000000xf32, #tpu.memory_space<hbm>> -> memref<8x8x128xf32, #tpu.memory_space<hbm>>
      %dma_wait3A_2138 = arith.constant 0 : i32
      %dma_wait3A_2139 = arith.constant 0 : i32
      %dma_wait3A_2140 = arith.constant 0 : i32
      %dma_wait3A_2141 = tpu.memref_slice %arg4[%dma_wait3A_2138, %dma_wait3A_2139, %dma_wait3A_2140] : memref<8x8x1000000xf32, #tpu.memory_space<hbm>> -> memref<8x8x128xf32, #tpu.memory_space<hbm>>
      tpu.wait_dma2 semaphore(%arg18 : memref<!tpu.dma_semaphore, #tpu.memory_space<semaphore_mem>>) src(%dma_wait3A_2141 : memref<8x8x128xf32, #tpu.memory_space<hbm>>) dst(%arg9 : memref<8x8x128xf32, #tpu.memory_space<vmem>>)
      %dma_wait3A_2142 = arith.constant 0 : i32
      %dma_wait3A_2143 = arith.constant 0 : i32
      %dma_wait3A_2144 = arith.constant 0 : i32
      %dma_wait3A_2145 = tpu.memref_slice %arg5[%dma_wait3A_2142, %dma_wait3A_2143, %dma_wait3A_2144] : memref<8x8x1000000xf32, #tpu.memory_space<hbm>> -> memref<8x8x128xf32, #tpu.memory_space<hbm>>
      %dma_wait3A_2146 = arith.constant 0 : i32
      %dma_wait3A_2147 = arith.constant 0 : i32
      %dma_wait3A_2148 = arith.constant 0 : i32
      %dma_wait3A_2149 = tpu.memref_slice %arg5[%dma_wait3A_2146, %dma_wait3A_2147, %dma_wait3A_2148] : memref<8x8x1000000xf32, #tpu.memory_space<hbm>> -> memref<8x8x128xf32, #tpu.memory_space<hbm>>
      tpu.wait_dma2 semaphore(%arg18 : memref<!tpu.dma_semaphore, #tpu.memory_space<semaphore_mem>>) src(%dma_wait3A_2149 : memref<8x8x128xf32, #tpu.memory_space<hbm>>) dst(%arg13 : memref<8x8x128xf32, #tpu.memory_space<vmem>>)
      %mul3A_2150 = arith.constant 16 : i32
      %mul3A_2151 = arith.muli %scan3A_381, %mul3A_2150 : i32
      %add3A_2152 = arith.constant 12 : i32
      %add3A_2153 = arith.addi %mul3A_2151, %add3A_2152 : i32
      %and3A_2154 = arith.constant 63 : i32
      %and3A_2155 = arith.andi %add3A_2153, %and3A_2154 : i32
      %mul3A_2156 = arith.constant 0 : i32
      %mul3A_2157 = vector.broadcast %mul3A_2156 : i32 to vector<16xi32>
      %mul3A_2158 = arith.muli %iota3A, %mul3A_2157 : vector<16xi32>
      %and3A_2159 = arith.constant 127 : i32
      %and3A_2160 = arith.andi %squeeze3A_415, %and3A_2159 : i32
      %add3A_2161 = vector.broadcast %and3A_2160 : i32 to vector<16xi32>
      %add3A_2162 = arith.addi %mul3A_2158, %add3A_2161 : vector<16xi32>
      %mul3A_2163 = arith.constant 0 : i32
      %mul3A_2164 = vector.broadcast %mul3A_2163 : i32 to vector<16xi32>
      %mul3A_2165 = arith.muli %iota3A, %mul3A_2164 : vector<16xi32>
      %and3A_2166 = arith.constant 127 : i32
      %and3A_2167 = arith.andi %squeeze3A_447, %and3A_2166 : i32
      %add3A_2168 = vector.broadcast %and3A_2167 : i32 to vector<16xi32>
      %add3A_2169 = arith.addi %mul3A_2165, %add3A_2168 : vector<16xi32>
      %gather3A_2170 = tpu.vector_load_idx %arg9[%shift_right_arithmetic3A_7, %and3A_30, %add3A_2162] : memref<8x8x128xf32, #tpu.memory_space<vmem>>[vector<16xi32>, vector<16xi32>, vector<16xi32>], vector<16xf32>,
      %gather3A_2171 = tpu.vector_load_idx %arg13[%shift_right_arithmetic3A_7, %and3A_30, %add3A_2169] : memref<8x8x128xf32, #tpu.memory_space<vmem>>[vector<16xi32>, vector<16xi32>, vector<16xi32>], vector<16xf32>,
      %swap3A_2172 = arith.index_cast %and3A_2155 : i32 to index
      %swap3A_2173 = arith.constant 0 : index
      %swap3A_2174 = tpu.vector_load %arg17[%swap3A_2172, %swap3A_2173] {strides = array<i32>} : memref<64x128xf32, #tpu.memory_space<vmem>>, vector<16xf32>,
      tpu.vector_store %arg17[%swap3A_2172, %swap3A_2173], %gather3A_2170 {strides = array<i32>} : memref<64x128xf32, #tpu.memory_space<vmem>>, vector<16xf32>,
      %swap3A_2175 = arith.index_cast %and3A_2155 : i32 to index
      %swap3A_2176 = arith.constant 64 : index
      %swap3A_2177 = tpu.vector_load %arg17[%swap3A_2175, %swap3A_2176] {strides = array<i32>} : memref<64x128xf32, #tpu.memory_space<vmem>>, vector<16xf32>,
      tpu.vector_store %arg17[%swap3A_2175, %swap3A_2176], %gather3A_2171 {strides = array<i32>} : memref<64x128xf32, #tpu.memory_space<vmem>>, vector<16xf32>,
      %gather3A_2178 = tpu.vector_load_idx %arg9[%shift_right_arithmetic3A_13, %and3A_36, %add3A_2162] : memref<8x8x128xf32, #tpu.memory_space<vmem>>[vector<16xi32>, vector<16xi32>, vector<16xi32>], vector<16xf32>,
      %gather3A_2179 = tpu.vector_load_idx %arg13[%shift_right_arithmetic3A_13, %and3A_36, %add3A_2169] : memref<8x8x128xf32, #tpu.memory_space<vmem>>[vector<16xi32>, vector<16xi32>, vector<16xi32>], vector<16xf32>,
      %swap3A_2180 = arith.index_cast %and3A_2155 : i32 to index
      %swap3A_2181 = arith.constant 16 : index
      %swap3A_2182 = tpu.vector_load %arg17[%swap3A_2180, %swap3A_2181] {strides = array<i32>} : memref<64x128xf32, #tpu.memory_space<vmem>>, vector<16xf32>,
      tpu.vector_store %arg17[%swap3A_2180, %swap3A_2181], %gather3A_2178 {strides = array<i32>} : memref<64x128xf32, #tpu.memory_space<vmem>>, vector<16xf32>,
      %swap3A_2183 = arith.index_cast %and3A_2155 : i32 to index
      %swap3A_2184 = arith.constant 80 : index
      %swap3A_2185 = tpu.vector_load %arg17[%swap3A_2183, %swap3A_2184] {strides = array<i32>} : memref<64x128xf32, #tpu.memory_space<vmem>>, vector<16xf32>,
      tpu.vector_store %arg17[%swap3A_2183, %swap3A_2184], %gather3A_2179 {strides = array<i32>} : memref<64x128xf32, #tpu.memory_space<vmem>>, vector<16xf32>,
      %gather3A_2186 = tpu.vector_load_idx %arg9[%shift_right_arithmetic3A_19, %and3A_42, %add3A_2162] : memref<8x8x128xf32, #tpu.memory_space<vmem>>[vector<16xi32>, vector<16xi32>, vector<16xi32>], vector<16xf32>,
      %gather3A_2187 = tpu.vector_load_idx %arg13[%shift_right_arithmetic3A_19, %and3A_42, %add3A_2169] : memref<8x8x128xf32, #tpu.memory_space<vmem>>[vector<16xi32>, vector<16xi32>, vector<16xi32>], vector<16xf32>,
      %swap3A_2188 = arith.index_cast %and3A_2155 : i32 to index
      %swap3A_2189 = arith.constant 32 : index
      %swap3A_2190 = tpu.vector_load %arg17[%swap3A_2188, %swap3A_2189] {strides = array<i32>} : memref<64x128xf32, #tpu.memory_space<vmem>>, vector<16xf32>,
      tpu.vector_store %arg17[%swap3A_2188, %swap3A_2189], %gather3A_2186 {strides = array<i32>} : memref<64x128xf32, #tpu.memory_space<vmem>>, vector<16xf32>,
      %swap3A_2191 = arith.index_cast %and3A_2155 : i32 to index
      %swap3A_2192 = arith.constant 96 : index
      %swap3A_2193 = tpu.vector_load %arg17[%swap3A_2191, %swap3A_2192] {strides = array<i32>} : memref<64x128xf32, #tpu.memory_space<vmem>>, vector<16xf32>,
      tpu.vector_store %arg17[%swap3A_2191, %swap3A_2192], %gather3A_2187 {strides = array<i32>} : memref<64x128xf32, #tpu.memory_space<vmem>>, vector<16xf32>,
      %gather3A_2194 = tpu.vector_load_idx %arg9[%shift_right_arithmetic3A_25, %and3A_48, %add3A_2162] : memref<8x8x128xf32, #tpu.memory_space<vmem>>[vector<16xi32>, vector<16xi32>, vector<16xi32>], vector<16xf32>,
      %gather3A_2195 = tpu.vector_load_idx %arg13[%shift_right_arithmetic3A_25, %and3A_48, %add3A_2169] : memref<8x8x128xf32, #tpu.memory_space<vmem>>[vector<16xi32>, vector<16xi32>, vector<16xi32>], vector<16xf32>,
      %swap3A_2196 = arith.index_cast %and3A_2155 : i32 to index
      %swap3A_2197 = arith.constant 48 : index
      %swap3A_2198 = tpu.vector_load %arg17[%swap3A_2196, %swap3A_2197] {strides = array<i32>} : memref<64x128xf32, #tpu.memory_space<vmem>>, vector<16xf32>,
      tpu.vector_store %arg17[%swap3A_2196, %swap3A_2197], %gather3A_2194 {strides = array<i32>} : memref<64x128xf32, #tpu.memory_space<vmem>>, vector<16xf32>,
      %swap3A_2199 = arith.index_cast %and3A_2155 : i32 to index
      %swap3A_2200 = arith.constant 112 : index
      %swap3A_2201 = tpu.vector_load %arg17[%swap3A_2199, %swap3A_2200] {strides = array<i32>} : memref<64x128xf32, #tpu.memory_space<vmem>>, vector<16xf32>,
      tpu.vector_store %arg17[%swap3A_2199, %swap3A_2200], %gather3A_2195 {strides = array<i32>} : memref<64x128xf32, #tpu.memory_space<vmem>>, vector<16xf32>,
      %lt3A = arith.constant 31 : i32
      %lt3A_2202 = arith.cmpi slt, %scan3A_381, %lt3A : i32
      %convert_element_type3A = arith.extui %lt3A_2202 : i1 to i32
      %cond3A = arith.constant 0 : i32
      %cond3A_2203 = arith.cmpi ne, %convert_element_type3A, %cond3A : i32
      scf.if %cond3A_2203 {
        %shift_right_arithmetic3A_2429 = arith.constant 7 : i32
        %shift_right_arithmetic3A_2430 = arith.shrsi %squeeze3A_466, %shift_right_arithmetic3A_2429 : i32
        %mul3A_2431 = arith.constant 128 : i32
        %mul3A_2432 = arith.muli %shift_right_arithmetic3A_2430, %mul3A_2431 : i32
        %multiple_of3A_2433 = tpu.assume_multiple %mul3A_2432, 128 : i32
        %shift_right_arithmetic3A_2434 = arith.constant 7 : i32
        %shift_right_arithmetic3A_2435 = arith.shrsi %squeeze3A_498, %shift_right_arithmetic3A_2434 : i32
        %mul3A_2436 = arith.constant 128 : i32
        %mul3A_2437 = arith.muli %shift_right_arithmetic3A_2435, %mul3A_2436 : i32
        %multiple_of3A_2438 = tpu.assume_multiple %mul3A_2437, 128 : i32
        %dma_start3A_2439 = arith.constant 0 : i32
        %dma_start3A_2440 = arith.constant 0 : i32
        %dma_start3A_2441 = arith.constant 0 : i32
        %dma_start3A_2442 = tpu.memref_slice %arg9[%dma_start3A_2439, %dma_start3A_2440, %dma_start3A_2441] : memref<8x8x128xf32, #tpu.memory_space<vmem>> -> memref<4x8x128xf32, #tpu.memory_space<vmem>>
        %dma_start3A_2443 = arith.constant 0 : i32
        %dma_start3A_2444 = arith.constant 0 : i32
        %dma_start3A_2445 = tpu.memref_slice %arg4[%dma_start3A_2443, %dma_start3A_2444, %multiple_of3A_2433] : memref<8x8x1000000xf32, #tpu.memory_space<hbm>> -> memref<4x8x128xf32, #tpu.memory_space<hbm>>
        %dma_start3A_2446 = arith.constant 0 : i32
        %dma_start3A_2447 = arith.constant 0 : i32
        %dma_start3A_2448 = arith.constant 0 : i32
        %dma_start3A_2449 = tpu.memref_slice %arg9[%dma_start3A_2446, %dma_start3A_2447, %dma_start3A_2448] : memref<8x8x128xf32, #tpu.memory_space<vmem>> -> memref<4x8x128xf32, #tpu.memory_space<vmem>>
        %dma_start3A_2450 = arith.constant 0 : i32
        %dma_start3A_2451 = arith.constant 0 : i32
        %dma_start3A_2452 = tpu.memref_slice %arg4[%dma_start3A_2450, %dma_start3A_2451, %multiple_of3A_2433] : memref<8x8x1000000xf32, #tpu.memory_space<hbm>> -> memref<4x8x128xf32, #tpu.memory_space<hbm>>
        tpu.enqueue_dma source(%dma_start3A_2452 : memref<4x8x128xf32, #tpu.memory_space<hbm>>) target(%dma_start3A_2449 : memref<4x8x128xf32, #tpu.memory_space<vmem>>) target_semaphore(%arg18 : memref<!tpu.dma_semaphore, #tpu.memory_space<semaphore_mem>>)
        %dma_start3A_2453 = arith.constant 0 : i32
        %dma_start3A_2454 = arith.constant 0 : i32
        %dma_start3A_2455 = arith.constant 0 : i32
        %dma_start3A_2456 = tpu.memref_slice %arg13[%dma_start3A_2453, %dma_start3A_2454, %dma_start3A_2455] : memref<8x8x128xf32, #tpu.memory_space<vmem>> -> memref<4x8x128xf32, #tpu.memory_space<vmem>>
        %dma_start3A_2457 = arith.constant 0 : i32
        %dma_start3A_2458 = arith.constant 0 : i32
        %dma_start3A_2459 = tpu.memref_slice %arg5[%dma_start3A_2457, %dma_start3A_2458, %multiple_of3A_2438] : memref<8x8x1000000xf32, #tpu.memory_space<hbm>> -> memref<4x8x128xf32, #tpu.memory_space<hbm>>
        %dma_start3A_2460 = arith.constant 0 : i32
        %dma_start3A_2461 = arith.constant 0 : i32
        %dma_start3A_2462 = arith.constant 0 : i32
        %dma_start3A_2463 = tpu.memref_slice %arg13[%dma_start3A_2460, %dma_start3A_2461, %dma_start3A_2462] : memref<8x8x128xf32, #tpu.memory_space<vmem>> -> memref<4x8x128xf32, #tpu.memory_space<vmem>>
        %dma_start3A_2464 = arith.constant 0 : i32
        %dma_start3A_2465 = arith.constant 0 : i32
        %dma_start3A_2466 = tpu.memref_slice %arg5[%dma_start3A_2464, %dma_start3A_2465, %multiple_of3A_2438] : memref<8x8x1000000xf32, #tpu.memory_space<hbm>> -> memref<4x8x128xf32, #tpu.memory_space<hbm>>
        tpu.enqueue_dma source(%dma_start3A_2466 : memref<4x8x128xf32, #tpu.memory_space<hbm>>) target(%dma_start3A_2463 : memref<4x8x128xf32, #tpu.memory_space<vmem>>) target_semaphore(%arg18 : memref<!tpu.dma_semaphore, #tpu.memory_space<semaphore_mem>>)
        %dma_start3A_2467 = arith.constant 4 : i32
        %dma_start3A_2468 = arith.constant 0 : i32
        %dma_start3A_2469 = arith.constant 0 : i32
        %dma_start3A_2470 = tpu.memref_slice %arg9[%dma_start3A_2467, %dma_start3A_2468, %dma_start3A_2469] : memref<8x8x128xf32, #tpu.memory_space<vmem>> -> memref<4x8x128xf32, #tpu.memory_space<vmem>>
        %dma_start3A_2471 = arith.constant 4 : i32
        %dma_start3A_2472 = arith.constant 0 : i32
        %dma_start3A_2473 = tpu.memref_slice %arg4[%dma_start3A_2471, %dma_start3A_2472, %multiple_of3A_2433] : memref<8x8x1000000xf32, #tpu.memory_space<hbm>> -> memref<4x8x128xf32, #tpu.memory_space<hbm>>
        %dma_start3A_2474 = arith.constant 4 : i32
        %dma_start3A_2475 = arith.constant 0 : i32
        %dma_start3A_2476 = arith.constant 0 : i32
        %dma_start3A_2477 = tpu.memref_slice %arg9[%dma_start3A_2474, %dma_start3A_2475, %dma_start3A_2476] : memref<8x8x128xf32, #tpu.memory_space<vmem>> -> memref<4x8x128xf32, #tpu.memory_space<vmem>>
        %dma_start3A_2478 = arith.constant 4 : i32
        %dma_start3A_2479 = arith.constant 0 : i32
        %dma_start3A_2480 = tpu.memref_slice %arg4[%dma_start3A_2478, %dma_start3A_2479, %multiple_of3A_2433] : memref<8x8x1000000xf32, #tpu.memory_space<hbm>> -> memref<4x8x128xf32, #tpu.memory_space<hbm>>
        tpu.enqueue_dma source(%dma_start3A_2480 : memref<4x8x128xf32, #tpu.memory_space<hbm>>) target(%dma_start3A_2477 : memref<4x8x128xf32, #tpu.memory_space<vmem>>) target_semaphore(%arg18 : memref<!tpu.dma_semaphore, #tpu.memory_space<semaphore_mem>>)
        %dma_start3A_2481 = arith.constant 4 : i32
        %dma_start3A_2482 = arith.constant 0 : i32
        %dma_start3A_2483 = arith.constant 0 : i32
        %dma_start3A_2484 = tpu.memref_slice %arg13[%dma_start3A_2481, %dma_start3A_2482, %dma_start3A_2483] : memref<8x8x128xf32, #tpu.memory_space<vmem>> -> memref<4x8x128xf32, #tpu.memory_space<vmem>>
        %dma_start3A_2485 = arith.constant 4 : i32
        %dma_start3A_2486 = arith.constant 0 : i32
        %dma_start3A_2487 = tpu.memref_slice %arg5[%dma_start3A_2485, %dma_start3A_2486, %multiple_of3A_2438] : memref<8x8x1000000xf32, #tpu.memory_space<hbm>> -> memref<4x8x128xf32, #tpu.memory_space<hbm>>
        %dma_start3A_2488 = arith.constant 4 : i32
        %dma_start3A_2489 = arith.constant 0 : i32
        %dma_start3A_2490 = arith.constant 0 : i32
        %dma_start3A_2491 = tpu.memref_slice %arg13[%dma_start3A_2488, %dma_start3A_2489, %dma_start3A_2490] : memref<8x8x128xf32, #tpu.memory_space<vmem>> -> memref<4x8x128xf32, #tpu.memory_space<vmem>>
        %dma_start3A_2492 = arith.constant 4 : i32
        %dma_start3A_2493 = arith.constant 0 : i32
        %dma_start3A_2494 = tpu.memref_slice %arg5[%dma_start3A_2492, %dma_start3A_2493, %multiple_of3A_2438] : memref<8x8x1000000xf32, #tpu.memory_space<hbm>> -> memref<4x8x128xf32, #tpu.memory_space<hbm>>
        tpu.enqueue_dma source(%dma_start3A_2494 : memref<4x8x128xf32, #tpu.memory_space<hbm>>) target(%dma_start3A_2491 : memref<4x8x128xf32, #tpu.memory_space<vmem>>) target_semaphore(%arg18 : memref<!tpu.dma_semaphore, #tpu.memory_space<semaphore_mem>>)
      } else {
      }
      %dma_wait3A_2204 = arith.constant 0 : i32
      %dma_wait3A_2205 = arith.constant 0 : i32
      %dma_wait3A_2206 = arith.constant 0 : i32
      %dma_wait3A_2207 = tpu.memref_slice %arg4[%dma_wait3A_2204, %dma_wait3A_2205, %dma_wait3A_2206] : memref<8x8x1000000xf32, #tpu.memory_space<hbm>> -> memref<8x8x128xf32, #tpu.memory_space<hbm>>
      %dma_wait3A_2208 = arith.constant 0 : i32
      %dma_wait3A_2209 = arith.constant 0 : i32
      %dma_wait3A_2210 = arith.constant 0 : i32
      %dma_wait3A_2211 = tpu.memref_slice %arg4[%dma_wait3A_2208, %dma_wait3A_2209, %dma_wait3A_2210] : memref<8x8x1000000xf32, #tpu.memory_space<hbm>> -> memref<8x8x128xf32, #tpu.memory_space<hbm>>
      tpu.wait_dma2 semaphore(%arg19 : memref<!tpu.dma_semaphore, #tpu.memory_space<semaphore_mem>>) src(%dma_wait3A_2211 : memref<8x8x128xf32, #tpu.memory_space<hbm>>) dst(%arg10 : memref<8x8x128xf32, #tpu.memory_space<vmem>>)
      %dma_wait3A_2212 = arith.constant 0 : i32
      %dma_wait3A_2213 = arith.constant 0 : i32
      %dma_wait3A_2214 = arith.constant 0 : i32
      %dma_wait3A_2215 = tpu.memref_slice %arg5[%dma_wait3A_2212, %dma_wait3A_2213, %dma_wait3A_2214] : memref<8x8x1000000xf32, #tpu.memory_space<hbm>> -> memref<8x8x128xf32, #tpu.memory_space<hbm>>
      %dma_wait3A_2216 = arith.constant 0 : i32
      %dma_wait3A_2217 = arith.constant 0 : i32
      %dma_wait3A_2218 = arith.constant 0 : i32
      %dma_wait3A_2219 = tpu.memref_slice %arg5[%dma_wait3A_2216, %dma_wait3A_2217, %dma_wait3A_2218] : memref<8x8x1000000xf32, #tpu.memory_space<hbm>> -> memref<8x8x128xf32, #tpu.memory_space<hbm>>
      tpu.wait_dma2 semaphore(%arg19 : memref<!tpu.dma_semaphore, #tpu.memory_space<semaphore_mem>>) src(%dma_wait3A_2219 : memref<8x8x128xf32, #tpu.memory_space<hbm>>) dst(%arg14 : memref<8x8x128xf32, #tpu.memory_space<vmem>>)
      %mul3A_2220 = arith.constant 16 : i32
      %mul3A_2221 = arith.muli %scan3A_381, %mul3A_2220 : i32
      %add3A_2222 = arith.constant 13 : i32
      %add3A_2223 = arith.addi %mul3A_2221, %add3A_2222 : i32
      %and3A_2224 = arith.constant 63 : i32
      %and3A_2225 = arith.andi %add3A_2223, %and3A_2224 : i32
      %mul3A_2226 = arith.constant 0 : i32
      %mul3A_2227 = vector.broadcast %mul3A_2226 : i32 to vector<16xi32>
      %mul3A_2228 = arith.muli %iota3A, %mul3A_2227 : vector<16xi32>
      %and3A_2229 = arith.constant 127 : i32
      %and3A_2230 = arith.andi %squeeze3A_417, %and3A_2229 : i32
      %add3A_2231 = vector.broadcast %and3A_2230 : i32 to vector<16xi32>
      %add3A_2232 = arith.addi %mul3A_2228, %add3A_2231 : vector<16xi32>
      %mul3A_2233 = arith.constant 0 : i32
      %mul3A_2234 = vector.broadcast %mul3A_2233 : i32 to vector<16xi32>
      %mul3A_2235 = arith.muli %iota3A, %mul3A_2234 : vector<16xi32>
      %and3A_2236 = arith.constant 127 : i32
      %and3A_2237 = arith.andi %squeeze3A_449, %and3A_2236 : i32
      %add3A_2238 = vector.broadcast %and3A_2237 : i32 to vector<16xi32>
      %add3A_2239 = arith.addi %mul3A_2235, %add3A_2238 : vector<16xi32>
      %gather3A_2240 = tpu.vector_load_idx %arg10[%shift_right_arithmetic3A_7, %and3A_30, %add3A_2232] : memref<8x8x128xf32, #tpu.memory_space<vmem>>[vector<16xi32>, vector<16xi32>, vector<16xi32>], vector<16xf32>,
      %gather3A_2241 = tpu.vector_load_idx %arg14[%shift_right_arithmetic3A_7, %and3A_30, %add3A_2239] : memref<8x8x128xf32, #tpu.memory_space<vmem>>[vector<16xi32>, vector<16xi32>, vector<16xi32>], vector<16xf32>,
      %swap3A_2242 = arith.index_cast %and3A_2225 : i32 to index
      %swap3A_2243 = arith.constant 0 : index
      %swap3A_2244 = tpu.vector_load %arg17[%swap3A_2242, %swap3A_2243] {strides = array<i32>} : memref<64x128xf32, #tpu.memory_space<vmem>>, vector<16xf32>,
      tpu.vector_store %arg17[%swap3A_2242, %swap3A_2243], %gather3A_2240 {strides = array<i32>} : memref<64x128xf32, #tpu.memory_space<vmem>>, vector<16xf32>,
      %swap3A_2245 = arith.index_cast %and3A_2225 : i32 to index
      %swap3A_2246 = arith.constant 64 : index
      %swap3A_2247 = tpu.vector_load %arg17[%swap3A_2245, %swap3A_2246] {strides = array<i32>} : memref<64x128xf32, #tpu.memory_space<vmem>>, vector<16xf32>,
      tpu.vector_store %arg17[%swap3A_2245, %swap3A_2246], %gather3A_2241 {strides = array<i32>} : memref<64x128xf32, #tpu.memory_space<vmem>>, vector<16xf32>,
      %gather3A_2248 = tpu.vector_load_idx %arg10[%shift_right_arithmetic3A_13, %and3A_36, %add3A_2232] : memref<8x8x128xf32, #tpu.memory_space<vmem>>[vector<16xi32>, vector<16xi32>, vector<16xi32>], vector<16xf32>,
      %gather3A_2249 = tpu.vector_load_idx %arg14[%shift_right_arithmetic3A_13, %and3A_36, %add3A_2239] : memref<8x8x128xf32, #tpu.memory_space<vmem>>[vector<16xi32>, vector<16xi32>, vector<16xi32>], vector<16xf32>,
      %swap3A_2250 = arith.index_cast %and3A_2225 : i32 to index
      %swap3A_2251 = arith.constant 16 : index
      %swap3A_2252 = tpu.vector_load %arg17[%swap3A_2250, %swap3A_2251] {strides = array<i32>} : memref<64x128xf32, #tpu.memory_space<vmem>>, vector<16xf32>,
      tpu.vector_store %arg17[%swap3A_2250, %swap3A_2251], %gather3A_2248 {strides = array<i32>} : memref<64x128xf32, #tpu.memory_space<vmem>>, vector<16xf32>,
      %swap3A_2253 = arith.index_cast %and3A_2225 : i32 to index
      %swap3A_2254 = arith.constant 80 : index
      %swap3A_2255 = tpu.vector_load %arg17[%swap3A_2253, %swap3A_2254] {strides = array<i32>} : memref<64x128xf32, #tpu.memory_space<vmem>>, vector<16xf32>,
      tpu.vector_store %arg17[%swap3A_2253, %swap3A_2254], %gather3A_2249 {strides = array<i32>} : memref<64x128xf32, #tpu.memory_space<vmem>>, vector<16xf32>,
      %gather3A_2256 = tpu.vector_load_idx %arg10[%shift_right_arithmetic3A_19, %and3A_42, %add3A_2232] : memref<8x8x128xf32, #tpu.memory_space<vmem>>[vector<16xi32>, vector<16xi32>, vector<16xi32>], vector<16xf32>,
      %gather3A_2257 = tpu.vector_load_idx %arg14[%shift_right_arithmetic3A_19, %and3A_42, %add3A_2239] : memref<8x8x128xf32, #tpu.memory_space<vmem>>[vector<16xi32>, vector<16xi32>, vector<16xi32>], vector<16xf32>,
      %swap3A_2258 = arith.index_cast %and3A_2225 : i32 to index
      %swap3A_2259 = arith.constant 32 : index
      %swap3A_2260 = tpu.vector_load %arg17[%swap3A_2258, %swap3A_2259] {strides = array<i32>} : memref<64x128xf32, #tpu.memory_space<vmem>>, vector<16xf32>,
      tpu.vector_store %arg17[%swap3A_2258, %swap3A_2259], %gather3A_2256 {strides = array<i32>} : memref<64x128xf32, #tpu.memory_space<vmem>>, vector<16xf32>,
      %swap3A_2261 = arith.index_cast %and3A_2225 : i32 to index
      %swap3A_2262 = arith.constant 96 : index
      %swap3A_2263 = tpu.vector_load %arg17[%swap3A_2261, %swap3A_2262] {strides = array<i32>} : memref<64x128xf32, #tpu.memory_space<vmem>>, vector<16xf32>,
      tpu.vector_store %arg17[%swap3A_2261, %swap3A_2262], %gather3A_2257 {strides = array<i32>} : memref<64x128xf32, #tpu.memory_space<vmem>>, vector<16xf32>,
      %gather3A_2264 = tpu.vector_load_idx %arg10[%shift_right_arithmetic3A_25, %and3A_48, %add3A_2232] : memref<8x8x128xf32, #tpu.memory_space<vmem>>[vector<16xi32>, vector<16xi32>, vector<16xi32>], vector<16xf32>,
      %gather3A_2265 = tpu.vector_load_idx %arg14[%shift_right_arithmetic3A_25, %and3A_48, %add3A_2239] : memref<8x8x128xf32, #tpu.memory_space<vmem>>[vector<16xi32>, vector<16xi32>, vector<16xi32>], vector<16xf32>,
      %swap3A_2266 = arith.index_cast %and3A_2225 : i32 to index
      %swap3A_2267 = arith.constant 48 : index
      %swap3A_2268 = tpu.vector_load %arg17[%swap3A_2266, %swap3A_2267] {strides = array<i32>} : memref<64x128xf32, #tpu.memory_space<vmem>>, vector<16xf32>,
      tpu.vector_store %arg17[%swap3A_2266, %swap3A_2267], %gather3A_2264 {strides = array<i32>} : memref<64x128xf32, #tpu.memory_space<vmem>>, vector<16xf32>,
      %swap3A_2269 = arith.index_cast %and3A_2225 : i32 to index
      %swap3A_2270 = arith.constant 112 : index
      %swap3A_2271 = tpu.vector_load %arg17[%swap3A_2269, %swap3A_2270] {strides = array<i32>} : memref<64x128xf32, #tpu.memory_space<vmem>>, vector<16xf32>,
      tpu.vector_store %arg17[%swap3A_2269, %swap3A_2270], %gather3A_2265 {strides = array<i32>} : memref<64x128xf32, #tpu.memory_space<vmem>>, vector<16xf32>,
      %lt3A_2272 = arith.constant 31 : i32
      %lt3A_2273 = arith.cmpi slt, %scan3A_381, %lt3A_2272 : i32
      %convert_element_type3A_2274 = arith.extui %lt3A_2273 : i1 to i32
      %cond3A_2275 = arith.constant 0 : i32
      %cond3A_2276 = arith.cmpi ne, %convert_element_type3A_2274, %cond3A_2275 : i32
      scf.if %cond3A_2276 {
        %shift_right_arithmetic3A_2429 = arith.constant 7 : i32
        %shift_right_arithmetic3A_2430 = arith.shrsi %squeeze3A_468, %shift_right_arithmetic3A_2429 : i32
        %mul3A_2431 = arith.constant 128 : i32
        %mul3A_2432 = arith.muli %shift_right_arithmetic3A_2430, %mul3A_2431 : i32
        %multiple_of3A_2433 = tpu.assume_multiple %mul3A_2432, 128 : i32
        %shift_right_arithmetic3A_2434 = arith.constant 7 : i32
        %shift_right_arithmetic3A_2435 = arith.shrsi %squeeze3A_500, %shift_right_arithmetic3A_2434 : i32
        %mul3A_2436 = arith.constant 128 : i32
        %mul3A_2437 = arith.muli %shift_right_arithmetic3A_2435, %mul3A_2436 : i32
        %multiple_of3A_2438 = tpu.assume_multiple %mul3A_2437, 128 : i32
        %dma_start3A_2439 = arith.constant 0 : i32
        %dma_start3A_2440 = arith.constant 0 : i32
        %dma_start3A_2441 = arith.constant 0 : i32
        %dma_start3A_2442 = tpu.memref_slice %arg10[%dma_start3A_2439, %dma_start3A_2440, %dma_start3A_2441] : memref<8x8x128xf32, #tpu.memory_space<vmem>> -> memref<4x8x128xf32, #tpu.memory_space<vmem>>
        %dma_start3A_2443 = arith.constant 0 : i32
        %dma_start3A_2444 = arith.constant 0 : i32
        %dma_start3A_2445 = tpu.memref_slice %arg4[%dma_start3A_2443, %dma_start3A_2444, %multiple_of3A_2433] : memref<8x8x1000000xf32, #tpu.memory_space<hbm>> -> memref<4x8x128xf32, #tpu.memory_space<hbm>>
        %dma_start3A_2446 = arith.constant 0 : i32
        %dma_start3A_2447 = arith.constant 0 : i32
        %dma_start3A_2448 = arith.constant 0 : i32
        %dma_start3A_2449 = tpu.memref_slice %arg10[%dma_start3A_2446, %dma_start3A_2447, %dma_start3A_2448] : memref<8x8x128xf32, #tpu.memory_space<vmem>> -> memref<4x8x128xf32, #tpu.memory_space<vmem>>
        %dma_start3A_2450 = arith.constant 0 : i32
        %dma_start3A_2451 = arith.constant 0 : i32
        %dma_start3A_2452 = tpu.memref_slice %arg4[%dma_start3A_2450, %dma_start3A_2451, %multiple_of3A_2433] : memref<8x8x1000000xf32, #tpu.memory_space<hbm>> -> memref<4x8x128xf32, #tpu.memory_space<hbm>>
        tpu.enqueue_dma source(%dma_start3A_2452 : memref<4x8x128xf32, #tpu.memory_space<hbm>>) target(%dma_start3A_2449 : memref<4x8x128xf32, #tpu.memory_space<vmem>>) target_semaphore(%arg19 : memref<!tpu.dma_semaphore, #tpu.memory_space<semaphore_mem>>)
        %dma_start3A_2453 = arith.constant 0 : i32
        %dma_start3A_2454 = arith.constant 0 : i32
        %dma_start3A_2455 = arith.constant 0 : i32
        %dma_start3A_2456 = tpu.memref_slice %arg14[%dma_start3A_2453, %dma_start3A_2454, %dma_start3A_2455] : memref<8x8x128xf32, #tpu.memory_space<vmem>> -> memref<4x8x128xf32, #tpu.memory_space<vmem>>
        %dma_start3A_2457 = arith.constant 0 : i32
        %dma_start3A_2458 = arith.constant 0 : i32
        %dma_start3A_2459 = tpu.memref_slice %arg5[%dma_start3A_2457, %dma_start3A_2458, %multiple_of3A_2438] : memref<8x8x1000000xf32, #tpu.memory_space<hbm>> -> memref<4x8x128xf32, #tpu.memory_space<hbm>>
        %dma_start3A_2460 = arith.constant 0 : i32
        %dma_start3A_2461 = arith.constant 0 : i32
        %dma_start3A_2462 = arith.constant 0 : i32
        %dma_start3A_2463 = tpu.memref_slice %arg14[%dma_start3A_2460, %dma_start3A_2461, %dma_start3A_2462] : memref<8x8x128xf32, #tpu.memory_space<vmem>> -> memref<4x8x128xf32, #tpu.memory_space<vmem>>
        %dma_start3A_2464 = arith.constant 0 : i32
        %dma_start3A_2465 = arith.constant 0 : i32
        %dma_start3A_2466 = tpu.memref_slice %arg5[%dma_start3A_2464, %dma_start3A_2465, %multiple_of3A_2438] : memref<8x8x1000000xf32, #tpu.memory_space<hbm>> -> memref<4x8x128xf32, #tpu.memory_space<hbm>>
        tpu.enqueue_dma source(%dma_start3A_2466 : memref<4x8x128xf32, #tpu.memory_space<hbm>>) target(%dma_start3A_2463 : memref<4x8x128xf32, #tpu.memory_space<vmem>>) target_semaphore(%arg19 : memref<!tpu.dma_semaphore, #tpu.memory_space<semaphore_mem>>)
        %dma_start3A_2467 = arith.constant 4 : i32
        %dma_start3A_2468 = arith.constant 0 : i32
        %dma_start3A_2469 = arith.constant 0 : i32
        %dma_start3A_2470 = tpu.memref_slice %arg10[%dma_start3A_2467, %dma_start3A_2468, %dma_start3A_2469] : memref<8x8x128xf32, #tpu.memory_space<vmem>> -> memref<4x8x128xf32, #tpu.memory_space<vmem>>
        %dma_start3A_2471 = arith.constant 4 : i32
        %dma_start3A_2472 = arith.constant 0 : i32
        %dma_start3A_2473 = tpu.memref_slice %arg4[%dma_start3A_2471, %dma_start3A_2472, %multiple_of3A_2433] : memref<8x8x1000000xf32, #tpu.memory_space<hbm>> -> memref<4x8x128xf32, #tpu.memory_space<hbm>>
        %dma_start3A_2474 = arith.constant 4 : i32
        %dma_start3A_2475 = arith.constant 0 : i32
        %dma_start3A_2476 = arith.constant 0 : i32
        %dma_start3A_2477 = tpu.memref_slice %arg10[%dma_start3A_2474, %dma_start3A_2475, %dma_start3A_2476] : memref<8x8x128xf32, #tpu.memory_space<vmem>> -> memref<4x8x128xf32, #tpu.memory_space<vmem>>
        %dma_start3A_2478 = arith.constant 4 : i32
        %dma_start3A_2479 = arith.constant 0 : i32
        %dma_start3A_2480 = tpu.memref_slice %arg4[%dma_start3A_2478, %dma_start3A_2479, %multiple_of3A_2433] : memref<8x8x1000000xf32, #tpu.memory_space<hbm>> -> memref<4x8x128xf32, #tpu.memory_space<hbm>>
        tpu.enqueue_dma source(%dma_start3A_2480 : memref<4x8x128xf32, #tpu.memory_space<hbm>>) target(%dma_start3A_2477 : memref<4x8x128xf32, #tpu.memory_space<vmem>>) target_semaphore(%arg19 : memref<!tpu.dma_semaphore, #tpu.memory_space<semaphore_mem>>)
        %dma_start3A_2481 = arith.constant 4 : i32
        %dma_start3A_2482 = arith.constant 0 : i32
        %dma_start3A_2483 = arith.constant 0 : i32
        %dma_start3A_2484 = tpu.memref_slice %arg14[%dma_start3A_2481, %dma_start3A_2482, %dma_start3A_2483] : memref<8x8x128xf32, #tpu.memory_space<vmem>> -> memref<4x8x128xf32, #tpu.memory_space<vmem>>
        %dma_start3A_2485 = arith.constant 4 : i32
        %dma_start3A_2486 = arith.constant 0 : i32
        %dma_start3A_2487 = tpu.memref_slice %arg5[%dma_start3A_2485, %dma_start3A_2486, %multiple_of3A_2438] : memref<8x8x1000000xf32, #tpu.memory_space<hbm>> -> memref<4x8x128xf32, #tpu.memory_space<hbm>>
        %dma_start3A_2488 = arith.constant 4 : i32
        %dma_start3A_2489 = arith.constant 0 : i32
        %dma_start3A_2490 = arith.constant 0 : i32
        %dma_start3A_2491 = tpu.memref_slice %arg14[%dma_start3A_2488, %dma_start3A_2489, %dma_start3A_2490] : memref<8x8x128xf32, #tpu.memory_space<vmem>> -> memref<4x8x128xf32, #tpu.memory_space<vmem>>
        %dma_start3A_2492 = arith.constant 4 : i32
        %dma_start3A_2493 = arith.constant 0 : i32
        %dma_start3A_2494 = tpu.memref_slice %arg5[%dma_start3A_2492, %dma_start3A_2493, %multiple_of3A_2438] : memref<8x8x1000000xf32, #tpu.memory_space<hbm>> -> memref<4x8x128xf32, #tpu.memory_space<hbm>>
        tpu.enqueue_dma source(%dma_start3A_2494 : memref<4x8x128xf32, #tpu.memory_space<hbm>>) target(%dma_start3A_2491 : memref<4x8x128xf32, #tpu.memory_space<vmem>>) target_semaphore(%arg19 : memref<!tpu.dma_semaphore, #tpu.memory_space<semaphore_mem>>)
      } else {
      }
      %dma_wait3A_2277 = arith.constant 0 : i32
      %dma_wait3A_2278 = arith.constant 0 : i32
      %dma_wait3A_2279 = arith.constant 0 : i32
      %dma_wait3A_2280 = tpu.memref_slice %arg4[%dma_wait3A_2277, %dma_wait3A_2278, %dma_wait3A_2279] : memref<8x8x1000000xf32, #tpu.memory_space<hbm>> -> memref<8x8x128xf32, #tpu.memory_space<hbm>>
      %dma_wait3A_2281 = arith.constant 0 : i32
      %dma_wait3A_2282 = arith.constant 0 : i32
      %dma_wait3A_2283 = arith.constant 0 : i32
      %dma_wait3A_2284 = tpu.memref_slice %arg4[%dma_wait3A_2281, %dma_wait3A_2282, %dma_wait3A_2283] : memref<8x8x1000000xf32, #tpu.memory_space<hbm>> -> memref<8x8x128xf32, #tpu.memory_space<hbm>>
      tpu.wait_dma2 semaphore(%arg20 : memref<!tpu.dma_semaphore, #tpu.memory_space<semaphore_mem>>) src(%dma_wait3A_2284 : memref<8x8x128xf32, #tpu.memory_space<hbm>>) dst(%arg11 : memref<8x8x128xf32, #tpu.memory_space<vmem>>)
      %dma_wait3A_2285 = arith.constant 0 : i32
      %dma_wait3A_2286 = arith.constant 0 : i32
      %dma_wait3A_2287 = arith.constant 0 : i32
      %dma_wait3A_2288 = tpu.memref_slice %arg5[%dma_wait3A_2285, %dma_wait3A_2286, %dma_wait3A_2287] : memref<8x8x1000000xf32, #tpu.memory_space<hbm>> -> memref<8x8x128xf32, #tpu.memory_space<hbm>>
      %dma_wait3A_2289 = arith.constant 0 : i32
      %dma_wait3A_2290 = arith.constant 0 : i32
      %dma_wait3A_2291 = arith.constant 0 : i32
      %dma_wait3A_2292 = tpu.memref_slice %arg5[%dma_wait3A_2289, %dma_wait3A_2290, %dma_wait3A_2291] : memref<8x8x1000000xf32, #tpu.memory_space<hbm>> -> memref<8x8x128xf32, #tpu.memory_space<hbm>>
      tpu.wait_dma2 semaphore(%arg20 : memref<!tpu.dma_semaphore, #tpu.memory_space<semaphore_mem>>) src(%dma_wait3A_2292 : memref<8x8x128xf32, #tpu.memory_space<hbm>>) dst(%arg15 : memref<8x8x128xf32, #tpu.memory_space<vmem>>)
      %mul3A_2293 = arith.constant 16 : i32
      %mul3A_2294 = arith.muli %scan3A_381, %mul3A_2293 : i32
      %add3A_2295 = arith.constant 14 : i32
      %add3A_2296 = arith.addi %mul3A_2294, %add3A_2295 : i32
      %and3A_2297 = arith.constant 63 : i32
      %and3A_2298 = arith.andi %add3A_2296, %and3A_2297 : i32
      %mul3A_2299 = arith.constant 0 : i32
      %mul3A_2300 = vector.broadcast %mul3A_2299 : i32 to vector<16xi32>
      %mul3A_2301 = arith.muli %iota3A, %mul3A_2300 : vector<16xi32>
      %and3A_2302 = arith.constant 127 : i32
      %and3A_2303 = arith.andi %squeeze3A_419, %and3A_2302 : i32
      %add3A_2304 = vector.broadcast %and3A_2303 : i32 to vector<16xi32>
      %add3A_2305 = arith.addi %mul3A_2301, %add3A_2304 : vector<16xi32>
      %mul3A_2306 = arith.constant 0 : i32
      %mul3A_2307 = vector.broadcast %mul3A_2306 : i32 to vector<16xi32>
      %mul3A_2308 = arith.muli %iota3A, %mul3A_2307 : vector<16xi32>
      %and3A_2309 = arith.constant 127 : i32
      %and3A_2310 = arith.andi %squeeze3A_451, %and3A_2309 : i32
      %add3A_2311 = vector.broadcast %and3A_2310 : i32 to vector<16xi32>
      %add3A_2312 = arith.addi %mul3A_2308, %add3A_2311 : vector<16xi32>
      %gather3A_2313 = tpu.vector_load_idx %arg11[%shift_right_arithmetic3A_7, %and3A_30, %add3A_2305] : memref<8x8x128xf32, #tpu.memory_space<vmem>>[vector<16xi32>, vector<16xi32>, vector<16xi32>], vector<16xf32>,
      %gather3A_2314 = tpu.vector_load_idx %arg15[%shift_right_arithmetic3A_7, %and3A_30, %add3A_2312] : memref<8x8x128xf32, #tpu.memory_space<vmem>>[vector<16xi32>, vector<16xi32>, vector<16xi32>], vector<16xf32>,
      %swap3A_2315 = arith.index_cast %and3A_2298 : i32 to index
      %swap3A_2316 = arith.constant 0 : index
      %swap3A_2317 = tpu.vector_load %arg17[%swap3A_2315, %swap3A_2316] {strides = array<i32>} : memref<64x128xf32, #tpu.memory_space<vmem>>, vector<16xf32>,
      tpu.vector_store %arg17[%swap3A_2315, %swap3A_2316], %gather3A_2313 {strides = array<i32>} : memref<64x128xf32, #tpu.memory_space<vmem>>, vector<16xf32>,
      %swap3A_2318 = arith.index_cast %and3A_2298 : i32 to index
      %swap3A_2319 = arith.constant 64 : index
      %swap3A_2320 = tpu.vector_load %arg17[%swap3A_2318, %swap3A_2319] {strides = array<i32>} : memref<64x128xf32, #tpu.memory_space<vmem>>, vector<16xf32>,
      tpu.vector_store %arg17[%swap3A_2318, %swap3A_2319], %gather3A_2314 {strides = array<i32>} : memref<64x128xf32, #tpu.memory_space<vmem>>, vector<16xf32>,
      %gather3A_2321 = tpu.vector_load_idx %arg11[%shift_right_arithmetic3A_13, %and3A_36, %add3A_2305] : memref<8x8x128xf32, #tpu.memory_space<vmem>>[vector<16xi32>, vector<16xi32>, vector<16xi32>], vector<16xf32>,
      %gather3A_2322 = tpu.vector_load_idx %arg15[%shift_right_arithmetic3A_13, %and3A_36, %add3A_2312] : memref<8x8x128xf32, #tpu.memory_space<vmem>>[vector<16xi32>, vector<16xi32>, vector<16xi32>], vector<16xf32>,
      %swap3A_2323 = arith.index_cast %and3A_2298 : i32 to index
      %swap3A_2324 = arith.constant 16 : index
      %swap3A_2325 = tpu.vector_load %arg17[%swap3A_2323, %swap3A_2324] {strides = array<i32>} : memref<64x128xf32, #tpu.memory_space<vmem>>, vector<16xf32>,
      tpu.vector_store %arg17[%swap3A_2323, %swap3A_2324], %gather3A_2321 {strides = array<i32>} : memref<64x128xf32, #tpu.memory_space<vmem>>, vector<16xf32>,
      %swap3A_2326 = arith.index_cast %and3A_2298 : i32 to index
      %swap3A_2327 = arith.constant 80 : index
      %swap3A_2328 = tpu.vector_load %arg17[%swap3A_2326, %swap3A_2327] {strides = array<i32>} : memref<64x128xf32, #tpu.memory_space<vmem>>, vector<16xf32>,
      tpu.vector_store %arg17[%swap3A_2326, %swap3A_2327], %gather3A_2322 {strides = array<i32>} : memref<64x128xf32, #tpu.memory_space<vmem>>, vector<16xf32>,
      %gather3A_2329 = tpu.vector_load_idx %arg11[%shift_right_arithmetic3A_19, %and3A_42, %add3A_2305] : memref<8x8x128xf32, #tpu.memory_space<vmem>>[vector<16xi32>, vector<16xi32>, vector<16xi32>], vector<16xf32>,
      %gather3A_2330 = tpu.vector_load_idx %arg15[%shift_right_arithmetic3A_19, %and3A_42, %add3A_2312] : memref<8x8x128xf32, #tpu.memory_space<vmem>>[vector<16xi32>, vector<16xi32>, vector<16xi32>], vector<16xf32>,
      %swap3A_2331 = arith.index_cast %and3A_2298 : i32 to index
      %swap3A_2332 = arith.constant 32 : index
      %swap3A_2333 = tpu.vector_load %arg17[%swap3A_2331, %swap3A_2332] {strides = array<i32>} : memref<64x128xf32, #tpu.memory_space<vmem>>, vector<16xf32>,
      tpu.vector_store %arg17[%swap3A_2331, %swap3A_2332], %gather3A_2329 {strides = array<i32>} : memref<64x128xf32, #tpu.memory_space<vmem>>, vector<16xf32>,
      %swap3A_2334 = arith.index_cast %and3A_2298 : i32 to index
      %swap3A_2335 = arith.constant 96 : index
      %swap3A_2336 = tpu.vector_load %arg17[%swap3A_2334, %swap3A_2335] {strides = array<i32>} : memref<64x128xf32, #tpu.memory_space<vmem>>, vector<16xf32>,
      tpu.vector_store %arg17[%swap3A_2334, %swap3A_2335], %gather3A_2330 {strides = array<i32>} : memref<64x128xf32, #tpu.memory_space<vmem>>, vector<16xf32>,
      %gather3A_2337 = tpu.vector_load_idx %arg11[%shift_right_arithmetic3A_25, %and3A_48, %add3A_2305] : memref<8x8x128xf32, #tpu.memory_space<vmem>>[vector<16xi32>, vector<16xi32>, vector<16xi32>], vector<16xf32>,
      %gather3A_2338 = tpu.vector_load_idx %arg15[%shift_right_arithmetic3A_25, %and3A_48, %add3A_2312] : memref<8x8x128xf32, #tpu.memory_space<vmem>>[vector<16xi32>, vector<16xi32>, vector<16xi32>], vector<16xf32>,
      %swap3A_2339 = arith.index_cast %and3A_2298 : i32 to index
      %swap3A_2340 = arith.constant 48 : index
      %swap3A_2341 = tpu.vector_load %arg17[%swap3A_2339, %swap3A_2340] {strides = array<i32>} : memref<64x128xf32, #tpu.memory_space<vmem>>, vector<16xf32>,
      tpu.vector_store %arg17[%swap3A_2339, %swap3A_2340], %gather3A_2337 {strides = array<i32>} : memref<64x128xf32, #tpu.memory_space<vmem>>, vector<16xf32>,
      %swap3A_2342 = arith.index_cast %and3A_2298 : i32 to index
      %swap3A_2343 = arith.constant 112 : index
      %swap3A_2344 = tpu.vector_load %arg17[%swap3A_2342, %swap3A_2343] {strides = array<i32>} : memref<64x128xf32, #tpu.memory_space<vmem>>, vector<16xf32>,
      tpu.vector_store %arg17[%swap3A_2342, %swap3A_2343], %gather3A_2338 {strides = array<i32>} : memref<64x128xf32, #tpu.memory_space<vmem>>, vector<16xf32>,
      %lt3A_2345 = arith.constant 31 : i32
      %lt3A_2346 = arith.cmpi slt, %scan3A_381, %lt3A_2345 : i32
      %convert_element_type3A_2347 = arith.extui %lt3A_2346 : i1 to i32
      %cond3A_2348 = arith.constant 0 : i32
      %cond3A_2349 = arith.cmpi ne, %convert_element_type3A_2347, %cond3A_2348 : i32
      scf.if %cond3A_2349 {
        %shift_right_arithmetic3A_2429 = arith.constant 7 : i32
        %shift_right_arithmetic3A_2430 = arith.shrsi %squeeze3A_470, %shift_right_arithmetic3A_2429 : i32
        %mul3A_2431 = arith.constant 128 : i32
        %mul3A_2432 = arith.muli %shift_right_arithmetic3A_2430, %mul3A_2431 : i32
        %multiple_of3A_2433 = tpu.assume_multiple %mul3A_2432, 128 : i32
        %shift_right_arithmetic3A_2434 = arith.constant 7 : i32
        %shift_right_arithmetic3A_2435 = arith.shrsi %squeeze3A_502, %shift_right_arithmetic3A_2434 : i32
        %mul3A_2436 = arith.constant 128 : i32
        %mul3A_2437 = arith.muli %shift_right_arithmetic3A_2435, %mul3A_2436 : i32
        %multiple_of3A_2438 = tpu.assume_multiple %mul3A_2437, 128 : i32
        %dma_start3A_2439 = arith.constant 0 : i32
        %dma_start3A_2440 = arith.constant 0 : i32
        %dma_start3A_2441 = arith.constant 0 : i32
        %dma_start3A_2442 = tpu.memref_slice %arg11[%dma_start3A_2439, %dma_start3A_2440, %dma_start3A_2441] : memref<8x8x128xf32, #tpu.memory_space<vmem>> -> memref<4x8x128xf32, #tpu.memory_space<vmem>>
        %dma_start3A_2443 = arith.constant 0 : i32
        %dma_start3A_2444 = arith.constant 0 : i32
        %dma_start3A_2445 = tpu.memref_slice %arg4[%dma_start3A_2443, %dma_start3A_2444, %multiple_of3A_2433] : memref<8x8x1000000xf32, #tpu.memory_space<hbm>> -> memref<4x8x128xf32, #tpu.memory_space<hbm>>
        %dma_start3A_2446 = arith.constant 0 : i32
        %dma_start3A_2447 = arith.constant 0 : i32
        %dma_start3A_2448 = arith.constant 0 : i32
        %dma_start3A_2449 = tpu.memref_slice %arg11[%dma_start3A_2446, %dma_start3A_2447, %dma_start3A_2448] : memref<8x8x128xf32, #tpu.memory_space<vmem>> -> memref<4x8x128xf32, #tpu.memory_space<vmem>>
        %dma_start3A_2450 = arith.constant 0 : i32
        %dma_start3A_2451 = arith.constant 0 : i32
        %dma_start3A_2452 = tpu.memref_slice %arg4[%dma_start3A_2450, %dma_start3A_2451, %multiple_of3A_2433] : memref<8x8x1000000xf32, #tpu.memory_space<hbm>> -> memref<4x8x128xf32, #tpu.memory_space<hbm>>
        tpu.enqueue_dma source(%dma_start3A_2452 : memref<4x8x128xf32, #tpu.memory_space<hbm>>) target(%dma_start3A_2449 : memref<4x8x128xf32, #tpu.memory_space<vmem>>) target_semaphore(%arg20 : memref<!tpu.dma_semaphore, #tpu.memory_space<semaphore_mem>>)
        %dma_start3A_2453 = arith.constant 0 : i32
        %dma_start3A_2454 = arith.constant 0 : i32
        %dma_start3A_2455 = arith.constant 0 : i32
        %dma_start3A_2456 = tpu.memref_slice %arg15[%dma_start3A_2453, %dma_start3A_2454, %dma_start3A_2455] : memref<8x8x128xf32, #tpu.memory_space<vmem>> -> memref<4x8x128xf32, #tpu.memory_space<vmem>>
        %dma_start3A_2457 = arith.constant 0 : i32
        %dma_start3A_2458 = arith.constant 0 : i32
        %dma_start3A_2459 = tpu.memref_slice %arg5[%dma_start3A_2457, %dma_start3A_2458, %multiple_of3A_2438] : memref<8x8x1000000xf32, #tpu.memory_space<hbm>> -> memref<4x8x128xf32, #tpu.memory_space<hbm>>
        %dma_start3A_2460 = arith.constant 0 : i32
        %dma_start3A_2461 = arith.constant 0 : i32
        %dma_start3A_2462 = arith.constant 0 : i32
        %dma_start3A_2463 = tpu.memref_slice %arg15[%dma_start3A_2460, %dma_start3A_2461, %dma_start3A_2462] : memref<8x8x128xf32, #tpu.memory_space<vmem>> -> memref<4x8x128xf32, #tpu.memory_space<vmem>>
        %dma_start3A_2464 = arith.constant 0 : i32
        %dma_start3A_2465 = arith.constant 0 : i32
        %dma_start3A_2466 = tpu.memref_slice %arg5[%dma_start3A_2464, %dma_start3A_2465, %multiple_of3A_2438] : memref<8x8x1000000xf32, #tpu.memory_space<hbm>> -> memref<4x8x128xf32, #tpu.memory_space<hbm>>
        tpu.enqueue_dma source(%dma_start3A_2466 : memref<4x8x128xf32, #tpu.memory_space<hbm>>) target(%dma_start3A_2463 : memref<4x8x128xf32, #tpu.memory_space<vmem>>) target_semaphore(%arg20 : memref<!tpu.dma_semaphore, #tpu.memory_space<semaphore_mem>>)
        %dma_start3A_2467 = arith.constant 4 : i32
        %dma_start3A_2468 = arith.constant 0 : i32
        %dma_start3A_2469 = arith.constant 0 : i32
        %dma_start3A_2470 = tpu.memref_slice %arg11[%dma_start3A_2467, %dma_start3A_2468, %dma_start3A_2469] : memref<8x8x128xf32, #tpu.memory_space<vmem>> -> memref<4x8x128xf32, #tpu.memory_space<vmem>>
        %dma_start3A_2471 = arith.constant 4 : i32
        %dma_start3A_2472 = arith.constant 0 : i32
        %dma_start3A_2473 = tpu.memref_slice %arg4[%dma_start3A_2471, %dma_start3A_2472, %multiple_of3A_2433] : memref<8x8x1000000xf32, #tpu.memory_space<hbm>> -> memref<4x8x128xf32, #tpu.memory_space<hbm>>
        %dma_start3A_2474 = arith.constant 4 : i32
        %dma_start3A_2475 = arith.constant 0 : i32
        %dma_start3A_2476 = arith.constant 0 : i32
        %dma_start3A_2477 = tpu.memref_slice %arg11[%dma_start3A_2474, %dma_start3A_2475, %dma_start3A_2476] : memref<8x8x128xf32, #tpu.memory_space<vmem>> -> memref<4x8x128xf32, #tpu.memory_space<vmem>>
        %dma_start3A_2478 = arith.constant 4 : i32
        %dma_start3A_2479 = arith.constant 0 : i32
        %dma_start3A_2480 = tpu.memref_slice %arg4[%dma_start3A_2478, %dma_start3A_2479, %multiple_of3A_2433] : memref<8x8x1000000xf32, #tpu.memory_space<hbm>> -> memref<4x8x128xf32, #tpu.memory_space<hbm>>
        tpu.enqueue_dma source(%dma_start3A_2480 : memref<4x8x128xf32, #tpu.memory_space<hbm>>) target(%dma_start3A_2477 : memref<4x8x128xf32, #tpu.memory_space<vmem>>) target_semaphore(%arg20 : memref<!tpu.dma_semaphore, #tpu.memory_space<semaphore_mem>>)
        %dma_start3A_2481 = arith.constant 4 : i32
        %dma_start3A_2482 = arith.constant 0 : i32
        %dma_start3A_2483 = arith.constant 0 : i32
        %dma_start3A_2484 = tpu.memref_slice %arg15[%dma_start3A_2481, %dma_start3A_2482, %dma_start3A_2483] : memref<8x8x128xf32, #tpu.memory_space<vmem>> -> memref<4x8x128xf32, #tpu.memory_space<vmem>>
        %dma_start3A_2485 = arith.constant 4 : i32
        %dma_start3A_2486 = arith.constant 0 : i32
        %dma_start3A_2487 = tpu.memref_slice %arg5[%dma_start3A_2485, %dma_start3A_2486, %multiple_of3A_2438] : memref<8x8x1000000xf32, #tpu.memory_space<hbm>> -> memref<4x8x128xf32, #tpu.memory_space<hbm>>
        %dma_start3A_2488 = arith.constant 4 : i32
        %dma_start3A_2489 = arith.constant 0 : i32
        %dma_start3A_2490 = arith.constant 0 : i32
        %dma_start3A_2491 = tpu.memref_slice %arg15[%dma_start3A_2488, %dma_start3A_2489, %dma_start3A_2490] : memref<8x8x128xf32, #tpu.memory_space<vmem>> -> memref<4x8x128xf32, #tpu.memory_space<vmem>>
        %dma_start3A_2492 = arith.constant 4 : i32
        %dma_start3A_2493 = arith.constant 0 : i32
        %dma_start3A_2494 = tpu.memref_slice %arg5[%dma_start3A_2492, %dma_start3A_2493, %multiple_of3A_2438] : memref<8x8x1000000xf32, #tpu.memory_space<hbm>> -> memref<4x8x128xf32, #tpu.memory_space<hbm>>
        tpu.enqueue_dma source(%dma_start3A_2494 : memref<4x8x128xf32, #tpu.memory_space<hbm>>) target(%dma_start3A_2491 : memref<4x8x128xf32, #tpu.memory_space<vmem>>) target_semaphore(%arg20 : memref<!tpu.dma_semaphore, #tpu.memory_space<semaphore_mem>>)
      } else {
      }
      %dma_wait3A_2350 = arith.constant 0 : i32
      %dma_wait3A_2351 = arith.constant 0 : i32
      %dma_wait3A_2352 = arith.constant 0 : i32
      %dma_wait3A_2353 = tpu.memref_slice %arg4[%dma_wait3A_2350, %dma_wait3A_2351, %dma_wait3A_2352] : memref<8x8x1000000xf32, #tpu.memory_space<hbm>> -> memref<8x8x128xf32, #tpu.memory_space<hbm>>
      %dma_wait3A_2354 = arith.constant 0 : i32
      %dma_wait3A_2355 = arith.constant 0 : i32
      %dma_wait3A_2356 = arith.constant 0 : i32
      %dma_wait3A_2357 = tpu.memref_slice %arg4[%dma_wait3A_2354, %dma_wait3A_2355, %dma_wait3A_2356] : memref<8x8x1000000xf32, #tpu.memory_space<hbm>> -> memref<8x8x128xf32, #tpu.memory_space<hbm>>
      tpu.wait_dma2 semaphore(%arg21 : memref<!tpu.dma_semaphore, #tpu.memory_space<semaphore_mem>>) src(%dma_wait3A_2357 : memref<8x8x128xf32, #tpu.memory_space<hbm>>) dst(%arg12 : memref<8x8x128xf32, #tpu.memory_space<vmem>>)
      %dma_wait3A_2358 = arith.constant 0 : i32
      %dma_wait3A_2359 = arith.constant 0 : i32
      %dma_wait3A_2360 = arith.constant 0 : i32
      %dma_wait3A_2361 = tpu.memref_slice %arg5[%dma_wait3A_2358, %dma_wait3A_2359, %dma_wait3A_2360] : memref<8x8x1000000xf32, #tpu.memory_space<hbm>> -> memref<8x8x128xf32, #tpu.memory_space<hbm>>
      %dma_wait3A_2362 = arith.constant 0 : i32
      %dma_wait3A_2363 = arith.constant 0 : i32
      %dma_wait3A_2364 = arith.constant 0 : i32
      %dma_wait3A_2365 = tpu.memref_slice %arg5[%dma_wait3A_2362, %dma_wait3A_2363, %dma_wait3A_2364] : memref<8x8x1000000xf32, #tpu.memory_space<hbm>> -> memref<8x8x128xf32, #tpu.memory_space<hbm>>
      tpu.wait_dma2 semaphore(%arg21 : memref<!tpu.dma_semaphore, #tpu.memory_space<semaphore_mem>>) src(%dma_wait3A_2365 : memref<8x8x128xf32, #tpu.memory_space<hbm>>) dst(%arg16 : memref<8x8x128xf32, #tpu.memory_space<vmem>>)
      %mul3A_2366 = arith.constant 16 : i32
      %mul3A_2367 = arith.muli %scan3A_381, %mul3A_2366 : i32
      %add3A_2368 = arith.constant 15 : i32
      %add3A_2369 = arith.addi %mul3A_2367, %add3A_2368 : i32
      %and3A_2370 = arith.constant 63 : i32
      %and3A_2371 = arith.andi %add3A_2369, %and3A_2370 : i32
      %mul3A_2372 = arith.constant 0 : i32
      %mul3A_2373 = vector.broadcast %mul3A_2372 : i32 to vector<16xi32>
      %mul3A_2374 = arith.muli %iota3A, %mul3A_2373 : vector<16xi32>
      %and3A_2375 = arith.constant 127 : i32
      %and3A_2376 = arith.andi %squeeze3A_421, %and3A_2375 : i32
      %add3A_2377 = vector.broadcast %and3A_2376 : i32 to vector<16xi32>
      %add3A_2378 = arith.addi %mul3A_2374, %add3A_2377 : vector<16xi32>
      %mul3A_2379 = arith.constant 0 : i32
      %mul3A_2380 = vector.broadcast %mul3A_2379 : i32 to vector<16xi32>
      %mul3A_2381 = arith.muli %iota3A, %mul3A_2380 : vector<16xi32>
      %and3A_2382 = arith.constant 127 : i32
      %and3A_2383 = arith.andi %squeeze3A_453, %and3A_2382 : i32
      %add3A_2384 = vector.broadcast %and3A_2383 : i32 to vector<16xi32>
      %add3A_2385 = arith.addi %mul3A_2381, %add3A_2384 : vector<16xi32>
      %gather3A_2386 = tpu.vector_load_idx %arg12[%shift_right_arithmetic3A_7, %and3A_30, %add3A_2378] : memref<8x8x128xf32, #tpu.memory_space<vmem>>[vector<16xi32>, vector<16xi32>, vector<16xi32>], vector<16xf32>,
      %gather3A_2387 = tpu.vector_load_idx %arg16[%shift_right_arithmetic3A_7, %and3A_30, %add3A_2385] : memref<8x8x128xf32, #tpu.memory_space<vmem>>[vector<16xi32>, vector<16xi32>, vector<16xi32>], vector<16xf32>,
      %swap3A_2388 = arith.index_cast %and3A_2371 : i32 to index
      %swap3A_2389 = arith.constant 0 : index
      %swap3A_2390 = tpu.vector_load %arg17[%swap3A_2388, %swap3A_2389] {strides = array<i32>} : memref<64x128xf32, #tpu.memory_space<vmem>>, vector<16xf32>,
      tpu.vector_store %arg17[%swap3A_2388, %swap3A_2389], %gather3A_2386 {strides = array<i32>} : memref<64x128xf32, #tpu.memory_space<vmem>>, vector<16xf32>,
      %swap3A_2391 = arith.index_cast %and3A_2371 : i32 to index
      %swap3A_2392 = arith.constant 64 : index
      %swap3A_2393 = tpu.vector_load %arg17[%swap3A_2391, %swap3A_2392] {strides = array<i32>} : memref<64x128xf32, #tpu.memory_space<vmem>>, vector<16xf32>,
      tpu.vector_store %arg17[%swap3A_2391, %swap3A_2392], %gather3A_2387 {strides = array<i32>} : memref<64x128xf32, #tpu.memory_space<vmem>>, vector<16xf32>,
      %gather3A_2394 = tpu.vector_load_idx %arg12[%shift_right_arithmetic3A_13, %and3A_36, %add3A_2378] : memref<8x8x128xf32, #tpu.memory_space<vmem>>[vector<16xi32>, vector<16xi32>, vector<16xi32>], vector<16xf32>,
      %gather3A_2395 = tpu.vector_load_idx %arg16[%shift_right_arithmetic3A_13, %and3A_36, %add3A_2385] : memref<8x8x128xf32, #tpu.memory_space<vmem>>[vector<16xi32>, vector<16xi32>, vector<16xi32>], vector<16xf32>,
      %swap3A_2396 = arith.index_cast %and3A_2371 : i32 to index
      %swap3A_2397 = arith.constant 16 : index
      %swap3A_2398 = tpu.vector_load %arg17[%swap3A_2396, %swap3A_2397] {strides = array<i32>} : memref<64x128xf32, #tpu.memory_space<vmem>>, vector<16xf32>,
      tpu.vector_store %arg17[%swap3A_2396, %swap3A_2397], %gather3A_2394 {strides = array<i32>} : memref<64x128xf32, #tpu.memory_space<vmem>>, vector<16xf32>,
      %swap3A_2399 = arith.index_cast %and3A_2371 : i32 to index
      %swap3A_2400 = arith.constant 80 : index
      %swap3A_2401 = tpu.vector_load %arg17[%swap3A_2399, %swap3A_2400] {strides = array<i32>} : memref<64x128xf32, #tpu.memory_space<vmem>>, vector<16xf32>,
      tpu.vector_store %arg17[%swap3A_2399, %swap3A_2400], %gather3A_2395 {strides = array<i32>} : memref<64x128xf32, #tpu.memory_space<vmem>>, vector<16xf32>,
      %gather3A_2402 = tpu.vector_load_idx %arg12[%shift_right_arithmetic3A_19, %and3A_42, %add3A_2378] : memref<8x8x128xf32, #tpu.memory_space<vmem>>[vector<16xi32>, vector<16xi32>, vector<16xi32>], vector<16xf32>,
      %gather3A_2403 = tpu.vector_load_idx %arg16[%shift_right_arithmetic3A_19, %and3A_42, %add3A_2385] : memref<8x8x128xf32, #tpu.memory_space<vmem>>[vector<16xi32>, vector<16xi32>, vector<16xi32>], vector<16xf32>,
      %swap3A_2404 = arith.index_cast %and3A_2371 : i32 to index
      %swap3A_2405 = arith.constant 32 : index
      %swap3A_2406 = tpu.vector_load %arg17[%swap3A_2404, %swap3A_2405] {strides = array<i32>} : memref<64x128xf32, #tpu.memory_space<vmem>>, vector<16xf32>,
      tpu.vector_store %arg17[%swap3A_2404, %swap3A_2405], %gather3A_2402 {strides = array<i32>} : memref<64x128xf32, #tpu.memory_space<vmem>>, vector<16xf32>,
      %swap3A_2407 = arith.index_cast %and3A_2371 : i32 to index
      %swap3A_2408 = arith.constant 96 : index
      %swap3A_2409 = tpu.vector_load %arg17[%swap3A_2407, %swap3A_2408] {strides = array<i32>} : memref<64x128xf32, #tpu.memory_space<vmem>>, vector<16xf32>,
      tpu.vector_store %arg17[%swap3A_2407, %swap3A_2408], %gather3A_2403 {strides = array<i32>} : memref<64x128xf32, #tpu.memory_space<vmem>>, vector<16xf32>,
      %gather3A_2410 = tpu.vector_load_idx %arg12[%shift_right_arithmetic3A_25, %and3A_48, %add3A_2378] : memref<8x8x128xf32, #tpu.memory_space<vmem>>[vector<16xi32>, vector<16xi32>, vector<16xi32>], vector<16xf32>,
      %gather3A_2411 = tpu.vector_load_idx %arg16[%shift_right_arithmetic3A_25, %and3A_48, %add3A_2385] : memref<8x8x128xf32, #tpu.memory_space<vmem>>[vector<16xi32>, vector<16xi32>, vector<16xi32>], vector<16xf32>,
      %swap3A_2412 = arith.index_cast %and3A_2371 : i32 to index
      %swap3A_2413 = arith.constant 48 : index
      %swap3A_2414 = tpu.vector_load %arg17[%swap3A_2412, %swap3A_2413] {strides = array<i32>} : memref<64x128xf32, #tpu.memory_space<vmem>>, vector<16xf32>,
      tpu.vector_store %arg17[%swap3A_2412, %swap3A_2413], %gather3A_2410 {strides = array<i32>} : memref<64x128xf32, #tpu.memory_space<vmem>>, vector<16xf32>,
      %swap3A_2415 = arith.index_cast %and3A_2371 : i32 to index
      %swap3A_2416 = arith.constant 112 : index
      %swap3A_2417 = tpu.vector_load %arg17[%swap3A_2415, %swap3A_2416] {strides = array<i32>} : memref<64x128xf32, #tpu.memory_space<vmem>>, vector<16xf32>,
      tpu.vector_store %arg17[%swap3A_2415, %swap3A_2416], %gather3A_2411 {strides = array<i32>} : memref<64x128xf32, #tpu.memory_space<vmem>>, vector<16xf32>,
      %lt3A_2418 = arith.constant 31 : i32
      %lt3A_2419 = arith.cmpi slt, %scan3A_381, %lt3A_2418 : i32
      %convert_element_type3A_2420 = arith.extui %lt3A_2419 : i1 to i32
      %cond3A_2421 = arith.constant 0 : i32
      %cond3A_2422 = arith.cmpi ne, %convert_element_type3A_2420, %cond3A_2421 : i32
      scf.if %cond3A_2422 {
        %shift_right_arithmetic3A_2429 = arith.constant 7 : i32
        %shift_right_arithmetic3A_2430 = arith.shrsi %squeeze3A_472, %shift_right_arithmetic3A_2429 : i32
        %mul3A_2431 = arith.constant 128 : i32
        %mul3A_2432 = arith.muli %shift_right_arithmetic3A_2430, %mul3A_2431 : i32
        %multiple_of3A_2433 = tpu.assume_multiple %mul3A_2432, 128 : i32
        %shift_right_arithmetic3A_2434 = arith.constant 7 : i32
        %shift_right_arithmetic3A_2435 = arith.shrsi %squeeze3A_504, %shift_right_arithmetic3A_2434 : i32
        %mul3A_2436 = arith.constant 128 : i32
        %mul3A_2437 = arith.muli %shift_right_arithmetic3A_2435, %mul3A_2436 : i32
        %multiple_of3A_2438 = tpu.assume_multiple %mul3A_2437, 128 : i32
        %dma_start3A_2439 = arith.constant 0 : i32
        %dma_start3A_2440 = arith.constant 0 : i32
        %dma_start3A_2441 = arith.constant 0 : i32
        %dma_start3A_2442 = tpu.memref_slice %arg12[%dma_start3A_2439, %dma_start3A_2440, %dma_start3A_2441] : memref<8x8x128xf32, #tpu.memory_space<vmem>> -> memref<4x8x128xf32, #tpu.memory_space<vmem>>
        %dma_start3A_2443 = arith.constant 0 : i32
        %dma_start3A_2444 = arith.constant 0 : i32
        %dma_start3A_2445 = tpu.memref_slice %arg4[%dma_start3A_2443, %dma_start3A_2444, %multiple_of3A_2433] : memref<8x8x1000000xf32, #tpu.memory_space<hbm>> -> memref<4x8x128xf32, #tpu.memory_space<hbm>>
        %dma_start3A_2446 = arith.constant 0 : i32
        %dma_start3A_2447 = arith.constant 0 : i32
        %dma_start3A_2448 = arith.constant 0 : i32
        %dma_start3A_2449 = tpu.memref_slice %arg12[%dma_start3A_2446, %dma_start3A_2447, %dma_start3A_2448] : memref<8x8x128xf32, #tpu.memory_space<vmem>> -> memref<4x8x128xf32, #tpu.memory_space<vmem>>
        %dma_start3A_2450 = arith.constant 0 : i32
        %dma_start3A_2451 = arith.constant 0 : i32
        %dma_start3A_2452 = tpu.memref_slice %arg4[%dma_start3A_2450, %dma_start3A_2451, %multiple_of3A_2433] : memref<8x8x1000000xf32, #tpu.memory_space<hbm>> -> memref<4x8x128xf32, #tpu.memory_space<hbm>>
        tpu.enqueue_dma source(%dma_start3A_2452 : memref<4x8x128xf32, #tpu.memory_space<hbm>>) target(%dma_start3A_2449 : memref<4x8x128xf32, #tpu.memory_space<vmem>>) target_semaphore(%arg21 : memref<!tpu.dma_semaphore, #tpu.memory_space<semaphore_mem>>)
        %dma_start3A_2453 = arith.constant 0 : i32
        %dma_start3A_2454 = arith.constant 0 : i32
        %dma_start3A_2455 = arith.constant 0 : i32
        %dma_start3A_2456 = tpu.memref_slice %arg16[%dma_start3A_2453, %dma_start3A_2454, %dma_start3A_2455] : memref<8x8x128xf32, #tpu.memory_space<vmem>> -> memref<4x8x128xf32, #tpu.memory_space<vmem>>
        %dma_start3A_2457 = arith.constant 0 : i32
        %dma_start3A_2458 = arith.constant 0 : i32
        %dma_start3A_2459 = tpu.memref_slice %arg5[%dma_start3A_2457, %dma_start3A_2458, %multiple_of3A_2438] : memref<8x8x1000000xf32, #tpu.memory_space<hbm>> -> memref<4x8x128xf32, #tpu.memory_space<hbm>>
        %dma_start3A_2460 = arith.constant 0 : i32
        %dma_start3A_2461 = arith.constant 0 : i32
        %dma_start3A_2462 = arith.constant 0 : i32
        %dma_start3A_2463 = tpu.memref_slice %arg16[%dma_start3A_2460, %dma_start3A_2461, %dma_start3A_2462] : memref<8x8x128xf32, #tpu.memory_space<vmem>> -> memref<4x8x128xf32, #tpu.memory_space<vmem>>
        %dma_start3A_2464 = arith.constant 0 : i32
        %dma_start3A_2465 = arith.constant 0 : i32
        %dma_start3A_2466 = tpu.memref_slice %arg5[%dma_start3A_2464, %dma_start3A_2465, %multiple_of3A_2438] : memref<8x8x1000000xf32, #tpu.memory_space<hbm>> -> memref<4x8x128xf32, #tpu.memory_space<hbm>>
        tpu.enqueue_dma source(%dma_start3A_2466 : memref<4x8x128xf32, #tpu.memory_space<hbm>>) target(%dma_start3A_2463 : memref<4x8x128xf32, #tpu.memory_space<vmem>>) target_semaphore(%arg21 : memref<!tpu.dma_semaphore, #tpu.memory_space<semaphore_mem>>)
        %dma_start3A_2467 = arith.constant 4 : i32
        %dma_start3A_2468 = arith.constant 0 : i32
        %dma_start3A_2469 = arith.constant 0 : i32
        %dma_start3A_2470 = tpu.memref_slice %arg12[%dma_start3A_2467, %dma_start3A_2468, %dma_start3A_2469] : memref<8x8x128xf32, #tpu.memory_space<vmem>> -> memref<4x8x128xf32, #tpu.memory_space<vmem>>
        %dma_start3A_2471 = arith.constant 4 : i32
        %dma_start3A_2472 = arith.constant 0 : i32
        %dma_start3A_2473 = tpu.memref_slice %arg4[%dma_start3A_2471, %dma_start3A_2472, %multiple_of3A_2433] : memref<8x8x1000000xf32, #tpu.memory_space<hbm>> -> memref<4x8x128xf32, #tpu.memory_space<hbm>>
        %dma_start3A_2474 = arith.constant 4 : i32
        %dma_start3A_2475 = arith.constant 0 : i32
        %dma_start3A_2476 = arith.constant 0 : i32
        %dma_start3A_2477 = tpu.memref_slice %arg12[%dma_start3A_2474, %dma_start3A_2475, %dma_start3A_2476] : memref<8x8x128xf32, #tpu.memory_space<vmem>> -> memref<4x8x128xf32, #tpu.memory_space<vmem>>
        %dma_start3A_2478 = arith.constant 4 : i32
        %dma_start3A_2479 = arith.constant 0 : i32
        %dma_start3A_2480 = tpu.memref_slice %arg4[%dma_start3A_2478, %dma_start3A_2479, %multiple_of3A_2433] : memref<8x8x1000000xf32, #tpu.memory_space<hbm>> -> memref<4x8x128xf32, #tpu.memory_space<hbm>>
        tpu.enqueue_dma source(%dma_start3A_2480 : memref<4x8x128xf32, #tpu.memory_space<hbm>>) target(%dma_start3A_2477 : memref<4x8x128xf32, #tpu.memory_space<vmem>>) target_semaphore(%arg21 : memref<!tpu.dma_semaphore, #tpu.memory_space<semaphore_mem>>)
        %dma_start3A_2481 = arith.constant 4 : i32
        %dma_start3A_2482 = arith.constant 0 : i32
        %dma_start3A_2483 = arith.constant 0 : i32
        %dma_start3A_2484 = tpu.memref_slice %arg16[%dma_start3A_2481, %dma_start3A_2482, %dma_start3A_2483] : memref<8x8x128xf32, #tpu.memory_space<vmem>> -> memref<4x8x128xf32, #tpu.memory_space<vmem>>
        %dma_start3A_2485 = arith.constant 4 : i32
        %dma_start3A_2486 = arith.constant 0 : i32
        %dma_start3A_2487 = tpu.memref_slice %arg5[%dma_start3A_2485, %dma_start3A_2486, %multiple_of3A_2438] : memref<8x8x1000000xf32, #tpu.memory_space<hbm>> -> memref<4x8x128xf32, #tpu.memory_space<hbm>>
        %dma_start3A_2488 = arith.constant 4 : i32
        %dma_start3A_2489 = arith.constant 0 : i32
        %dma_start3A_2490 = arith.constant 0 : i32
        %dma_start3A_2491 = tpu.memref_slice %arg16[%dma_start3A_2488, %dma_start3A_2489, %dma_start3A_2490] : memref<8x8x128xf32, #tpu.memory_space<vmem>> -> memref<4x8x128xf32, #tpu.memory_space<vmem>>
        %dma_start3A_2492 = arith.constant 4 : i32
        %dma_start3A_2493 = arith.constant 0 : i32
        %dma_start3A_2494 = tpu.memref_slice %arg5[%dma_start3A_2492, %dma_start3A_2493, %multiple_of3A_2438] : memref<8x8x1000000xf32, #tpu.memory_space<hbm>> -> memref<4x8x128xf32, #tpu.memory_space<hbm>>
        tpu.enqueue_dma source(%dma_start3A_2494 : memref<4x8x128xf32, #tpu.memory_space<hbm>>) target(%dma_start3A_2491 : memref<4x8x128xf32, #tpu.memory_space<vmem>>) target_semaphore(%arg21 : memref<!tpu.dma_semaphore, #tpu.memory_space<semaphore_mem>>)
      } else {
      }
      %and3A_2423 = arith.constant 3 : i32
      %and3A_2424 = arith.andi %scan3A_381, %and3A_2423 : i32
      %eq3A = arith.constant 3 : i32
      %eq3A_2425 = arith.cmpi eq, %and3A_2424, %eq3A : i32
      %convert_element_type3A_2426 = arith.extui %eq3A_2425 : i1 to i32
      %cond3A_2427 = arith.constant 0 : i32
      %cond3A_2428 = arith.cmpi ne, %convert_element_type3A_2426, %cond3A_2427 : i32
      scf.if %cond3A_2428 {
        %shift_right_arithmetic3A_2429 = arith.constant 2 : i32
        %shift_right_arithmetic3A_2430 = arith.shrsi %scan3A_381, %shift_right_arithmetic3A_2429 : i32
        %shift_left3A = arith.constant 6 : i32
        %shift_left3A_2431 = arith.shli %shift_right_arithmetic3A_2430, %shift_left3A : i32
        %add3A_2432 = arith.addi %mul3A_2, %shift_left3A_2431 : i32
        %multiple_of3A_2433 = tpu.assume_multiple %add3A_2432, 64 : i32
        "tpu.region"() ({
          %run_scoped3A = tpu.sem_alloc : memref<!tpu.dma_semaphore, #tpu.memory_space<semaphore_mem>>
          %dma_start3A_2434 = arith.constant 0 : i32
          %dma_start3A_2435 = tpu.memref_slice %arg6[%multiple_of3A_2433, %dma_start3A_2434] : memref<16384x128xf32, #tpu.memory_space<hbm>> -> memref<64x128xf32, #tpu.memory_space<hbm>>
          %dma_start3A_2436 = arith.constant 0 : i32
          %dma_start3A_2437 = tpu.memref_slice %arg6[%multiple_of3A_2433, %dma_start3A_2436] : memref<16384x128xf32, #tpu.memory_space<hbm>> -> memref<64x128xf32, #tpu.memory_space<hbm>>
          tpu.enqueue_dma source(%arg17 : memref<64x128xf32, #tpu.memory_space<vmem>>) target(%dma_start3A_2437 : memref<64x128xf32, #tpu.memory_space<hbm>>) target_semaphore(%run_scoped3A : memref<!tpu.dma_semaphore, #tpu.memory_space<semaphore_mem>>)
          %dma_wait3A_2438 = arith.constant 0 : i32
          %dma_wait3A_2439 = tpu.memref_slice %arg6[%multiple_of3A_2433, %dma_wait3A_2438] : memref<16384x128xf32, #tpu.memory_space<hbm>> -> memref<64x128xf32, #tpu.memory_space<hbm>>
          %dma_wait3A_2440 = arith.constant 0 : i32
          %dma_wait3A_2441 = tpu.memref_slice %arg6[%multiple_of3A_2433, %dma_wait3A_2440] : memref<16384x128xf32, #tpu.memory_space<hbm>> -> memref<64x128xf32, #tpu.memory_space<hbm>>
          tpu.wait_dma2 semaphore(%run_scoped3A : memref<!tpu.dma_semaphore, #tpu.memory_space<semaphore_mem>>) src(%arg17 : memref<64x128xf32, #tpu.memory_space<vmem>>) dst(%dma_wait3A_2441 : memref<64x128xf32, #tpu.memory_space<hbm>>)
          tpu.yield
        }) : () -> ()
      } else {
      }
    }
    %scan3A_380 = arith.constant 32 : i32
    return
  }
}

module attributes {stable_mosaic.version = 14 : i64} {
  func.func @_mlp_body(%arg0: i32, %arg1: memref<2048x128xf32, #tpu.memory_space<vmem>>, %arg2: memref<128x64xf32, #tpu.memory_space<vmem>>, %arg3: memref<1x64xf32, #tpu.memory_space<vmem>>, %arg4: memref<64x32xf32, #tpu.memory_space<vmem>>, %arg5: memref<1x32xf32, #tpu.memory_space<vmem>>, %arg6: memref<32x16xf32, #tpu.memory_space<vmem>>, %arg7: memref<1x16xf32, #tpu.memory_space<vmem>>, %arg8: memref<2048x16xf32, #tpu.memory_space<vmem>>) attributes {dimension_semantics = [#tpu.dimension_semantics<arbitrary>], iteration_bounds = array<i64: 8>, scalar_prefetch = 0 : i64, scratch_operands = 0 : i64, tpu.core_type = #tpu.core_type<tc>, window_params = [{transform_indices = @transform_0, window_bounds = array<i64: 2048, 128>}, {pipeline_mode = #tpu.pipeline_mode<synchronous>, transform_indices = @transform_1, window_bounds = array<i64: 128, 64>}, {pipeline_mode = #tpu.pipeline_mode<synchronous>, transform_indices = @transform_2, window_bounds = array<i64: 1, 64>}, {pipeline_mode = #tpu.pipeline_mode<synchronous>, transform_indices = @transform_3, window_bounds = array<i64: 64, 32>}, {pipeline_mode = #tpu.pipeline_mode<synchronous>, transform_indices = @transform_4, window_bounds = array<i64: 1, 32>}, {pipeline_mode = #tpu.pipeline_mode<synchronous>, transform_indices = @transform_5, window_bounds = array<i64: 32, 16>}, {pipeline_mode = #tpu.pipeline_mode<synchronous>, transform_indices = @transform_6, window_bounds = array<i64: 1, 16>}, {transform_indices = @transform_7, window_bounds = array<i64: 2048, 16>}]} {
    %get3A = arith.constant 0 : index
    %get3A_0 = arith.constant 0 : index
    %get3A_1 = vector.load %arg1[%get3A, %get3A_0] : memref<2048x128xf32, #tpu.memory_space<vmem>>, vector<2048x128xf32>
    %get3A_2 = arith.constant 0 : index
    %get3A_3 = arith.constant 0 : index
    %get3A_4 = vector.load %arg2[%get3A_2, %get3A_3] : memref<128x64xf32, #tpu.memory_space<vmem>>, vector<128x64xf32>
    %dot_general3A = arith.constant dense<0.000000e+00> : vector<2048x64xf32>
    %dot_general3A_5 = tpu.matmul %get3A_1, %get3A_4, %dot_general3A {dimension_numbers = #tpu.dot_dimension_numbers<[1], [0], [0], [1], [0, 0, 1, 1], [], []>, transpose_lhs_hint = false} : vector<2048x128xf32>, vector<128x64xf32>, vector<2048x64xf32> -> vector<2048x64xf32>
    %get3A_6 = arith.constant 0 : index
    %get3A_7 = arith.constant 0 : index
    %get3A_8 = vector.load %arg3[%get3A_6, %get3A_7] : memref<1x64xf32, #tpu.memory_space<vmem>>, vector<1x64xf32>
    %add3A = vector.broadcast %get3A_8 : vector<1x64xf32> to vector<2048x64xf32>
    %add3A_9 = arith.addf %dot_general3A_5, %add3A : vector<2048x64xf32>
    %max3A = arith.constant 0.000000e+00 : f32
    %max3A_10 = vector.broadcast %max3A : f32 to vector<2048x64xf32>
    %max3A_11 = arith.maximumf %add3A_9, %max3A_10 : vector<2048x64xf32>
    %get3A_12 = arith.constant 0 : index
    %get3A_13 = arith.constant 0 : index
    %get3A_14 = vector.load %arg4[%get3A_12, %get3A_13] : memref<64x32xf32, #tpu.memory_space<vmem>>, vector<64x32xf32>
    %dot_general3A_15 = arith.constant dense<0.000000e+00> : vector<2048x32xf32>
    %dot_general3A_16 = tpu.matmul %max3A_11, %get3A_14, %dot_general3A_15 {dimension_numbers = #tpu.dot_dimension_numbers<[1], [0], [0], [1], [0, 0, 1, 1], [], []>, transpose_lhs_hint = false} : vector<2048x64xf32>, vector<64x32xf32>, vector<2048x32xf32> -> vector<2048x32xf32>
    %get3A_17 = arith.constant 0 : index
    %get3A_18 = arith.constant 0 : index
    %get3A_19 = vector.load %arg5[%get3A_17, %get3A_18] : memref<1x32xf32, #tpu.memory_space<vmem>>, vector<1x32xf32>
    %add3A_20 = vector.broadcast %get3A_19 : vector<1x32xf32> to vector<2048x32xf32>
    %add3A_21 = arith.addf %dot_general3A_16, %add3A_20 : vector<2048x32xf32>
    %max3A_22 = arith.constant 0.000000e+00 : f32
    %max3A_23 = vector.broadcast %max3A_22 : f32 to vector<2048x32xf32>
    %max3A_24 = arith.maximumf %add3A_21, %max3A_23 : vector<2048x32xf32>
    %get3A_25 = arith.constant 0 : index
    %get3A_26 = arith.constant 0 : index
    %get3A_27 = vector.load %arg6[%get3A_25, %get3A_26] : memref<32x16xf32, #tpu.memory_space<vmem>>, vector<32x16xf32>
    %dot_general3A_28 = arith.constant dense<0.000000e+00> : vector<2048x16xf32>
    %dot_general3A_29 = tpu.matmul %max3A_24, %get3A_27, %dot_general3A_28 {dimension_numbers = #tpu.dot_dimension_numbers<[1], [0], [0], [1], [0, 0, 1, 1], [], []>, transpose_lhs_hint = false} : vector<2048x32xf32>, vector<32x16xf32>, vector<2048x16xf32> -> vector<2048x16xf32>
    %get3A_30 = arith.constant 0 : index
    %get3A_31 = arith.constant 0 : index
    %get3A_32 = vector.load %arg7[%get3A_30, %get3A_31] : memref<1x16xf32, #tpu.memory_space<vmem>>, vector<1x16xf32>
    %add3A_33 = vector.broadcast %get3A_32 : vector<1x16xf32> to vector<2048x16xf32>
    %add3A_34 = arith.addf %dot_general3A_29, %add3A_33 : vector<2048x16xf32>
    %swap3A = arith.constant 0 : index
    %swap3A_35 = arith.constant 0 : index
    %swap3A_36 = vector.load %arg8[%swap3A, %swap3A_35] : memref<2048x16xf32, #tpu.memory_space<vmem>>, vector<2048x16xf32>
    tpu.vector_store %arg8[%swap3A, %swap3A_35], %add3A_34 {strides = array<i32>} : memref<2048x16xf32, #tpu.memory_space<vmem>>, vector<2048x16xf32>,
    return
  }
  func.func @transform_0(%arg0: i32) -> (i32, i32) {
    %c0_i32 = arith.constant 0 : i32
    %c0_i32_0 = arith.constant 0 : i32
    return %arg0, %c0_i32 : i32, i32
  }
  func.func @transform_1(%arg0: i32) -> (i32, i32) {
    %c0_i32 = arith.constant 0 : i32
    %c0_i32_0 = arith.constant 0 : i32
    %c0_i32_1 = arith.constant 0 : i32
    return %c0_i32, %c0_i32_0 : i32, i32
  }
  func.func @transform_2(%arg0: i32) -> (i32, i32) {
    %c0_i32 = arith.constant 0 : i32
    %c0_i32_0 = arith.constant 0 : i32
    %c0_i32_1 = arith.constant 0 : i32
    return %c0_i32, %c0_i32_0 : i32, i32
  }
  func.func @transform_3(%arg0: i32) -> (i32, i32) {
    %c0_i32 = arith.constant 0 : i32
    %c0_i32_0 = arith.constant 0 : i32
    %c0_i32_1 = arith.constant 0 : i32
    return %c0_i32, %c0_i32_0 : i32, i32
  }
  func.func @transform_4(%arg0: i32) -> (i32, i32) {
    %c0_i32 = arith.constant 0 : i32
    %c0_i32_0 = arith.constant 0 : i32
    %c0_i32_1 = arith.constant 0 : i32
    return %c0_i32, %c0_i32_0 : i32, i32
  }
  func.func @transform_5(%arg0: i32) -> (i32, i32) {
    %c0_i32 = arith.constant 0 : i32
    %c0_i32_0 = arith.constant 0 : i32
    %c0_i32_1 = arith.constant 0 : i32
    return %c0_i32, %c0_i32_0 : i32, i32
  }
  func.func @transform_6(%arg0: i32) -> (i32, i32) {
    %c0_i32 = arith.constant 0 : i32
    %c0_i32_0 = arith.constant 0 : i32
    %c0_i32_1 = arith.constant 0 : i32
    return %c0_i32, %c0_i32_0 : i32, i32
  }
  func.func @transform_7(%arg0: i32) -> (i32, i32) {
    %c0_i32 = arith.constant 0 : i32
    %c0_i32_0 = arith.constant 0 : i32
    return %arg0, %c0_i32 : i32, i32
  }
}

</mosaic_0001>

<sc_bundles>
// kernel: kernel.4.cloned.1.call-start
scs
__scs_entry_jumppad:
0x0: {  	(pc) =	sbr.rel $0x88, $3  }
0x1: {  	(tag) =	ssettag $0x0;
	lr =	simm.s32 $0x1  }
0x2: {  	[smem:$0x3F97] =	sst lr;
	_ =	strace $0xD0000000  }
0x3: {  	_ = 	snop  }
0x4: {  	_ = 	snop  }
0x5: {  	_ = 	snop  }
0x6: {  	_ = 	snop  }
0x7: {  	_ = 	snop  }
__scs_overlays_trampoline_lowered:
0x8: {  	[smem:$0x3FA6] =	sst s0  }
0x9: {  	[smem:$0x3FA7] =	sst s1  }
0xa: {  	[smem:$0x3FA8] =	sst s2  }
0xb: {  	[smem:$0x3FA9] =	sst s3  }
0xc: {  	[smem:$0x3FAA] =	sst s4  }
0xd: {  	[smem:$0x3FAB] =	sst s5  }
0xe: {  	[smem:$0x3FAC] =	sst s6  }
0xf: {  	[smem:$0x3FAD] =	sst s7  }
0x10: {  	[smem:$0x3FAE] =	sst s8  }
0x11: {  	[smem:$0x3FAF] =	sst s9;
	s0 =	simm.s32 @!p0 $0x0  }
0x12: {  	s1 =	sld [smem:$0x3F95];
	s0 =	simm.s32 @p0 $0x1  }
0x13: {  	[smem:$0x3FB0] =	sst s0;
	s0 =	simm.s32 @!p1 $0x0  }
0x14: {  	s2 =	sld [smem:$0x3F94];
	s0 =	simm.s32 @p1 $0x1  }
0x15: {  	[smem:$0x3FB1] =	sst s0;
	s0 =	simm.s32 @!p2 $0x0  }
0x16: {  	s3 =	sld [smem:$0x3FDB];
	s0 =	simm.s32 @p2 $0x1  }
0x17: {  	s4 =	simm.s32 $0x1BF5;
	[smem:$0x3FB3] =	sst s0  }
0x18: {  	s0 =	sld [smem:$0x3F96];
	_ =	swait.ge [sflag:s4], $0x0  }
0x19: {  	s7 =	sld [smem:$0x3F97]  }
0x1a: {  	s8 =	sadd.s32 $0xFFFFE003, lr  }
0x1b: {  	s9 =	sadd.s32 $0xFFFFFEF7, lr;
	s5 =	simm.s32 $0xFFFFFFFF;
	p2 =	slt.u32 s8, $0xFFFFF086  }
0x1c: {  	p1 =	slt.u32 s9, $0xF7A;
	s5 =	simm.s32 @!p2 $0x0  }
0x1d: {  	s5 =	simm.s32 @p1 $0x1;
	p0 =	seq.s32 s7, s2  }
0x1e: {  	s7 =	smul.u32 @!p0 $0xF7A, s2;
	p2 =	seq.s32 @!p0 s5, $0x0  }
0x1f: {  	s9 =	smul.u32 $0xF7A, s1;
	s8 =	simm.s32 @!p0 $0x1BF5;
	p2 =	por !p2, p0  }
0x20: {  	[sflag:s8] =	ssyncset.s32 @!p0 $0xFFFFF086;
	s6 =	sadd.s32 @!p0 s3, s7;
	s7 =	simm.s32 @!p0 $0x108  }
0x21: {  	s3 =	sadd.s32 s3, s9;
	s6 =	sadd.s32 @!p0 $0x88, s6;
	s7 =	simm.s32 @p2 $0x1082  }
0x22: {  	[simem:s7], [sflag:s8] =	dma.local @!p0 [hbm:s6], $0xF7A  }
0x23: {  	s9 =	sor.u32 $0xD0000000, s2;
	s6 =	simm.s32 $0x108;
	_ =	swait.ge @!p0 [sflag:s8], $0x0  }
0x24: {  	s3 =	sadd.s32 $0x88, s3;
	s6 =	simm.s32 @!p1 $0x1082;
	[sflag:s4] =	ssyncset.s32 $0xFFFFF086  }
0x25: {  	[simem:s6], [sflag:s4] =	dma.local [hbm:s3], $0xF7A  }
0x26: {  	[smem:$0x3F97] =	sst s1;
	(tag) =	ssettag s2;
	_ =	strace s9  }
0x27: {  	s1 =	sld [smem:$0x3FA7]  }
0x28: {  	s2 =	sld [smem:$0x3FA8]  }
0x29: {  	s4 =	sld [smem:$0x3FAA]  }
0x2a: {  	p0 =	seq.s32 s5, $0x0;
	s5 =	sld [smem:$0x3FAB]  }
0x2b: {  	s6 =	sld [smem:$0x3FAC]  }
0x2c: {  	s7 =	sld [smem:$0x3FAD]  }
0x2d: {  	s3 =	simm.s32 $0x108;
	s8 =	sld [smem:$0x3FAE]  }
0x2e: {  	s3 =	simm.s32 @!p0 $0x1082;
	s9 =	sld [smem:$0x3FAF]  }
0x2f: {  	lr =	sadd.s32 s0, s3;
	s0 =	sld [smem:$0x3FA6]  }
0x30: {  	s3 =	sld [smem:$0x3FA9]  }
0x31: {  	[smem:$0x3FB2] =	sst s10  }
0x32: {  	s10 =	sld [smem:$0x3FB0];
	_ =	sdelay $0x3  }
0x33: {  	p0 =	seq.s32 s10, $0x1;
	s10 =	sld [smem:$0x3FB2];
	_ =	sdelay $0x3  }
0x34: {  	[smem:$0x3FB2] =	sst s10  }
0x35: {  	s10 =	sld [smem:$0x3FB1];
	_ =	sdelay $0x3  }
0x36: {  	p1 =	seq.s32 s10, $0x1;
	s10 =	sld [smem:$0x3FB2];
	_ =	sdelay $0x3  }
0x37: {  	[smem:$0x3FB2] =	sst s10  }
0x38: {  	s10 =	sld [smem:$0x3FB3]  }
0x39: {  	_ = 	snop;
	(pc) =	sbr.ind lr, $3  }
0x3a: {  	_ = 	snop  }
0x3b: {  	_ = 	snop  }
0x3c: {  	p2 =	seq.s32 s10, $0x1;
	s10 =	sld [smem:$0x3FB2]  }
0x3d: {  	_ =	shalt  }
0x3e: {  	_ =	shalt  }
0x3f: {  	_ =	shalt  }
0x40: {  	_ =	shalt  }
0x41: {  	_ =	shalt  }
0x42: {  	_ =	shalt  }
0x43: {  	_ =	shalt  }
0x44: {  	_ =	shalt  }
0x45: {  	_ =	shalt  }
0x46: {  	_ =	shalt  }
0x47: {  	_ =	shalt  }
0x48: {  	_ =	shalt  }
0x49: {  	_ =	shalt  }
0x4a: {  	_ =	shalt  }
0x4b: {  	_ =	shalt  }
0x4c: {  	_ =	shalt  }
0x4d: {  	_ =	shalt  }
0x4e: {  	_ =	shalt  }
0x4f: {  	_ =	shalt  }
0x50: {  	_ =	shalt  }
0x51: {  	_ =	shalt  }
0x52: {  	_ =	shalt  }
0x53: {  	_ =	shalt  }
0x54: {  	_ =	shalt  }
0x55: {  	_ =	shalt  }
0x56: {  	_ =	shalt  }
0x57: {  	_ =	shalt  }
0x58: {  	_ =	shalt  }
0x59: {  	_ =	shalt  }
0x5a: {  	_ =	shalt  }
0x5b: {  	_ =	shalt  }
0x5c: {  	_ =	shalt  }
0x5d: {  	_ =	shalt  }
0x5e: {  	_ =	shalt  }
0x5f: {  	_ =	shalt  }
0x60: {  	_ =	shalt  }
0x61: {  	_ =	shalt  }
0x62: {  	_ =	shalt  }
0x63: {  	_ =	shalt  }
0x64: {  	_ =	shalt  }
0x65: {  	_ =	shalt  }
0x66: {  	_ =	shalt  }
0x67: {  	_ =	shalt  }
0x68: {  	_ =	shalt  }
0x69: {  	_ =	shalt  }
0x6a: {  	_ =	shalt  }
0x6b: {  	_ =	shalt  }
0x6c: {  	_ =	shalt  }
0x6d: {  	_ =	shalt  }
0x6e: {  	_ =	shalt  }
0x6f: {  	_ =	shalt  }
0x70: {  	_ =	shalt  }
0x71: {  	_ =	shalt  }
0x72: {  	_ =	shalt  }
0x73: {  	_ =	shalt  }
0x74: {  	_ =	shalt  }
0x75: {  	_ =	shalt  }
0x76: {  	_ =	shalt  }
0x77: {  	_ =	shalt  }
0x78: {  	_ =	shalt  }
0x79: {  	_ =	shalt  }
0x7a: {  	_ =	shalt  }
0x7b: {  	_ =	shalt  }
0x7c: {  	_ =	shalt  }
0x7d: {  	_ =	shalt  }
0x7e: {  	_ =	shalt  }
0x7f: {  	_ =	shalt  }
0x80: {  	_ =	shalt  }
0x81: {  	_ =	shalt  }
0x82: {  	_ =	shalt  }
0x83: {  	_ =	shalt  }
0x84: {  	_ =	shalt  }
0x85: {  	_ =	shalt  }
0x86: {  	_ =	shalt  }
0x87: {  	_ =	shalt  }
.Lfunc_end0:
.L_simem_size_0:
called_computation_lowered:
.L_overlay_start_0:
0x88: {  	s2 =	sld [smem:$0x3FD9]  }
0x89: {  	s3 =	sld [smem:$0x3FFE];
	_ =	sdelay $0x1  }
0x8a: {  	s1 =	srdreg.scid  }
0x8b: {  	s0 =	sand.u32 $0x1, s1  }
0x8c: {  	s17 =	sshll.u32 s0, $0xA;
	s2 =	sadd.s32 s3, s2  }
0x8d: {  	s2 =	sadd.s32 s2, s17  }
0x8e: {  	[smem:$0x3FBE] =	sst s2  }
0x8f: {  	_ = 	snop  }
0x90: {  	s2 =	sld [smem:$0x3FC9]  }
0x91: {  	s18 =	sld [smem:$0x3FC8]  }
0x92: {  	s4 =	sld [smem:$0x3FC7]  }
0x93: {  	s5 =	sld [smem:$0x3FC6];
	(tm) =	ssettm $0x1  }
0x94: {  	s6 =	sld [smem:$0x3FFB];
	_ =	sdelay $0x3  }
0x95: {  	_ =	strace s6  }
0x96: {  	s6 =	sld [smem:$0x3FFC];
	_ =	sdelay $0x3  }
0x97: {  	_ =	strace s6  }
0x98: {  	s6 =	sld [smem:$0x3FFD];
	_ =	sdelay $0x3  }
0x99: {  	_ =	strace s6  }
0x9a: {  	_ =	strace $0x8FFFFFFF  }
0x9b: {  	s19 =	sld [smem:$0x3FDB];
	_ =	sdelay $0x1  }
0x9c: {  	s7 =	simm.s32 $_scs_section_size  }
0x9d: {  	s8 =	simm.s32 $_size__tile_overlayer_lowered;
	s9 =	simm.s32 $_tile_overlayer_lowered  }
0x9e: {  	s22 =	simm.s32 $0x1BFF;
	s21 =	sshll.u32 s9, $0x1;
	s6 =	sadd.s32 s7, s19  }
0x9f: {  	s10 =	simm.s32 $0x0;
	s20 =	sshll.u32 s8, $0x1;
	s8 =	sadd.s32 s21, s6  }
0xa0: {  	[timem:s10], [sflag:s22] =	dma.local [hbm:s8], s20  }
0xa1: {  	_ =	swait.ge [sflag:s22], s20  }
0xa2: {  	s7 =	ssub.s32 $0x0, s20;
	[sflag:s22] =	ssyncset.done $0x0  }
0xa3: {  	[sflag:s22] =	ssyncadd.s32 s7;
	_ =	sdelay $0x1  }
0xa4: {  	s23 =	simm.s32 $0x1B8B  }
0xa5: {  	_ =	swait.ge [sflag:s23], $0x1  }
0xa6: {  	[sflag:s23] =	ssyncset.done $0x0  }
0xa7: {  	s25 =	simm.s32 $0x1B8E;
	s24 =	sld [smem:$0x3FFE];
	[sflag:s23] =	ssyncadd.s32 $0xFFFFFFFF  }
0xa8: {  	s26 =	simm.s32 $execute0_lowered;
	[smem:$0x3FD2] =	sst s25  }
0xa9: {  	s8 =	sshll.u32 s26, $0x1;
	_ =	strace $0x80000046;
	[dreg:$0x1] =	wrdreg $0xFFFFFFFF  }
0xaa: {  	s28 =	simm.s32 $_size_execute0_lowered;
	s6 =	sadd.s32 s6, s8;
	[dreg:$0x0] =	wrdreg $0x0  }
0xab: {  	s8 =	sshll.u32 s28, $0x1;
	[dreg:$0x2] =	wrdreg s6  }
0xac: {  	[dreg:$0x3] =	wrdreg s8  }
0xad: {  	[dreg:$0x4] =	wrdreg $0xC0  }
0xae: {  	_ =	task [dreg:s10], $0x5FFFF  }
0xaf: {  	[dreg:$0x1] =	wrdreg $0xFFFFFFFF  }
0xb0: {  	[dreg:$0x0] =	wrdreg $0x60  }
0xb1: {  	[dreg:$0x2] =	wrdreg s2  }
0xb2: {  	[dreg:$0x3] =	wrdreg s18  }
0xb3: {  	[dreg:$0x4] =	wrdreg s4  }
0xb4: {  	[dreg:$0x5] =	wrdreg s5  }
0xb5: {  	[dreg:$0x6] =	wrdreg s24  }
0xb6: {  	[dreg:$0x7] =	wrdreg $0x9  }
0xb7: {  	_ =	task.clear_ibuf [dreg:s10], $0x8FFFF;
	_ =	strace $0x90000046  }
0xb8: {  	s29 =	simm.s32 $0x9;
	_ =	strace $0x80000048  }
0xb9: {  	_ =	swait.ge [sflag:s29], $0x1  }
0xba: {  	[sflag:s29] =	ssyncadd.s32 $0xFFFFFFFF  }
0xbb: {  	_ =	strace $0x90000048  }
0xbc: {  	_ =	sfence  }
0xbd: {  	s30 =	sld [smem:$0x0];
	_ =	sdelay $0x2  }
0xbe: {  	s31 =	sshll.u32 s1, $0xD;
	s1 =	sshrl.u32 s1, $0x2  }
0xbf: {  	s3 =	sand.u32 $0x4000, s31;
	s1 =	sadd.s32 s1, s30  }
0xc0: {  	s0 =	sor.u32 s3, s0;
	s1 =	sshll.u32 s1, $0x11  }
0xc1: {  	s0 =	sor.u32 s1, s0  }
0xc2: {  	s0 =	sadd.s32 $0x8F2B, s0  }
0xc3: {  	[sflag:s0] =	ssyncadd.remote.s32 $0x1  }
0xc4: {  	_ =	sfence.sel $0xFFFF  }
0xc5: {  	[dreg:$0x0] =	wrdreg $0xFFFFFFFF;
	(pc) =	sbr.abs _section_cstart, $3  }
0xc6: {  	[dreg:$0x1] =	wrdreg $0xFFFFFFFF  }
0xc7: {  	_ =	task.clear_ibuf [dreg:s10], $0x2FFFF;
	_ =	strace $0x9FFFFFFF  }
0xc8: {  	(tm) =	ssettm $0x7FFFFFFF  }
0xc9: {  	_ =	shalt  }
tec
execute0_lowered:
.L_overlay_start_1:
0x0: {  	(tag) =	ssettag $0x1  }
0x1: {  	s0 =	rddreg [dreg:$0x0]  }
0x2: {  	s1 =	rddreg [dreg:$0x1]  }
0x3: {  	s3 =	rddreg [dreg:$0x4]  }
0x4: {  	s2 =	simm.s32 $0x0;
	s4 =	srdreg.scid;
	s24 =	stileid.u32  }
0x5: {  	s11 =	simm.s32 $0x7A1400;
	s12 =	simm.s32 $0x400;
	s23 =	simm.s32 $0x8400  }
0x6: {  	s14 =	simm.s32 $0x2400;
	s16 =	simm.s32 $0xA400;
	s17 =	simm.s32 $0x4400  }
0x7: {  	s19 =	simm.s32 $0xC400;
	s18 =	simm.s32 $0x6400;
	s20 =	simm.s32 $0xE400  }
0x8: {  	s8 =	simm.s32 $0x7400;
	s30 =	simm.s32 $0x1;
	s31 =	simm.s32 $0x2  }
0x9: {  	s29 =	simm.s32 $0xE400;
	[smem:$0x7FF] =	sst s2;
	s4 =	sand.u32 $0x1, s4  }
0xa: {  	s6 =	sshll.u32 s24, $0xA;
	s5 =	ssub.s32 $0x2, s4;
	s4 =	sshll.u32 s4, $0x9  }
0xb: {  	s3 =	sadd.s32 $0x1200, s3;
	s24 =	simm.s32 $0xC400;
	s2 =	sor.u32 s4, s6  }
0xc: {  	_ =	strace $0x80000047;
	[dreg:$0x7] =	wrdreg s3;
	s4 =	sshrl.u32 s2, $0x3  }
0xd: {  	v0 =	vlaneseq.u32;
	s7 =	sshrl.u32 s5, $0x1;
	[dreg:$0x6] =	wrdreg s2;
	s0 =	sadd.s32 s0, s4  }
0xe: {  	v0 =	vmul.u32 $0x80, v0;
	s25 =	ssub.s32 s5, s7;
	s26 =	sadd.s32 s1, s4;
	[dreg:$0x8] =	wrdreg s0  }
0xf: {  	s2 =	simm.s32 $0x0;
	s28 =	smax.u32 s25, $0x1;
	[dreg:$0x9] =	wrdreg s26  }
0x10: {  	v1 =	vor.u32 $0x800, v0;
	v2 =	vor.u32 $0x1000, v0;
	v3 =	vor.u32 $0x1800, v0;
	s25 =	simm.s32 $0x6400;
	[dreg:$0xa] =	wrdreg s28;
	s26 =	simm.s32 $0xF400  }
.LBB2_1:
0x11: {  	[dreg:$0xb] =	wrdreg s2  }
0x12: {  	s1 =	simm.s32 $0x0;
	s28 =	rddreg [dreg:$0x8];
	s3 =	simm.s32 $0x5  }
0x13: {  	[tilespmem:s1], [sflag:$0x5] =	stream.linear.gather [hbm4b:s28+s1], $0x200, $0x38;
	[tilespmem:$0x12400] =	vst v63  }
0x14: {  	_ =	swait.ge [sflag:s3], $0x200  }
0x15: {  	[sflag:s3] =	ssyncset.done $0x0  }
0x16: {  	s4 =	simm.s32 $0x200;
	s0 =	rddreg [dreg:$0x9];
	[sflag:s3] =	ssyncadd.s32 $0xFFFFFE00  }
0x17: {  	[tilespmem:s4], [sflag:$0x5] =	stream.linear.gather [hbm4b:s0+s1], $0x200, $0x38;
	[tilespmem:$0x12400] =	vst v63  }
0x18: {  	_ =	swait.ge [sflag:s3], $0x200  }
0x19: {  	[sflag:s3] =	ssyncset.done $0x0  }
0x1a: {  	[sflag:s3] =	ssyncadd.s32 $0xFFFFFE00  }
0x1b: {  	v4 =	vld [tilespmem:$0x0];
	_ =	sdelay $0x4  }
0x1c: {  	v5 =	vld [tilespmem:$0x200];
	(v2sf) =	vpush v4, $0x0  }
0x1d: {  	(v2sf) =	vpush v4, $0x1  }
0x1e: {  	(v2sf) =	vpush v4, $0x2  }
0x1f: {  	(v2sf) =	vpush v4, $0x3;
	_ =	sdelay $0x1  }
0x20: {  	(v2sf) =	vpush v5, $0x1  }
0x21: {  	(v2sf) =	vpush v5, $0x2  }
0x22: {  	(v2sf) =	vpush v5, $0x3  }
0x23: {  	(v2sf) =	vpush v5, $0x0;
	_ =	sdelay $0x6  }
0x24: {  	s4 =	spop (v2sf)  }
0x25: {  	s7 =	spop (v2sf)  }
0x26: {  	s2 =	rddreg [dreg:$0x2];
	s1 =	sand.u32 $0xFFFFF80, s4;
	s22 =	spop (v2sf)  }
0x27: {  	s1 =	sadd.s32 s2, s1;
	s5 =	spop (v2sf)  }
0x28: {  	[tilespmem:s12], [sflag:$0x1] =	stream.strided.gather [hbm4b:s1+s12], $0x1000, s11, s12, $0x38;
	[tilespmem:$0x12400] =	vst v63  }
0x29: {  	s6 =	spop (v2sf)  }
0x2a: {  	s21 =	spop (v2sf)  }
0x2b: {  	s13 =	spop (v2sf)  }
0x2c: {  	s9 =	spop (v2sf)  }
0x2d: {  	s10 =	rddreg [dreg:$0x3];
	s9 =	sand.u32 $0xFFFFF80, s9  }
0x2e: {  	s9 =	sadd.s32 s10, s9  }
0x2f: {  	[tilespmem:s23], [sflag:$0x1] =	stream.strided.gather [hbm4b:s9+s12], $0x1000, s11, s12, $0x38;
	[tilespmem:$0x12400] =	vst v63  }
0x30: {  	s15 =	simm.s32 $0x1400;
	s0 =	simm.s32 $0x9400;
	s1 =	sadd.s32 $0x3D0A00, s1  }
0x31: {  	[tilespmem:s15], [sflag:$0x1] =	stream.strided.gather [hbm4b:s1+s12], $0x1000, s11, s12, $0x38;
	[tilespmem:$0x12400] =	vst v63  }
0x32: {  	s3 =	sand.u32 $0xFFFFF80, s7;
	s28 =	sadd.s32 $0x3D0A00, s9  }
0x33: {  	[tilespmem:s0], [sflag:$0x1] =	stream.strided.gather [hbm4b:s28+s12], $0x1000, s11, s12, $0x38;
	[tilespmem:$0x12400] =	vst v63  }
0x34: {  	s6 =	sand.u32 $0xFFFFF80, s6;
	s1 =	sadd.s32 s2, s3  }
0x35: {  	[tilespmem:s14], [sflag:$0x2] =	stream.strided.gather [hbm4b:s1+s12], $0x1000, s11, s12, $0x38;
	[tilespmem:$0x12400] =	vst v63  }
0x36: {  	s7 =	simm.s32 $0x3400;
	s3 =	sadd.s32 s10, s6  }
0x37: {  	[tilespmem:s16], [sflag:$0x2] =	stream.strided.gather [hbm4b:s3+s12], $0x1000, s11, s12, $0x38;
	[tilespmem:$0x12400] =	vst v63  }
0x38: {  	s15 =	sand.u32 $0xFFFFF80, s22;
	s1 =	sadd.s32 $0x3D0A00, s1  }
0x39: {  	[tilespmem:s7], [sflag:$0x2] =	stream.strided.gather [hbm4b:s1+s12], $0x1000, s11, s12, $0x38;
	[tilespmem:$0x12400] =	vst v63  }
0x3a: {  	s9 =	sadd.s32 $0x3D0A00, s3;
	s14 =	simm.s32 $0xB400  }
0x3b: {  	[tilespmem:s14], [sflag:$0x2] =	stream.strided.gather [hbm4b:s9+s12], $0x1000, s11, s12, $0x38;
	[tilespmem:$0x12400] =	vst v63  }
0x3c: {  	s16 =	sand.u32 $0xFFFFF80, s21;
	s1 =	sadd.s32 s2, s15  }
0x3d: {  	[tilespmem:s17], [sflag:$0x3] =	stream.strided.gather [hbm4b:s1+s12], $0x1000, s11, s12, $0x38;
	[tilespmem:$0x12400] =	vst v63  }
0x3e: {  	s22 =	sand.u32 $0xFFFFF80, s5;
	s3 =	sadd.s32 s10, s16  }
0x3f: {  	[tilespmem:s19], [sflag:$0x3] =	stream.strided.gather [hbm4b:s3+s12], $0x1000, s11, s12, $0x38;
	[tilespmem:$0x12400] =	vst v63  }
0x40: {  	s1 =	sadd.s32 $0x3D0A00, s1;
	s17 =	simm.s32 $0x5400  }
0x41: {  	[tilespmem:s17], [sflag:$0x3] =	stream.strided.gather [hbm4b:s1+s12], $0x1000, s11, s12, $0x38;
	[tilespmem:$0x12400] =	vst v63  }
0x42: {  	s21 =	simm.s32 $0xD400;
	s19 =	sadd.s32 $0x3D0A00, s3  }
0x43: {  	[tilespmem:s21], [sflag:$0x3] =	stream.strided.gather [hbm4b:s19+s12], $0x1000, s11, s12, $0x38;
	[tilespmem:$0x12400] =	vst v63  }
0x44: {  	s23 =	sand.u32 $0xFFFFF80, s13;
	s1 =	sadd.s32 s2, s22  }
0x45: {  	[tilespmem:s18], [sflag:$0x4] =	stream.strided.gather [hbm4b:s1+s12], $0x1000, s11, s12, $0x38;
	[tilespmem:$0x12400] =	vst v63  }
0x46: {  	s4 =	simm.s32 $0x0;
	s3 =	sadd.s32 s10, s23  }
0x47: {  	[tilespmem:s20], [sflag:$0x4] =	stream.strided.gather [hbm4b:s3+s12], $0x1000, s11, s12, $0x38;
	[tilespmem:$0x12400] =	vst v63  }
0x48: {  	s5 =	simm.s32 $0x0;
	s28 =	sadd.s32 $0x3D0A00, s3;
	s1 =	sadd.s32 $0x3D0A00, s1  }
0x49: {  	[tilespmem:s8], [sflag:$0x4] =	stream.strided.gather [hbm4b:s1+s12], $0x1000, s11, s12, $0x38;
	[tilespmem:$0x12400] =	vst v63  }
0x4a: {  	s2 =	simm.s32 $0x0;
	s3 =	simm.s32 $0x0;
	s1 =	simm.s32 $0x200  }
0x4b: {  	[tilespmem:s26], [sflag:$0x4] =	stream.strided.gather [hbm4b:s28+s12], $0x1000, s11, s12, $0x38;
	[tilespmem:$0x12400] =	vst v63  }
.LBB2_2:
0x4c: {  	v4 =	vld [tilespmem:s2+$0x0];
	_ =	sdelay $0x4  }
0x4d: {  	(v2sf) =	vpush v4, $0x0  }
0x4e: {  	(v2sf) =	vpush v4, $0x1  }
0x4f: {  	(v2sf) =	vpush v4, $0x2  }
0x50: {  	(v2sf) =	vpush v4, $0x3  }
0x51: {  	(v2sf) =	vpush v4, $0x4  }
0x52: {  	(v2sf) =	vpush v4, $0x5;
	_ =	sdelay $0x1  }
0x53: {  	(v2sf) =	vpush v4, $0x6  }
0x54: {  	(v2sf) =	vpush v4, $0x7  }
0x55: {  	(v2sf) =	vpush v4, $0x8  }
0x56: {  	(v2sf) =	vpush v4, $0x9  }
0x57: {  	(v2sf) =	vpush v4, $0xA  }
0x58: {  	v6 =	vld [tilespmem:s1+$0x0];
	(v2sf) =	vpush v4, $0xB  }
0x59: {  	(v2sf) =	vpush v4, $0xC  }
0x5a: {  	(v2sf) =	vpush v4, $0xD  }
0x5b: {  	(v2sf) =	vpush v4, $0xE;
	s15 =	spop (v2sf)  }
0x5c: {  	[dreg:$0xc] =	wrdreg s1;
	(v2sf) =	vpush v4, $0xF;
	s1 =	spop (v2sf)  }
0x5d: {  	(v2sf) =	vpush v6, $0x0;
	s10 =	spop (v2sf)  }
0x5e: {  	[dreg:$0xe] =	wrdreg s4;
	(v2sf) =	vpush v6, $0x1;
	s4 =	spop (v2sf)  }
0x5f: {  	(v2sf) =	vpush v6, $0x2;
	s14 =	spop (v2sf)  }
0x60: {  	[dreg:$0xd] =	wrdreg s2;
	(v2sf) =	vpush v6, $0x3;
	s28 =	spop (v2sf)  }
0x61: {  	(v2sf) =	vpush v6, $0x4  }
0x62: {  	s6 =	spop (v2sf);
	(v2sf) =	vpush v6, $0x5  }
0x63: {  	s26 =	spop (v2sf);
	(v2sf) =	vpush v6, $0x6  }
0x64: {  	s0 =	spop (v2sf);
	(v2sf) =	vpush v6, $0x7  }
0x65: {  	s20 =	sadd.s32 $0x1, s5;
	s19 =	spop (v2sf);
	(v2sf) =	vpush v6, $0x8  }
0x66: {  	[dreg:$0x17] =	wrdreg s5;
	s5 =	smin.u32 s20, $0x1F;
	s21 =	spop (v2sf);
	(v2sf) =	vpush v6, $0x9  }
0x67: {  	s5 =	sshll.u32 s5, $0x4;
	s22 =	spop (v2sf);
	(v2sf) =	vpush v6, $0xA  }
0x68: {  	v4 =	vld [tilespmem:s5+$0x0];
	s23 =	spop (v2sf);
	(v2sf) =	vpush v6, $0xB  }
0x69: {  	[smem:$0x7F6] =	sst s0;
	s0 =	spop (v2sf);
	(v2sf) =	vpush v6, $0xC  }
0x6a: {  	s7 =	spop (v2sf);
	(v2sf) =	vpush v6, $0xD  }
0x6b: {  	v5 =	vld [tilespmem:s5+$0x200];
	s8 =	spop (v2sf);
	(v2sf) =	vpush v6, $0xE  }
0x6c: {  	s2 =	spop (v2sf);
	(v2sf) =	vpush v6, $0xF  }
0x6d: {  	[dreg:$0x1a] =	wrdreg s7;
	s7 =	spop (v2sf);
	(v2sf) =	vpush v4, $0x1  }
0x6e: {  	[dreg:$0x18] =	wrdreg s8;
	s8 =	spop (v2sf);
	(v2sf) =	vpush v4, $0x2  }
0x6f: {  	[dreg:$0x1e] =	wrdreg s23;
	s23 =	spop (v2sf);
	(v2sf) =	vpush v4, $0x3  }
0x70: {  	[dreg:$0x10] =	wrdreg s20;
	s18 =	spop (v2sf);
	(v2sf) =	vpush v5, $0x1  }
0x71: {  	[smem:$0x7F8] =	sst s19;
	s19 =	spop (v2sf);
	(v2sf) =	vpush v5, $0x2  }
0x72: {  	[smem:$0x7FC] =	sst s22;
	s22 =	spop (v2sf);
	(v2sf) =	vpush v5, $0x3  }
0x73: {  	[smem:$0x7FA] =	sst s21;
	s5 =	spop (v2sf)  }
0x74: {  	[dreg:$0x1c] =	wrdreg s0;
	s9 =	spop (v2sf)  }
0x75: {  	[smem:$0x7F7] =	sst s9;
	s13 =	spop (v2sf)  }
0x76: {  	[smem:$0x7F9] =	sst s13;
	s16 =	spop (v2sf)  }
0x77: {  	[smem:$0x7FB] =	sst s16;
	s17 =	spop (v2sf)  }
0x78: {  	[smem:$0x7FD] =	sst s17;
	s20 =	spop (v2sf)  }
0x79: {  	[dreg:$0x1f] =	wrdreg s20;
	s9 =	spop (v2sf)  }
0x7a: {  	[dreg:$0x1d] =	wrdreg s9;
	s21 =	spop (v2sf)  }
0x7b: {  	[dreg:$0x1b] =	wrdreg s21;
	s0 =	spop (v2sf)  }
0x7c: {  	[dreg:$0x19] =	wrdreg s0;
	s13 =	spop (v2sf)  }
0x7d: {  	[dreg:$0x16] =	wrdreg s13;
	s16 =	spop (v2sf)  }
0x7e: {  	[dreg:$0x14] =	wrdreg s16;
	s17 =	spop (v2sf)  }
0x7f: {  	[dreg:$0x12] =	wrdreg s17;
	s20 =	spop (v2sf)  }
0x80: {  	[dreg:$0x15] =	wrdreg s20;
	s21 =	spop (v2sf)  }
0x81: {  	[dreg:$0x13] =	wrdreg s21;
	s0 =	spop (v2sf)  }
0x82: {  	[dreg:$0x11] =	wrdreg s0  }
0x83: {  	s13 =	sand.u32 $0x7F, s15;
	_ =	swait.ge [sflag:s30], $0x2000  }
0x84: {  	s2 =	sand.u32 $0x7F, s2;
	v51 =	vor.u32 s13, v0;
	[sflag:s30] =	ssyncset.done $0x0  }
0x85: {  	v7 =	vor.u32 s2, v0;
	[sflag:s30] =	ssyncadd.s32 $0xFFFFE000  }
0x86: {  	_ =	swait.ge [sflag:s30], $0x2000  }
0x87: {  	[sflag:s30] =	ssyncset.done $0x0  }
0x88: {  	[sflag:s30] =	ssyncadd.s32 $0xFFFFE000  }
0x89: {  	s16 =	simm.s32 $0x8400;
	v6 =	vld.idx.msk [tilespmem:v51+s12+$0x0], $0xffff  }
0x8a: {  	v7 =	vld.idx.msk [tilespmem:v7+s16+$0x0], $0xffff  }
0x8b: {  	v8 =	vor.u32 s13, v1  }
0x8c: {  	v9 =	vor.u32 s2, v1  }
0x8d: {  	s15 =	sand.u32 $0x1800, s3  }
0x8e: {  	[tilespmem:s15+$0x10400] =	vst v6  }
0x8f: {  	[tilespmem:s15+$0x10440] =	vst v7  }
0x90: {  	v6 =	vld.idx.msk [tilespmem:v8+s12+$0x0], $0xffff  }
0x91: {  	v7 =	vld.idx.msk [tilespmem:v9+s16+$0x0], $0xffff  }
0x92: {  	v52 =	vor.u32 s13, v2  }
0x93: {  	v53 =	vor.u32 s2, v2;
	_ =	sdelay $0x1  }
0x94: {  	[tilespmem:s15+$0x10410] =	vst v6  }
0x95: {  	[tilespmem:s15+$0x10450] =	vst v7  }
0x96: {  	v6 =	vld.idx.msk [tilespmem:v52+s12+$0x0], $0xffff  }
0x97: {  	v7 =	vld.idx.msk [tilespmem:v53+s16+$0x0], $0xffff  }
0x98: {  	v54 =	vor.u32 s13, v3  }
0x99: {  	v55 =	vor.u32 s2, v3;
	_ =	sdelay $0x1  }
0x9a: {  	[tilespmem:s15+$0x10420] =	vst v6  }
0x9b: {  	[tilespmem:s15+$0x10460] =	vst v7  }
0x9c: {  	v6 =	vld.idx.msk [tilespmem:v54+s12+$0x0], $0xffff  }
0x9d: {  	v7 =	vld.idx.msk [tilespmem:v55+s16+$0x0], $0xffff;
	_ =	sdelay $0x2  }
0x9e: {  	[dreg:$0xf] =	wrdreg s3  }
0x9f: {  	s17 =	sand.u32 $0xFFFFF80, s14;
	s3 =	rddreg [dreg:$0x2];
	[tilespmem:s15+$0x10430] =	vst v6  }
0xa0: {  	s20 =	sand.u32 $0xFFFFF80, s18;
	s13 =	rddreg [dreg:$0x3];
	s2 =	sadd.s32 s3, s17;
	[tilespmem:s15+$0x10470] =	vst v7  }
0xa1: {  	[tilespmem:s12], [sflag:$0x1] =	stream.strided.gather [hbm4b:s2+s12], $0x1000, s11, s12, $0x38;
	[tilespmem:$0x12400] =	vst v63  }
0xa2: {  	s9 =	sadd.s32 s13, s20  }
0xa3: {  	[tilespmem:s16], [sflag:$0x1] =	stream.strided.gather [hbm4b:s9+s12], $0x1000, s11, s12, $0x38;
	[tilespmem:$0x12400] =	vst v63  }
0xa4: {  	s21 =	simm.s32 $0x1400;
	s2 =	sadd.s32 $0x3D0A00, s2  }
0xa5: {  	[tilespmem:s21], [sflag:$0x1] =	stream.strided.gather [hbm4b:s2+s12], $0x1000, s11, s12, $0x38;
	[tilespmem:$0x12400] =	vst v63  }
0xa6: {  	s0 =	sadd.s32 $0x3D0A00, s9;
	s9 =	simm.s32 $0x9400  }
0xa7: {  	[tilespmem:s9], [sflag:$0x1] =	stream.strided.gather [hbm4b:s0+s12], $0x1000, s11, s12, $0x38;
	[tilespmem:$0x12400] =	vst v63  }
0xa8: {  	s1 =	sand.u32 $0x7F, s1;
	_ =	swait.ge [sflag:s31], $0x2000  }
0xa9: {  	v56 =	vor.u32 s1, v0;
	s7 =	sand.u32 $0x7F, s7;
	[sflag:s31] =	ssyncset.done $0x0  }
0xaa: {  	v57 =	vor.u32 s7, v0;
	[sflag:s31] =	ssyncadd.s32 $0xFFFFE000  }
0xab: {  	_ =	swait.ge [sflag:s31], $0x2000  }
0xac: {  	[sflag:s31] =	ssyncset.done $0x0  }
0xad: {  	s17 =	simm.s32 $0x2400;
	[sflag:s31] =	ssyncadd.s32 $0xFFFFE000  }
0xae: {  	s20 =	simm.s32 $0xA400;
	v6 =	vld.idx.msk [tilespmem:v56+s17+$0x0], $0xffff  }
0xaf: {  	v7 =	vld.idx.msk [tilespmem:v57+s20+$0x0], $0xffff  }
0xb0: {  	v58 =	vor.u32 s1, v1  }
0xb1: {  	v59 =	vor.u32 s7, v1;
	_ =	sdelay $0x1  }
0xb2: {  	[tilespmem:s15+$0x10480] =	vst v6  }
0xb3: {  	[tilespmem:s15+$0x104C0] =	vst v7  }
0xb4: {  	v6 =	vld.idx.msk [tilespmem:v58+s17+$0x0], $0xffff  }
0xb5: {  	v7 =	vld.idx.msk [tilespmem:v59+s20+$0x0], $0xffff  }
0xb6: {  	v60 =	vor.u32 s1, v2  }
0xb7: {  	v61 =	vor.u32 s7, v2;
	_ =	sdelay $0x1  }
0xb8: {  	[tilespmem:s15+$0x10490] =	vst v6  }
0xb9: {  	[tilespmem:s15+$0x104D0] =	vst v7  }
0xba: {  	v6 =	vld.idx.msk [tilespmem:v60+s17+$0x0], $0xffff  }
0xbb: {  	v7 =	vld.idx.msk [tilespmem:v61+s20+$0x0], $0xffff  }
0xbc: {  	v62 =	vor.u32 s1, v3  }
0xbd: {  	v63 =	vor.u32 s7, v3;
	_ =	sdelay $0x1  }
0xbe: {  	[tilespmem:s15+$0x104A0] =	vst v6  }
0xbf: {  	[tilespmem:s15+$0x104E0] =	vst v7  }
0xc0: {  	v6 =	vld.idx.msk [tilespmem:v62+s17+$0x0], $0xffff  }
0xc1: {  	v7 =	vld.idx.msk [tilespmem:v63+s20+$0x0], $0xffff;
	_ =	sdelay $0x3  }
0xc2: {  	s21 =	sand.u32 $0xFFFFF80, s28;
	[tilespmem:s15+$0x104B0] =	vst v6  }
0xc3: {  	s1 =	sadd.s32 s3, s21;
	s0 =	sand.u32 $0xFFFFF80, s19;
	[tilespmem:s15+$0x104F0] =	vst v7  }
0xc4: {  	[tilespmem:s17], [sflag:$0x2] =	stream.strided.gather [hbm4b:s1+s12], $0x1000, s11, s12, $0x38;
	[tilespmem:$0x12400] =	vst v63  }
0xc5: {  	s2 =	sadd.s32 s13, s0  }
0xc6: {  	[tilespmem:s20], [sflag:$0x2] =	stream.strided.gather [hbm4b:s2+s12], $0x1000, s11, s12, $0x38;
	[tilespmem:$0x12400] =	vst v63  }
0xc7: {  	s21 =	simm.s32 $0x3400;
	s1 =	sadd.s32 $0x3D0A00, s1  }
0xc8: {  	[tilespmem:s21], [sflag:$0x2] =	stream.strided.gather [hbm4b:s1+s12], $0x1000, s11, s12, $0x38;
	[tilespmem:$0x12400] =	vst v63  }
0xc9: {  	s0 =	simm.s32 $0x3;
	s2 =	sadd.s32 $0x3D0A00, s2;
	s21 =	simm.s32 $0xB400  }
0xca: {  	[tilespmem:s21], [sflag:$0x2] =	stream.strided.gather [hbm4b:s2+s12], $0x1000, s11, s12, $0x38;
	[tilespmem:$0x12400] =	vst v63  }
0xcb: {  	s2 =	sand.u32 $0x7F, s10;
	_ =	swait.ge [sflag:s0], $0x2000  }
0xcc: {  	s10 =	sand.u32 $0x7F, s8;
	v12 =	vor.u32 s2, v0;
	[sflag:s0] =	ssyncset.done $0x0  }
0xcd: {  	v13 =	vor.u32 s10, v0;
	[sflag:s0] =	ssyncadd.s32 $0xFFFFE000  }
0xce: {  	_ =	swait.ge [sflag:s0], $0x2000  }
0xcf: {  	[sflag:s0] =	ssyncset.done $0x0  }
0xd0: {  	s21 =	simm.s32 $0x4400;
	[sflag:s0] =	ssyncadd.s32 $0xFFFFE000  }
0xd1: {  	v6 =	vld.idx.msk [tilespmem:v12+s21+$0x0], $0xffff  }
0xd2: {  	v7 =	vld.idx.msk [tilespmem:v13+s24+$0x0], $0xffff  }
0xd3: {  	v14 =	vor.u32 s2, v1  }
0xd4: {  	v15 =	vor.u32 s10, v1;
	_ =	sdelay $0x1  }
0xd5: {  	[tilespmem:s15+$0x10500] =	vst v6  }
0xd6: {  	[tilespmem:s15+$0x10540] =	vst v7  }
0xd7: {  	v6 =	vld.idx.msk [tilespmem:v14+s21+$0x0], $0xffff  }
0xd8: {  	v7 =	vld.idx.msk [tilespmem:v15+s24+$0x0], $0xffff  }
0xd9: {  	v16 =	vor.u32 s2, v2  }
0xda: {  	v17 =	vor.u32 s10, v2;
	_ =	sdelay $0x1  }
0xdb: {  	[tilespmem:s15+$0x10510] =	vst v6  }
0xdc: {  	[tilespmem:s15+$0x10550] =	vst v7  }
0xdd: {  	v6 =	vld.idx.msk [tilespmem:v16+s21+$0x0], $0xffff  }
0xde: {  	v7 =	vld.idx.msk [tilespmem:v17+s24+$0x0], $0xffff  }
0xdf: {  	v18 =	vor.u32 s2, v3  }
0xe0: {  	v19 =	vor.u32 s10, v3;
	_ =	sdelay $0x1  }
0xe1: {  	[tilespmem:s15+$0x10520] =	vst v6  }
0xe2: {  	[tilespmem:s15+$0x10560] =	vst v7  }
0xe3: {  	v6 =	vld.idx.msk [tilespmem:v18+s21+$0x0], $0xffff  }
0xe4: {  	v7 =	vld.idx.msk [tilespmem:v19+s24+$0x0], $0xffff;
	_ =	sdelay $0x3  }
0xe5: {  	s2 =	sand.u32 $0xFFFFF80, s6;
	[tilespmem:s15+$0x10530] =	vst v6  }
0xe6: {  	s8 =	sand.u32 $0xFFFFF80, s22;
	s1 =	sadd.s32 s3, s2;
	[tilespmem:s15+$0x10570] =	vst v7  }
0xe7: {  	[tilespmem:s21], [sflag:$0x3] =	stream.strided.gather [hbm4b:s1+s12], $0x1000, s11, s12, $0x38;
	[tilespmem:$0x12400] =	vst v63  }
0xe8: {  	s2 =	sadd.s32 s13, s8  }
0xe9: {  	[tilespmem:s24], [sflag:$0x3] =	stream.strided.gather [hbm4b:s2+s12], $0x1000, s11, s12, $0x38;
	[tilespmem:$0x12400] =	vst v63  }
0xea: {  	s10 =	simm.s32 $0x5400;
	s1 =	sadd.s32 $0x3D0A00, s1  }
0xeb: {  	[tilespmem:s10], [sflag:$0x3] =	stream.strided.gather [hbm4b:s1+s12], $0x1000, s11, s12, $0x38;
	[tilespmem:$0x12400] =	vst v63  }
0xec: {  	s7 =	smov.u32 s3;
	s3 =	sadd.s32 $0x3D0A00, s2;
	s10 =	simm.s32 $0xD400  }
0xed: {  	[tilespmem:s10], [sflag:$0x3] =	stream.strided.gather [hbm4b:s3+s12], $0x1000, s11, s12, $0x38;
	[tilespmem:$0x12400] =	vst v63  }
0xee: {  	s3 =	simm.s32 $0x4  }
0xef: {  	s8 =	sand.u32 $0x7F, s4;
	_ =	swait.ge [sflag:s3], $0x2000  }
0xf0: {  	s23 =	sand.u32 $0x7F, s23;
	v20 =	vor.u32 s8, v0;
	[sflag:s3] =	ssyncset.done $0x0  }
0xf1: {  	v21 =	vor.u32 s23, v0;
	[sflag:s3] =	ssyncadd.s32 $0xFFFFE000  }
0xf2: {  	_ =	swait.ge [sflag:s3], $0x2000  }
0xf3: {  	[sflag:s3] =	ssyncset.done $0x0  }
0xf4: {  	[sflag:s3] =	ssyncadd.s32 $0xFFFFE000  }
0xf5: {  	v6 =	vld.idx.msk [tilespmem:v20+s25+$0x0], $0xffff  }
0xf6: {  	v7 =	vld.idx.msk [tilespmem:v21+s29+$0x0], $0xffff  }
0xf7: {  	v22 =	vor.u32 s8, v1  }
0xf8: {  	v23 =	vor.u32 s23, v1;
	_ =	sdelay $0x1  }
0xf9: {  	[tilespmem:s15+$0x10580] =	vst v6  }
0xfa: {  	[tilespmem:s15+$0x105C0] =	vst v7  }
0xfb: {  	v6 =	vld.idx.msk [tilespmem:v22+s25+$0x0], $0xffff  }
0xfc: {  	v7 =	vld.idx.msk [tilespmem:v23+s29+$0x0], $0xffff  }
0xfd: {  	v24 =	vor.u32 s8, v2  }
0xfe: {  	v25 =	vor.u32 s23, v2;
	_ =	sdelay $0x1  }
0xff: {  	[tilespmem:s15+$0x10590] =	vst v6  }
0x100: {  	[tilespmem:s15+$0x105D0] =	vst v7  }
0x101: {  	v6 =	vld.idx.msk [tilespmem:v24+s25+$0x0], $0xffff  }
0x102: {  	v7 =	vld.idx.msk [tilespmem:v25+s29+$0x0], $0xffff  }
0x103: {  	v26 =	vor.u32 s8, v3  }
0x104: {  	v27 =	vor.u32 s23, v3;
	_ =	sdelay $0x1  }
0x105: {  	[tilespmem:s15+$0x105A0] =	vst v6  }
0x106: {  	[tilespmem:s15+$0x105E0] =	vst v7  }
0x107: {  	v6 =	vld.idx.msk [tilespmem:v26+s25+$0x0], $0xffff  }
0x108: {  	v7 =	vld.idx.msk [tilespmem:v27+s29+$0x0], $0xffff;
	_ =	sdelay $0x3  }
0x109: {  	s4 =	sand.u32 $0xFFFFF80, s26;
	[tilespmem:s15+$0x105B0] =	vst v6  }
0x10a: {  	s8 =	sand.u32 $0xFFFFF80, s5;
	s1 =	sadd.s32 s7, s4;
	[tilespmem:s15+$0x105F0] =	vst v7  }
0x10b: {  	[tilespmem:s25], [sflag:$0x4] =	stream.strided.gather [hbm4b:s1+s12], $0x1000, s11, s12, $0x38;
	[tilespmem:$0x12400] =	vst v63  }
0x10c: {  	s2 =	sadd.s32 s13, s8  }
0x10d: {  	[tilespmem:s29], [sflag:$0x4] =	stream.strided.gather [hbm4b:s2+s12], $0x1000, s11, s12, $0x38;
	[tilespmem:$0x12400] =	vst v63  }
0x10e: {  	s23 =	smov.u32 s26;
	s26 =	simm.s32 $0x7400;
	s1 =	sadd.s32 $0x3D0A00, s1  }
0x10f: {  	[tilespmem:s26], [sflag:$0x4] =	stream.strided.gather [hbm4b:s1+s12], $0x1000, s11, s12, $0x38;
	[tilespmem:$0x12400] =	vst v63  }
0x110: {  	s8 =	simm.s32 $0xF400;
	s4 =	sadd.s32 $0x3D0A00, s2  }
0x111: {  	[tilespmem:s8], [sflag:$0x4] =	stream.strided.gather [hbm4b:s4+s12], $0x1000, s11, s12, $0x38;
	[tilespmem:$0x12400] =	vst v63  }
0x112: {  	s14 =	sand.u32 $0x7F, s14;
	_ =	swait.ge [sflag:s30], $0x2000  }
0x113: {  	v28 =	vor.u32 s14, v0;
	s26 =	sand.u32 $0x7F, s18;
	[sflag:s30] =	ssyncset.done $0x0  }
0x114: {  	v29 =	vor.u32 s26, v0;
	[sflag:s30] =	ssyncadd.s32 $0xFFFFE000  }
0x115: {  	_ =	swait.ge [sflag:s30], $0x2000  }
0x116: {  	[sflag:s30] =	ssyncset.done $0x0  }
0x117: {  	[sflag:s30] =	ssyncadd.s32 $0xFFFFE000  }
0x118: {  	v6 =	vld.idx.msk [tilespmem:v28+s12+$0x0], $0xffff  }
0x119: {  	v7 =	vld.idx.msk [tilespmem:v29+s16+$0x0], $0xffff  }
0x11a: {  	v30 =	vor.u32 s14, v1  }
0x11b: {  	v31 =	vor.u32 s26, v1;
	_ =	sdelay $0x1  }
0x11c: {  	[tilespmem:s15+$0x10600] =	vst v6  }
0x11d: {  	[tilespmem:s15+$0x10640] =	vst v7  }
0x11e: {  	v6 =	vld.idx.msk [tilespmem:v30+s12+$0x0], $0xffff  }
0x11f: {  	v7 =	vld.idx.msk [tilespmem:v31+s16+$0x0], $0xffff  }
0x120: {  	v32 =	vor.u32 s14, v2  }
0x121: {  	v33 =	vor.u32 s26, v2;
	_ =	sdelay $0x1  }
0x122: {  	[tilespmem:s15+$0x10610] =	vst v6  }
0x123: {  	[tilespmem:s15+$0x10650] =	vst v7  }
0x124: {  	v6 =	vld.idx.msk [tilespmem:v32+s12+$0x0], $0xffff  }
0x125: {  	v7 =	vld.idx.msk [tilespmem:v33+s16+$0x0], $0xffff  }
0x126: {  	v34 =	vor.u32 s14, v3  }
0x127: {  	v35 =	vor.u32 s26, v3;
	_ =	sdelay $0x1  }
0x128: {  	[tilespmem:s15+$0x10620] =	vst v6  }
0x129: {  	s26 =	sld [smem:$0x7F6];
	[tilespmem:s15+$0x10660] =	vst v7  }
0x12a: {  	v6 =	vld.idx.msk [tilespmem:v34+s12+$0x0], $0xffff  }
0x12b: {  	v7 =	vld.idx.msk [tilespmem:v35+s16+$0x0], $0xffff  }
0x12c: {  	s4 =	sand.u32 $0xFFFFF80, s26  }
0x12d: {  	s1 =	sadd.s32 s7, s4;
	s4 =	sld [smem:$0x7F7];
	_ =	sdelay $0x1  }
0x12e: {  	[tilespmem:s15+$0x10630] =	vst v6  }
0x12f: {  	s8 =	sand.u32 $0xFFFFF80, s4;
	[tilespmem:s15+$0x10670] =	vst v7  }
0x130: {  	[tilespmem:s12], [sflag:$0x1] =	stream.strided.gather [hbm4b:s1+s12], $0x1000, s11, s12, $0x38;
	[tilespmem:$0x12400] =	vst v63  }
0x131: {  	s2 =	sadd.s32 s13, s8  }
0x132: {  	[tilespmem:s16], [sflag:$0x1] =	stream.strided.gather [hbm4b:s2+s12], $0x1000, s11, s12, $0x38;
	[tilespmem:$0x12400] =	vst v63  }
0x133: {  	s8 =	simm.s32 $0x1400;
	s1 =	sadd.s32 $0x3D0A00, s1  }
0x134: {  	[tilespmem:s8], [sflag:$0x1] =	stream.strided.gather [hbm4b:s1+s12], $0x1000, s11, s12, $0x38;
	[tilespmem:$0x12400] =	vst v63  }
0x135: {  	s14 =	sadd.s32 $0x3D0A00, s2  }
0x136: {  	[tilespmem:s9], [sflag:$0x1] =	stream.strided.gather [hbm4b:s14+s12], $0x1000, s11, s12, $0x38;
	[tilespmem:$0x12400] =	vst v63  }
0x137: {  	s18 =	sand.u32 $0x7F, s28;
	_ =	swait.ge [sflag:s31], $0x2000  }
0x138: {  	s28 =	sand.u32 $0x7F, s19;
	v36 =	vor.u32 s18, v0;
	[sflag:s31] =	ssyncset.done $0x0  }
0x139: {  	v37 =	vor.u32 s28, v0;
	[sflag:s31] =	ssyncadd.s32 $0xFFFFE000  }
0x13a: {  	_ =	swait.ge [sflag:s31], $0x2000  }
0x13b: {  	[sflag:s31] =	ssyncset.done $0x0  }
0x13c: {  	[sflag:s31] =	ssyncadd.s32 $0xFFFFE000  }
0x13d: {  	v6 =	vld.idx.msk [tilespmem:v36+s17+$0x0], $0xffff  }
0x13e: {  	v7 =	vld.idx.msk [tilespmem:v37+s20+$0x0], $0xffff  }
0x13f: {  	v38 =	vor.u32 s18, v1  }
0x140: {  	v39 =	vor.u32 s28, v1;
	_ =	sdelay $0x1  }
0x141: {  	[tilespmem:s15+$0x10680] =	vst v6  }
0x142: {  	[tilespmem:s15+$0x106C0] =	vst v7  }
0x143: {  	v6 =	vld.idx.msk [tilespmem:v38+s17+$0x0], $0xffff  }
0x144: {  	v7 =	vld.idx.msk [tilespmem:v39+s20+$0x0], $0xffff  }
0x145: {  	v40 =	vor.u32 s18, v2  }
0x146: {  	v41 =	vor.u32 s28, v2;
	_ =	sdelay $0x1  }
0x147: {  	[tilespmem:s15+$0x10690] =	vst v6  }
0x148: {  	[tilespmem:s15+$0x106D0] =	vst v7  }
0x149: {  	v6 =	vld.idx.msk [tilespmem:v40+s17+$0x0], $0xffff  }
0x14a: {  	v7 =	vld.idx.msk [tilespmem:v41+s20+$0x0], $0xffff  }
0x14b: {  	v42 =	vor.u32 s18, v3  }
0x14c: {  	v43 =	vor.u32 s28, v3;
	_ =	sdelay $0x1  }
0x14d: {  	[tilespmem:s15+$0x106A0] =	vst v6  }
0x14e: {  	[tilespmem:s15+$0x106E0] =	vst v7  }
0x14f: {  	v6 =	vld.idx.msk [tilespmem:v42+s17+$0x0], $0xffff  }
0x150: {  	v7 =	vld.idx.msk [tilespmem:v43+s20+$0x0], $0xffff  }
0x151: {  	s14 =	sld [smem:$0x7F8]  }
0x152: {  	s28 =	sld [smem:$0x7F9];
	_ =	sdelay $0x1  }
0x153: {  	s2 =	sand.u32 $0xFFFFF80, s14;
	[tilespmem:s15+$0x106B0] =	vst v6  }
0x154: {  	s18 =	sand.u32 $0xFFFFF80, s28;
	s1 =	sadd.s32 s7, s2;
	[tilespmem:s15+$0x106F0] =	vst v7  }
0x155: {  	[tilespmem:s17], [sflag:$0x2] =	stream.strided.gather [hbm4b:s1+s12], $0x1000, s11, s12, $0x38;
	[tilespmem:$0x12400] =	vst v63  }
0x156: {  	s2 =	sadd.s32 s13, s18  }
0x157: {  	[tilespmem:s20], [sflag:$0x2] =	stream.strided.gather [hbm4b:s2+s12], $0x1000, s11, s12, $0x38;
	[tilespmem:$0x12400] =	vst v63  }
0x158: {  	s19 =	simm.s32 $0x3400;
	s1 =	sadd.s32 $0x3D0A00, s1  }
0x159: {  	[tilespmem:s19], [sflag:$0x2] =	stream.strided.gather [hbm4b:s1+s12], $0x1000, s11, s12, $0x38;
	[tilespmem:$0x12400] =	vst v63  }
0x15a: {  	s18 =	simm.s32 $0xB400;
	s2 =	sadd.s32 $0x3D0A00, s2  }
0x15b: {  	[tilespmem:s18], [sflag:$0x2] =	stream.strided.gather [hbm4b:s2+s12], $0x1000, s11, s12, $0x38;
	[tilespmem:$0x12400] =	vst v63  }
0x15c: {  	s19 =	sand.u32 $0x7F, s6;
	_ =	swait.ge [sflag:s0], $0x2000  }
0x15d: {  	s22 =	sand.u32 $0x7F, s22;
	v44 =	vor.u32 s19, v0;
	[sflag:s0] =	ssyncset.done $0x0  }
0x15e: {  	v45 =	vor.u32 s22, v0;
	[sflag:s0] =	ssyncadd.s32 $0xFFFFE000  }
0x15f: {  	_ =	swait.ge [sflag:s0], $0x2000  }
0x160: {  	[sflag:s0] =	ssyncset.done $0x0  }
0x161: {  	[sflag:s0] =	ssyncadd.s32 $0xFFFFE000  }
0x162: {  	v6 =	vld.idx.msk [tilespmem:v44+s21+$0x0], $0xffff  }
0x163: {  	v7 =	vld.idx.msk [tilespmem:v45+s24+$0x0], $0xffff  }
0x164: {  	v46 =	vor.u32 s19, v1  }
0x165: {  	v47 =	vor.u32 s22, v1;
	_ =	sdelay $0x1  }
0x166: {  	[tilespmem:s15+$0x10700] =	vst v6  }
0x167: {  	[tilespmem:s15+$0x10740] =	vst v7  }
0x168: {  	v6 =	vld.idx.msk [tilespmem:v46+s21+$0x0], $0xffff  }
0x169: {  	v7 =	vld.idx.msk [tilespmem:v47+s24+$0x0], $0xffff  }
0x16a: {  	v48 =	vor.u32 s19, v2  }
0x16b: {  	v49 =	vor.u32 s22, v2;
	_ =	sdelay $0x1  }
0x16c: {  	[tilespmem:s15+$0x10710] =	vst v6  }
0x16d: {  	[tilespmem:s15+$0x10750] =	vst v7  }
0x16e: {  	v6 =	vld.idx.msk [tilespmem:v48+s21+$0x0], $0xffff  }
0x16f: {  	v7 =	vld.idx.msk [tilespmem:v49+s24+$0x0], $0xffff  }
0x170: {  	v50 =	vor.u32 s19, v3  }
0x171: {  	v51 =	vor.u32 s22, v3;
	_ =	sdelay $0x1  }
0x172: {  	[tilespmem:s15+$0x10720] =	vst v6  }
0x173: {  	[tilespmem:s15+$0x10760] =	vst v7  }
0x174: {  	v6 =	vld.idx.msk [tilespmem:v50+s21+$0x0], $0xffff  }
0x175: {  	v7 =	vld.idx.msk [tilespmem:v51+s24+$0x0], $0xffff  }
0x176: {  	s19 =	sld [smem:$0x7FA]  }
0x177: {  	s22 =	sld [smem:$0x7FB];
	_ =	sdelay $0x1  }
0x178: {  	s2 =	sand.u32 $0xFFFFF80, s19;
	[tilespmem:s15+$0x10730] =	vst v6  }
0x179: {  	s6 =	sand.u32 $0xFFFFF80, s22;
	s1 =	sadd.s32 s7, s2;
	[tilespmem:s15+$0x10770] =	vst v7  }
0x17a: {  	[tilespmem:s21], [sflag:$0x3] =	stream.strided.gather [hbm4b:s1+s12], $0x1000, s11, s12, $0x38;
	[tilespmem:$0x12400] =	vst v63  }
0x17b: {  	s2 =	sadd.s32 s13, s6  }
0x17c: {  	[tilespmem:s24], [sflag:$0x3] =	stream.strided.gather [hbm4b:s2+s12], $0x1000, s11, s12, $0x38;
	[tilespmem:$0x12400] =	vst v63  }
0x17d: {  	s18 =	simm.s32 $0x5400;
	s1 =	sadd.s32 $0x3D0A00, s1  }
0x17e: {  	[tilespmem:s18], [sflag:$0x3] =	stream.strided.gather [hbm4b:s1+s12], $0x1000, s11, s12, $0x38;
	[tilespmem:$0x12400] =	vst v63  }
0x17f: {  	s6 =	sadd.s32 $0x3D0A00, s2  }
0x180: {  	[tilespmem:s10], [sflag:$0x3] =	stream.strided.gather [hbm4b:s6+s12], $0x1000, s11, s12, $0x38;
	[tilespmem:$0x12400] =	vst v63  }
0x181: {  	s18 =	sand.u32 $0x7F, s23;
	_ =	swait.ge [sflag:s3], $0x2000  }
0x182: {  	s23 =	sand.u32 $0x7F, s5;
	v52 =	vor.u32 s18, v0;
	[sflag:s3] =	ssyncset.done $0x0  }
0x183: {  	v53 =	vor.u32 s23, v0;
	[sflag:s3] =	ssyncadd.s32 $0xFFFFE000  }
0x184: {  	_ =	swait.ge [sflag:s3], $0x2000  }
0x185: {  	[sflag:s3] =	ssyncset.done $0x0  }
0x186: {  	[sflag:s3] =	ssyncadd.s32 $0xFFFFE000  }
0x187: {  	v6 =	vld.idx.msk [tilespmem:v52+s25+$0x0], $0xffff  }
0x188: {  	v7 =	vld.idx.msk [tilespmem:v53+s29+$0x0], $0xffff  }
0x189: {  	v54 =	vor.u32 s18, v1  }
0x18a: {  	v55 =	vor.u32 s23, v1;
	_ =	sdelay $0x1  }
0x18b: {  	[tilespmem:s15+$0x10780] =	vst v6  }
0x18c: {  	[tilespmem:s15+$0x107C0] =	vst v7  }
0x18d: {  	v6 =	vld.idx.msk [tilespmem:v54+s25+$0x0], $0xffff  }
0x18e: {  	v7 =	vld.idx.msk [tilespmem:v55+s29+$0x0], $0xffff  }
0x18f: {  	v56 =	vor.u32 s18, v2  }
0x190: {  	v57 =	vor.u32 s23, v2;
	_ =	sdelay $0x1  }
0x191: {  	[tilespmem:s15+$0x10790] =	vst v6  }
0x192: {  	[tilespmem:s15+$0x107D0] =	vst v7  }
0x193: {  	v6 =	vld.idx.msk [tilespmem:v56+s25+$0x0], $0xffff  }
0x194: {  	v7 =	vld.idx.msk [tilespmem:v57+s29+$0x0], $0xffff  }
0x195: {  	v58 =	vor.u32 s18, v3  }
0x196: {  	v59 =	vor.u32 s23, v3;
	_ =	sdelay $0x1  }
0x197: {  	[tilespmem:s15+$0x107A0] =	vst v6  }
0x198: {  	[tilespmem:s15+$0x107E0] =	vst v7  }
0x199: {  	v6 =	vld.idx.msk [tilespmem:v58+s25+$0x0], $0xffff  }
0x19a: {  	v7 =	vld.idx.msk [tilespmem:v59+s29+$0x0], $0xffff  }
0x19b: {  	s18 =	sld [smem:$0x7FC]  }
0x19c: {  	s23 =	sld [smem:$0x7FD];
	_ =	sdelay $0x1  }
0x19d: {  	s2 =	sand.u32 $0xFFFFF80, s18;
	[tilespmem:s15+$0x107B0] =	vst v6  }
0x19e: {  	s5 =	sand.u32 $0xFFFFF80, s23;
	s1 =	sadd.s32 s7, s2;
	[tilespmem:s15+$0x107F0] =	vst v7  }
0x19f: {  	[tilespmem:s25], [sflag:$0x4] =	stream.strided.gather [hbm4b:s1+s12], $0x1000, s11, s12, $0x38;
	[tilespmem:$0x12400] =	vst v63  }
0x1a0: {  	s2 =	sadd.s32 s13, s5  }
0x1a1: {  	[tilespmem:s29], [sflag:$0x4] =	stream.strided.gather [hbm4b:s2+s12], $0x1000, s11, s12, $0x38;
	[tilespmem:$0x12400] =	vst v63  }
0x1a2: {  	s6 =	simm.s32 $0x7400;
	s1 =	sadd.s32 $0x3D0A00, s1  }
0x1a3: {  	[tilespmem:s6], [sflag:$0x4] =	stream.strided.gather [hbm4b:s1+s12], $0x1000, s11, s12, $0x38;
	[tilespmem:$0x12400] =	vst v63  }
0x1a4: {  	s5 =	simm.s32 $0xF400;
	s2 =	sadd.s32 $0x3D0A00, s2  }
0x1a5: {  	[tilespmem:s5], [sflag:$0x4] =	stream.strided.gather [hbm4b:s2+s12], $0x1000, s11, s12, $0x38;
	[tilespmem:$0x12400] =	vst v63  }
0x1a6: {  	s6 =	sand.u32 $0x7F, s26;
	_ =	swait.ge [sflag:s30], $0x2000  }
0x1a7: {  	s26 =	sand.u32 $0x7F, s4;
	v60 =	vor.u32 s6, v0;
	[sflag:s30] =	ssyncset.done $0x0  }
0x1a8: {  	v61 =	vor.u32 s26, v0;
	[sflag:s30] =	ssyncadd.s32 $0xFFFFE000  }
0x1a9: {  	_ =	swait.ge [sflag:s30], $0x2000  }
0x1aa: {  	[sflag:s30] =	ssyncset.done $0x0  }
0x1ab: {  	[sflag:s30] =	ssyncadd.s32 $0xFFFFE000  }
0x1ac: {  	v6 =	vld.idx.msk [tilespmem:v60+s12+$0x0], $0xffff  }
0x1ad: {  	v7 =	vld.idx.msk [tilespmem:v61+s16+$0x0], $0xffff  }
0x1ae: {  	v62 =	vor.u32 s6, v1  }
0x1af: {  	v63 =	vor.u32 s26, v1;
	_ =	sdelay $0x1  }
0x1b0: {  	[tilespmem:s15+$0x10800] =	vst v6  }
0x1b1: {  	[tilespmem:s15+$0x10840] =	vst v7  }
0x1b2: {  	v6 =	vld.idx.msk [tilespmem:v62+s12+$0x0], $0xffff  }
0x1b3: {  	v7 =	vld.idx.msk [tilespmem:v63+s16+$0x0], $0xffff  }
0x1b4: {  	v12 =	vor.u32 s6, v2  }
0x1b5: {  	v13 =	vor.u32 s26, v2;
	_ =	sdelay $0x1  }
0x1b6: {  	[tilespmem:s15+$0x10810] =	vst v6  }
0x1b7: {  	[tilespmem:s15+$0x10850] =	vst v7  }
0x1b8: {  	v6 =	vld.idx.msk [tilespmem:v12+s12+$0x0], $0xffff  }
0x1b9: {  	v7 =	vld.idx.msk [tilespmem:v13+s16+$0x0], $0xffff  }
0x1ba: {  	v14 =	vor.u32 s6, v3  }
0x1bb: {  	v15 =	vor.u32 s26, v3;
	_ =	sdelay $0x1  }
0x1bc: {  	[tilespmem:s15+$0x10820] =	vst v6  }
0x1bd: {  	[tilespmem:s15+$0x10860] =	vst v7  }
0x1be: {  	v6 =	vld.idx.msk [tilespmem:v14+s12+$0x0], $0xffff  }
0x1bf: {  	v7 =	vld.idx.msk [tilespmem:v15+s16+$0x0], $0xffff;
	_ =	sdelay $0x2  }
0x1c0: {  	s5 =	rddreg [dreg:$0x1e]  }
0x1c1: {  	s6 =	rddreg [dreg:$0x1f];
	s2 =	sand.u32 $0xFFFFF80, s5;
	[tilespmem:s15+$0x10830] =	vst v6  }
0x1c2: {  	s4 =	sand.u32 $0xFFFFF80, s6;
	s1 =	sadd.s32 s7, s2;
	[tilespmem:s15+$0x10870] =	vst v7  }
0x1c3: {  	[tilespmem:s12], [sflag:$0x1] =	stream.strided.gather [hbm4b:s1+s12], $0x1000, s11, s12, $0x38;
	[tilespmem:$0x12400] =	vst v63  }
0x1c4: {  	s2 =	sadd.s32 s13, s4  }
0x1c5: {  	[tilespmem:s16], [sflag:$0x1] =	stream.strided.gather [hbm4b:s2+s12], $0x1000, s11, s12, $0x38;
	[tilespmem:$0x12400] =	vst v63  }
0x1c6: {  	s1 =	sadd.s32 $0x3D0A00, s1  }
0x1c7: {  	[tilespmem:s8], [sflag:$0x1] =	stream.strided.gather [hbm4b:s1+s12], $0x1000, s11, s12, $0x38;
	[tilespmem:$0x12400] =	vst v63  }
0x1c8: {  	s8 =	sadd.s32 $0x3D0A00, s2  }
0x1c9: {  	[tilespmem:s9], [sflag:$0x1] =	stream.strided.gather [hbm4b:s8+s12], $0x1000, s11, s12, $0x38;
	[tilespmem:$0x12400] =	vst v63  }
0x1ca: {  	s26 =	sand.u32 $0x7F, s14;
	_ =	swait.ge [sflag:s31], $0x2000  }
0x1cb: {  	s28 =	sand.u32 $0x7F, s28;
	v16 =	vor.u32 s26, v0;
	[sflag:s31] =	ssyncset.done $0x0  }
0x1cc: {  	v17 =	vor.u32 s28, v0;
	[sflag:s31] =	ssyncadd.s32 $0xFFFFE000  }
0x1cd: {  	_ =	swait.ge [sflag:s31], $0x2000  }
0x1ce: {  	[sflag:s31] =	ssyncset.done $0x0  }
0x1cf: {  	[sflag:s31] =	ssyncadd.s32 $0xFFFFE000  }
0x1d0: {  	v6 =	vld.idx.msk [tilespmem:v16+s17+$0x0], $0xffff  }
0x1d1: {  	v7 =	vld.idx.msk [tilespmem:v17+s20+$0x0], $0xffff  }
0x1d2: {  	v18 =	vor.u32 s26, v1  }
0x1d3: {  	v19 =	vor.u32 s28, v1;
	_ =	sdelay $0x1  }
0x1d4: {  	[tilespmem:s15+$0x10880] =	vst v6  }
0x1d5: {  	[tilespmem:s15+$0x108C0] =	vst v7  }
0x1d6: {  	v6 =	vld.idx.msk [tilespmem:v18+s17+$0x0], $0xffff  }
0x1d7: {  	v7 =	vld.idx.msk [tilespmem:v19+s20+$0x0], $0xffff  }
0x1d8: {  	v20 =	vor.u32 s26, v2  }
0x1d9: {  	v21 =	vor.u32 s28, v2;
	_ =	sdelay $0x1  }
0x1da: {  	[tilespmem:s15+$0x10890] =	vst v6  }
0x1db: {  	[tilespmem:s15+$0x108D0] =	vst v7  }
0x1dc: {  	v6 =	vld.idx.msk [tilespmem:v20+s17+$0x0], $0xffff  }
0x1dd: {  	v7 =	vld.idx.msk [tilespmem:v21+s20+$0x0], $0xffff  }
0x1de: {  	v22 =	vor.u32 s26, v3  }
0x1df: {  	v23 =	vor.u32 s28, v3;
	_ =	sdelay $0x1  }
0x1e0: {  	[tilespmem:s15+$0x108A0] =	vst v6  }
0x1e1: {  	[tilespmem:s15+$0x108E0] =	vst v7  }
0x1e2: {  	v6 =	vld.idx.msk [tilespmem:v22+s17+$0x0], $0xffff  }
0x1e3: {  	v7 =	vld.idx.msk [tilespmem:v23+s20+$0x0], $0xffff;
	_ =	sdelay $0x2  }
0x1e4: {  	s28 =	rddreg [dreg:$0x1c]  }
0x1e5: {  	s14 =	rddreg [dreg:$0x1d];
	s2 =	sand.u32 $0xFFFFF80, s28;
	[tilespmem:s15+$0x108B0] =	vst v6  }
0x1e6: {  	s4 =	sand.u32 $0xFFFFF80, s14;
	s1 =	sadd.s32 s7, s2;
	[tilespmem:s15+$0x108F0] =	vst v7  }
0x1e7: {  	[tilespmem:s17], [sflag:$0x2] =	stream.strided.gather [hbm4b:s1+s12], $0x1000, s11, s12, $0x38;
	[tilespmem:$0x12400] =	vst v63  }
0x1e8: {  	s2 =	sadd.s32 s13, s4  }
0x1e9: {  	[tilespmem:s20], [sflag:$0x2] =	stream.strided.gather [hbm4b:s2+s12], $0x1000, s11, s12, $0x38;
	[tilespmem:$0x12400] =	vst v63  }
0x1ea: {  	s8 =	simm.s32 $0x3400;
	s1 =	sadd.s32 $0x3D0A00, s1  }
0x1eb: {  	[tilespmem:s8], [sflag:$0x2] =	stream.strided.gather [hbm4b:s1+s12], $0x1000, s11, s12, $0x38;
	[tilespmem:$0x12400] =	vst v63  }
0x1ec: {  	s26 =	simm.s32 $0xB400;
	s9 =	sadd.s32 $0x3D0A00, s2  }
0x1ed: {  	[tilespmem:s26], [sflag:$0x2] =	stream.strided.gather [hbm4b:s9+s12], $0x1000, s11, s12, $0x38;
	[tilespmem:$0x12400] =	vst v63  }
0x1ee: {  	s2 =	sand.u32 $0x7F, s19;
	_ =	swait.ge [sflag:s0], $0x2000  }
0x1ef: {  	s4 =	sand.u32 $0x7F, s22;
	v24 =	vor.u32 s2, v0;
	[sflag:s0] =	ssyncset.done $0x0  }
0x1f0: {  	v25 =	vor.u32 s4, v0;
	[sflag:s0] =	ssyncadd.s32 $0xFFFFE000  }
0x1f1: {  	_ =	swait.ge [sflag:s0], $0x2000  }
0x1f2: {  	[sflag:s0] =	ssyncset.done $0x0  }
0x1f3: {  	[sflag:s0] =	ssyncadd.s32 $0xFFFFE000  }
0x1f4: {  	v6 =	vld.idx.msk [tilespmem:v24+s21+$0x0], $0xffff  }
0x1f5: {  	v7 =	vld.idx.msk [tilespmem:v25+s24+$0x0], $0xffff  }
0x1f6: {  	v26 =	vor.u32 s2, v1  }
0x1f7: {  	v27 =	vor.u32 s4, v1;
	_ =	sdelay $0x1  }
0x1f8: {  	[tilespmem:s15+$0x10900] =	vst v6  }
0x1f9: {  	[tilespmem:s15+$0x10940] =	vst v7  }
0x1fa: {  	v6 =	vld.idx.msk [tilespmem:v26+s21+$0x0], $0xffff  }
0x1fb: {  	v7 =	vld.idx.msk [tilespmem:v27+s24+$0x0], $0xffff  }
0x1fc: {  	v28 =	vor.u32 s2, v2  }
0x1fd: {  	v29 =	vor.u32 s4, v2;
	_ =	sdelay $0x1  }
0x1fe: {  	[tilespmem:s15+$0x10910] =	vst v6  }
0x1ff: {  	[tilespmem:s15+$0x10950] =	vst v7  }
0x200: {  	v6 =	vld.idx.msk [tilespmem:v28+s21+$0x0], $0xffff  }
0x201: {  	v7 =	vld.idx.msk [tilespmem:v29+s24+$0x0], $0xffff  }
0x202: {  	v30 =	vor.u32 s2, v3  }
0x203: {  	v31 =	vor.u32 s4, v3;
	_ =	sdelay $0x1  }
0x204: {  	[tilespmem:s15+$0x10920] =	vst v6  }
0x205: {  	[tilespmem:s15+$0x10960] =	vst v7  }
0x206: {  	v6 =	vld.idx.msk [tilespmem:v30+s21+$0x0], $0xffff  }
0x207: {  	v7 =	vld.idx.msk [tilespmem:v31+s24+$0x0], $0xffff;
	_ =	sdelay $0x2  }
0x208: {  	s19 =	rddreg [dreg:$0x1a]  }
0x209: {  	s22 =	rddreg [dreg:$0x1b];
	s8 =	sand.u32 $0xFFFFF80, s19;
	[tilespmem:s15+$0x10930] =	vst v6  }
0x20a: {  	s9 =	sand.u32 $0xFFFFF80, s22;
	s1 =	sadd.s32 s7, s8;
	[tilespmem:s15+$0x10970] =	vst v7  }
0x20b: {  	[tilespmem:s21], [sflag:$0x3] =	stream.strided.gather [hbm4b:s1+s12], $0x1000, s11, s12, $0x38;
	[tilespmem:$0x12400] =	vst v63  }
0x20c: {  	s2 =	sadd.s32 s13, s9  }
0x20d: {  	[tilespmem:s24], [sflag:$0x3] =	stream.strided.gather [hbm4b:s2+s12], $0x1000, s11, s12, $0x38;
	[tilespmem:$0x12400] =	vst v63  }
0x20e: {  	s26 =	simm.s32 $0x5400;
	s1 =	sadd.s32 $0x3D0A00, s1  }
0x20f: {  	[tilespmem:s26], [sflag:$0x3] =	stream.strided.gather [hbm4b:s1+s12], $0x1000, s11, s12, $0x38;
	[tilespmem:$0x12400] =	vst v63  }
0x210: {  	s8 =	sadd.s32 $0x3D0A00, s2  }
0x211: {  	[tilespmem:s10], [sflag:$0x3] =	stream.strided.gather [hbm4b:s8+s12], $0x1000, s11, s12, $0x38;
	[tilespmem:$0x12400] =	vst v63  }
0x212: {  	s9 =	sand.u32 $0x7F, s18;
	_ =	swait.ge [sflag:s3], $0x2000  }
0x213: {  	v32 =	vor.u32 s9, v0;
	s10 =	sand.u32 $0x7F, s23;
	[sflag:s3] =	ssyncset.done $0x0  }
0x214: {  	v33 =	vor.u32 s10, v0;
	[sflag:s3] =	ssyncadd.s32 $0xFFFFE000  }
0x215: {  	_ =	swait.ge [sflag:s3], $0x2000  }
0x216: {  	[sflag:s3] =	ssyncset.done $0x0  }
0x217: {  	[sflag:s3] =	ssyncadd.s32 $0xFFFFE000  }
0x218: {  	v6 =	vld.idx.msk [tilespmem:v32+s25+$0x0], $0xffff  }
0x219: {  	v7 =	vld.idx.msk [tilespmem:v33+s29+$0x0], $0xffff  }
0x21a: {  	v34 =	vor.u32 s9, v1  }
0x21b: {  	v35 =	vor.u32 s10, v1;
	_ =	sdelay $0x1  }
0x21c: {  	[tilespmem:s15+$0x10980] =	vst v6  }
0x21d: {  	[tilespmem:s15+$0x109C0] =	vst v7  }
0x21e: {  	v6 =	vld.idx.msk [tilespmem:v34+s25+$0x0], $0xffff  }
0x21f: {  	v7 =	vld.idx.msk [tilespmem:v35+s29+$0x0], $0xffff  }
0x220: {  	v36 =	vor.u32 s9, v2  }
0x221: {  	v37 =	vor.u32 s10, v2;
	_ =	sdelay $0x1  }
0x222: {  	[tilespmem:s15+$0x10990] =	vst v6  }
0x223: {  	[tilespmem:s15+$0x109D0] =	vst v7  }
0x224: {  	v6 =	vld.idx.msk [tilespmem:v36+s25+$0x0], $0xffff  }
0x225: {  	v7 =	vld.idx.msk [tilespmem:v37+s29+$0x0], $0xffff  }
0x226: {  	v38 =	vor.u32 s9, v3  }
0x227: {  	v39 =	vor.u32 s10, v3;
	_ =	sdelay $0x1  }
0x228: {  	[tilespmem:s15+$0x109A0] =	vst v6  }
0x229: {  	[tilespmem:s15+$0x109E0] =	vst v7  }
0x22a: {  	v6 =	vld.idx.msk [tilespmem:v38+s25+$0x0], $0xffff  }
0x22b: {  	v7 =	vld.idx.msk [tilespmem:v39+s29+$0x0], $0xffff;
	_ =	sdelay $0x1  }
0x22c: {  	s10 =	rddreg [dreg:$0x18]  }
0x22d: {  	s18 =	sand.u32 $0xFFFFF80, s10  }
0x22e: {  	s1 =	sadd.s32 s7, s18;
	s18 =	rddreg [dreg:$0x19];
	[tilespmem:s15+$0x109B0] =	vst v6  }
0x22f: {  	s23 =	sand.u32 $0xFFFFF80, s18;
	[tilespmem:s15+$0x109F0] =	vst v7  }
0x230: {  	[tilespmem:s25], [sflag:$0x4] =	stream.strided.gather [hbm4b:s1+s12], $0x1000, s11, s12, $0x38;
	[tilespmem:$0x12400] =	vst v63  }
0x231: {  	s2 =	sadd.s32 s13, s23  }
0x232: {  	[tilespmem:s29], [sflag:$0x4] =	stream.strided.gather [hbm4b:s2+s12], $0x1000, s11, s12, $0x38;
	[tilespmem:$0x12400] =	vst v63  }
0x233: {  	s26 =	simm.s32 $0x7400;
	s1 =	sadd.s32 $0x3D0A00, s1  }
0x234: {  	[tilespmem:s26], [sflag:$0x4] =	stream.strided.gather [hbm4b:s1+s12], $0x1000, s11, s12, $0x38;
	[tilespmem:$0x12400] =	vst v63  }
0x235: {  	s4 =	simm.s32 $0xF400;
	s2 =	sadd.s32 $0x3D0A00, s2  }
0x236: {  	[tilespmem:s4], [sflag:$0x4] =	stream.strided.gather [hbm4b:s2+s12], $0x1000, s11, s12, $0x38;
	[tilespmem:$0x12400] =	vst v63  }
0x237: {  	s5 =	sand.u32 $0x7F, s5;
	_ =	swait.ge [sflag:s30], $0x2000  }
0x238: {  	s6 =	sand.u32 $0x7F, s6;
	v40 =	vor.u32 s5, v0;
	[sflag:s30] =	ssyncset.done $0x0  }
0x239: {  	v41 =	vor.u32 s6, v0;
	[sflag:s30] =	ssyncadd.s32 $0xFFFFE000  }
0x23a: {  	_ =	swait.ge [sflag:s30], $0x2000  }
0x23b: {  	[sflag:s30] =	ssyncset.done $0x0  }
0x23c: {  	[sflag:s30] =	ssyncadd.s32 $0xFFFFE000  }
0x23d: {  	v6 =	vld.idx.msk [tilespmem:v40+s12+$0x0], $0xffff  }
0x23e: {  	v7 =	vld.idx.msk [tilespmem:v41+s16+$0x0], $0xffff  }
0x23f: {  	v42 =	vor.u32 s5, v1  }
0x240: {  	v43 =	vor.u32 s6, v1;
	_ =	sdelay $0x1  }
0x241: {  	[tilespmem:s15+$0x10A00] =	vst v6  }
0x242: {  	[tilespmem:s15+$0x10A40] =	vst v7  }
0x243: {  	s9 =	rddreg [dreg:$0x17];
	v6 =	vld.idx.msk [tilespmem:v42+s12+$0x0], $0xffff  }
0x244: {  	p0 =	seq.s32 s9, $0x1F;
	v7 =	vld.idx.msk [tilespmem:v43+s16+$0x0], $0xffff  }
0x245: {  	(v2sf) =	vpush @!p0 v5, $0x0;
	v5 =	vor.u32 s5, v2  }
0x246: {  	(v2sf) =	vpush @!p0 v4, $0x0;
	v4 =	vor.u32 s6, v2;
	_ =	sdelay $0x1  }
0x247: {  	[tilespmem:s15+$0x10A10] =	vst v6  }
0x248: {  	[tilespmem:s15+$0x10A50] =	vst v7  }
0x249: {  	v5 =	vld.idx.msk [tilespmem:v5+s12+$0x0], $0xffff  }
0x24a: {  	v4 =	vld.idx.msk [tilespmem:v4+s16+$0x0], $0xffff  }
0x24b: {  	v44 =	vor.u32 s5, v3  }
0x24c: {  	v45 =	vor.u32 s6, v3;
	_ =	sdelay $0x1  }
0x24d: {  	[tilespmem:s15+$0x10A20] =	vst v5  }
0x24e: {  	[tilespmem:s15+$0x10A60] =	vst v4  }
0x24f: {  	v4 =	vld.idx.msk [tilespmem:v44+s12+$0x0], $0xffff  }
0x250: {  	v5 =	vld.idx.msk [tilespmem:v45+s16+$0x0], $0xffff;
	_ =	sdelay $0x1  }
0x251: {  	s1 =	spop @!p0 (v2sf)  }
0x252: {  	s2 =	spop @!p0 (v2sf)  }
0x253: {  	s4 =	simm.s32 @!p0 $0x7A1400;
	s2 =	sand.u32 @!p0 $0xFFFFF80, s2;
	[tilespmem:s15+$0x10A30] =	vst v4  }
0x254: {  	s5 =	simm.s32 @!p0 $0x400;
	s1 =	sand.u32 @!p0 $0xFFFFF80, s1;
	s2 =	sadd.s32 @!p0 s7, s2;
	[tilespmem:s15+$0x10A70] =	vst v5  }
0x255: {  	[tilespmem:s5], [sflag:$0x1] =	stream.strided.gather @!p0 [hbm4b:s2+s5], $0x1000, s4, s5, $0x38;
	[tilespmem:$0x12400] =	vst v63  }
0x256: {  	s6 =	simm.s32 @!p0 $0x8400;
	s1 =	sadd.s32 @!p0 s13, s1  }
0x257: {  	[tilespmem:s6], [sflag:$0x1] =	stream.strided.gather @!p0 [hbm4b:s1+s5], $0x1000, s4, s5, $0x38;
	[tilespmem:$0x12400] =	vst v63  }
0x258: {  	s2 =	sadd.s32 @!p0 $0x3D0A00, s2;
	s6 =	simm.s32 @!p0 $0x1400  }
0x259: {  	[tilespmem:s6], [sflag:$0x1] =	stream.strided.gather @!p0 [hbm4b:s2+s5], $0x1000, s4, s5, $0x38;
	[tilespmem:$0x12400] =	vst v63  }
0x25a: {  	s1 =	sadd.s32 @!p0 $0x3D0A00, s1;
	s2 =	simm.s32 @!p0 $0x9400  }
0x25b: {  	[tilespmem:s2], [sflag:$0x1] =	stream.strided.gather @!p0 [hbm4b:s1+s5], $0x1000, s4, s5, $0x38;
	[tilespmem:$0x12400] =	vst v63  }
0x25c: {  	s16 =	sand.u32 $0x7F, s28;
	_ =	swait.ge [sflag:s31], $0x2000  }
0x25d: {  	s28 =	sand.u32 $0x7F, s14;
	v4 =	vor.u32 s16, v0;
	[sflag:s31] =	ssyncset.done $0x0  }
0x25e: {  	v5 =	vor.u32 s28, v0;
	[sflag:s31] =	ssyncadd.s32 $0xFFFFE000  }
0x25f: {  	_ =	swait.ge [sflag:s31], $0x2000  }
0x260: {  	[sflag:s31] =	ssyncset.done $0x0  }
0x261: {  	[sflag:s31] =	ssyncadd.s32 $0xFFFFE000  }
0x262: {  	v4 =	vld.idx.msk [tilespmem:v4+s17+$0x0], $0xffff  }
0x263: {  	v5 =	vld.idx.msk [tilespmem:v5+s20+$0x0], $0xffff  }
0x264: {  	v46 =	vor.u32 s16, v1  }
0x265: {  	v47 =	vor.u32 s28, v1;
	_ =	sdelay $0x1  }
0x266: {  	[tilespmem:s15+$0x10A80] =	vst v4  }
0x267: {  	[tilespmem:s15+$0x10AC0] =	vst v5  }
0x268: {  	v4 =	vld.idx.msk [tilespmem:v46+s17+$0x0], $0xffff  }
0x269: {  	v5 =	vld.idx.msk [tilespmem:v47+s20+$0x0], $0xffff  }
0x26a: {  	v48 =	vor.u32 s16, v2  }
0x26b: {  	v49 =	vor.u32 s28, v2;
	_ =	sdelay $0x1  }
0x26c: {  	[tilespmem:s15+$0x10A90] =	vst v4  }
0x26d: {  	[tilespmem:s15+$0x10AD0] =	vst v5  }
0x26e: {  	v4 =	vld.idx.msk [tilespmem:v48+s17+$0x0], $0xffff  }
0x26f: {  	v5 =	vld.idx.msk [tilespmem:v49+s20+$0x0], $0xffff  }
0x270: {  	v50 =	vor.u32 s16, v3  }
0x271: {  	v51 =	vor.u32 s28, v3;
	_ =	sdelay $0x1  }
0x272: {  	[tilespmem:s15+$0x10AA0] =	vst v4  }
0x273: {  	[tilespmem:s15+$0x10AE0] =	vst v5  }
0x274: {  	v4 =	vld.idx.msk [tilespmem:v50+s17+$0x0], $0xffff  }
0x275: {  	v5 =	vld.idx.msk [tilespmem:v51+s20+$0x0], $0xffff;
	_ =	sdelay $0x2  }
0x276: {  	s1 =	rddreg [dreg:$0x16]  }
0x277: {  	s1 =	sand.u32 @!p0 $0xFFFFF80, s1;
	[tilespmem:s15+$0x10AB0] =	vst v4  }
0x278: {  	s2 =	simm.s32 @!p0 $0x2400;
	s1 =	sadd.s32 @!p0 s7, s1;
	[tilespmem:s15+$0x10AF0] =	vst v5  }
0x279: {  	[tilespmem:s2], [sflag:$0x2] =	stream.strided.gather @!p0 [hbm4b:s1+s5], $0x1000, s4, s5, $0x38;
	[tilespmem:$0x12400] =	vst v63  }
0x27a: {  	s2 =	rddreg [dreg:$0x15]  }
0x27b: {  	s2 =	sand.u32 @!p0 $0xFFFFF80, s2  }
0x27c: {  	s6 =	simm.s32 @!p0 $0xA400;
	s2 =	sadd.s32 @!p0 s13, s2  }
0x27d: {  	[tilespmem:s6], [sflag:$0x2] =	stream.strided.gather @!p0 [hbm4b:s2+s5], $0x1000, s4, s5, $0x38;
	[tilespmem:$0x12400] =	vst v63  }
0x27e: {  	s1 =	sadd.s32 @!p0 $0x3D0A00, s1;
	s6 =	simm.s32 @!p0 $0x3400  }
0x27f: {  	[tilespmem:s6], [sflag:$0x2] =	stream.strided.gather @!p0 [hbm4b:s1+s5], $0x1000, s4, s5, $0x38;
	[tilespmem:$0x12400] =	vst v63  }
0x280: {  	s1 =	sadd.s32 @!p0 $0x3D0A00, s2;
	s2 =	simm.s32 @!p0 $0xB400  }
0x281: {  	[tilespmem:s2], [sflag:$0x2] =	stream.strided.gather @!p0 [hbm4b:s1+s5], $0x1000, s4, s5, $0x38;
	[tilespmem:$0x12400] =	vst v63  }
0x282: {  	s2 =	sand.u32 $0x7F, s19;
	_ =	swait.ge [sflag:s0], $0x2000  }
0x283: {  	s6 =	sand.u32 $0x7F, s22;
	v4 =	vor.u32 s2, v0;
	[sflag:s0] =	ssyncset.done $0x0  }
0x284: {  	v5 =	vor.u32 s6, v0;
	[sflag:s0] =	ssyncadd.s32 $0xFFFFE000  }
0x285: {  	_ =	swait.ge [sflag:s0], $0x2000  }
0x286: {  	[sflag:s0] =	ssyncset.done $0x0  }
0x287: {  	[sflag:s0] =	ssyncadd.s32 $0xFFFFE000  }
0x288: {  	v4 =	vld.idx.msk [tilespmem:v4+s21+$0x0], $0xffff  }
0x289: {  	v5 =	vld.idx.msk [tilespmem:v5+s24+$0x0], $0xffff  }
0x28a: {  	v52 =	vor.u32 s2, v1  }
0x28b: {  	v53 =	vor.u32 s6, v1;
	_ =	sdelay $0x1  }
0x28c: {  	[tilespmem:s15+$0x10B00] =	vst v4  }
0x28d: {  	[tilespmem:s15+$0x10B40] =	vst v5  }
0x28e: {  	v4 =	vld.idx.msk [tilespmem:v52+s21+$0x0], $0xffff  }
0x28f: {  	v5 =	vld.idx.msk [tilespmem:v53+s24+$0x0], $0xffff  }
0x290: {  	v54 =	vor.u32 s2, v2  }
0x291: {  	v55 =	vor.u32 s6, v2;
	_ =	sdelay $0x1  }
0x292: {  	[tilespmem:s15+$0x10B10] =	vst v4  }
0x293: {  	[tilespmem:s15+$0x10B50] =	vst v5  }
0x294: {  	v4 =	vld.idx.msk [tilespmem:v54+s21+$0x0], $0xffff  }
0x295: {  	v5 =	vld.idx.msk [tilespmem:v55+s24+$0x0], $0xffff  }
0x296: {  	v56 =	vor.u32 s2, v3  }
0x297: {  	v57 =	vor.u32 s6, v3;
	_ =	sdelay $0x1  }
0x298: {  	[tilespmem:s15+$0x10B20] =	vst v4  }
0x299: {  	[tilespmem:s15+$0x10B60] =	vst v5  }
0x29a: {  	v4 =	vld.idx.msk [tilespmem:v56+s21+$0x0], $0xffff  }
0x29b: {  	v5 =	vld.idx.msk [tilespmem:v57+s24+$0x0], $0xffff;
	_ =	sdelay $0x2  }
0x29c: {  	s1 =	rddreg [dreg:$0x14]  }
0x29d: {  	s1 =	sand.u32 @!p0 $0xFFFFF80, s1;
	[tilespmem:s15+$0x10B30] =	vst v4  }
0x29e: {  	s2 =	simm.s32 @!p0 $0x4400;
	s1 =	sadd.s32 @!p0 s7, s1;
	[tilespmem:s15+$0x10B70] =	vst v5  }
0x29f: {  	[tilespmem:s2], [sflag:$0x3] =	stream.strided.gather @!p0 [hbm4b:s1+s5], $0x1000, s4, s5, $0x38;
	[tilespmem:$0x12400] =	vst v63  }
0x2a0: {  	s2 =	rddreg [dreg:$0x13]  }
0x2a1: {  	s2 =	sand.u32 @!p0 $0xFFFFF80, s2  }
0x2a2: {  	s6 =	simm.s32 @!p0 $0xC400;
	s2 =	sadd.s32 @!p0 s13, s2  }
0x2a3: {  	[tilespmem:s6], [sflag:$0x3] =	stream.strided.gather @!p0 [hbm4b:s2+s5], $0x1000, s4, s5, $0x38;
	[tilespmem:$0x12400] =	vst v63  }
0x2a4: {  	s1 =	sadd.s32 @!p0 $0x3D0A00, s1;
	s6 =	simm.s32 @!p0 $0x5400  }
0x2a5: {  	[tilespmem:s6], [sflag:$0x3] =	stream.strided.gather @!p0 [hbm4b:s1+s5], $0x1000, s4, s5, $0x38;
	[tilespmem:$0x12400] =	vst v63  }
0x2a6: {  	s1 =	sadd.s32 @!p0 $0x3D0A00, s2;
	s2 =	simm.s32 @!p0 $0xD400  }
0x2a7: {  	[tilespmem:s2], [sflag:$0x3] =	stream.strided.gather @!p0 [hbm4b:s1+s5], $0x1000, s4, s5, $0x38;
	[tilespmem:$0x12400] =	vst v63  }
0x2a8: {  	s10 =	sand.u32 $0x7F, s10;
	_ =	swait.ge [sflag:s3], $0x2000  }
0x2a9: {  	s20 =	sand.u32 $0x7F, s18;
	v4 =	vor.u32 s10, v0;
	[sflag:s3] =	ssyncset.done $0x0  }
0x2aa: {  	v5 =	vor.u32 s20, v0;
	[sflag:s3] =	ssyncadd.s32 $0xFFFFE000  }
0x2ab: {  	_ =	swait.ge [sflag:s3], $0x2000  }
0x2ac: {  	[sflag:s3] =	ssyncset.done $0x0  }
0x2ad: {  	[sflag:s3] =	ssyncadd.s32 $0xFFFFE000  }
0x2ae: {  	v4 =	vld.idx.msk [tilespmem:v4+s25+$0x0], $0xffff  }
0x2af: {  	v5 =	vld.idx.msk [tilespmem:v5+s29+$0x0], $0xffff  }
0x2b0: {  	v58 =	vor.u32 s10, v1  }
0x2b1: {  	v59 =	vor.u32 s20, v1;
	_ =	sdelay $0x1  }
0x2b2: {  	[tilespmem:s15+$0x10B80] =	vst v4  }
0x2b3: {  	[tilespmem:s15+$0x10BC0] =	vst v5  }
0x2b4: {  	v4 =	vld.idx.msk [tilespmem:v58+s25+$0x0], $0xffff  }
0x2b5: {  	v5 =	vld.idx.msk [tilespmem:v59+s29+$0x0], $0xffff  }
0x2b6: {  	v60 =	vor.u32 s10, v2  }
0x2b7: {  	v61 =	vor.u32 s20, v2;
	_ =	sdelay $0x1  }
0x2b8: {  	[tilespmem:s15+$0x10B90] =	vst v4  }
0x2b9: {  	[tilespmem:s15+$0x10BD0] =	vst v5  }
0x2ba: {  	v4 =	vld.idx.msk [tilespmem:v60+s25+$0x0], $0xffff  }
0x2bb: {  	v5 =	vld.idx.msk [tilespmem:v61+s29+$0x0], $0xffff  }
0x2bc: {  	v62 =	vor.u32 s10, v3  }
0x2bd: {  	v63 =	vor.u32 s20, v3;
	_ =	sdelay $0x1  }
0x2be: {  	[tilespmem:s15+$0x10BA0] =	vst v4  }
0x2bf: {  	[tilespmem:s15+$0x10BE0] =	vst v5  }
0x2c0: {  	v4 =	vld.idx.msk [tilespmem:v62+s25+$0x0], $0xffff  }
0x2c1: {  	v5 =	vld.idx.msk [tilespmem:v63+s29+$0x0], $0xffff;
	_ =	sdelay $0x2  }
0x2c2: {  	s1 =	rddreg [dreg:$0x12]  }
0x2c3: {  	s1 =	sand.u32 @!p0 $0xFFFFF80, s1;
	[tilespmem:s15+$0x10BB0] =	vst v4  }
0x2c4: {  	s2 =	simm.s32 @!p0 $0x6400;
	s1 =	sadd.s32 @!p0 s7, s1;
	[tilespmem:s15+$0x10BF0] =	vst v5  }
0x2c5: {  	[tilespmem:s2], [sflag:$0x4] =	stream.strided.gather @!p0 [hbm4b:s1+s5], $0x1000, s4, s5, $0x38;
	[tilespmem:$0x12400] =	vst v63  }
0x2c6: {  	s2 =	rddreg [dreg:$0x11]  }
0x2c7: {  	s2 =	sand.u32 @!p0 $0xFFFFF80, s2  }
0x2c8: {  	s6 =	simm.s32 @!p0 $0xE400;
	s2 =	sadd.s32 @!p0 s13, s2  }
0x2c9: {  	[tilespmem:s6], [sflag:$0x4] =	stream.strided.gather @!p0 [hbm4b:s2+s5], $0x1000, s4, s5, $0x38;
	[tilespmem:$0x12400] =	vst v63  }
0x2ca: {  	s1 =	sadd.s32 @!p0 $0x3D0A00, s1;
	s6 =	simm.s32 @!p0 $0x7400  }
0x2cb: {  	[tilespmem:s6], [sflag:$0x4] =	stream.strided.gather @!p0 [hbm4b:s1+s5], $0x1000, s4, s5, $0x38;
	[tilespmem:$0x12400] =	vst v63  }
0x2cc: {  	s1 =	sadd.s32 @!p0 $0x3D0A00, s2;
	s2 =	simm.s32 @!p0 $0xF400  }
0x2cd: {  	[tilespmem:s2], [sflag:$0x4] =	stream.strided.gather @!p0 [hbm4b:s1+s5], $0x1000, s4, s5, $0x38;
	[tilespmem:$0x12400] =	vst v63  }
0x2ce: {  	s1 =	sand.u32 @!p0 $0x3, s9  }
0x2cf: {  	p1 =	sne.s32 @!p0 s1, $0x3  }
0x2d0: {  	s4 =	rddreg [dreg:$0xe];
	p0 =	por p0, !p1  }
0x2d1: {  	s1 =	sand.u32 @p0 $0x1C0, s4;
	s2 =	rddreg @p0 [dreg:$0x6]  }
0x2d2: {  	s1 =	sor.u32 @p0 s2, s1  }
0x2d3: {  	s2 =	rddreg @p0 [dreg:$0x7];
	s1 =	sshll.u32 @p0 s1, $0x4  }
0x2d4: {  	s3 =	simm.s32 @p0 $0x10400;
	s1 =	sadd.s32 @p0 s2, s1;
	s2 =	simm.s32 @p0 $0x0  }
0x2d5: {  	[hbm4b:s1+s2] =	stream.linear.scatter @p0 [tilespmem:s3], [sflag:$0x5], $0x2000, $0x38;
	[tilespmem:$0x12400] =	vst v63  }
0x2d6: {  	s1 =	simm.s32 @p0 $0x5  }
0x2d7: {  	_ =	swait.ge @p0 [sflag:s1], $0x2000  }
0x2d8: {  	s8 =	simm.s32 $0x7400;
	[sflag:s1] =	ssyncset.done @p0 $0x0;
	s5 =	rddreg [dreg:$0x10]  }
0x2d9: {  	s23 =	simm.s32 $0x8400;
	[sflag:s1] =	ssyncadd.s32 @p0 $0xFFFFE000;
	p0 =	sne.s32 s5, $0x20  }
.Ltmp0:
0x2da: {  	s26 =	simm.s32 $0xF400;
	s14 =	simm.s32 $0x2400;
	(pc) =	sbr.rel @p0 .LBB2_2-.Ltmp0, $4  }
0x2db: {  	s16 =	simm.s32 $0xA400;
	s17 =	simm.s32 $0x4400;
	s21 =	rddreg [dreg:$0xf]  }
0x2dc: {  	s18 =	simm.s32 $0x6400;
	s19 =	simm.s32 $0xC400;
	s22 =	rddreg [dreg:$0xd]  }
0x2dd: {  	s20 =	simm.s32 $0xE400;
	s4 =	sadd.s32 $0x10, s4;
	s28 =	rddreg [dreg:$0xc]  }
0x2de: {  	s3 =	sadd.s32 $0x800, s21;
	s2 =	sadd.s32 $0x10, s22;
	s1 =	sadd.s32 $0x10, s28  }
0x2df: {  	s2 =	rddreg [dreg:$0xb]  }
0x2e0: {  	s1 =	rddreg [dreg:$0xa];
	s2 =	sadd.s32 $0x1, s2  }
0x2e1: {  	p0 =	sne.s32 s2, s1  }
.Ltmp1:
0x2e2: {  	_ = 	snop;
	(pc) =	sbr.rel @p0 .LBB2_1-.Ltmp1, $1  }
0x2e3: {  	_ =	sdelay $0x3  }
0x2e4: {  	_ =	sfence.sel $0x180000  }
0x2e5: {  	[bflag:$0x0] =	sbarrier.arrive $0xFFFF  }
0x2e6: {  	_ =	strace $0x90000047  }
0x2e7: {  	s0 =	stileid.u32;
	[bflag:$0x2] =	sbarrier.arrive $0xFFFF  }
0x2e8: {  	p0 =	sne.s32 s0, $0x0;
	s0 =	rddreg [dreg:$0x5]  }
0x2e9: {  	s0 =	sadd.s32 @!p0 $0x100000, s0  }
0x2ea: {  	[sflag:s0] =	ssyncadd.tile.s32 @!p0 $0x1;
	_ =	shalt  }
.Lfunc_end2:
_tile_overlayer_lowered:
.L_overlay_start_2:
0x2eb: {  	(tag) =	ssettag $0x2  }
0x2ec: {  	s0 =	rddreg [dreg:$0x0];
	s2 =	stileid.u32  }
0x2ed: {  	s1 =	rddreg [dreg:$0x1];
	p0 =	sne.s32 s2, $0x0  }
0x2ee: {  	s3 =	rddreg [dreg:$0x2];
	[bflag:$0x3] =	sbarrier.arrive $0xFFFF;
	s2 =	simm.s32 @!p0 $0x1C05  }
0x2ef: {  	[timem:s3], [sflag:s2] =	dma.local @!p0 [hbm:s0], s1  }
0x2f0: {  	s0 =	simm.s32 @!p0 $0x5  }
0x2f1: {  	_ =	swait.ge @!p0 [sflag:s0], s1  }
0x2f2: {  	s1 =	ssub.s32 @!p0 $0x0, s1;
	[sflag:s0] =	ssyncset.done @!p0 $0x0  }
0x2f3: {  	[sflag:s0] =	ssyncadd.s32 @!p0 s1  }
0x2f4: {  	[bflag:$0x3] =	sbarrier.arrive $0xFFFF  }
0x2f5: {  	_ =	shalt  }

</sc_bundles>
